<compile_context>
chip_gen: v7x
topology: tpu7x:2x2x1
jax: 0.10.2.dev20260603
libtpu: 0.0.44.dev20260713+nightly
codegen_flags: <defaults>
</compile_context>

<pallas_src>
import jax
import jax.numpy as jnp
from jax import lax
from jax.experimental import pallas as pl
from jax.experimental.pallas import tpu as pltpu
from jax.experimental.pallas import tpu_sc as plsc

F32 = jnp.float32

_N = 10000
_E = 320000
_DF = 128
_DE = 16
_DU = 32

_NC = 2
_NS = 16
_NW = _NC * _NS
_B = 128
_G = 10
_SB = _B * _G
_NBLK = _E // _SB
_EC = _E // _B
_ZROWS = _N // _NS


def _sc_edge_body(ps_hbm, pd_hbm, qt_hbm, src_hbm, dst_hbm,
                  mt_hbm, agg_hbm, deg_hbm,
                  idxs, idxd, gs, gd, mb, mtb, ones_v, zb,
                  agg_sh, deg_sh, sem_a, sem_c, sem_d, sem_i):
    c = lax.axis_index("c")
    s = lax.axis_index("s")
    tid = c * _NS + s

    onerow = jnp.ones((_DE,), F32)
    zrow = jnp.zeros((_DE,), F32)

    def _ones_fill(i, carry):
        ones_v[i] = onerow
        return carry

    lax.fori_loop(0, _B, _ones_fill, 0)

    def _zero_fill(i, carry):
        zb[i] = zrow
        return carry

    lax.fori_loop(0, _ZROWS, _zero_fill, 0)
    pltpu.sync_copy(zb, agg_sh.at[pl.ds(s * _ZROWS, _ZROWS)])
    pltpu.sync_copy(zb, deg_sh.at[pl.ds(s * _ZROWS, _ZROWS)])
    plsc.subcore_barrier()

    nblk = jnp.where(tid < (_NBLK - _NW * (_NBLK // _NW)),
                     _NBLK // _NW + 1, _NBLK // _NW)
    i16 = lax.iota(jnp.int32, 16)

    def _block(i, carry):
        bid = tid + _NW * i
        col0 = bid * _G

        i1 = pltpu.async_copy(src_hbm.at[bid], idxs, sem_i)
        i2 = pltpu.async_copy(dst_hbm.at[bid], idxd, sem_i)
        cps = [pltpu.async_copy(
            qt_hbm.at[:, pl.ds(col0, _G), :], mtb, sem_a)]
        i1.wait()
        i2.wait()
        for k in range(_G):
            cps.append(pltpu.async_copy(
                ps_hbm.at[idxs.at[k]], gs.at[pl.ds(k * _B, _B)], sem_c))
            cps.append(pltpu.async_copy(
                pd_hbm.at[idxd.at[k]], gd.at[pl.ds(k * _B, _B)], sem_d))
        for cp in cps:
            cp.wait()

        for k in range(_G):
            kf = jnp.full((16,), k, jnp.int32)

            def _row(j, a, kf=kf, k=k):
                jf = jnp.full((16,), j, jnp.int32)
                e = k * _B + j
                m = plsc.load_gather(mtb, [i16, kf, jf]) + gs[e] + gd[e]
                plsc.store_scatter(mtb, [i16, kf, jf], m)
                mb[e] = m
                return a

            lax.fori_loop(0, _B, _row, 0)

        wps = [pltpu.async_copy(
            mtb, mt_hbm.at[:, pl.ds(col0, _G), :], sem_a)]
        for k in range(_G):
            wps.append(pltpu.async_copy(
                mb.at[pl.ds(k * _B, _B)], agg_sh.at[idxd.at[k]], sem_c,
                add=True))
            wps.append(pltpu.async_copy(
                ones_v, deg_sh.at[idxd.at[k]], sem_d, add=True))
        for cp in wps:
            cp.wait()
        return carry

    lax.fori_loop(0, nblk, _block, 0)

    plsc.subcore_barrier()

    @pl.when(s == 0)
    def _copy_out():
        pltpu.sync_copy(agg_sh, agg_hbm.at[c])
        pltpu.sync_copy(deg_sh, deg_hbm.at[c])


_sc_mesh = plsc.VectorSubcoreMesh(
    core_axis_name="c", subcore_axis_name="s",
    num_cores=_NC, num_subcores=_NS)

_sc_edge = pl.kernel(
    _sc_edge_body,
    out_type=(
        jax.ShapeDtypeStruct((16, _EC, _B), F32),
        jax.ShapeDtypeStruct((_NC, _N, _DE), F32),
        jax.ShapeDtypeStruct((_NC, _N, _DE), F32),
    ),
    mesh=_sc_mesh,
    scratch_types=[
        pltpu.VMEM((_G, _B), jnp.int32),
        pltpu.VMEM((_G, _B), jnp.int32),
        pltpu.VMEM((_SB, _DE), F32),
        pltpu.VMEM((_SB, _DE), F32),
        pltpu.VMEM((_SB, _DE), F32),
        pltpu.VMEM((16, _G, _B), F32),
        pltpu.VMEM((_B, _DE), F32),
        pltpu.VMEM((_ZROWS, _DE), F32),
        pltpu.VMEM_SHARED((_N, _DE), F32),
        pltpu.VMEM_SHARED((_N, _DE), F32),
        pltpu.SemaphoreType.DMA,
        pltpu.SemaphoreType.DMA,
        pltpu.SemaphoreType.DMA,
        pltpu.SemaphoreType.DMA,
    ],
    compiler_params=pltpu.CompilerParams(use_tc_tiling_on_sc=False,
                                         needs_layout_passes=False),
)



_NBLKR = 400
_TBLK = 32000


def _proj_body(nf_ref, ws_ref, wd_ref, ps_ref, pd_ref):
    x = nf_ref[...]
    ps_ref[...] = jnp.dot(x, ws_ref[...], preferred_element_type=F32)
    pd_ref[...] = jnp.dot(x, wd_ref[...], preferred_element_type=F32)


def _qt_body(eft_ref, weet_ref, weu_ref, u_ref, bet_ref, qt_ref):
    cst = lax.dot_general(weu_ref[...], u_ref[...], (((0,), (1,)), ((), ())),
                          preferred_element_type=F32) + bet_ref[...]
    qt_ref[...] = jnp.dot(weet_ref[...], eft_ref[...],
                          preferred_element_type=F32) + cst


def _efin_body(mt_ref, eft_ref, oef_ref, es_ref):
    m = mt_ref[...]
    oef_ref[...] = m + eft_ref[...]

    @pl.when(pl.program_id(0) == 0)
    def _():
        es_ref[...] = jnp.zeros_like(es_ref)

    es_ref[...] += jnp.sum(m, axis=1, keepdims=True)


def _node_body(nf_ref, agg_ref, deg_ref, wa_ref, wn_ref, u_ref, wnu_ref,
               bn_ref, out_ref, ns_ref):
    agg = agg_ref[0] + agg_ref[1]
    deg = deg_ref[0] + deg_ref[1]
    aggm = agg / jnp.maximum(deg, 1.0)
    cst = jnp.dot(u_ref[...], wnu_ref[...], preferred_element_type=F32) \
        + bn_ref[...]
    pre = (jnp.dot(aggm, wa_ref[...], preferred_element_type=F32)
           + jnp.dot(nf_ref[...], wn_ref[...], preferred_element_type=F32)
           + cst)
    out_ref[...] = pre + nf_ref[...]

    @pl.when(pl.program_id(0) == 0)
    def _():
        ns_ref[...] = jnp.zeros_like(ns_ref)

    ns_ref[...] += jnp.sum(pre, axis=0, keepdims=True)


def _glob_body(ns_ref, est_ref, u_ref, wgn_ref, wge_ref, wgu_ref, bg_ref,
               ou_ref):
    nr = ns_ref[...] * (1.0 / _N)
    erc = lax.dot_general(est_ref[...], wge_ref[...],
                          (((0,), (0,)), ((), ())),
                          preferred_element_type=F32) * (1.0 / _E)
    ou_ref[...] = (jnp.dot(nr, wgn_ref[...], preferred_element_type=F32)
                   + erc
                   + jnp.dot(u_ref[...], wgu_ref[...],
                             preferred_element_type=F32)
                   + bg_ref[...] + u_ref[...])


def kernel(nf, ef, u, edge_index, We, be, Wn, bn, Wg, bg):
    assert nf.shape == (_N, _DF) and ef.shape == (_E, _DE)
    assert u.shape == (1, _DU) and edge_index.shape == (2, _E)

    src = edge_index[0].astype(jnp.int32).reshape(_NBLK, _G, _B)
    dst = edge_index[1].astype(jnp.int32).reshape(_NBLK, _G, _B)

    We_s = We[:_DF]
    We_d = We[_DF:2 * _DF]
    We_e = We[2 * _DF:2 * _DF + _DE]
    We_u = We[2 * _DF + _DE:]
    wee_t = We_e.T
    be_t = be.reshape(_DE, 1)
    Wn_a = Wn[:_DE]
    Wn_n = Wn[_DE:_DE + _DF]
    Wn_u = Wn[_DE + _DF:]
    Wg_n = Wg[:_DF]
    Wg_e = Wg[_DF:_DF + _DE]
    Wg_u = Wg[_DF + _DE:]
    bn2 = bn.reshape(1, _DF)
    bg2 = bg.reshape(1, _DU)

    ef_t = ef.T

    ngrid = _N // _NBLKR
    ps, pd = pl.pallas_call(
        _proj_body,
        grid=(ngrid,),
        in_specs=[
            pl.BlockSpec((_NBLKR, _DF), lambda i: (i, 0)),
            pl.BlockSpec((_DF, _DE), lambda i: (0, 0)),
            pl.BlockSpec((_DF, _DE), lambda i: (0, 0)),
        ],
        out_specs=[
            pl.BlockSpec((_NBLKR, _DE), lambda i: (i, 0)),
            pl.BlockSpec((_NBLKR, _DE), lambda i: (i, 0)),
        ],
        out_shape=[
            jax.ShapeDtypeStruct((_N, _DE), F32),
            jax.ShapeDtypeStruct((_N, _DE), F32),
        ],
    )(nf, We_s, We_d)

    qt = pl.pallas_call(
        _qt_body,
        grid=(_E // _TBLK,),
        in_specs=[
            pl.BlockSpec((16, _TBLK), lambda i: (0, i)),
            pl.BlockSpec((_DE, _DE), lambda i: (0, 0)),
            pl.BlockSpec((_DU, _DE), lambda i: (0, 0)),
            pl.BlockSpec((1, _DU), lambda i: (0, 0)),
            pl.BlockSpec((_DE, 1), lambda i: (0, 0)),
        ],
        out_specs=pl.BlockSpec((16, _TBLK), lambda i: (0, i)),
        out_shape=jax.ShapeDtypeStruct((16, _E), F32),
    )(ef_t, wee_t, We_u, u, be_t)

    mt3, aggp, degp = _sc_edge(ps, pd, qt.reshape(16, _EC, _B), src, dst)
    mt = mt3.reshape(16, _E)

    oef_t, esum = pl.pallas_call(
        _efin_body,
        grid=(_E // _TBLK,),
        in_specs=[
            pl.BlockSpec((16, _TBLK), lambda i: (0, i)),
            pl.BlockSpec((16, _TBLK), lambda i: (0, i)),
        ],
        out_specs=[
            pl.BlockSpec((16, _TBLK), lambda i: (0, i)),
            pl.BlockSpec((16, 1), lambda i: (0, 0)),
        ],
        out_shape=[
            jax.ShapeDtypeStruct((16, _E), F32),
            jax.ShapeDtypeStruct((16, 1), F32),
        ],
    )(mt, ef_t)

    onf, nsum = pl.pallas_call(
        _node_body,
        grid=(ngrid,),
        in_specs=[
            pl.BlockSpec((_NBLKR, _DF), lambda i: (i, 0)),
            pl.BlockSpec((_NC, _NBLKR, _DE), lambda i: (0, i, 0)),
            pl.BlockSpec((_NC, _NBLKR, _DE), lambda i: (0, i, 0)),
            pl.BlockSpec((_DE, _DF), lambda i: (0, 0)),
            pl.BlockSpec((_DF, _DF), lambda i: (0, 0)),
            pl.BlockSpec((1, _DU), lambda i: (0, 0)),
            pl.BlockSpec((_DU, _DF), lambda i: (0, 0)),
            pl.BlockSpec((1, _DF), lambda i: (0, 0)),
        ],
        out_specs=[
            pl.BlockSpec((_NBLKR, _DF), lambda i: (i, 0)),
            pl.BlockSpec((1, _DF), lambda i: (0, 0)),
        ],
        out_shape=[
            jax.ShapeDtypeStruct((_N, _DF), F32),
            jax.ShapeDtypeStruct((1, _DF), F32),
        ],
    )(nf, aggp, degp, Wn_a, Wn_n, u, Wn_u, bn2)

    ou = pl.pallas_call(
        _glob_body,
        out_shape=jax.ShapeDtypeStruct((1, _DU), F32),
    )(nsum, esum, u, Wg_n, Wg_e, Wg_u, bg2)

    return onf, oef_t.T, ou

# --- scband reference (transcript-rebuilt; emitter-appended) ---
"""Pipeline reference for scband-pgn-49563922596335 (READ-ONLY COPY).

The authoritative reference and input builder live on the scoring server;
editing this copy changes nothing except your own understanding.
"""

import jax, jax.numpy as jnp
import numpy as np

N_NODES = 10000
N_EDGES = 320000
D_FEAT = 128
D_EDGE = 16
D_U = 32

def setup_inputs(seed: int = 0) -> dict:
    key = jax.random.key(seed)
    ks = jax.random.split(key, 12)
    nf = jax.random.normal(ks[0], (N_NODES, D_FEAT), dtype=jnp.float32)
    ef = jax.random.normal(ks[1], (N_EDGES, D_EDGE), dtype=jnp.float32)
    u = jax.random.normal(ks[2], (1, D_U), dtype=jnp.float32)
    edge_index = jax.random.randint(ks[3], (2, N_EDGES), 0, N_NODES, dtype=jnp.int64)
    # edge_model: Linear(2*D_FEAT + D_EDGE + D_U -> D_EDGE) = Linear(304, 16)
    We = jax.random.normal(ks[4], (2 * D_FEAT + D_EDGE + D_U, D_EDGE), dtype=jnp.float32) * 0.05
    be = jnp.zeros((D_EDGE,), dtype=jnp.float32)
    # node_model: Linear(D_EDGE + D_FEAT + D_U -> D_FEAT) = Linear(176, 128)
    Wn = jax.random.normal(ks[5], (D_EDGE + D_FEAT + D_U, D_FEAT), dtype=jnp.float32) * 0.05
    bn = jnp.zeros((D_FEAT,), dtype=jnp.float32)
    # global_model: Linear(D_FEAT + D_EDGE + D_U -> D_U) = Linear(176, 32)
    Wg = jax.random.normal(ks[6], (D_FEAT + D_EDGE + D_U, D_U), dtype=jnp.float32) * 0.05
    bg = jnp.zeros((D_U,), dtype=jnp.float32)
    return {"nf": nf, "ef": ef, "u": u, "edge_index": edge_index,
            "We": We, "be": be, "Wn": Wn, "bn": bn, "Wg": Wg, "bg": bg}

def reference(nf, ef, u, edge_index, We, be, Wn, bn, Wg, bg):
    src = edge_index[0]
    dst = edge_index[1]
    E = ef.shape[0]
    N = nf.shape[0]
    # edge update: concat(src_nf, dst_nf, ef, repeated_u) @ We + be
    sender_nf = jnp.take(nf, src, axis=0)
    receiver_nf = jnp.take(nf, dst, axis=0)
    u_rep_e = jnp.broadcast_to(u, (E, u.shape[1]))
    em_input = jnp.concatenate([sender_nf, receiver_nf, ef, u_rep_e], axis=-1)
    m = em_input @ We + be  # updated_ef = messages 'm' = 'uh' (no attention)
    updated_ef = m
    # mean aggregation of incoming messages per destination node
    agg_sum = jnp.zeros((N, m.shape[1]), dtype=m.dtype).at[dst].add(m)
    deg = jnp.zeros((N,), dtype=m.dtype).at[dst].add(1.0)
    agg_m = agg_sum / jnp.clip(deg, 1.0, None)[:, None]
    # node update: concat(agg_m, nf, repeated_u) @ Wn + bn
    u_rep_n = jnp.broadcast_to(u, (N, u.shape[1]))
    nm_input = jnp.concatenate([agg_m, nf, u_rep_n], axis=-1)
    updated_nf = nm_input @ Wn + bn
    # global update: mean readouts over nodes and edges
    node_readout = jnp.mean(updated_nf, axis=0, keepdims=True)
    edge_readout = jnp.mean(updated_ef, axis=0, keepdims=True)
    gm_input = jnp.concatenate([node_readout, edge_readout, u], axis=-1)
    updated_u = gm_input @ Wg + bg
    # residual
    updated_nf = updated_nf + nf
    updated_ef = updated_ef + ef
    updated_u = updated_u + u
    return (updated_nf, updated_ef, updated_u)

if __name__ == "__main__":
    import jax
    _d = setup_inputs()
    print(jax.jit(kernel)(*tuple(_d.values())))

</pallas_src>

<mosaic_0001>
#map = affine_map<(d0, d1) -> (0, 0)>
#map1 = affine_map<(d0, d1) -> (0, 0, 0)>
module attributes {stable_mosaic.version = 14 : i64} {
  func.func @_sc_edge_body(%arg0: i32, %arg1: i32, %arg2: memref<10000x16xf32, #tpu.memory_space<hbm>>, %arg3: memref<10000x16xf32, #tpu.memory_space<hbm>>, %arg4: memref<16x2500x128xf32, #tpu.memory_space<hbm>>, %arg5: memref<250x10x128xi32, #tpu.memory_space<hbm>>, %arg6: memref<250x10x128xi32, #tpu.memory_space<hbm>>, %arg7: memref<16x2500x128xf32, #tpu.memory_space<hbm>>, %arg8: memref<2x10000x16xf32, #tpu.memory_space<hbm>>, %arg9: memref<2x10000x16xf32, #tpu.memory_space<hbm>>, %arg10: memref<10x128xi32, #tpu.memory_space<vmem>>, %arg11: memref<10x128xi32, #tpu.memory_space<vmem>>, %arg12: memref<1280x16xf32, #tpu.memory_space<vmem>>, %arg13: memref<1280x16xf32, #tpu.memory_space<vmem>>, %arg14: memref<1280x16xf32, #tpu.memory_space<vmem>>, %arg15: memref<16x10x128xf32, #tpu.memory_space<vmem>>, %arg16: memref<128x16xf32, #tpu.memory_space<vmem>>, %arg17: memref<625x16xf32, #tpu.memory_space<vmem>>, %arg18: memref<10000x16xf32, #tpu.memory_space<vmem_shared>>, %arg19: memref<10000x16xf32, #tpu.memory_space<vmem_shared>>, %arg20: memref<!tpu.dma_semaphore, #tpu.memory_space<semaphore_mem>>, %arg21: memref<!tpu.dma_semaphore, #tpu.memory_space<semaphore_mem>>, %arg22: memref<!tpu.dma_semaphore, #tpu.memory_space<semaphore_mem>>, %arg23: memref<!tpu.dma_semaphore, #tpu.memory_space<semaphore_mem>>) attributes {dimension_semantics = [#tpu.dimension_semantics<core_parallel>, #tpu.dimension_semantics<subcore_parallel>], iteration_bounds = array<i64: 2, 16>, scalar_prefetch = 0 : i64, scratch_operands = 14 : i64, tpu.core_type = #tpu.core_type<sc_vector_subcore>, window_params = [{transform_indices = #map}, {transform_indices = #map}, {transform_indices = #map1}, {transform_indices = #map1}, {transform_indices = #map1}, {transform_indices = #map1}, {transform_indices = #map1}, {transform_indices = #map1}]} {
    %mul3A = arith.constant 16 : i32
    %mul3A_0 = arith.muli %arg0, %mul3A : i32
    %add3A = arith.addi %mul3A_0, %arg1 : i32
    %broadcast_in_dim3A = arith.constant 1.000000e+00 : f32
    %broadcast_in_dim3A_1 = vector.broadcast %broadcast_in_dim3A : f32 to vector<16xf32>
    %broadcast_in_dim3A_2 = arith.constant 0.000000e+00 : f32
    %broadcast_in_dim3A_3 = vector.broadcast %broadcast_in_dim3A_2 : f32 to vector<16xf32>
    %scan3A = arith.constant 0 : i32
    %scan3A_4 = arith.constant 0 : i32
    %scan3A_5 = arith.constant 128 : i32
    %scan3A_6 = arith.addi %scan3A_4, %scan3A_5 : i32
    %scan3A_7 = arith.constant 1 : i32
    scf.for %scan3A_33 = %scan3A_4 to %scan3A_6 step %scan3A_7  : i32 {
      %swap3A = arith.index_cast %scan3A_33 : i32 to index
      %swap3A_34 = arith.constant 0 : index
      %swap3A_35 = tpu.vector_load %arg16[%swap3A, %swap3A_34] {strides = array<i32>} : memref<128x16xf32, #tpu.memory_space<vmem>>, vector<16xf32>,
      tpu.vector_store %arg16[%swap3A, %swap3A_34], %broadcast_in_dim3A_1 {strides = array<i32>} : memref<128x16xf32, #tpu.memory_space<vmem>>, vector<16xf32>,
    }
    %scan3A_8 = arith.constant 128 : i32
    %scan3A_9 = arith.constant 0 : i32
    %scan3A_10 = arith.constant 0 : i32
    %scan3A_11 = arith.constant 625 : i32
    %scan3A_12 = arith.addi %scan3A_10, %scan3A_11 : i32
    %scan3A_13 = arith.constant 1 : i32
    scf.for %scan3A_33 = %scan3A_10 to %scan3A_12 step %scan3A_13  : i32 {
      %swap3A = arith.index_cast %scan3A_33 : i32 to index
      %swap3A_34 = arith.constant 0 : index
      %swap3A_35 = tpu.vector_load %arg17[%swap3A, %swap3A_34] {strides = array<i32>} : memref<625x16xf32, #tpu.memory_space<vmem>>, vector<16xf32>,
      tpu.vector_store %arg17[%swap3A, %swap3A_34], %broadcast_in_dim3A_3 {strides = array<i32>} : memref<625x16xf32, #tpu.memory_space<vmem>>, vector<16xf32>,
    }
    %scan3A_14 = arith.constant 625 : i32
    %mul3A_15 = arith.constant 625 : i32
    %mul3A_16 = arith.muli %arg1, %mul3A_15 : i32
    "tpu.region"() ({
      %run_scoped3A = tpu.sem_alloc : memref<!tpu.dma_semaphore, #tpu.memory_space<semaphore_mem>>
      %dma_start3A = arith.constant 0 : i32
      %dma_start3A_33 = tpu.memref_slice %arg18[%mul3A_16, %dma_start3A] : memref<10000x16xf32, #tpu.memory_space<vmem_shared>> -> memref<625x16xf32, #tpu.memory_space<vmem_shared>>
      %dma_start3A_34 = arith.constant 0 : i32
      %dma_start3A_35 = tpu.memref_slice %arg18[%mul3A_16, %dma_start3A_34] : memref<10000x16xf32, #tpu.memory_space<vmem_shared>> -> memref<625x16xf32, #tpu.memory_space<vmem_shared>>
      tpu.enqueue_dma source(%arg17 : memref<625x16xf32, #tpu.memory_space<vmem>>) target(%dma_start3A_35 : memref<625x16xf32, #tpu.memory_space<vmem_shared>>) target_semaphore(%run_scoped3A : memref<!tpu.dma_semaphore, #tpu.memory_space<semaphore_mem>>)
      %dma_wait3A = arith.constant 0 : i32
      %dma_wait3A_36 = tpu.memref_slice %arg18[%mul3A_16, %dma_wait3A] : memref<10000x16xf32, #tpu.memory_space<vmem_shared>> -> memref<625x16xf32, #tpu.memory_space<vmem_shared>>
      %dma_wait3A_37 = arith.constant 0 : i32
      %dma_wait3A_38 = tpu.memref_slice %arg18[%mul3A_16, %dma_wait3A_37] : memref<10000x16xf32, #tpu.memory_space<vmem_shared>> -> memref<625x16xf32, #tpu.memory_space<vmem_shared>>
      tpu.wait_dma2 semaphore(%run_scoped3A : memref<!tpu.dma_semaphore, #tpu.memory_space<semaphore_mem>>) src(%arg17 : memref<625x16xf32, #tpu.memory_space<vmem>>) dst(%dma_wait3A_38 : memref<625x16xf32, #tpu.memory_space<vmem_shared>>)
      tpu.yield
    }) : () -> ()
    %mul3A_17 = arith.constant 625 : i32
    %mul3A_18 = arith.muli %arg1, %mul3A_17 : i32
    "tpu.region"() ({
      %run_scoped3A = tpu.sem_alloc : memref<!tpu.dma_semaphore, #tpu.memory_space<semaphore_mem>>
      %dma_start3A = arith.constant 0 : i32
      %dma_start3A_33 = tpu.memref_slice %arg19[%mul3A_18, %dma_start3A] : memref<10000x16xf32, #tpu.memory_space<vmem_shared>> -> memref<625x16xf32, #tpu.memory_space<vmem_shared>>
      %dma_start3A_34 = arith.constant 0 : i32
      %dma_start3A_35 = tpu.memref_slice %arg19[%mul3A_18, %dma_start3A_34] : memref<10000x16xf32, #tpu.memory_space<vmem_shared>> -> memref<625x16xf32, #tpu.memory_space<vmem_shared>>
      tpu.enqueue_dma source(%arg17 : memref<625x16xf32, #tpu.memory_space<vmem>>) target(%dma_start3A_35 : memref<625x16xf32, #tpu.memory_space<vmem_shared>>) target_semaphore(%run_scoped3A : memref<!tpu.dma_semaphore, #tpu.memory_space<semaphore_mem>>)
      %dma_wait3A = arith.constant 0 : i32
      %dma_wait3A_36 = tpu.memref_slice %arg19[%mul3A_18, %dma_wait3A] : memref<10000x16xf32, #tpu.memory_space<vmem_shared>> -> memref<625x16xf32, #tpu.memory_space<vmem_shared>>
      %dma_wait3A_37 = arith.constant 0 : i32
      %dma_wait3A_38 = tpu.memref_slice %arg19[%mul3A_18, %dma_wait3A_37] : memref<10000x16xf32, #tpu.memory_space<vmem_shared>> -> memref<625x16xf32, #tpu.memory_space<vmem_shared>>
      tpu.wait_dma2 semaphore(%run_scoped3A : memref<!tpu.dma_semaphore, #tpu.memory_space<semaphore_mem>>) src(%arg17 : memref<625x16xf32, #tpu.memory_space<vmem>>) dst(%dma_wait3A_38 : memref<625x16xf32, #tpu.memory_space<vmem_shared>>)
      tpu.yield
    }) : () -> ()
    %barrier3A = arith.constant 0 : index
    tpu.barrier barrier_id(%barrier3A)
    %lt3A = arith.constant 26 : i32
    %lt3A_19 = arith.cmpi slt, %add3A, %lt3A : i32
    %jit3A = arith.constant 8 : i32
    %jit3A_20 = arith.constant 7 : i32
    %select_n3A = arith.select %lt3A_19, %jit3A, %jit3A_20 : i32
    %iota3A = tpu.iota {dimensions = array<i32: 0>} : vector<16xi32>
    %while3A = arith.constant 0 : i32
    %while3A_21 = arith.constant 0 : i32
    %while3A_22 = arith.subi %select_n3A, %while3A_21 : i32
    %while3A_23 = arith.addi %while3A_21, %while3A_22 : i32
    %while3A_24 = arith.constant 1 : i32
    %while3A_25 = arith.divsi %while3A_22, %while3A_24 : i32
    %while3A_26 = arith.muli %while3A_25, %while3A_24 : i32
    %while3A_27 = arith.addi %while3A_21, %while3A_26 : i32
    %while3A_28 = arith.constant 1 : i32
    scf.for %while3A_33 = %while3A_21 to %while3A_27 step %while3A_28  : i32 {
      %mul3A_34 = arith.constant 32 : i32
      %mul3A_35 = arith.muli %mul3A_34, %while3A_33 : i32
      %add3A_36 = arith.addi %add3A, %mul3A_35 : i32
      %mul3A_37 = arith.constant 10 : i32
      %mul3A_38 = arith.muli %add3A_36, %mul3A_37 : i32
      %dma_start3A = arith.constant 0 : i32
      %dma_start3A_39 = arith.constant 0 : i32
      %dma_start3A_40 = tpu.memref_slice %arg5[%add3A_36, %dma_start3A, %dma_start3A_39] : memref<250x10x128xi32, #tpu.memory_space<hbm>> -> memref<1x10x128xi32, #tpu.memory_space<hbm>>
      %dma_start3A_41 = tpu.memref_squeeze %dma_start3A_40 : memref<1x10x128xi32, #tpu.memory_space<hbm>> -> memref<10x128xi32, #tpu.memory_space<hbm>>
      %dma_start3A_42 = arith.constant 0 : i32
      %dma_start3A_43 = arith.constant 0 : i32
      %dma_start3A_44 = tpu.memref_slice %arg5[%add3A_36, %dma_start3A_42, %dma_start3A_43] : memref<250x10x128xi32, #tpu.memory_space<hbm>> -> memref<1x10x128xi32, #tpu.memory_space<hbm>>
      %dma_start3A_45 = tpu.memref_squeeze %dma_start3A_44 : memref<1x10x128xi32, #tpu.memory_space<hbm>> -> memref<10x128xi32, #tpu.memory_space<hbm>>
      tpu.enqueue_dma source(%dma_start3A_45 : memref<10x128xi32, #tpu.memory_space<hbm>>) target(%arg10 : memref<10x128xi32, #tpu.memory_space<vmem>>) target_semaphore(%arg23 : memref<!tpu.dma_semaphore, #tpu.memory_space<semaphore_mem>>)
      %dma_start3A_46 = arith.constant 0 : i32
      %dma_start3A_47 = arith.constant 0 : i32
      %dma_start3A_48 = tpu.memref_slice %arg6[%add3A_36, %dma_start3A_46, %dma_start3A_47] : memref<250x10x128xi32, #tpu.memory_space<hbm>> -> memref<1x10x128xi32, #tpu.memory_space<hbm>>
      %dma_start3A_49 = tpu.memref_squeeze %dma_start3A_48 : memref<1x10x128xi32, #tpu.memory_space<hbm>> -> memref<10x128xi32, #tpu.memory_space<hbm>>
      %dma_start3A_50 = arith.constant 0 : i32
      %dma_start3A_51 = arith.constant 0 : i32
      %dma_start3A_52 = tpu.memref_slice %arg6[%add3A_36, %dma_start3A_50, %dma_start3A_51] : memref<250x10x128xi32, #tpu.memory_space<hbm>> -> memref<1x10x128xi32, #tpu.memory_space<hbm>>
      %dma_start3A_53 = tpu.memref_squeeze %dma_start3A_52 : memref<1x10x128xi32, #tpu.memory_space<hbm>> -> memref<10x128xi32, #tpu.memory_space<hbm>>
      tpu.enqueue_dma source(%dma_start3A_53 : memref<10x128xi32, #tpu.memory_space<hbm>>) target(%arg11 : memref<10x128xi32, #tpu.memory_space<vmem>>) target_semaphore(%arg23 : memref<!tpu.dma_semaphore, #tpu.memory_space<semaphore_mem>>)
      %dma_start3A_54 = arith.constant 0 : i32
      %dma_start3A_55 = arith.constant 0 : i32
      %dma_start3A_56 = tpu.memref_slice %arg4[%dma_start3A_54, %mul3A_38, %dma_start3A_55] : memref<16x2500x128xf32, #tpu.memory_space<hbm>> -> memref<16x10x128xf32, #tpu.memory_space<hbm>>
      %dma_start3A_57 = arith.constant 0 : i32
      %dma_start3A_58 = arith.constant 0 : i32
      %dma_start3A_59 = tpu.memref_slice %arg4[%dma_start3A_57, %mul3A_38, %dma_start3A_58] : memref<16x2500x128xf32, #tpu.memory_space<hbm>> -> memref<16x10x128xf32, #tpu.memory_space<hbm>>
      tpu.enqueue_dma source(%dma_start3A_59 : memref<16x10x128xf32, #tpu.memory_space<hbm>>) target(%arg15 : memref<16x10x128xf32, #tpu.memory_space<vmem>>) target_semaphore(%arg20 : memref<!tpu.dma_semaphore, #tpu.memory_space<semaphore_mem>>)
      %dma_wait3A = arith.constant 0 : i32
      %dma_wait3A_60 = arith.constant 0 : i32
      %dma_wait3A_61 = tpu.memref_slice %arg5[%add3A_36, %dma_wait3A, %dma_wait3A_60] : memref<250x10x128xi32, #tpu.memory_space<hbm>> -> memref<1x10x128xi32, #tpu.memory_space<hbm>>
      %dma_wait3A_62 = tpu.memref_squeeze %dma_wait3A_61 : memref<1x10x128xi32, #tpu.memory_space<hbm>> -> memref<10x128xi32, #tpu.memory_space<hbm>>
      %dma_wait3A_63 = arith.constant 0 : i32
      %dma_wait3A_64 = arith.constant 0 : i32
      %dma_wait3A_65 = tpu.memref_slice %arg5[%add3A_36, %dma_wait3A_63, %dma_wait3A_64] : memref<250x10x128xi32, #tpu.memory_space<hbm>> -> memref<1x10x128xi32, #tpu.memory_space<hbm>>
      %dma_wait3A_66 = tpu.memref_squeeze %dma_wait3A_65 : memref<1x10x128xi32, #tpu.memory_space<hbm>> -> memref<10x128xi32, #tpu.memory_space<hbm>>
      tpu.wait_dma2 semaphore(%arg23 : memref<!tpu.dma_semaphore, #tpu.memory_space<semaphore_mem>>) src(%dma_wait3A_66 : memref<10x128xi32, #tpu.memory_space<hbm>>) dst(%arg10 : memref<10x128xi32, #tpu.memory_space<vmem>>)
      %dma_wait3A_67 = arith.constant 0 : i32
      %dma_wait3A_68 = arith.constant 0 : i32
      %dma_wait3A_69 = tpu.memref_slice %arg6[%add3A_36, %dma_wait3A_67, %dma_wait3A_68] : memref<250x10x128xi32, #tpu.memory_space<hbm>> -> memref<1x10x128xi32, #tpu.memory_space<hbm>>
      %dma_wait3A_70 = tpu.memref_squeeze %dma_wait3A_69 : memref<1x10x128xi32, #tpu.memory_space<hbm>> -> memref<10x128xi32, #tpu.memory_space<hbm>>
      %dma_wait3A_71 = arith.constant 0 : i32
      %dma_wait3A_72 = arith.constant 0 : i32
      %dma_wait3A_73 = tpu.memref_slice %arg6[%add3A_36, %dma_wait3A_71, %dma_wait3A_72] : memref<250x10x128xi32, #tpu.memory_space<hbm>> -> memref<1x10x128xi32, #tpu.memory_space<hbm>>
      %dma_wait3A_74 = tpu.memref_squeeze %dma_wait3A_73 : memref<1x10x128xi32, #tpu.memory_space<hbm>> -> memref<10x128xi32, #tpu.memory_space<hbm>>
      tpu.wait_dma2 semaphore(%arg23 : memref<!tpu.dma_semaphore, #tpu.memory_space<semaphore_mem>>) src(%dma_wait3A_74 : memref<10x128xi32, #tpu.memory_space<hbm>>) dst(%arg11 : memref<10x128xi32, #tpu.memory_space<vmem>>)
      %dma_start3A_75 = arith.constant 0 : i32
      %dma_start3A_76 = arith.constant 0 : i32
      %dma_start3A_77 = arith.constant 0 : i32
      %dma_start3A_78 = tpu.memref_slice %arg12[%dma_start3A_76, %dma_start3A_77] : memref<1280x16xf32, #tpu.memory_space<vmem>> -> memref<128x16xf32, #tpu.memory_space<vmem>>
      %dma_start3A_79 = arith.constant 0 : i32
      %dma_start3A_80 = tpu.memref_slice %arg10[%dma_start3A_75, %dma_start3A_79] : memref<10x128xi32, #tpu.memory_space<vmem>> -> memref<1x128xi32, #tpu.memory_space<vmem>>
      %dma_start3A_81 = tpu.memref_squeeze %dma_start3A_80 : memref<1x128xi32, #tpu.memory_space<vmem>> -> memref<128xi32, #tpu.memory_space<vmem>>
      %dma_start3A_82 = arith.constant 0 : i32
      %dma_start3A_83 = arith.constant 0 : i32
      %dma_start3A_84 = tpu.memref_slice %arg2[%dma_start3A_82, %dma_start3A_83] : memref<10000x16xf32, #tpu.memory_space<hbm>> -> memref<10000x16xf32, #tpu.memory_space<hbm>>
      tpu.enqueue_indirect_dma source(%dma_start3A_84 : memref<10000x16xf32, #tpu.memory_space<hbm>>) target(%dma_start3A_78 : memref<128x16xf32, #tpu.memory_space<vmem>>) offsets(%dma_start3A_81 : memref<128xi32, #tpu.memory_space<vmem>>) semaphore(%arg21 : memref<!tpu.dma_semaphore, #tpu.memory_space<semaphore_mem>>)
      %dma_start3A_85 = arith.constant 0 : i32
      %dma_start3A_86 = arith.constant 0 : i32
      %dma_start3A_87 = arith.constant 0 : i32
      %dma_start3A_88 = tpu.memref_slice %arg13[%dma_start3A_86, %dma_start3A_87] : memref<1280x16xf32, #tpu.memory_space<vmem>> -> memref<128x16xf32, #tpu.memory_space<vmem>>
      %dma_start3A_89 = arith.constant 0 : i32
      %dma_start3A_90 = tpu.memref_slice %arg11[%dma_start3A_85, %dma_start3A_89] : memref<10x128xi32, #tpu.memory_space<vmem>> -> memref<1x128xi32, #tpu.memory_space<vmem>>
      %dma_start3A_91 = tpu.memref_squeeze %dma_start3A_90 : memref<1x128xi32, #tpu.memory_space<vmem>> -> memref<128xi32, #tpu.memory_space<vmem>>
      %dma_start3A_92 = arith.constant 0 : i32
      %dma_start3A_93 = arith.constant 0 : i32
      %dma_start3A_94 = tpu.memref_slice %arg3[%dma_start3A_92, %dma_start3A_93] : memref<10000x16xf32, #tpu.memory_space<hbm>> -> memref<10000x16xf32, #tpu.memory_space<hbm>>
      tpu.enqueue_indirect_dma source(%dma_start3A_94 : memref<10000x16xf32, #tpu.memory_space<hbm>>) target(%dma_start3A_88 : memref<128x16xf32, #tpu.memory_space<vmem>>) offsets(%dma_start3A_91 : memref<128xi32, #tpu.memory_space<vmem>>) semaphore(%arg22 : memref<!tpu.dma_semaphore, #tpu.memory_space<semaphore_mem>>)
      %dma_start3A_95 = arith.constant 1 : i32
      %dma_start3A_96 = arith.constant 128 : i32
      %dma_start3A_97 = arith.constant 0 : i32
      %dma_start3A_98 = tpu.memref_slice %arg12[%dma_start3A_96, %dma_start3A_97] : memref<1280x16xf32, #tpu.memory_space<vmem>> -> memref<128x16xf32, #tpu.memory_space<vmem>>
      %dma_start3A_99 = arith.constant 0 : i32
      %dma_start3A_100 = tpu.memref_slice %arg10[%dma_start3A_95, %dma_start3A_99] : memref<10x128xi32, #tpu.memory_space<vmem>> -> memref<1x128xi32, #tpu.memory_space<vmem>>
      %dma_start3A_101 = tpu.memref_squeeze %dma_start3A_100 : memref<1x128xi32, #tpu.memory_space<vmem>> -> memref<128xi32, #tpu.memory_space<vmem>>
      %dma_start3A_102 = arith.constant 0 : i32
      %dma_start3A_103 = arith.constant 0 : i32
      %dma_start3A_104 = tpu.memref_slice %arg2[%dma_start3A_102, %dma_start3A_103] : memref<10000x16xf32, #tpu.memory_space<hbm>> -> memref<10000x16xf32, #tpu.memory_space<hbm>>
      tpu.enqueue_indirect_dma source(%dma_start3A_104 : memref<10000x16xf32, #tpu.memory_space<hbm>>) target(%dma_start3A_98 : memref<128x16xf32, #tpu.memory_space<vmem>>) offsets(%dma_start3A_101 : memref<128xi32, #tpu.memory_space<vmem>>) semaphore(%arg21 : memref<!tpu.dma_semaphore, #tpu.memory_space<semaphore_mem>>)
      %dma_start3A_105 = arith.constant 1 : i32
      %dma_start3A_106 = arith.constant 128 : i32
      %dma_start3A_107 = arith.constant 0 : i32
      %dma_start3A_108 = tpu.memref_slice %arg13[%dma_start3A_106, %dma_start3A_107] : memref<1280x16xf32, #tpu.memory_space<vmem>> -> memref<128x16xf32, #tpu.memory_space<vmem>>
      %dma_start3A_109 = arith.constant 0 : i32
      %dma_start3A_110 = tpu.memref_slice %arg11[%dma_start3A_105, %dma_start3A_109] : memref<10x128xi32, #tpu.memory_space<vmem>> -> memref<1x128xi32, #tpu.memory_space<vmem>>
      %dma_start3A_111 = tpu.memref_squeeze %dma_start3A_110 : memref<1x128xi32, #tpu.memory_space<vmem>> -> memref<128xi32, #tpu.memory_space<vmem>>
      %dma_start3A_112 = arith.constant 0 : i32
      %dma_start3A_113 = arith.constant 0 : i32
      %dma_start3A_114 = tpu.memref_slice %arg3[%dma_start3A_112, %dma_start3A_113] : memref<10000x16xf32, #tpu.memory_space<hbm>> -> memref<10000x16xf32, #tpu.memory_space<hbm>>
      tpu.enqueue_indirect_dma source(%dma_start3A_114 : memref<10000x16xf32, #tpu.memory_space<hbm>>) target(%dma_start3A_108 : memref<128x16xf32, #tpu.memory_space<vmem>>) offsets(%dma_start3A_111 : memref<128xi32, #tpu.memory_space<vmem>>) semaphore(%arg22 : memref<!tpu.dma_semaphore, #tpu.memory_space<semaphore_mem>>)
      %dma_start3A_115 = arith.constant 2 : i32
      %dma_start3A_116 = arith.constant 256 : i32
      %dma_start3A_117 = arith.constant 0 : i32
      %dma_start3A_118 = tpu.memref_slice %arg12[%dma_start3A_116, %dma_start3A_117] : memref<1280x16xf32, #tpu.memory_space<vmem>> -> memref<128x16xf32, #tpu.memory_space<vmem>>
      %dma_start3A_119 = arith.constant 0 : i32
      %dma_start3A_120 = tpu.memref_slice %arg10[%dma_start3A_115, %dma_start3A_119] : memref<10x128xi32, #tpu.memory_space<vmem>> -> memref<1x128xi32, #tpu.memory_space<vmem>>
      %dma_start3A_121 = tpu.memref_squeeze %dma_start3A_120 : memref<1x128xi32, #tpu.memory_space<vmem>> -> memref<128xi32, #tpu.memory_space<vmem>>
      %dma_start3A_122 = arith.constant 0 : i32
      %dma_start3A_123 = arith.constant 0 : i32
      %dma_start3A_124 = tpu.memref_slice %arg2[%dma_start3A_122, %dma_start3A_123] : memref<10000x16xf32, #tpu.memory_space<hbm>> -> memref<10000x16xf32, #tpu.memory_space<hbm>>
      tpu.enqueue_indirect_dma source(%dma_start3A_124 : memref<10000x16xf32, #tpu.memory_space<hbm>>) target(%dma_start3A_118 : memref<128x16xf32, #tpu.memory_space<vmem>>) offsets(%dma_start3A_121 : memref<128xi32, #tpu.memory_space<vmem>>) semaphore(%arg21 : memref<!tpu.dma_semaphore, #tpu.memory_space<semaphore_mem>>)
      %dma_start3A_125 = arith.constant 2 : i32
      %dma_start3A_126 = arith.constant 256 : i32
      %dma_start3A_127 = arith.constant 0 : i32
      %dma_start3A_128 = tpu.memref_slice %arg13[%dma_start3A_126, %dma_start3A_127] : memref<1280x16xf32, #tpu.memory_space<vmem>> -> memref<128x16xf32, #tpu.memory_space<vmem>>
      %dma_start3A_129 = arith.constant 0 : i32
      %dma_start3A_130 = tpu.memref_slice %arg11[%dma_start3A_125, %dma_start3A_129] : memref<10x128xi32, #tpu.memory_space<vmem>> -> memref<1x128xi32, #tpu.memory_space<vmem>>
      %dma_start3A_131 = tpu.memref_squeeze %dma_start3A_130 : memref<1x128xi32, #tpu.memory_space<vmem>> -> memref<128xi32, #tpu.memory_space<vmem>>
      %dma_start3A_132 = arith.constant 0 : i32
      %dma_start3A_133 = arith.constant 0 : i32
      %dma_start3A_134 = tpu.memref_slice %arg3[%dma_start3A_132, %dma_start3A_133] : memref<10000x16xf32, #tpu.memory_space<hbm>> -> memref<10000x16xf32, #tpu.memory_space<hbm>>
      tpu.enqueue_indirect_dma source(%dma_start3A_134 : memref<10000x16xf32, #tpu.memory_space<hbm>>) target(%dma_start3A_128 : memref<128x16xf32, #tpu.memory_space<vmem>>) offsets(%dma_start3A_131 : memref<128xi32, #tpu.memory_space<vmem>>) semaphore(%arg22 : memref<!tpu.dma_semaphore, #tpu.memory_space<semaphore_mem>>)
      %dma_start3A_135 = arith.constant 3 : i32
      %dma_start3A_136 = arith.constant 384 : i32
      %dma_start3A_137 = arith.constant 0 : i32
      %dma_start3A_138 = tpu.memref_slice %arg12[%dma_start3A_136, %dma_start3A_137] : memref<1280x16xf32, #tpu.memory_space<vmem>> -> memref<128x16xf32, #tpu.memory_space<vmem>>
      %dma_start3A_139 = arith.constant 0 : i32
      %dma_start3A_140 = tpu.memref_slice %arg10[%dma_start3A_135, %dma_start3A_139] : memref<10x128xi32, #tpu.memory_space<vmem>> -> memref<1x128xi32, #tpu.memory_space<vmem>>
      %dma_start3A_141 = tpu.memref_squeeze %dma_start3A_140 : memref<1x128xi32, #tpu.memory_space<vmem>> -> memref<128xi32, #tpu.memory_space<vmem>>
      %dma_start3A_142 = arith.constant 0 : i32
      %dma_start3A_143 = arith.constant 0 : i32
      %dma_start3A_144 = tpu.memref_slice %arg2[%dma_start3A_142, %dma_start3A_143] : memref<10000x16xf32, #tpu.memory_space<hbm>> -> memref<10000x16xf32, #tpu.memory_space<hbm>>
      tpu.enqueue_indirect_dma source(%dma_start3A_144 : memref<10000x16xf32, #tpu.memory_space<hbm>>) target(%dma_start3A_138 : memref<128x16xf32, #tpu.memory_space<vmem>>) offsets(%dma_start3A_141 : memref<128xi32, #tpu.memory_space<vmem>>) semaphore(%arg21 : memref<!tpu.dma_semaphore, #tpu.memory_space<semaphore_mem>>)
      %dma_start3A_145 = arith.constant 3 : i32
      %dma_start3A_146 = arith.constant 384 : i32
      %dma_start3A_147 = arith.constant 0 : i32
      %dma_start3A_148 = tpu.memref_slice %arg13[%dma_start3A_146, %dma_start3A_147] : memref<1280x16xf32, #tpu.memory_space<vmem>> -> memref<128x16xf32, #tpu.memory_space<vmem>>
      %dma_start3A_149 = arith.constant 0 : i32
      %dma_start3A_150 = tpu.memref_slice %arg11[%dma_start3A_145, %dma_start3A_149] : memref<10x128xi32, #tpu.memory_space<vmem>> -> memref<1x128xi32, #tpu.memory_space<vmem>>
      %dma_start3A_151 = tpu.memref_squeeze %dma_start3A_150 : memref<1x128xi32, #tpu.memory_space<vmem>> -> memref<128xi32, #tpu.memory_space<vmem>>
      %dma_start3A_152 = arith.constant 0 : i32
      %dma_start3A_153 = arith.constant 0 : i32
      %dma_start3A_154 = tpu.memref_slice %arg3[%dma_start3A_152, %dma_start3A_153] : memref<10000x16xf32, #tpu.memory_space<hbm>> -> memref<10000x16xf32, #tpu.memory_space<hbm>>
      tpu.enqueue_indirect_dma source(%dma_start3A_154 : memref<10000x16xf32, #tpu.memory_space<hbm>>) target(%dma_start3A_148 : memref<128x16xf32, #tpu.memory_space<vmem>>) offsets(%dma_start3A_151 : memref<128xi32, #tpu.memory_space<vmem>>) semaphore(%arg22 : memref<!tpu.dma_semaphore, #tpu.memory_space<semaphore_mem>>)
      %dma_start3A_155 = arith.constant 4 : i32
      %dma_start3A_156 = arith.constant 512 : i32
      %dma_start3A_157 = arith.constant 0 : i32
      %dma_start3A_158 = tpu.memref_slice %arg12[%dma_start3A_156, %dma_start3A_157] : memref<1280x16xf32, #tpu.memory_space<vmem>> -> memref<128x16xf32, #tpu.memory_space<vmem>>
      %dma_start3A_159 = arith.constant 0 : i32
      %dma_start3A_160 = tpu.memref_slice %arg10[%dma_start3A_155, %dma_start3A_159] : memref<10x128xi32, #tpu.memory_space<vmem>> -> memref<1x128xi32, #tpu.memory_space<vmem>>
      %dma_start3A_161 = tpu.memref_squeeze %dma_start3A_160 : memref<1x128xi32, #tpu.memory_space<vmem>> -> memref<128xi32, #tpu.memory_space<vmem>>
      %dma_start3A_162 = arith.constant 0 : i32
      %dma_start3A_163 = arith.constant 0 : i32
      %dma_start3A_164 = tpu.memref_slice %arg2[%dma_start3A_162, %dma_start3A_163] : memref<10000x16xf32, #tpu.memory_space<hbm>> -> memref<10000x16xf32, #tpu.memory_space<hbm>>
      tpu.enqueue_indirect_dma source(%dma_start3A_164 : memref<10000x16xf32, #tpu.memory_space<hbm>>) target(%dma_start3A_158 : memref<128x16xf32, #tpu.memory_space<vmem>>) offsets(%dma_start3A_161 : memref<128xi32, #tpu.memory_space<vmem>>) semaphore(%arg21 : memref<!tpu.dma_semaphore, #tpu.memory_space<semaphore_mem>>)
      %dma_start3A_165 = arith.constant 4 : i32
      %dma_start3A_166 = arith.constant 512 : i32
      %dma_start3A_167 = arith.constant 0 : i32
      %dma_start3A_168 = tpu.memref_slice %arg13[%dma_start3A_166, %dma_start3A_167] : memref<1280x16xf32, #tpu.memory_space<vmem>> -> memref<128x16xf32, #tpu.memory_space<vmem>>
      %dma_start3A_169 = arith.constant 0 : i32
      %dma_start3A_170 = tpu.memref_slice %arg11[%dma_start3A_165, %dma_start3A_169] : memref<10x128xi32, #tpu.memory_space<vmem>> -> memref<1x128xi32, #tpu.memory_space<vmem>>
      %dma_start3A_171 = tpu.memref_squeeze %dma_start3A_170 : memref<1x128xi32, #tpu.memory_space<vmem>> -> memref<128xi32, #tpu.memory_space<vmem>>
      %dma_start3A_172 = arith.constant 0 : i32
      %dma_start3A_173 = arith.constant 0 : i32
      %dma_start3A_174 = tpu.memref_slice %arg3[%dma_start3A_172, %dma_start3A_173] : memref<10000x16xf32, #tpu.memory_space<hbm>> -> memref<10000x16xf32, #tpu.memory_space<hbm>>
      tpu.enqueue_indirect_dma source(%dma_start3A_174 : memref<10000x16xf32, #tpu.memory_space<hbm>>) target(%dma_start3A_168 : memref<128x16xf32, #tpu.memory_space<vmem>>) offsets(%dma_start3A_171 : memref<128xi32, #tpu.memory_space<vmem>>) semaphore(%arg22 : memref<!tpu.dma_semaphore, #tpu.memory_space<semaphore_mem>>)
      %dma_start3A_175 = arith.constant 5 : i32
      %dma_start3A_176 = arith.constant 640 : i32
      %dma_start3A_177 = arith.constant 0 : i32
      %dma_start3A_178 = tpu.memref_slice %arg12[%dma_start3A_176, %dma_start3A_177] : memref<1280x16xf32, #tpu.memory_space<vmem>> -> memref<128x16xf32, #tpu.memory_space<vmem>>
      %dma_start3A_179 = arith.constant 0 : i32
      %dma_start3A_180 = tpu.memref_slice %arg10[%dma_start3A_175, %dma_start3A_179] : memref<10x128xi32, #tpu.memory_space<vmem>> -> memref<1x128xi32, #tpu.memory_space<vmem>>
      %dma_start3A_181 = tpu.memref_squeeze %dma_start3A_180 : memref<1x128xi32, #tpu.memory_space<vmem>> -> memref<128xi32, #tpu.memory_space<vmem>>
      %dma_start3A_182 = arith.constant 0 : i32
      %dma_start3A_183 = arith.constant 0 : i32
      %dma_start3A_184 = tpu.memref_slice %arg2[%dma_start3A_182, %dma_start3A_183] : memref<10000x16xf32, #tpu.memory_space<hbm>> -> memref<10000x16xf32, #tpu.memory_space<hbm>>
      tpu.enqueue_indirect_dma source(%dma_start3A_184 : memref<10000x16xf32, #tpu.memory_space<hbm>>) target(%dma_start3A_178 : memref<128x16xf32, #tpu.memory_space<vmem>>) offsets(%dma_start3A_181 : memref<128xi32, #tpu.memory_space<vmem>>) semaphore(%arg21 : memref<!tpu.dma_semaphore, #tpu.memory_space<semaphore_mem>>)
      %dma_start3A_185 = arith.constant 5 : i32
      %dma_start3A_186 = arith.constant 640 : i32
      %dma_start3A_187 = arith.constant 0 : i32
      %dma_start3A_188 = tpu.memref_slice %arg13[%dma_start3A_186, %dma_start3A_187] : memref<1280x16xf32, #tpu.memory_space<vmem>> -> memref<128x16xf32, #tpu.memory_space<vmem>>
      %dma_start3A_189 = arith.constant 0 : i32
      %dma_start3A_190 = tpu.memref_slice %arg11[%dma_start3A_185, %dma_start3A_189] : memref<10x128xi32, #tpu.memory_space<vmem>> -> memref<1x128xi32, #tpu.memory_space<vmem>>
      %dma_start3A_191 = tpu.memref_squeeze %dma_start3A_190 : memref<1x128xi32, #tpu.memory_space<vmem>> -> memref<128xi32, #tpu.memory_space<vmem>>
      %dma_start3A_192 = arith.constant 0 : i32
      %dma_start3A_193 = arith.constant 0 : i32
      %dma_start3A_194 = tpu.memref_slice %arg3[%dma_start3A_192, %dma_start3A_193] : memref<10000x16xf32, #tpu.memory_space<hbm>> -> memref<10000x16xf32, #tpu.memory_space<hbm>>
      tpu.enqueue_indirect_dma source(%dma_start3A_194 : memref<10000x16xf32, #tpu.memory_space<hbm>>) target(%dma_start3A_188 : memref<128x16xf32, #tpu.memory_space<vmem>>) offsets(%dma_start3A_191 : memref<128xi32, #tpu.memory_space<vmem>>) semaphore(%arg22 : memref<!tpu.dma_semaphore, #tpu.memory_space<semaphore_mem>>)
      %dma_start3A_195 = arith.constant 6 : i32
      %dma_start3A_196 = arith.constant 768 : i32
      %dma_start3A_197 = arith.constant 0 : i32
      %dma_start3A_198 = tpu.memref_slice %arg12[%dma_start3A_196, %dma_start3A_197] : memref<1280x16xf32, #tpu.memory_space<vmem>> -> memref<128x16xf32, #tpu.memory_space<vmem>>
      %dma_start3A_199 = arith.constant 0 : i32
      %dma_start3A_200 = tpu.memref_slice %arg10[%dma_start3A_195, %dma_start3A_199] : memref<10x128xi32, #tpu.memory_space<vmem>> -> memref<1x128xi32, #tpu.memory_space<vmem>>
      %dma_start3A_201 = tpu.memref_squeeze %dma_start3A_200 : memref<1x128xi32, #tpu.memory_space<vmem>> -> memref<128xi32, #tpu.memory_space<vmem>>
      %dma_start3A_202 = arith.constant 0 : i32
      %dma_start3A_203 = arith.constant 0 : i32
      %dma_start3A_204 = tpu.memref_slice %arg2[%dma_start3A_202, %dma_start3A_203] : memref<10000x16xf32, #tpu.memory_space<hbm>> -> memref<10000x16xf32, #tpu.memory_space<hbm>>
      tpu.enqueue_indirect_dma source(%dma_start3A_204 : memref<10000x16xf32, #tpu.memory_space<hbm>>) target(%dma_start3A_198 : memref<128x16xf32, #tpu.memory_space<vmem>>) offsets(%dma_start3A_201 : memref<128xi32, #tpu.memory_space<vmem>>) semaphore(%arg21 : memref<!tpu.dma_semaphore, #tpu.memory_space<semaphore_mem>>)
      %dma_start3A_205 = arith.constant 6 : i32
      %dma_start3A_206 = arith.constant 768 : i32
      %dma_start3A_207 = arith.constant 0 : i32
      %dma_start3A_208 = tpu.memref_slice %arg13[%dma_start3A_206, %dma_start3A_207] : memref<1280x16xf32, #tpu.memory_space<vmem>> -> memref<128x16xf32, #tpu.memory_space<vmem>>
      %dma_start3A_209 = arith.constant 0 : i32
      %dma_start3A_210 = tpu.memref_slice %arg11[%dma_start3A_205, %dma_start3A_209] : memref<10x128xi32, #tpu.memory_space<vmem>> -> memref<1x128xi32, #tpu.memory_space<vmem>>
      %dma_start3A_211 = tpu.memref_squeeze %dma_start3A_210 : memref<1x128xi32, #tpu.memory_space<vmem>> -> memref<128xi32, #tpu.memory_space<vmem>>
      %dma_start3A_212 = arith.constant 0 : i32
      %dma_start3A_213 = arith.constant 0 : i32
      %dma_start3A_214 = tpu.memref_slice %arg3[%dma_start3A_212, %dma_start3A_213] : memref<10000x16xf32, #tpu.memory_space<hbm>> -> memref<10000x16xf32, #tpu.memory_space<hbm>>
      tpu.enqueue_indirect_dma source(%dma_start3A_214 : memref<10000x16xf32, #tpu.memory_space<hbm>>) target(%dma_start3A_208 : memref<128x16xf32, #tpu.memory_space<vmem>>) offsets(%dma_start3A_211 : memref<128xi32, #tpu.memory_space<vmem>>) semaphore(%arg22 : memref<!tpu.dma_semaphore, #tpu.memory_space<semaphore_mem>>)
      %dma_start3A_215 = arith.constant 7 : i32
      %dma_start3A_216 = arith.constant 896 : i32
      %dma_start3A_217 = arith.constant 0 : i32
      %dma_start3A_218 = tpu.memref_slice %arg12[%dma_start3A_216, %dma_start3A_217] : memref<1280x16xf32, #tpu.memory_space<vmem>> -> memref<128x16xf32, #tpu.memory_space<vmem>>
      %dma_start3A_219 = arith.constant 0 : i32
      %dma_start3A_220 = tpu.memref_slice %arg10[%dma_start3A_215, %dma_start3A_219] : memref<10x128xi32, #tpu.memory_space<vmem>> -> memref<1x128xi32, #tpu.memory_space<vmem>>
      %dma_start3A_221 = tpu.memref_squeeze %dma_start3A_220 : memref<1x128xi32, #tpu.memory_space<vmem>> -> memref<128xi32, #tpu.memory_space<vmem>>
      %dma_start3A_222 = arith.constant 0 : i32
      %dma_start3A_223 = arith.constant 0 : i32
      %dma_start3A_224 = tpu.memref_slice %arg2[%dma_start3A_222, %dma_start3A_223] : memref<10000x16xf32, #tpu.memory_space<hbm>> -> memref<10000x16xf32, #tpu.memory_space<hbm>>
      tpu.enqueue_indirect_dma source(%dma_start3A_224 : memref<10000x16xf32, #tpu.memory_space<hbm>>) target(%dma_start3A_218 : memref<128x16xf32, #tpu.memory_space<vmem>>) offsets(%dma_start3A_221 : memref<128xi32, #tpu.memory_space<vmem>>) semaphore(%arg21 : memref<!tpu.dma_semaphore, #tpu.memory_space<semaphore_mem>>)
      %dma_start3A_225 = arith.constant 7 : i32
      %dma_start3A_226 = arith.constant 896 : i32
      %dma_start3A_227 = arith.constant 0 : i32
      %dma_start3A_228 = tpu.memref_slice %arg13[%dma_start3A_226, %dma_start3A_227] : memref<1280x16xf32, #tpu.memory_space<vmem>> -> memref<128x16xf32, #tpu.memory_space<vmem>>
      %dma_start3A_229 = arith.constant 0 : i32
      %dma_start3A_230 = tpu.memref_slice %arg11[%dma_start3A_225, %dma_start3A_229] : memref<10x128xi32, #tpu.memory_space<vmem>> -> memref<1x128xi32, #tpu.memory_space<vmem>>
      %dma_start3A_231 = tpu.memref_squeeze %dma_start3A_230 : memref<1x128xi32, #tpu.memory_space<vmem>> -> memref<128xi32, #tpu.memory_space<vmem>>
      %dma_start3A_232 = arith.constant 0 : i32
      %dma_start3A_233 = arith.constant 0 : i32
      %dma_start3A_234 = tpu.memref_slice %arg3[%dma_start3A_232, %dma_start3A_233] : memref<10000x16xf32, #tpu.memory_space<hbm>> -> memref<10000x16xf32, #tpu.memory_space<hbm>>
      tpu.enqueue_indirect_dma source(%dma_start3A_234 : memref<10000x16xf32, #tpu.memory_space<hbm>>) target(%dma_start3A_228 : memref<128x16xf32, #tpu.memory_space<vmem>>) offsets(%dma_start3A_231 : memref<128xi32, #tpu.memory_space<vmem>>) semaphore(%arg22 : memref<!tpu.dma_semaphore, #tpu.memory_space<semaphore_mem>>)
      %dma_start3A_235 = arith.constant 8 : i32
      %dma_start3A_236 = arith.constant 1024 : i32
      %dma_start3A_237 = arith.constant 0 : i32
      %dma_start3A_238 = tpu.memref_slice %arg12[%dma_start3A_236, %dma_start3A_237] : memref<1280x16xf32, #tpu.memory_space<vmem>> -> memref<128x16xf32, #tpu.memory_space<vmem>>
      %dma_start3A_239 = arith.constant 0 : i32
      %dma_start3A_240 = tpu.memref_slice %arg10[%dma_start3A_235, %dma_start3A_239] : memref<10x128xi32, #tpu.memory_space<vmem>> -> memref<1x128xi32, #tpu.memory_space<vmem>>
      %dma_start3A_241 = tpu.memref_squeeze %dma_start3A_240 : memref<1x128xi32, #tpu.memory_space<vmem>> -> memref<128xi32, #tpu.memory_space<vmem>>
      %dma_start3A_242 = arith.constant 0 : i32
      %dma_start3A_243 = arith.constant 0 : i32
      %dma_start3A_244 = tpu.memref_slice %arg2[%dma_start3A_242, %dma_start3A_243] : memref<10000x16xf32, #tpu.memory_space<hbm>> -> memref<10000x16xf32, #tpu.memory_space<hbm>>
      tpu.enqueue_indirect_dma source(%dma_start3A_244 : memref<10000x16xf32, #tpu.memory_space<hbm>>) target(%dma_start3A_238 : memref<128x16xf32, #tpu.memory_space<vmem>>) offsets(%dma_start3A_241 : memref<128xi32, #tpu.memory_space<vmem>>) semaphore(%arg21 : memref<!tpu.dma_semaphore, #tpu.memory_space<semaphore_mem>>)
      %dma_start3A_245 = arith.constant 8 : i32
      %dma_start3A_246 = arith.constant 1024 : i32
      %dma_start3A_247 = arith.constant 0 : i32
      %dma_start3A_248 = tpu.memref_slice %arg13[%dma_start3A_246, %dma_start3A_247] : memref<1280x16xf32, #tpu.memory_space<vmem>> -> memref<128x16xf32, #tpu.memory_space<vmem>>
      %dma_start3A_249 = arith.constant 0 : i32
      %dma_start3A_250 = tpu.memref_slice %arg11[%dma_start3A_245, %dma_start3A_249] : memref<10x128xi32, #tpu.memory_space<vmem>> -> memref<1x128xi32, #tpu.memory_space<vmem>>
      %dma_start3A_251 = tpu.memref_squeeze %dma_start3A_250 : memref<1x128xi32, #tpu.memory_space<vmem>> -> memref<128xi32, #tpu.memory_space<vmem>>
      %dma_start3A_252 = arith.constant 0 : i32
      %dma_start3A_253 = arith.constant 0 : i32
      %dma_start3A_254 = tpu.memref_slice %arg3[%dma_start3A_252, %dma_start3A_253] : memref<10000x16xf32, #tpu.memory_space<hbm>> -> memref<10000x16xf32, #tpu.memory_space<hbm>>
      tpu.enqueue_indirect_dma source(%dma_start3A_254 : memref<10000x16xf32, #tpu.memory_space<hbm>>) target(%dma_start3A_248 : memref<128x16xf32, #tpu.memory_space<vmem>>) offsets(%dma_start3A_251 : memref<128xi32, #tpu.memory_space<vmem>>) semaphore(%arg22 : memref<!tpu.dma_semaphore, #tpu.memory_space<semaphore_mem>>)
      %dma_start3A_255 = arith.constant 9 : i32
      %dma_start3A_256 = arith.constant 1152 : i32
      %dma_start3A_257 = arith.constant 0 : i32
      %dma_start3A_258 = tpu.memref_slice %arg12[%dma_start3A_256, %dma_start3A_257] : memref<1280x16xf32, #tpu.memory_space<vmem>> -> memref<128x16xf32, #tpu.memory_space<vmem>>
      %dma_start3A_259 = arith.constant 0 : i32
      %dma_start3A_260 = tpu.memref_slice %arg10[%dma_start3A_255, %dma_start3A_259] : memref<10x128xi32, #tpu.memory_space<vmem>> -> memref<1x128xi32, #tpu.memory_space<vmem>>
      %dma_start3A_261 = tpu.memref_squeeze %dma_start3A_260 : memref<1x128xi32, #tpu.memory_space<vmem>> -> memref<128xi32, #tpu.memory_space<vmem>>
      %dma_start3A_262 = arith.constant 0 : i32
      %dma_start3A_263 = arith.constant 0 : i32
      %dma_start3A_264 = tpu.memref_slice %arg2[%dma_start3A_262, %dma_start3A_263] : memref<10000x16xf32, #tpu.memory_space<hbm>> -> memref<10000x16xf32, #tpu.memory_space<hbm>>
      tpu.enqueue_indirect_dma source(%dma_start3A_264 : memref<10000x16xf32, #tpu.memory_space<hbm>>) target(%dma_start3A_258 : memref<128x16xf32, #tpu.memory_space<vmem>>) offsets(%dma_start3A_261 : memref<128xi32, #tpu.memory_space<vmem>>) semaphore(%arg21 : memref<!tpu.dma_semaphore, #tpu.memory_space<semaphore_mem>>)
      %dma_start3A_265 = arith.constant 9 : i32
      %dma_start3A_266 = arith.constant 1152 : i32
      %dma_start3A_267 = arith.constant 0 : i32
      %dma_start3A_268 = tpu.memref_slice %arg13[%dma_start3A_266, %dma_start3A_267] : memref<1280x16xf32, #tpu.memory_space<vmem>> -> memref<128x16xf32, #tpu.memory_space<vmem>>
      %dma_start3A_269 = arith.constant 0 : i32
      %dma_start3A_270 = tpu.memref_slice %arg11[%dma_start3A_265, %dma_start3A_269] : memref<10x128xi32, #tpu.memory_space<vmem>> -> memref<1x128xi32, #tpu.memory_space<vmem>>
      %dma_start3A_271 = tpu.memref_squeeze %dma_start3A_270 : memref<1x128xi32, #tpu.memory_space<vmem>> -> memref<128xi32, #tpu.memory_space<vmem>>
      %dma_start3A_272 = arith.constant 0 : i32
      %dma_start3A_273 = arith.constant 0 : i32
      %dma_start3A_274 = tpu.memref_slice %arg3[%dma_start3A_272, %dma_start3A_273] : memref<10000x16xf32, #tpu.memory_space<hbm>> -> memref<10000x16xf32, #tpu.memory_space<hbm>>
      tpu.enqueue_indirect_dma source(%dma_start3A_274 : memref<10000x16xf32, #tpu.memory_space<hbm>>) target(%dma_start3A_268 : memref<128x16xf32, #tpu.memory_space<vmem>>) offsets(%dma_start3A_271 : memref<128xi32, #tpu.memory_space<vmem>>) semaphore(%arg22 : memref<!tpu.dma_semaphore, #tpu.memory_space<semaphore_mem>>)
      %dma_wait3A_275 = arith.constant 0 : i32
      %dma_wait3A_276 = arith.constant 0 : i32
      %dma_wait3A_277 = tpu.memref_slice %arg4[%dma_wait3A_275, %mul3A_38, %dma_wait3A_276] : memref<16x2500x128xf32, #tpu.memory_space<hbm>> -> memref<16x10x128xf32, #tpu.memory_space<hbm>>
      %dma_wait3A_278 = arith.constant 0 : i32
      %dma_wait3A_279 = arith.constant 0 : i32
      %dma_wait3A_280 = tpu.memref_slice %arg4[%dma_wait3A_278, %mul3A_38, %dma_wait3A_279] : memref<16x2500x128xf32, #tpu.memory_space<hbm>> -> memref<16x10x128xf32, #tpu.memory_space<hbm>>
      tpu.wait_dma2 semaphore(%arg20 : memref<!tpu.dma_semaphore, #tpu.memory_space<semaphore_mem>>) src(%dma_wait3A_280 : memref<16x10x128xf32, #tpu.memory_space<hbm>>) dst(%arg15 : memref<16x10x128xf32, #tpu.memory_space<vmem>>)
      %dma_wait3A_281 = arith.constant 0 : i32
      %dma_wait3A_282 = arith.constant 0 : i32
      %dma_wait3A_283 = arith.constant 0 : i32
      %dma_wait3A_284 = tpu.memref_slice %arg12[%dma_wait3A_282, %dma_wait3A_283] : memref<1280x16xf32, #tpu.memory_space<vmem>> -> memref<128x16xf32, #tpu.memory_space<vmem>>
      %dma_wait3A_285 = arith.constant 0 : i32
      %dma_wait3A_286 = tpu.memref_slice %arg10[%dma_wait3A_281, %dma_wait3A_285] : memref<10x128xi32, #tpu.memory_space<vmem>> -> memref<1x128xi32, #tpu.memory_space<vmem>>
      %dma_wait3A_287 = tpu.memref_squeeze %dma_wait3A_286 : memref<1x128xi32, #tpu.memory_space<vmem>> -> memref<128xi32, #tpu.memory_space<vmem>>
      %dma_wait3A_288 = arith.constant 0 : i32
      %dma_wait3A_289 = arith.constant 0 : i32
      %dma_wait3A_290 = tpu.memref_slice %arg2[%dma_wait3A_288, %dma_wait3A_289] : memref<10000x16xf32, #tpu.memory_space<hbm>> -> memref<10000x16xf32, #tpu.memory_space<hbm>>
      tpu.wait_indirect_dma semaphore(%arg21 : memref<!tpu.dma_semaphore, #tpu.memory_space<semaphore_mem>>) src(%dma_wait3A_290 : memref<10000x16xf32, #tpu.memory_space<hbm>>) dst(%dma_wait3A_284 : memref<128x16xf32, #tpu.memory_space<vmem>>)
      %dma_wait3A_291 = arith.constant 0 : i32
      %dma_wait3A_292 = arith.constant 0 : i32
      %dma_wait3A_293 = arith.constant 0 : i32
      %dma_wait3A_294 = tpu.memref_slice %arg13[%dma_wait3A_292, %dma_wait3A_293] : memref<1280x16xf32, #tpu.memory_space<vmem>> -> memref<128x16xf32, #tpu.memory_space<vmem>>
      %dma_wait3A_295 = arith.constant 0 : i32
      %dma_wait3A_296 = tpu.memref_slice %arg11[%dma_wait3A_291, %dma_wait3A_295] : memref<10x128xi32, #tpu.memory_space<vmem>> -> memref<1x128xi32, #tpu.memory_space<vmem>>
      %dma_wait3A_297 = tpu.memref_squeeze %dma_wait3A_296 : memref<1x128xi32, #tpu.memory_space<vmem>> -> memref<128xi32, #tpu.memory_space<vmem>>
      %dma_wait3A_298 = arith.constant 0 : i32
      %dma_wait3A_299 = arith.constant 0 : i32
      %dma_wait3A_300 = tpu.memref_slice %arg3[%dma_wait3A_298, %dma_wait3A_299] : memref<10000x16xf32, #tpu.memory_space<hbm>> -> memref<10000x16xf32, #tpu.memory_space<hbm>>
      tpu.wait_indirect_dma semaphore(%arg22 : memref<!tpu.dma_semaphore, #tpu.memory_space<semaphore_mem>>) src(%dma_wait3A_300 : memref<10000x16xf32, #tpu.memory_space<hbm>>) dst(%dma_wait3A_294 : memref<128x16xf32, #tpu.memory_space<vmem>>)
      %dma_wait3A_301 = arith.constant 1 : i32
      %dma_wait3A_302 = arith.constant 128 : i32
      %dma_wait3A_303 = arith.constant 0 : i32
      %dma_wait3A_304 = tpu.memref_slice %arg12[%dma_wait3A_302, %dma_wait3A_303] : memref<1280x16xf32, #tpu.memory_space<vmem>> -> memref<128x16xf32, #tpu.memory_space<vmem>>
      %dma_wait3A_305 = arith.constant 0 : i32
      %dma_wait3A_306 = tpu.memref_slice %arg10[%dma_wait3A_301, %dma_wait3A_305] : memref<10x128xi32, #tpu.memory_space<vmem>> -> memref<1x128xi32, #tpu.memory_space<vmem>>
      %dma_wait3A_307 = tpu.memref_squeeze %dma_wait3A_306 : memref<1x128xi32, #tpu.memory_space<vmem>> -> memref<128xi32, #tpu.memory_space<vmem>>
      %dma_wait3A_308 = arith.constant 0 : i32
      %dma_wait3A_309 = arith.constant 0 : i32
      %dma_wait3A_310 = tpu.memref_slice %arg2[%dma_wait3A_308, %dma_wait3A_309] : memref<10000x16xf32, #tpu.memory_space<hbm>> -> memref<10000x16xf32, #tpu.memory_space<hbm>>
      tpu.wait_indirect_dma semaphore(%arg21 : memref<!tpu.dma_semaphore, #tpu.memory_space<semaphore_mem>>) src(%dma_wait3A_310 : memref<10000x16xf32, #tpu.memory_space<hbm>>) dst(%dma_wait3A_304 : memref<128x16xf32, #tpu.memory_space<vmem>>)
      %dma_wait3A_311 = arith.constant 1 : i32
      %dma_wait3A_312 = arith.constant 128 : i32
      %dma_wait3A_313 = arith.constant 0 : i32
      %dma_wait3A_314 = tpu.memref_slice %arg13[%dma_wait3A_312, %dma_wait3A_313] : memref<1280x16xf32, #tpu.memory_space<vmem>> -> memref<128x16xf32, #tpu.memory_space<vmem>>
      %dma_wait3A_315 = arith.constant 0 : i32
      %dma_wait3A_316 = tpu.memref_slice %arg11[%dma_wait3A_311, %dma_wait3A_315] : memref<10x128xi32, #tpu.memory_space<vmem>> -> memref<1x128xi32, #tpu.memory_space<vmem>>
      %dma_wait3A_317 = tpu.memref_squeeze %dma_wait3A_316 : memref<1x128xi32, #tpu.memory_space<vmem>> -> memref<128xi32, #tpu.memory_space<vmem>>
      %dma_wait3A_318 = arith.constant 0 : i32
      %dma_wait3A_319 = arith.constant 0 : i32
      %dma_wait3A_320 = tpu.memref_slice %arg3[%dma_wait3A_318, %dma_wait3A_319] : memref<10000x16xf32, #tpu.memory_space<hbm>> -> memref<10000x16xf32, #tpu.memory_space<hbm>>
      tpu.wait_indirect_dma semaphore(%arg22 : memref<!tpu.dma_semaphore, #tpu.memory_space<semaphore_mem>>) src(%dma_wait3A_320 : memref<10000x16xf32, #tpu.memory_space<hbm>>) dst(%dma_wait3A_314 : memref<128x16xf32, #tpu.memory_space<vmem>>)
      %dma_wait3A_321 = arith.constant 2 : i32
      %dma_wait3A_322 = arith.constant 256 : i32
      %dma_wait3A_323 = arith.constant 0 : i32
      %dma_wait3A_324 = tpu.memref_slice %arg12[%dma_wait3A_322, %dma_wait3A_323] : memref<1280x16xf32, #tpu.memory_space<vmem>> -> memref<128x16xf32, #tpu.memory_space<vmem>>
      %dma_wait3A_325 = arith.constant 0 : i32
      %dma_wait3A_326 = tpu.memref_slice %arg10[%dma_wait3A_321, %dma_wait3A_325] : memref<10x128xi32, #tpu.memory_space<vmem>> -> memref<1x128xi32, #tpu.memory_space<vmem>>
      %dma_wait3A_327 = tpu.memref_squeeze %dma_wait3A_326 : memref<1x128xi32, #tpu.memory_space<vmem>> -> memref<128xi32, #tpu.memory_space<vmem>>
      %dma_wait3A_328 = arith.constant 0 : i32
      %dma_wait3A_329 = arith.constant 0 : i32
      %dma_wait3A_330 = tpu.memref_slice %arg2[%dma_wait3A_328, %dma_wait3A_329] : memref<10000x16xf32, #tpu.memory_space<hbm>> -> memref<10000x16xf32, #tpu.memory_space<hbm>>
      tpu.wait_indirect_dma semaphore(%arg21 : memref<!tpu.dma_semaphore, #tpu.memory_space<semaphore_mem>>) src(%dma_wait3A_330 : memref<10000x16xf32, #tpu.memory_space<hbm>>) dst(%dma_wait3A_324 : memref<128x16xf32, #tpu.memory_space<vmem>>)
      %dma_wait3A_331 = arith.constant 2 : i32
      %dma_wait3A_332 = arith.constant 256 : i32
      %dma_wait3A_333 = arith.constant 0 : i32
      %dma_wait3A_334 = tpu.memref_slice %arg13[%dma_wait3A_332, %dma_wait3A_333] : memref<1280x16xf32, #tpu.memory_space<vmem>> -> memref<128x16xf32, #tpu.memory_space<vmem>>
      %dma_wait3A_335 = arith.constant 0 : i32
      %dma_wait3A_336 = tpu.memref_slice %arg11[%dma_wait3A_331, %dma_wait3A_335] : memref<10x128xi32, #tpu.memory_space<vmem>> -> memref<1x128xi32, #tpu.memory_space<vmem>>
      %dma_wait3A_337 = tpu.memref_squeeze %dma_wait3A_336 : memref<1x128xi32, #tpu.memory_space<vmem>> -> memref<128xi32, #tpu.memory_space<vmem>>
      %dma_wait3A_338 = arith.constant 0 : i32
      %dma_wait3A_339 = arith.constant 0 : i32
      %dma_wait3A_340 = tpu.memref_slice %arg3[%dma_wait3A_338, %dma_wait3A_339] : memref<10000x16xf32, #tpu.memory_space<hbm>> -> memref<10000x16xf32, #tpu.memory_space<hbm>>
      tpu.wait_indirect_dma semaphore(%arg22 : memref<!tpu.dma_semaphore, #tpu.memory_space<semaphore_mem>>) src(%dma_wait3A_340 : memref<10000x16xf32, #tpu.memory_space<hbm>>) dst(%dma_wait3A_334 : memref<128x16xf32, #tpu.memory_space<vmem>>)
      %dma_wait3A_341 = arith.constant 3 : i32
      %dma_wait3A_342 = arith.constant 384 : i32
      %dma_wait3A_343 = arith.constant 0 : i32
      %dma_wait3A_344 = tpu.memref_slice %arg12[%dma_wait3A_342, %dma_wait3A_343] : memref<1280x16xf32, #tpu.memory_space<vmem>> -> memref<128x16xf32, #tpu.memory_space<vmem>>
      %dma_wait3A_345 = arith.constant 0 : i32
      %dma_wait3A_346 = tpu.memref_slice %arg10[%dma_wait3A_341, %dma_wait3A_345] : memref<10x128xi32, #tpu.memory_space<vmem>> -> memref<1x128xi32, #tpu.memory_space<vmem>>
      %dma_wait3A_347 = tpu.memref_squeeze %dma_wait3A_346 : memref<1x128xi32, #tpu.memory_space<vmem>> -> memref<128xi32, #tpu.memory_space<vmem>>
      %dma_wait3A_348 = arith.constant 0 : i32
      %dma_wait3A_349 = arith.constant 0 : i32
      %dma_wait3A_350 = tpu.memref_slice %arg2[%dma_wait3A_348, %dma_wait3A_349] : memref<10000x16xf32, #tpu.memory_space<hbm>> -> memref<10000x16xf32, #tpu.memory_space<hbm>>
      tpu.wait_indirect_dma semaphore(%arg21 : memref<!tpu.dma_semaphore, #tpu.memory_space<semaphore_mem>>) src(%dma_wait3A_350 : memref<10000x16xf32, #tpu.memory_space<hbm>>) dst(%dma_wait3A_344 : memref<128x16xf32, #tpu.memory_space<vmem>>)
      %dma_wait3A_351 = arith.constant 3 : i32
      %dma_wait3A_352 = arith.constant 384 : i32
      %dma_wait3A_353 = arith.constant 0 : i32
      %dma_wait3A_354 = tpu.memref_slice %arg13[%dma_wait3A_352, %dma_wait3A_353] : memref<1280x16xf32, #tpu.memory_space<vmem>> -> memref<128x16xf32, #tpu.memory_space<vmem>>
      %dma_wait3A_355 = arith.constant 0 : i32
      %dma_wait3A_356 = tpu.memref_slice %arg11[%dma_wait3A_351, %dma_wait3A_355] : memref<10x128xi32, #tpu.memory_space<vmem>> -> memref<1x128xi32, #tpu.memory_space<vmem>>
      %dma_wait3A_357 = tpu.memref_squeeze %dma_wait3A_356 : memref<1x128xi32, #tpu.memory_space<vmem>> -> memref<128xi32, #tpu.memory_space<vmem>>
      %dma_wait3A_358 = arith.constant 0 : i32
      %dma_wait3A_359 = arith.constant 0 : i32
      %dma_wait3A_360 = tpu.memref_slice %arg3[%dma_wait3A_358, %dma_wait3A_359] : memref<10000x16xf32, #tpu.memory_space<hbm>> -> memref<10000x16xf32, #tpu.memory_space<hbm>>
      tpu.wait_indirect_dma semaphore(%arg22 : memref<!tpu.dma_semaphore, #tpu.memory_space<semaphore_mem>>) src(%dma_wait3A_360 : memref<10000x16xf32, #tpu.memory_space<hbm>>) dst(%dma_wait3A_354 : memref<128x16xf32, #tpu.memory_space<vmem>>)
      %dma_wait3A_361 = arith.constant 4 : i32
      %dma_wait3A_362 = arith.constant 512 : i32
      %dma_wait3A_363 = arith.constant 0 : i32
      %dma_wait3A_364 = tpu.memref_slice %arg12[%dma_wait3A_362, %dma_wait3A_363] : memref<1280x16xf32, #tpu.memory_space<vmem>> -> memref<128x16xf32, #tpu.memory_space<vmem>>
      %dma_wait3A_365 = arith.constant 0 : i32
      %dma_wait3A_366 = tpu.memref_slice %arg10[%dma_wait3A_361, %dma_wait3A_365] : memref<10x128xi32, #tpu.memory_space<vmem>> -> memref<1x128xi32, #tpu.memory_space<vmem>>
      %dma_wait3A_367 = tpu.memref_squeeze %dma_wait3A_366 : memref<1x128xi32, #tpu.memory_space<vmem>> -> memref<128xi32, #tpu.memory_space<vmem>>
      %dma_wait3A_368 = arith.constant 0 : i32
      %dma_wait3A_369 = arith.constant 0 : i32
      %dma_wait3A_370 = tpu.memref_slice %arg2[%dma_wait3A_368, %dma_wait3A_369] : memref<10000x16xf32, #tpu.memory_space<hbm>> -> memref<10000x16xf32, #tpu.memory_space<hbm>>
      tpu.wait_indirect_dma semaphore(%arg21 : memref<!tpu.dma_semaphore, #tpu.memory_space<semaphore_mem>>) src(%dma_wait3A_370 : memref<10000x16xf32, #tpu.memory_space<hbm>>) dst(%dma_wait3A_364 : memref<128x16xf32, #tpu.memory_space<vmem>>)
      %dma_wait3A_371 = arith.constant 4 : i32
      %dma_wait3A_372 = arith.constant 512 : i32
      %dma_wait3A_373 = arith.constant 0 : i32
      %dma_wait3A_374 = tpu.memref_slice %arg13[%dma_wait3A_372, %dma_wait3A_373] : memref<1280x16xf32, #tpu.memory_space<vmem>> -> memref<128x16xf32, #tpu.memory_space<vmem>>
      %dma_wait3A_375 = arith.constant 0 : i32
      %dma_wait3A_376 = tpu.memref_slice %arg11[%dma_wait3A_371, %dma_wait3A_375] : memref<10x128xi32, #tpu.memory_space<vmem>> -> memref<1x128xi32, #tpu.memory_space<vmem>>
      %dma_wait3A_377 = tpu.memref_squeeze %dma_wait3A_376 : memref<1x128xi32, #tpu.memory_space<vmem>> -> memref<128xi32, #tpu.memory_space<vmem>>
      %dma_wait3A_378 = arith.constant 0 : i32
      %dma_wait3A_379 = arith.constant 0 : i32
      %dma_wait3A_380 = tpu.memref_slice %arg3[%dma_wait3A_378, %dma_wait3A_379] : memref<10000x16xf32, #tpu.memory_space<hbm>> -> memref<10000x16xf32, #tpu.memory_space<hbm>>
      tpu.wait_indirect_dma semaphore(%arg22 : memref<!tpu.dma_semaphore, #tpu.memory_space<semaphore_mem>>) src(%dma_wait3A_380 : memref<10000x16xf32, #tpu.memory_space<hbm>>) dst(%dma_wait3A_374 : memref<128x16xf32, #tpu.memory_space<vmem>>)
      %dma_wait3A_381 = arith.constant 5 : i32
      %dma_wait3A_382 = arith.constant 640 : i32
      %dma_wait3A_383 = arith.constant 0 : i32
      %dma_wait3A_384 = tpu.memref_slice %arg12[%dma_wait3A_382, %dma_wait3A_383] : memref<1280x16xf32, #tpu.memory_space<vmem>> -> memref<128x16xf32, #tpu.memory_space<vmem>>
      %dma_wait3A_385 = arith.constant 0 : i32
      %dma_wait3A_386 = tpu.memref_slice %arg10[%dma_wait3A_381, %dma_wait3A_385] : memref<10x128xi32, #tpu.memory_space<vmem>> -> memref<1x128xi32, #tpu.memory_space<vmem>>
      %dma_wait3A_387 = tpu.memref_squeeze %dma_wait3A_386 : memref<1x128xi32, #tpu.memory_space<vmem>> -> memref<128xi32, #tpu.memory_space<vmem>>
      %dma_wait3A_388 = arith.constant 0 : i32
      %dma_wait3A_389 = arith.constant 0 : i32
      %dma_wait3A_390 = tpu.memref_slice %arg2[%dma_wait3A_388, %dma_wait3A_389] : memref<10000x16xf32, #tpu.memory_space<hbm>> -> memref<10000x16xf32, #tpu.memory_space<hbm>>
      tpu.wait_indirect_dma semaphore(%arg21 : memref<!tpu.dma_semaphore, #tpu.memory_space<semaphore_mem>>) src(%dma_wait3A_390 : memref<10000x16xf32, #tpu.memory_space<hbm>>) dst(%dma_wait3A_384 : memref<128x16xf32, #tpu.memory_space<vmem>>)
      %dma_wait3A_391 = arith.constant 5 : i32
      %dma_wait3A_392 = arith.constant 640 : i32
      %dma_wait3A_393 = arith.constant 0 : i32
      %dma_wait3A_394 = tpu.memref_slice %arg13[%dma_wait3A_392, %dma_wait3A_393] : memref<1280x16xf32, #tpu.memory_space<vmem>> -> memref<128x16xf32, #tpu.memory_space<vmem>>
      %dma_wait3A_395 = arith.constant 0 : i32
      %dma_wait3A_396 = tpu.memref_slice %arg11[%dma_wait3A_391, %dma_wait3A_395] : memref<10x128xi32, #tpu.memory_space<vmem>> -> memref<1x128xi32, #tpu.memory_space<vmem>>
      %dma_wait3A_397 = tpu.memref_squeeze %dma_wait3A_396 : memref<1x128xi32, #tpu.memory_space<vmem>> -> memref<128xi32, #tpu.memory_space<vmem>>
      %dma_wait3A_398 = arith.constant 0 : i32
      %dma_wait3A_399 = arith.constant 0 : i32
      %dma_wait3A_400 = tpu.memref_slice %arg3[%dma_wait3A_398, %dma_wait3A_399] : memref<10000x16xf32, #tpu.memory_space<hbm>> -> memref<10000x16xf32, #tpu.memory_space<hbm>>
      tpu.wait_indirect_dma semaphore(%arg22 : memref<!tpu.dma_semaphore, #tpu.memory_space<semaphore_mem>>) src(%dma_wait3A_400 : memref<10000x16xf32, #tpu.memory_space<hbm>>) dst(%dma_wait3A_394 : memref<128x16xf32, #tpu.memory_space<vmem>>)
      %dma_wait3A_401 = arith.constant 6 : i32
      %dma_wait3A_402 = arith.constant 768 : i32
      %dma_wait3A_403 = arith.constant 0 : i32
      %dma_wait3A_404 = tpu.memref_slice %arg12[%dma_wait3A_402, %dma_wait3A_403] : memref<1280x16xf32, #tpu.memory_space<vmem>> -> memref<128x16xf32, #tpu.memory_space<vmem>>
      %dma_wait3A_405 = arith.constant 0 : i32
      %dma_wait3A_406 = tpu.memref_slice %arg10[%dma_wait3A_401, %dma_wait3A_405] : memref<10x128xi32, #tpu.memory_space<vmem>> -> memref<1x128xi32, #tpu.memory_space<vmem>>
      %dma_wait3A_407 = tpu.memref_squeeze %dma_wait3A_406 : memref<1x128xi32, #tpu.memory_space<vmem>> -> memref<128xi32, #tpu.memory_space<vmem>>
      %dma_wait3A_408 = arith.constant 0 : i32
      %dma_wait3A_409 = arith.constant 0 : i32
      %dma_wait3A_410 = tpu.memref_slice %arg2[%dma_wait3A_408, %dma_wait3A_409] : memref<10000x16xf32, #tpu.memory_space<hbm>> -> memref<10000x16xf32, #tpu.memory_space<hbm>>
      tpu.wait_indirect_dma semaphore(%arg21 : memref<!tpu.dma_semaphore, #tpu.memory_space<semaphore_mem>>) src(%dma_wait3A_410 : memref<10000x16xf32, #tpu.memory_space<hbm>>) dst(%dma_wait3A_404 : memref<128x16xf32, #tpu.memory_space<vmem>>)
      %dma_wait3A_411 = arith.constant 6 : i32
      %dma_wait3A_412 = arith.constant 768 : i32
      %dma_wait3A_413 = arith.constant 0 : i32
      %dma_wait3A_414 = tpu.memref_slice %arg13[%dma_wait3A_412, %dma_wait3A_413] : memref<1280x16xf32, #tpu.memory_space<vmem>> -> memref<128x16xf32, #tpu.memory_space<vmem>>
      %dma_wait3A_415 = arith.constant 0 : i32
      %dma_wait3A_416 = tpu.memref_slice %arg11[%dma_wait3A_411, %dma_wait3A_415] : memref<10x128xi32, #tpu.memory_space<vmem>> -> memref<1x128xi32, #tpu.memory_space<vmem>>
      %dma_wait3A_417 = tpu.memref_squeeze %dma_wait3A_416 : memref<1x128xi32, #tpu.memory_space<vmem>> -> memref<128xi32, #tpu.memory_space<vmem>>
      %dma_wait3A_418 = arith.constant 0 : i32
      %dma_wait3A_419 = arith.constant 0 : i32
      %dma_wait3A_420 = tpu.memref_slice %arg3[%dma_wait3A_418, %dma_wait3A_419] : memref<10000x16xf32, #tpu.memory_space<hbm>> -> memref<10000x16xf32, #tpu.memory_space<hbm>>
      tpu.wait_indirect_dma semaphore(%arg22 : memref<!tpu.dma_semaphore, #tpu.memory_space<semaphore_mem>>) src(%dma_wait3A_420 : memref<10000x16xf32, #tpu.memory_space<hbm>>) dst(%dma_wait3A_414 : memref<128x16xf32, #tpu.memory_space<vmem>>)
      %dma_wait3A_421 = arith.constant 7 : i32
      %dma_wait3A_422 = arith.constant 896 : i32
      %dma_wait3A_423 = arith.constant 0 : i32
      %dma_wait3A_424 = tpu.memref_slice %arg12[%dma_wait3A_422, %dma_wait3A_423] : memref<1280x16xf32, #tpu.memory_space<vmem>> -> memref<128x16xf32, #tpu.memory_space<vmem>>
      %dma_wait3A_425 = arith.constant 0 : i32
      %dma_wait3A_426 = tpu.memref_slice %arg10[%dma_wait3A_421, %dma_wait3A_425] : memref<10x128xi32, #tpu.memory_space<vmem>> -> memref<1x128xi32, #tpu.memory_space<vmem>>
      %dma_wait3A_427 = tpu.memref_squeeze %dma_wait3A_426 : memref<1x128xi32, #tpu.memory_space<vmem>> -> memref<128xi32, #tpu.memory_space<vmem>>
      %dma_wait3A_428 = arith.constant 0 : i32
      %dma_wait3A_429 = arith.constant 0 : i32
      %dma_wait3A_430 = tpu.memref_slice %arg2[%dma_wait3A_428, %dma_wait3A_429] : memref<10000x16xf32, #tpu.memory_space<hbm>> -> memref<10000x16xf32, #tpu.memory_space<hbm>>
      tpu.wait_indirect_dma semaphore(%arg21 : memref<!tpu.dma_semaphore, #tpu.memory_space<semaphore_mem>>) src(%dma_wait3A_430 : memref<10000x16xf32, #tpu.memory_space<hbm>>) dst(%dma_wait3A_424 : memref<128x16xf32, #tpu.memory_space<vmem>>)
      %dma_wait3A_431 = arith.constant 7 : i32
      %dma_wait3A_432 = arith.constant 896 : i32
      %dma_wait3A_433 = arith.constant 0 : i32
      %dma_wait3A_434 = tpu.memref_slice %arg13[%dma_wait3A_432, %dma_wait3A_433] : memref<1280x16xf32, #tpu.memory_space<vmem>> -> memref<128x16xf32, #tpu.memory_space<vmem>>
      %dma_wait3A_435 = arith.constant 0 : i32
      %dma_wait3A_436 = tpu.memref_slice %arg11[%dma_wait3A_431, %dma_wait3A_435] : memref<10x128xi32, #tpu.memory_space<vmem>> -> memref<1x128xi32, #tpu.memory_space<vmem>>
      %dma_wait3A_437 = tpu.memref_squeeze %dma_wait3A_436 : memref<1x128xi32, #tpu.memory_space<vmem>> -> memref<128xi32, #tpu.memory_space<vmem>>
      %dma_wait3A_438 = arith.constant 0 : i32
      %dma_wait3A_439 = arith.constant 0 : i32
      %dma_wait3A_440 = tpu.memref_slice %arg3[%dma_wait3A_438, %dma_wait3A_439] : memref<10000x16xf32, #tpu.memory_space<hbm>> -> memref<10000x16xf32, #tpu.memory_space<hbm>>
      tpu.wait_indirect_dma semaphore(%arg22 : memref<!tpu.dma_semaphore, #tpu.memory_space<semaphore_mem>>) src(%dma_wait3A_440 : memref<10000x16xf32, #tpu.memory_space<hbm>>) dst(%dma_wait3A_434 : memref<128x16xf32, #tpu.memory_space<vmem>>)
      %dma_wait3A_441 = arith.constant 8 : i32
      %dma_wait3A_442 = arith.constant 1024 : i32
      %dma_wait3A_443 = arith.constant 0 : i32
      %dma_wait3A_444 = tpu.memref_slice %arg12[%dma_wait3A_442, %dma_wait3A_443] : memref<1280x16xf32, #tpu.memory_space<vmem>> -> memref<128x16xf32, #tpu.memory_space<vmem>>
      %dma_wait3A_445 = arith.constant 0 : i32
      %dma_wait3A_446 = tpu.memref_slice %arg10[%dma_wait3A_441, %dma_wait3A_445] : memref<10x128xi32, #tpu.memory_space<vmem>> -> memref<1x128xi32, #tpu.memory_space<vmem>>
      %dma_wait3A_447 = tpu.memref_squeeze %dma_wait3A_446 : memref<1x128xi32, #tpu.memory_space<vmem>> -> memref<128xi32, #tpu.memory_space<vmem>>
      %dma_wait3A_448 = arith.constant 0 : i32
      %dma_wait3A_449 = arith.constant 0 : i32
      %dma_wait3A_450 = tpu.memref_slice %arg2[%dma_wait3A_448, %dma_wait3A_449] : memref<10000x16xf32, #tpu.memory_space<hbm>> -> memref<10000x16xf32, #tpu.memory_space<hbm>>
      tpu.wait_indirect_dma semaphore(%arg21 : memref<!tpu.dma_semaphore, #tpu.memory_space<semaphore_mem>>) src(%dma_wait3A_450 : memref<10000x16xf32, #tpu.memory_space<hbm>>) dst(%dma_wait3A_444 : memref<128x16xf32, #tpu.memory_space<vmem>>)
      %dma_wait3A_451 = arith.constant 8 : i32
      %dma_wait3A_452 = arith.constant 1024 : i32
      %dma_wait3A_453 = arith.constant 0 : i32
      %dma_wait3A_454 = tpu.memref_slice %arg13[%dma_wait3A_452, %dma_wait3A_453] : memref<1280x16xf32, #tpu.memory_space<vmem>> -> memref<128x16xf32, #tpu.memory_space<vmem>>
      %dma_wait3A_455 = arith.constant 0 : i32
      %dma_wait3A_456 = tpu.memref_slice %arg11[%dma_wait3A_451, %dma_wait3A_455] : memref<10x128xi32, #tpu.memory_space<vmem>> -> memref<1x128xi32, #tpu.memory_space<vmem>>
      %dma_wait3A_457 = tpu.memref_squeeze %dma_wait3A_456 : memref<1x128xi32, #tpu.memory_space<vmem>> -> memref<128xi32, #tpu.memory_space<vmem>>
      %dma_wait3A_458 = arith.constant 0 : i32
      %dma_wait3A_459 = arith.constant 0 : i32
      %dma_wait3A_460 = tpu.memref_slice %arg3[%dma_wait3A_458, %dma_wait3A_459] : memref<10000x16xf32, #tpu.memory_space<hbm>> -> memref<10000x16xf32, #tpu.memory_space<hbm>>
      tpu.wait_indirect_dma semaphore(%arg22 : memref<!tpu.dma_semaphore, #tpu.memory_space<semaphore_mem>>) src(%dma_wait3A_460 : memref<10000x16xf32, #tpu.memory_space<hbm>>) dst(%dma_wait3A_454 : memref<128x16xf32, #tpu.memory_space<vmem>>)
      %dma_wait3A_461 = arith.constant 9 : i32
      %dma_wait3A_462 = arith.constant 1152 : i32
      %dma_wait3A_463 = arith.constant 0 : i32
      %dma_wait3A_464 = tpu.memref_slice %arg12[%dma_wait3A_462, %dma_wait3A_463] : memref<1280x16xf32, #tpu.memory_space<vmem>> -> memref<128x16xf32, #tpu.memory_space<vmem>>
      %dma_wait3A_465 = arith.constant 0 : i32
      %dma_wait3A_466 = tpu.memref_slice %arg10[%dma_wait3A_461, %dma_wait3A_465] : memref<10x128xi32, #tpu.memory_space<vmem>> -> memref<1x128xi32, #tpu.memory_space<vmem>>
      %dma_wait3A_467 = tpu.memref_squeeze %dma_wait3A_466 : memref<1x128xi32, #tpu.memory_space<vmem>> -> memref<128xi32, #tpu.memory_space<vmem>>
      %dma_wait3A_468 = arith.constant 0 : i32
      %dma_wait3A_469 = arith.constant 0 : i32
      %dma_wait3A_470 = tpu.memref_slice %arg2[%dma_wait3A_468, %dma_wait3A_469] : memref<10000x16xf32, #tpu.memory_space<hbm>> -> memref<10000x16xf32, #tpu.memory_space<hbm>>
      tpu.wait_indirect_dma semaphore(%arg21 : memref<!tpu.dma_semaphore, #tpu.memory_space<semaphore_mem>>) src(%dma_wait3A_470 : memref<10000x16xf32, #tpu.memory_space<hbm>>) dst(%dma_wait3A_464 : memref<128x16xf32, #tpu.memory_space<vmem>>)
      %dma_wait3A_471 = arith.constant 9 : i32
      %dma_wait3A_472 = arith.constant 1152 : i32
      %dma_wait3A_473 = arith.constant 0 : i32
      %dma_wait3A_474 = tpu.memref_slice %arg13[%dma_wait3A_472, %dma_wait3A_473] : memref<1280x16xf32, #tpu.memory_space<vmem>> -> memref<128x16xf32, #tpu.memory_space<vmem>>
      %dma_wait3A_475 = arith.constant 0 : i32
      %dma_wait3A_476 = tpu.memref_slice %arg11[%dma_wait3A_471, %dma_wait3A_475] : memref<10x128xi32, #tpu.memory_space<vmem>> -> memref<1x128xi32, #tpu.memory_space<vmem>>
      %dma_wait3A_477 = tpu.memref_squeeze %dma_wait3A_476 : memref<1x128xi32, #tpu.memory_space<vmem>> -> memref<128xi32, #tpu.memory_space<vmem>>
      %dma_wait3A_478 = arith.constant 0 : i32
      %dma_wait3A_479 = arith.constant 0 : i32
      %dma_wait3A_480 = tpu.memref_slice %arg3[%dma_wait3A_478, %dma_wait3A_479] : memref<10000x16xf32, #tpu.memory_space<hbm>> -> memref<10000x16xf32, #tpu.memory_space<hbm>>
      tpu.wait_indirect_dma semaphore(%arg22 : memref<!tpu.dma_semaphore, #tpu.memory_space<semaphore_mem>>) src(%dma_wait3A_480 : memref<10000x16xf32, #tpu.memory_space<hbm>>) dst(%dma_wait3A_474 : memref<128x16xf32, #tpu.memory_space<vmem>>)
      %broadcast_in_dim3A_481 = arith.constant 0 : i32
      %broadcast_in_dim3A_482 = vector.broadcast %broadcast_in_dim3A_481 : i32 to vector<16xi32>
      %scan3A_483 = arith.constant 0 : i32
      %scan3A_484 = arith.constant 0 : i32
      %scan3A_485 = arith.constant 128 : i32
      %scan3A_486 = arith.addi %scan3A_484, %scan3A_485 : i32
      %scan3A_487 = arith.constant 1 : i32
      scf.for %scan3A_913 = %scan3A_484 to %scan3A_486 step %scan3A_487  : i32 {
        %broadcast_in_dim3A_914 = vector.broadcast %scan3A_913 : i32 to vector<16xi32>
        %add3A_915 = arith.constant 0 : i32
        %add3A_916 = arith.addi %add3A_915, %scan3A_913 : i32
        %gather3A = tpu.vector_load_idx %arg15[%iota3A, %broadcast_in_dim3A_482, %broadcast_in_dim3A_914] : memref<16x10x128xf32, #tpu.memory_space<vmem>>[vector<16xi32>, vector<16xi32>, vector<16xi32>], vector<16xf32>,
        %get3A = arith.index_cast %add3A_916 : i32 to index
        %get3A_917 = arith.constant 0 : index
        %get3A_918 = tpu.vector_load %arg12[%get3A, %get3A_917] {strides = array<i32>} : memref<1280x16xf32, #tpu.memory_space<vmem>>, vector<16xf32>,
        %add3A_919 = arith.addf %gather3A, %get3A_918 : vector<16xf32>
        %get3A_920 = arith.index_cast %add3A_916 : i32 to index
        %get3A_921 = arith.constant 0 : index
        %get3A_922 = tpu.vector_load %arg13[%get3A_920, %get3A_921] {strides = array<i32>} : memref<1280x16xf32, #tpu.memory_space<vmem>>, vector<16xf32>,
        %add3A_923 = arith.addf %add3A_919, %get3A_922 : vector<16xf32>
        tpu.vector_store_idx %arg15[%iota3A, %broadcast_in_dim3A_482, %broadcast_in_dim3A_914], %add3A_923 : memref<16x10x128xf32, #tpu.memory_space<vmem>>[vector<16xi32>, vector<16xi32>, vector<16xi32>], vector<16xf32>,
        %swap3A = arith.index_cast %add3A_916 : i32 to index
        %swap3A_924 = arith.constant 0 : index
        %swap3A_925 = tpu.vector_load %arg14[%swap3A, %swap3A_924] {strides = array<i32>} : memref<1280x16xf32, #tpu.memory_space<vmem>>, vector<16xf32>,
        tpu.vector_store %arg14[%swap3A, %swap3A_924], %add3A_923 {strides = array<i32>} : memref<1280x16xf32, #tpu.memory_space<vmem>>, vector<16xf32>,
      }
      %scan3A_488 = arith.constant 128 : i32
      %broadcast_in_dim3A_489 = arith.constant 1 : i32
      %broadcast_in_dim3A_490 = vector.broadcast %broadcast_in_dim3A_489 : i32 to vector<16xi32>
      %scan3A_491 = arith.constant 0 : i32
      %scan3A_492 = arith.constant 0 : i32
      %scan3A_493 = arith.constant 128 : i32
      %scan3A_494 = arith.addi %scan3A_492, %scan3A_493 : i32
      %scan3A_495 = arith.constant 1 : i32
      scf.for %scan3A_913 = %scan3A_492 to %scan3A_494 step %scan3A_495  : i32 {
        %broadcast_in_dim3A_914 = vector.broadcast %scan3A_913 : i32 to vector<16xi32>
        %add3A_915 = arith.constant 128 : i32
        %add3A_916 = arith.addi %add3A_915, %scan3A_913 : i32
        %gather3A = tpu.vector_load_idx %arg15[%iota3A, %broadcast_in_dim3A_490, %broadcast_in_dim3A_914] : memref<16x10x128xf32, #tpu.memory_space<vmem>>[vector<16xi32>, vector<16xi32>, vector<16xi32>], vector<16xf32>,
        %get3A = arith.index_cast %add3A_916 : i32 to index
        %get3A_917 = arith.constant 0 : index
        %get3A_918 = tpu.vector_load %arg12[%get3A, %get3A_917] {strides = array<i32>} : memref<1280x16xf32, #tpu.memory_space<vmem>>, vector<16xf32>,
        %add3A_919 = arith.addf %gather3A, %get3A_918 : vector<16xf32>
        %get3A_920 = arith.index_cast %add3A_916 : i32 to index
        %get3A_921 = arith.constant 0 : index
        %get3A_922 = tpu.vector_load %arg13[%get3A_920, %get3A_921] {strides = array<i32>} : memref<1280x16xf32, #tpu.memory_space<vmem>>, vector<16xf32>,
        %add3A_923 = arith.addf %add3A_919, %get3A_922 : vector<16xf32>
        tpu.vector_store_idx %arg15[%iota3A, %broadcast_in_dim3A_490, %broadcast_in_dim3A_914], %add3A_923 : memref<16x10x128xf32, #tpu.memory_space<vmem>>[vector<16xi32>, vector<16xi32>, vector<16xi32>], vector<16xf32>,
        %swap3A = arith.index_cast %add3A_916 : i32 to index
        %swap3A_924 = arith.constant 0 : index
        %swap3A_925 = tpu.vector_load %arg14[%swap3A, %swap3A_924] {strides = array<i32>} : memref<1280x16xf32, #tpu.memory_space<vmem>>, vector<16xf32>,
        tpu.vector_store %arg14[%swap3A, %swap3A_924], %add3A_923 {strides = array<i32>} : memref<1280x16xf32, #tpu.memory_space<vmem>>, vector<16xf32>,
      }
      %scan3A_496 = arith.constant 128 : i32
      %broadcast_in_dim3A_497 = arith.constant 2 : i32
      %broadcast_in_dim3A_498 = vector.broadcast %broadcast_in_dim3A_497 : i32 to vector<16xi32>
      %scan3A_499 = arith.constant 0 : i32
      %scan3A_500 = arith.constant 0 : i32
      %scan3A_501 = arith.constant 128 : i32
      %scan3A_502 = arith.addi %scan3A_500, %scan3A_501 : i32
      %scan3A_503 = arith.constant 1 : i32
      scf.for %scan3A_913 = %scan3A_500 to %scan3A_502 step %scan3A_503  : i32 {
        %broadcast_in_dim3A_914 = vector.broadcast %scan3A_913 : i32 to vector<16xi32>
        %add3A_915 = arith.constant 256 : i32
        %add3A_916 = arith.addi %add3A_915, %scan3A_913 : i32
        %gather3A = tpu.vector_load_idx %arg15[%iota3A, %broadcast_in_dim3A_498, %broadcast_in_dim3A_914] : memref<16x10x128xf32, #tpu.memory_space<vmem>>[vector<16xi32>, vector<16xi32>, vector<16xi32>], vector<16xf32>,
        %get3A = arith.index_cast %add3A_916 : i32 to index
        %get3A_917 = arith.constant 0 : index
        %get3A_918 = tpu.vector_load %arg12[%get3A, %get3A_917] {strides = array<i32>} : memref<1280x16xf32, #tpu.memory_space<vmem>>, vector<16xf32>,
        %add3A_919 = arith.addf %gather3A, %get3A_918 : vector<16xf32>
        %get3A_920 = arith.index_cast %add3A_916 : i32 to index
        %get3A_921 = arith.constant 0 : index
        %get3A_922 = tpu.vector_load %arg13[%get3A_920, %get3A_921] {strides = array<i32>} : memref<1280x16xf32, #tpu.memory_space<vmem>>, vector<16xf32>,
        %add3A_923 = arith.addf %add3A_919, %get3A_922 : vector<16xf32>
        tpu.vector_store_idx %arg15[%iota3A, %broadcast_in_dim3A_498, %broadcast_in_dim3A_914], %add3A_923 : memref<16x10x128xf32, #tpu.memory_space<vmem>>[vector<16xi32>, vector<16xi32>, vector<16xi32>], vector<16xf32>,
        %swap3A = arith.index_cast %add3A_916 : i32 to index
        %swap3A_924 = arith.constant 0 : index
        %swap3A_925 = tpu.vector_load %arg14[%swap3A, %swap3A_924] {strides = array<i32>} : memref<1280x16xf32, #tpu.memory_space<vmem>>, vector<16xf32>,
        tpu.vector_store %arg14[%swap3A, %swap3A_924], %add3A_923 {strides = array<i32>} : memref<1280x16xf32, #tpu.memory_space<vmem>>, vector<16xf32>,
      }
      %scan3A_504 = arith.constant 128 : i32
      %broadcast_in_dim3A_505 = arith.constant 3 : i32
      %broadcast_in_dim3A_506 = vector.broadcast %broadcast_in_dim3A_505 : i32 to vector<16xi32>
      %scan3A_507 = arith.constant 0 : i32
      %scan3A_508 = arith.constant 0 : i32
      %scan3A_509 = arith.constant 128 : i32
      %scan3A_510 = arith.addi %scan3A_508, %scan3A_509 : i32
      %scan3A_511 = arith.constant 1 : i32
      scf.for %scan3A_913 = %scan3A_508 to %scan3A_510 step %scan3A_511  : i32 {
        %broadcast_in_dim3A_914 = vector.broadcast %scan3A_913 : i32 to vector<16xi32>
        %add3A_915 = arith.constant 384 : i32
        %add3A_916 = arith.addi %add3A_915, %scan3A_913 : i32
        %gather3A = tpu.vector_load_idx %arg15[%iota3A, %broadcast_in_dim3A_506, %broadcast_in_dim3A_914] : memref<16x10x128xf32, #tpu.memory_space<vmem>>[vector<16xi32>, vector<16xi32>, vector<16xi32>], vector<16xf32>,
        %get3A = arith.index_cast %add3A_916 : i32 to index
        %get3A_917 = arith.constant 0 : index
        %get3A_918 = tpu.vector_load %arg12[%get3A, %get3A_917] {strides = array<i32>} : memref<1280x16xf32, #tpu.memory_space<vmem>>, vector<16xf32>,
        %add3A_919 = arith.addf %gather3A, %get3A_918 : vector<16xf32>
        %get3A_920 = arith.index_cast %add3A_916 : i32 to index
        %get3A_921 = arith.constant 0 : index
        %get3A_922 = tpu.vector_load %arg13[%get3A_920, %get3A_921] {strides = array<i32>} : memref<1280x16xf32, #tpu.memory_space<vmem>>, vector<16xf32>,
        %add3A_923 = arith.addf %add3A_919, %get3A_922 : vector<16xf32>
        tpu.vector_store_idx %arg15[%iota3A, %broadcast_in_dim3A_506, %broadcast_in_dim3A_914], %add3A_923 : memref<16x10x128xf32, #tpu.memory_space<vmem>>[vector<16xi32>, vector<16xi32>, vector<16xi32>], vector<16xf32>,
        %swap3A = arith.index_cast %add3A_916 : i32 to index
        %swap3A_924 = arith.constant 0 : index
        %swap3A_925 = tpu.vector_load %arg14[%swap3A, %swap3A_924] {strides = array<i32>} : memref<1280x16xf32, #tpu.memory_space<vmem>>, vector<16xf32>,
        tpu.vector_store %arg14[%swap3A, %swap3A_924], %add3A_923 {strides = array<i32>} : memref<1280x16xf32, #tpu.memory_space<vmem>>, vector<16xf32>,
      }
      %scan3A_512 = arith.constant 128 : i32
      %broadcast_in_dim3A_513 = arith.constant 4 : i32
      %broadcast_in_dim3A_514 = vector.broadcast %broadcast_in_dim3A_513 : i32 to vector<16xi32>
      %scan3A_515 = arith.constant 0 : i32
      %scan3A_516 = arith.constant 0 : i32
      %scan3A_517 = arith.constant 128 : i32
      %scan3A_518 = arith.addi %scan3A_516, %scan3A_517 : i32
      %scan3A_519 = arith.constant 1 : i32
      scf.for %scan3A_913 = %scan3A_516 to %scan3A_518 step %scan3A_519  : i32 {
        %broadcast_in_dim3A_914 = vector.broadcast %scan3A_913 : i32 to vector<16xi32>
        %add3A_915 = arith.constant 512 : i32
        %add3A_916 = arith.addi %add3A_915, %scan3A_913 : i32
        %gather3A = tpu.vector_load_idx %arg15[%iota3A, %broadcast_in_dim3A_514, %broadcast_in_dim3A_914] : memref<16x10x128xf32, #tpu.memory_space<vmem>>[vector<16xi32>, vector<16xi32>, vector<16xi32>], vector<16xf32>,
        %get3A = arith.index_cast %add3A_916 : i32 to index
        %get3A_917 = arith.constant 0 : index
        %get3A_918 = tpu.vector_load %arg12[%get3A, %get3A_917] {strides = array<i32>} : memref<1280x16xf32, #tpu.memory_space<vmem>>, vector<16xf32>,
        %add3A_919 = arith.addf %gather3A, %get3A_918 : vector<16xf32>
        %get3A_920 = arith.index_cast %add3A_916 : i32 to index
        %get3A_921 = arith.constant 0 : index
        %get3A_922 = tpu.vector_load %arg13[%get3A_920, %get3A_921] {strides = array<i32>} : memref<1280x16xf32, #tpu.memory_space<vmem>>, vector<16xf32>,
        %add3A_923 = arith.addf %add3A_919, %get3A_922 : vector<16xf32>
        tpu.vector_store_idx %arg15[%iota3A, %broadcast_in_dim3A_514, %broadcast_in_dim3A_914], %add3A_923 : memref<16x10x128xf32, #tpu.memory_space<vmem>>[vector<16xi32>, vector<16xi32>, vector<16xi32>], vector<16xf32>,
        %swap3A = arith.index_cast %add3A_916 : i32 to index
        %swap3A_924 = arith.constant 0 : index
        %swap3A_925 = tpu.vector_load %arg14[%swap3A, %swap3A_924] {strides = array<i32>} : memref<1280x16xf32, #tpu.memory_space<vmem>>, vector<16xf32>,
        tpu.vector_store %arg14[%swap3A, %swap3A_924], %add3A_923 {strides = array<i32>} : memref<1280x16xf32, #tpu.memory_space<vmem>>, vector<16xf32>,
      }
      %scan3A_520 = arith.constant 128 : i32
      %broadcast_in_dim3A_521 = arith.constant 5 : i32
      %broadcast_in_dim3A_522 = vector.broadcast %broadcast_in_dim3A_521 : i32 to vector<16xi32>
      %scan3A_523 = arith.constant 0 : i32
      %scan3A_524 = arith.constant 0 : i32
      %scan3A_525 = arith.constant 128 : i32
      %scan3A_526 = arith.addi %scan3A_524, %scan3A_525 : i32
      %scan3A_527 = arith.constant 1 : i32
      scf.for %scan3A_913 = %scan3A_524 to %scan3A_526 step %scan3A_527  : i32 {
        %broadcast_in_dim3A_914 = vector.broadcast %scan3A_913 : i32 to vector<16xi32>
        %add3A_915 = arith.constant 640 : i32
        %add3A_916 = arith.addi %add3A_915, %scan3A_913 : i32
        %gather3A = tpu.vector_load_idx %arg15[%iota3A, %broadcast_in_dim3A_522, %broadcast_in_dim3A_914] : memref<16x10x128xf32, #tpu.memory_space<vmem>>[vector<16xi32>, vector<16xi32>, vector<16xi32>], vector<16xf32>,
        %get3A = arith.index_cast %add3A_916 : i32 to index
        %get3A_917 = arith.constant 0 : index
        %get3A_918 = tpu.vector_load %arg12[%get3A, %get3A_917] {strides = array<i32>} : memref<1280x16xf32, #tpu.memory_space<vmem>>, vector<16xf32>,
        %add3A_919 = arith.addf %gather3A, %get3A_918 : vector<16xf32>
        %get3A_920 = arith.index_cast %add3A_916 : i32 to index
        %get3A_921 = arith.constant 0 : index
        %get3A_922 = tpu.vector_load %arg13[%get3A_920, %get3A_921] {strides = array<i32>} : memref<1280x16xf32, #tpu.memory_space<vmem>>, vector<16xf32>,
        %add3A_923 = arith.addf %add3A_919, %get3A_922 : vector<16xf32>
        tpu.vector_store_idx %arg15[%iota3A, %broadcast_in_dim3A_522, %broadcast_in_dim3A_914], %add3A_923 : memref<16x10x128xf32, #tpu.memory_space<vmem>>[vector<16xi32>, vector<16xi32>, vector<16xi32>], vector<16xf32>,
        %swap3A = arith.index_cast %add3A_916 : i32 to index
        %swap3A_924 = arith.constant 0 : index
        %swap3A_925 = tpu.vector_load %arg14[%swap3A, %swap3A_924] {strides = array<i32>} : memref<1280x16xf32, #tpu.memory_space<vmem>>, vector<16xf32>,
        tpu.vector_store %arg14[%swap3A, %swap3A_924], %add3A_923 {strides = array<i32>} : memref<1280x16xf32, #tpu.memory_space<vmem>>, vector<16xf32>,
      }
      %scan3A_528 = arith.constant 128 : i32
      %broadcast_in_dim3A_529 = arith.constant 6 : i32
      %broadcast_in_dim3A_530 = vector.broadcast %broadcast_in_dim3A_529 : i32 to vector<16xi32>
      %scan3A_531 = arith.constant 0 : i32
      %scan3A_532 = arith.constant 0 : i32
      %scan3A_533 = arith.constant 128 : i32
      %scan3A_534 = arith.addi %scan3A_532, %scan3A_533 : i32
      %scan3A_535 = arith.constant 1 : i32
      scf.for %scan3A_913 = %scan3A_532 to %scan3A_534 step %scan3A_535  : i32 {
        %broadcast_in_dim3A_914 = vector.broadcast %scan3A_913 : i32 to vector<16xi32>
        %add3A_915 = arith.constant 768 : i32
        %add3A_916 = arith.addi %add3A_915, %scan3A_913 : i32
        %gather3A = tpu.vector_load_idx %arg15[%iota3A, %broadcast_in_dim3A_530, %broadcast_in_dim3A_914] : memref<16x10x128xf32, #tpu.memory_space<vmem>>[vector<16xi32>, vector<16xi32>, vector<16xi32>], vector<16xf32>,
        %get3A = arith.index_cast %add3A_916 : i32 to index
        %get3A_917 = arith.constant 0 : index
        %get3A_918 = tpu.vector_load %arg12[%get3A, %get3A_917] {strides = array<i32>} : memref<1280x16xf32, #tpu.memory_space<vmem>>, vector<16xf32>,
        %add3A_919 = arith.addf %gather3A, %get3A_918 : vector<16xf32>
        %get3A_920 = arith.index_cast %add3A_916 : i32 to index
        %get3A_921 = arith.constant 0 : index
        %get3A_922 = tpu.vector_load %arg13[%get3A_920, %get3A_921] {strides = array<i32>} : memref<1280x16xf32, #tpu.memory_space<vmem>>, vector<16xf32>,
        %add3A_923 = arith.addf %add3A_919, %get3A_922 : vector<16xf32>
        tpu.vector_store_idx %arg15[%iota3A, %broadcast_in_dim3A_530, %broadcast_in_dim3A_914], %add3A_923 : memref<16x10x128xf32, #tpu.memory_space<vmem>>[vector<16xi32>, vector<16xi32>, vector<16xi32>], vector<16xf32>,
        %swap3A = arith.index_cast %add3A_916 : i32 to index
        %swap3A_924 = arith.constant 0 : index
        %swap3A_925 = tpu.vector_load %arg14[%swap3A, %swap3A_924] {strides = array<i32>} : memref<1280x16xf32, #tpu.memory_space<vmem>>, vector<16xf32>,
        tpu.vector_store %arg14[%swap3A, %swap3A_924], %add3A_923 {strides = array<i32>} : memref<1280x16xf32, #tpu.memory_space<vmem>>, vector<16xf32>,
      }
      %scan3A_536 = arith.constant 128 : i32
      %broadcast_in_dim3A_537 = arith.constant 7 : i32
      %broadcast_in_dim3A_538 = vector.broadcast %broadcast_in_dim3A_537 : i32 to vector<16xi32>
      %scan3A_539 = arith.constant 0 : i32
      %scan3A_540 = arith.constant 0 : i32
      %scan3A_541 = arith.constant 128 : i32
      %scan3A_542 = arith.addi %scan3A_540, %scan3A_541 : i32
      %scan3A_543 = arith.constant 1 : i32
      scf.for %scan3A_913 = %scan3A_540 to %scan3A_542 step %scan3A_543  : i32 {
        %broadcast_in_dim3A_914 = vector.broadcast %scan3A_913 : i32 to vector<16xi32>
        %add3A_915 = arith.constant 896 : i32
        %add3A_916 = arith.addi %add3A_915, %scan3A_913 : i32
        %gather3A = tpu.vector_load_idx %arg15[%iota3A, %broadcast_in_dim3A_538, %broadcast_in_dim3A_914] : memref<16x10x128xf32, #tpu.memory_space<vmem>>[vector<16xi32>, vector<16xi32>, vector<16xi32>], vector<16xf32>,
        %get3A = arith.index_cast %add3A_916 : i32 to index
        %get3A_917 = arith.constant 0 : index
        %get3A_918 = tpu.vector_load %arg12[%get3A, %get3A_917] {strides = array<i32>} : memref<1280x16xf32, #tpu.memory_space<vmem>>, vector<16xf32>,
        %add3A_919 = arith.addf %gather3A, %get3A_918 : vector<16xf32>
        %get3A_920 = arith.index_cast %add3A_916 : i32 to index
        %get3A_921 = arith.constant 0 : index
        %get3A_922 = tpu.vector_load %arg13[%get3A_920, %get3A_921] {strides = array<i32>} : memref<1280x16xf32, #tpu.memory_space<vmem>>, vector<16xf32>,
        %add3A_923 = arith.addf %add3A_919, %get3A_922 : vector<16xf32>
        tpu.vector_store_idx %arg15[%iota3A, %broadcast_in_dim3A_538, %broadcast_in_dim3A_914], %add3A_923 : memref<16x10x128xf32, #tpu.memory_space<vmem>>[vector<16xi32>, vector<16xi32>, vector<16xi32>], vector<16xf32>,
        %swap3A = arith.index_cast %add3A_916 : i32 to index
        %swap3A_924 = arith.constant 0 : index
        %swap3A_925 = tpu.vector_load %arg14[%swap3A, %swap3A_924] {strides = array<i32>} : memref<1280x16xf32, #tpu.memory_space<vmem>>, vector<16xf32>,
        tpu.vector_store %arg14[%swap3A, %swap3A_924], %add3A_923 {strides = array<i32>} : memref<1280x16xf32, #tpu.memory_space<vmem>>, vector<16xf32>,
      }
      %scan3A_544 = arith.constant 128 : i32
      %broadcast_in_dim3A_545 = arith.constant 8 : i32
      %broadcast_in_dim3A_546 = vector.broadcast %broadcast_in_dim3A_545 : i32 to vector<16xi32>
      %scan3A_547 = arith.constant 0 : i32
      %scan3A_548 = arith.constant 0 : i32
      %scan3A_549 = arith.constant 128 : i32
      %scan3A_550 = arith.addi %scan3A_548, %scan3A_549 : i32
      %scan3A_551 = arith.constant 1 : i32
      scf.for %scan3A_913 = %scan3A_548 to %scan3A_550 step %scan3A_551  : i32 {
        %broadcast_in_dim3A_914 = vector.broadcast %scan3A_913 : i32 to vector<16xi32>
        %add3A_915 = arith.constant 1024 : i32
        %add3A_916 = arith.addi %add3A_915, %scan3A_913 : i32
        %gather3A = tpu.vector_load_idx %arg15[%iota3A, %broadcast_in_dim3A_546, %broadcast_in_dim3A_914] : memref<16x10x128xf32, #tpu.memory_space<vmem>>[vector<16xi32>, vector<16xi32>, vector<16xi32>], vector<16xf32>,
        %get3A = arith.index_cast %add3A_916 : i32 to index
        %get3A_917 = arith.constant 0 : index
        %get3A_918 = tpu.vector_load %arg12[%get3A, %get3A_917] {strides = array<i32>} : memref<1280x16xf32, #tpu.memory_space<vmem>>, vector<16xf32>,
        %add3A_919 = arith.addf %gather3A, %get3A_918 : vector<16xf32>
        %get3A_920 = arith.index_cast %add3A_916 : i32 to index
        %get3A_921 = arith.constant 0 : index
        %get3A_922 = tpu.vector_load %arg13[%get3A_920, %get3A_921] {strides = array<i32>} : memref<1280x16xf32, #tpu.memory_space<vmem>>, vector<16xf32>,
        %add3A_923 = arith.addf %add3A_919, %get3A_922 : vector<16xf32>
        tpu.vector_store_idx %arg15[%iota3A, %broadcast_in_dim3A_546, %broadcast_in_dim3A_914], %add3A_923 : memref<16x10x128xf32, #tpu.memory_space<vmem>>[vector<16xi32>, vector<16xi32>, vector<16xi32>], vector<16xf32>,
        %swap3A = arith.index_cast %add3A_916 : i32 to index
        %swap3A_924 = arith.constant 0 : index
        %swap3A_925 = tpu.vector_load %arg14[%swap3A, %swap3A_924] {strides = array<i32>} : memref<1280x16xf32, #tpu.memory_space<vmem>>, vector<16xf32>,
        tpu.vector_store %arg14[%swap3A, %swap3A_924], %add3A_923 {strides = array<i32>} : memref<1280x16xf32, #tpu.memory_space<vmem>>, vector<16xf32>,
      }
      %scan3A_552 = arith.constant 128 : i32
      %broadcast_in_dim3A_553 = arith.constant 9 : i32
      %broadcast_in_dim3A_554 = vector.broadcast %broadcast_in_dim3A_553 : i32 to vector<16xi32>
      %scan3A_555 = arith.constant 0 : i32
      %scan3A_556 = arith.constant 0 : i32
      %scan3A_557 = arith.constant 128 : i32
      %scan3A_558 = arith.addi %scan3A_556, %scan3A_557 : i32
      %scan3A_559 = arith.constant 1 : i32
      scf.for %scan3A_913 = %scan3A_556 to %scan3A_558 step %scan3A_559  : i32 {
        %broadcast_in_dim3A_914 = vector.broadcast %scan3A_913 : i32 to vector<16xi32>
        %add3A_915 = arith.constant 1152 : i32
        %add3A_916 = arith.addi %add3A_915, %scan3A_913 : i32
        %gather3A = tpu.vector_load_idx %arg15[%iota3A, %broadcast_in_dim3A_554, %broadcast_in_dim3A_914] : memref<16x10x128xf32, #tpu.memory_space<vmem>>[vector<16xi32>, vector<16xi32>, vector<16xi32>], vector<16xf32>,
        %get3A = arith.index_cast %add3A_916 : i32 to index
        %get3A_917 = arith.constant 0 : index
        %get3A_918 = tpu.vector_load %arg12[%get3A, %get3A_917] {strides = array<i32>} : memref<1280x16xf32, #tpu.memory_space<vmem>>, vector<16xf32>,
        %add3A_919 = arith.addf %gather3A, %get3A_918 : vector<16xf32>
        %get3A_920 = arith.index_cast %add3A_916 : i32 to index
        %get3A_921 = arith.constant 0 : index
        %get3A_922 = tpu.vector_load %arg13[%get3A_920, %get3A_921] {strides = array<i32>} : memref<1280x16xf32, #tpu.memory_space<vmem>>, vector<16xf32>,
        %add3A_923 = arith.addf %add3A_919, %get3A_922 : vector<16xf32>
        tpu.vector_store_idx %arg15[%iota3A, %broadcast_in_dim3A_554, %broadcast_in_dim3A_914], %add3A_923 : memref<16x10x128xf32, #tpu.memory_space<vmem>>[vector<16xi32>, vector<16xi32>, vector<16xi32>], vector<16xf32>,
        %swap3A = arith.index_cast %add3A_916 : i32 to index
        %swap3A_924 = arith.constant 0 : index
        %swap3A_925 = tpu.vector_load %arg14[%swap3A, %swap3A_924] {strides = array<i32>} : memref<1280x16xf32, #tpu.memory_space<vmem>>, vector<16xf32>,
        tpu.vector_store %arg14[%swap3A, %swap3A_924], %add3A_923 {strides = array<i32>} : memref<1280x16xf32, #tpu.memory_space<vmem>>, vector<16xf32>,
      }
      %scan3A_560 = arith.constant 128 : i32
      %dma_start3A_561 = arith.constant 0 : i32
      %dma_start3A_562 = arith.constant 0 : i32
      %dma_start3A_563 = tpu.memref_slice %arg7[%dma_start3A_561, %mul3A_38, %dma_start3A_562] : memref<16x2500x128xf32, #tpu.memory_space<hbm>> -> memref<16x10x128xf32, #tpu.memory_space<hbm>>
      %dma_start3A_564 = arith.constant 0 : i32
      %dma_start3A_565 = arith.constant 0 : i32
      %dma_start3A_566 = tpu.memref_slice %arg7[%dma_start3A_564, %mul3A_38, %dma_start3A_565] : memref<16x2500x128xf32, #tpu.memory_space<hbm>> -> memref<16x10x128xf32, #tpu.memory_space<hbm>>
      tpu.enqueue_dma source(%arg15 : memref<16x10x128xf32, #tpu.memory_space<vmem>>) target(%dma_start3A_566 : memref<16x10x128xf32, #tpu.memory_space<hbm>>) target_semaphore(%arg20 : memref<!tpu.dma_semaphore, #tpu.memory_space<semaphore_mem>>)
      %dma_start3A_567 = arith.constant 0 : i32
      %dma_start3A_568 = arith.constant 0 : i32
      %dma_start3A_569 = arith.constant 0 : i32
      %dma_start3A_570 = tpu.memref_slice %arg14[%dma_start3A_568, %dma_start3A_569] : memref<1280x16xf32, #tpu.memory_space<vmem>> -> memref<128x16xf32, #tpu.memory_space<vmem>>
      %dma_start3A_571 = arith.constant 0 : i32
      %dma_start3A_572 = tpu.memref_slice %arg11[%dma_start3A_567, %dma_start3A_571] : memref<10x128xi32, #tpu.memory_space<vmem>> -> memref<1x128xi32, #tpu.memory_space<vmem>>
      %dma_start3A_573 = tpu.memref_squeeze %dma_start3A_572 : memref<1x128xi32, #tpu.memory_space<vmem>> -> memref<128xi32, #tpu.memory_space<vmem>>
      %dma_start3A_574 = arith.constant 0 : i32
      %dma_start3A_575 = arith.constant 0 : i32
      %dma_start3A_576 = tpu.memref_slice %arg18[%dma_start3A_574, %dma_start3A_575] : memref<10000x16xf32, #tpu.memory_space<vmem_shared>> -> memref<10000x16xf32, #tpu.memory_space<vmem_shared>>
      tpu.enqueue_indirect_dma source(%dma_start3A_570 : memref<128x16xf32, #tpu.memory_space<vmem>>) target(%dma_start3A_576 : memref<10000x16xf32, #tpu.memory_space<vmem_shared>>) offsets(%dma_start3A_573 : memref<128xi32, #tpu.memory_space<vmem>>) semaphore(%arg21 : memref<!tpu.dma_semaphore, #tpu.memory_space<semaphore_mem>>) {add = true}
      %dma_start3A_577 = arith.constant 0 : i32
      %dma_start3A_578 = arith.constant 0 : i32
      %dma_start3A_579 = tpu.memref_slice %arg11[%dma_start3A_577, %dma_start3A_578] : memref<10x128xi32, #tpu.memory_space<vmem>> -> memref<1x128xi32, #tpu.memory_space<vmem>>
      %dma_start3A_580 = tpu.memref_squeeze %dma_start3A_579 : memref<1x128xi32, #tpu.memory_space<vmem>> -> memref<128xi32, #tpu.memory_space<vmem>>
      %dma_start3A_581 = arith.constant 0 : i32
      %dma_start3A_582 = arith.constant 0 : i32
      %dma_start3A_583 = tpu.memref_slice %arg19[%dma_start3A_581, %dma_start3A_582] : memref<10000x16xf32, #tpu.memory_space<vmem_shared>> -> memref<10000x16xf32, #tpu.memory_space<vmem_shared>>
      tpu.enqueue_indirect_dma source(%arg16 : memref<128x16xf32, #tpu.memory_space<vmem>>) target(%dma_start3A_583 : memref<10000x16xf32, #tpu.memory_space<vmem_shared>>) offsets(%dma_start3A_580 : memref<128xi32, #tpu.memory_space<vmem>>) semaphore(%arg22 : memref<!tpu.dma_semaphore, #tpu.memory_space<semaphore_mem>>) {add = true}
      %dma_start3A_584 = arith.constant 1 : i32
      %dma_start3A_585 = arith.constant 128 : i32
      %dma_start3A_586 = arith.constant 0 : i32
      %dma_start3A_587 = tpu.memref_slice %arg14[%dma_start3A_585, %dma_start3A_586] : memref<1280x16xf32, #tpu.memory_space<vmem>> -> memref<128x16xf32, #tpu.memory_space<vmem>>
      %dma_start3A_588 = arith.constant 0 : i32
      %dma_start3A_589 = tpu.memref_slice %arg11[%dma_start3A_584, %dma_start3A_588] : memref<10x128xi32, #tpu.memory_space<vmem>> -> memref<1x128xi32, #tpu.memory_space<vmem>>
      %dma_start3A_590 = tpu.memref_squeeze %dma_start3A_589 : memref<1x128xi32, #tpu.memory_space<vmem>> -> memref<128xi32, #tpu.memory_space<vmem>>
      %dma_start3A_591 = arith.constant 0 : i32
      %dma_start3A_592 = arith.constant 0 : i32
      %dma_start3A_593 = tpu.memref_slice %arg18[%dma_start3A_591, %dma_start3A_592] : memref<10000x16xf32, #tpu.memory_space<vmem_shared>> -> memref<10000x16xf32, #tpu.memory_space<vmem_shared>>
      tpu.enqueue_indirect_dma source(%dma_start3A_587 : memref<128x16xf32, #tpu.memory_space<vmem>>) target(%dma_start3A_593 : memref<10000x16xf32, #tpu.memory_space<vmem_shared>>) offsets(%dma_start3A_590 : memref<128xi32, #tpu.memory_space<vmem>>) semaphore(%arg21 : memref<!tpu.dma_semaphore, #tpu.memory_space<semaphore_mem>>) {add = true}
      %dma_start3A_594 = arith.constant 1 : i32
      %dma_start3A_595 = arith.constant 0 : i32
      %dma_start3A_596 = tpu.memref_slice %arg11[%dma_start3A_594, %dma_start3A_595] : memref<10x128xi32, #tpu.memory_space<vmem>> -> memref<1x128xi32, #tpu.memory_space<vmem>>
      %dma_start3A_597 = tpu.memref_squeeze %dma_start3A_596 : memref<1x128xi32, #tpu.memory_space<vmem>> -> memref<128xi32, #tpu.memory_space<vmem>>
      %dma_start3A_598 = arith.constant 0 : i32
      %dma_start3A_599 = arith.constant 0 : i32
      %dma_start3A_600 = tpu.memref_slice %arg19[%dma_start3A_598, %dma_start3A_599] : memref<10000x16xf32, #tpu.memory_space<vmem_shared>> -> memref<10000x16xf32, #tpu.memory_space<vmem_shared>>
      tpu.enqueue_indirect_dma source(%arg16 : memref<128x16xf32, #tpu.memory_space<vmem>>) target(%dma_start3A_600 : memref<10000x16xf32, #tpu.memory_space<vmem_shared>>) offsets(%dma_start3A_597 : memref<128xi32, #tpu.memory_space<vmem>>) semaphore(%arg22 : memref<!tpu.dma_semaphore, #tpu.memory_space<semaphore_mem>>) {add = true}
      %dma_start3A_601 = arith.constant 2 : i32
      %dma_start3A_602 = arith.constant 256 : i32
      %dma_start3A_603 = arith.constant 0 : i32
      %dma_start3A_604 = tpu.memref_slice %arg14[%dma_start3A_602, %dma_start3A_603] : memref<1280x16xf32, #tpu.memory_space<vmem>> -> memref<128x16xf32, #tpu.memory_space<vmem>>
      %dma_start3A_605 = arith.constant 0 : i32
      %dma_start3A_606 = tpu.memref_slice %arg11[%dma_start3A_601, %dma_start3A_605] : memref<10x128xi32, #tpu.memory_space<vmem>> -> memref<1x128xi32, #tpu.memory_space<vmem>>
      %dma_start3A_607 = tpu.memref_squeeze %dma_start3A_606 : memref<1x128xi32, #tpu.memory_space<vmem>> -> memref<128xi32, #tpu.memory_space<vmem>>
      %dma_start3A_608 = arith.constant 0 : i32
      %dma_start3A_609 = arith.constant 0 : i32
      %dma_start3A_610 = tpu.memref_slice %arg18[%dma_start3A_608, %dma_start3A_609] : memref<10000x16xf32, #tpu.memory_space<vmem_shared>> -> memref<10000x16xf32, #tpu.memory_space<vmem_shared>>
      tpu.enqueue_indirect_dma source(%dma_start3A_604 : memref<128x16xf32, #tpu.memory_space<vmem>>) target(%dma_start3A_610 : memref<10000x16xf32, #tpu.memory_space<vmem_shared>>) offsets(%dma_start3A_607 : memref<128xi32, #tpu.memory_space<vmem>>) semaphore(%arg21 : memref<!tpu.dma_semaphore, #tpu.memory_space<semaphore_mem>>) {add = true}
      %dma_start3A_611 = arith.constant 2 : i32
      %dma_start3A_612 = arith.constant 0 : i32
      %dma_start3A_613 = tpu.memref_slice %arg11[%dma_start3A_611, %dma_start3A_612] : memref<10x128xi32, #tpu.memory_space<vmem>> -> memref<1x128xi32, #tpu.memory_space<vmem>>
      %dma_start3A_614 = tpu.memref_squeeze %dma_start3A_613 : memref<1x128xi32, #tpu.memory_space<vmem>> -> memref<128xi32, #tpu.memory_space<vmem>>
      %dma_start3A_615 = arith.constant 0 : i32
      %dma_start3A_616 = arith.constant 0 : i32
      %dma_start3A_617 = tpu.memref_slice %arg19[%dma_start3A_615, %dma_start3A_616] : memref<10000x16xf32, #tpu.memory_space<vmem_shared>> -> memref<10000x16xf32, #tpu.memory_space<vmem_shared>>
      tpu.enqueue_indirect_dma source(%arg16 : memref<128x16xf32, #tpu.memory_space<vmem>>) target(%dma_start3A_617 : memref<10000x16xf32, #tpu.memory_space<vmem_shared>>) offsets(%dma_start3A_614 : memref<128xi32, #tpu.memory_space<vmem>>) semaphore(%arg22 : memref<!tpu.dma_semaphore, #tpu.memory_space<semaphore_mem>>) {add = true}
      %dma_start3A_618 = arith.constant 3 : i32
      %dma_start3A_619 = arith.constant 384 : i32
      %dma_start3A_620 = arith.constant 0 : i32
      %dma_start3A_621 = tpu.memref_slice %arg14[%dma_start3A_619, %dma_start3A_620] : memref<1280x16xf32, #tpu.memory_space<vmem>> -> memref<128x16xf32, #tpu.memory_space<vmem>>
      %dma_start3A_622 = arith.constant 0 : i32
      %dma_start3A_623 = tpu.memref_slice %arg11[%dma_start3A_618, %dma_start3A_622] : memref<10x128xi32, #tpu.memory_space<vmem>> -> memref<1x128xi32, #tpu.memory_space<vmem>>
      %dma_start3A_624 = tpu.memref_squeeze %dma_start3A_623 : memref<1x128xi32, #tpu.memory_space<vmem>> -> memref<128xi32, #tpu.memory_space<vmem>>
      %dma_start3A_625 = arith.constant 0 : i32
      %dma_start3A_626 = arith.constant 0 : i32
      %dma_start3A_627 = tpu.memref_slice %arg18[%dma_start3A_625, %dma_start3A_626] : memref<10000x16xf32, #tpu.memory_space<vmem_shared>> -> memref<10000x16xf32, #tpu.memory_space<vmem_shared>>
      tpu.enqueue_indirect_dma source(%dma_start3A_621 : memref<128x16xf32, #tpu.memory_space<vmem>>) target(%dma_start3A_627 : memref<10000x16xf32, #tpu.memory_space<vmem_shared>>) offsets(%dma_start3A_624 : memref<128xi32, #tpu.memory_space<vmem>>) semaphore(%arg21 : memref<!tpu.dma_semaphore, #tpu.memory_space<semaphore_mem>>) {add = true}
      %dma_start3A_628 = arith.constant 3 : i32
      %dma_start3A_629 = arith.constant 0 : i32
      %dma_start3A_630 = tpu.memref_slice %arg11[%dma_start3A_628, %dma_start3A_629] : memref<10x128xi32, #tpu.memory_space<vmem>> -> memref<1x128xi32, #tpu.memory_space<vmem>>
      %dma_start3A_631 = tpu.memref_squeeze %dma_start3A_630 : memref<1x128xi32, #tpu.memory_space<vmem>> -> memref<128xi32, #tpu.memory_space<vmem>>
      %dma_start3A_632 = arith.constant 0 : i32
      %dma_start3A_633 = arith.constant 0 : i32
      %dma_start3A_634 = tpu.memref_slice %arg19[%dma_start3A_632, %dma_start3A_633] : memref<10000x16xf32, #tpu.memory_space<vmem_shared>> -> memref<10000x16xf32, #tpu.memory_space<vmem_shared>>
      tpu.enqueue_indirect_dma source(%arg16 : memref<128x16xf32, #tpu.memory_space<vmem>>) target(%dma_start3A_634 : memref<10000x16xf32, #tpu.memory_space<vmem_shared>>) offsets(%dma_start3A_631 : memref<128xi32, #tpu.memory_space<vmem>>) semaphore(%arg22 : memref<!tpu.dma_semaphore, #tpu.memory_space<semaphore_mem>>) {add = true}
      %dma_start3A_635 = arith.constant 4 : i32
      %dma_start3A_636 = arith.constant 512 : i32
      %dma_start3A_637 = arith.constant 0 : i32
      %dma_start3A_638 = tpu.memref_slice %arg14[%dma_start3A_636, %dma_start3A_637] : memref<1280x16xf32, #tpu.memory_space<vmem>> -> memref<128x16xf32, #tpu.memory_space<vmem>>
      %dma_start3A_639 = arith.constant 0 : i32
      %dma_start3A_640 = tpu.memref_slice %arg11[%dma_start3A_635, %dma_start3A_639] : memref<10x128xi32, #tpu.memory_space<vmem>> -> memref<1x128xi32, #tpu.memory_space<vmem>>
      %dma_start3A_641 = tpu.memref_squeeze %dma_start3A_640 : memref<1x128xi32, #tpu.memory_space<vmem>> -> memref<128xi32, #tpu.memory_space<vmem>>
      %dma_start3A_642 = arith.constant 0 : i32
      %dma_start3A_643 = arith.constant 0 : i32
      %dma_start3A_644 = tpu.memref_slice %arg18[%dma_start3A_642, %dma_start3A_643] : memref<10000x16xf32, #tpu.memory_space<vmem_shared>> -> memref<10000x16xf32, #tpu.memory_space<vmem_shared>>
      tpu.enqueue_indirect_dma source(%dma_start3A_638 : memref<128x16xf32, #tpu.memory_space<vmem>>) target(%dma_start3A_644 : memref<10000x16xf32, #tpu.memory_space<vmem_shared>>) offsets(%dma_start3A_641 : memref<128xi32, #tpu.memory_space<vmem>>) semaphore(%arg21 : memref<!tpu.dma_semaphore, #tpu.memory_space<semaphore_mem>>) {add = true}
      %dma_start3A_645 = arith.constant 4 : i32
      %dma_start3A_646 = arith.constant 0 : i32
      %dma_start3A_647 = tpu.memref_slice %arg11[%dma_start3A_645, %dma_start3A_646] : memref<10x128xi32, #tpu.memory_space<vmem>> -> memref<1x128xi32, #tpu.memory_space<vmem>>
      %dma_start3A_648 = tpu.memref_squeeze %dma_start3A_647 : memref<1x128xi32, #tpu.memory_space<vmem>> -> memref<128xi32, #tpu.memory_space<vmem>>
      %dma_start3A_649 = arith.constant 0 : i32
      %dma_start3A_650 = arith.constant 0 : i32
      %dma_start3A_651 = tpu.memref_slice %arg19[%dma_start3A_649, %dma_start3A_650] : memref<10000x16xf32, #tpu.memory_space<vmem_shared>> -> memref<10000x16xf32, #tpu.memory_space<vmem_shared>>
      tpu.enqueue_indirect_dma source(%arg16 : memref<128x16xf32, #tpu.memory_space<vmem>>) target(%dma_start3A_651 : memref<10000x16xf32, #tpu.memory_space<vmem_shared>>) offsets(%dma_start3A_648 : memref<128xi32, #tpu.memory_space<vmem>>) semaphore(%arg22 : memref<!tpu.dma_semaphore, #tpu.memory_space<semaphore_mem>>) {add = true}
      %dma_start3A_652 = arith.constant 5 : i32
      %dma_start3A_653 = arith.constant 640 : i32
      %dma_start3A_654 = arith.constant 0 : i32
      %dma_start3A_655 = tpu.memref_slice %arg14[%dma_start3A_653, %dma_start3A_654] : memref<1280x16xf32, #tpu.memory_space<vmem>> -> memref<128x16xf32, #tpu.memory_space<vmem>>
      %dma_start3A_656 = arith.constant 0 : i32
      %dma_start3A_657 = tpu.memref_slice %arg11[%dma_start3A_652, %dma_start3A_656] : memref<10x128xi32, #tpu.memory_space<vmem>> -> memref<1x128xi32, #tpu.memory_space<vmem>>
      %dma_start3A_658 = tpu.memref_squeeze %dma_start3A_657 : memref<1x128xi32, #tpu.memory_space<vmem>> -> memref<128xi32, #tpu.memory_space<vmem>>
      %dma_start3A_659 = arith.constant 0 : i32
      %dma_start3A_660 = arith.constant 0 : i32
      %dma_start3A_661 = tpu.memref_slice %arg18[%dma_start3A_659, %dma_start3A_660] : memref<10000x16xf32, #tpu.memory_space<vmem_shared>> -> memref<10000x16xf32, #tpu.memory_space<vmem_shared>>
      tpu.enqueue_indirect_dma source(%dma_start3A_655 : memref<128x16xf32, #tpu.memory_space<vmem>>) target(%dma_start3A_661 : memref<10000x16xf32, #tpu.memory_space<vmem_shared>>) offsets(%dma_start3A_658 : memref<128xi32, #tpu.memory_space<vmem>>) semaphore(%arg21 : memref<!tpu.dma_semaphore, #tpu.memory_space<semaphore_mem>>) {add = true}
      %dma_start3A_662 = arith.constant 5 : i32
      %dma_start3A_663 = arith.constant 0 : i32
      %dma_start3A_664 = tpu.memref_slice %arg11[%dma_start3A_662, %dma_start3A_663] : memref<10x128xi32, #tpu.memory_space<vmem>> -> memref<1x128xi32, #tpu.memory_space<vmem>>
      %dma_start3A_665 = tpu.memref_squeeze %dma_start3A_664 : memref<1x128xi32, #tpu.memory_space<vmem>> -> memref<128xi32, #tpu.memory_space<vmem>>
      %dma_start3A_666 = arith.constant 0 : i32
      %dma_start3A_667 = arith.constant 0 : i32
      %dma_start3A_668 = tpu.memref_slice %arg19[%dma_start3A_666, %dma_start3A_667] : memref<10000x16xf32, #tpu.memory_space<vmem_shared>> -> memref<10000x16xf32, #tpu.memory_space<vmem_shared>>
      tpu.enqueue_indirect_dma source(%arg16 : memref<128x16xf32, #tpu.memory_space<vmem>>) target(%dma_start3A_668 : memref<10000x16xf32, #tpu.memory_space<vmem_shared>>) offsets(%dma_start3A_665 : memref<128xi32, #tpu.memory_space<vmem>>) semaphore(%arg22 : memref<!tpu.dma_semaphore, #tpu.memory_space<semaphore_mem>>) {add = true}
      %dma_start3A_669 = arith.constant 6 : i32
      %dma_start3A_670 = arith.constant 768 : i32
      %dma_start3A_671 = arith.constant 0 : i32
      %dma_start3A_672 = tpu.memref_slice %arg14[%dma_start3A_670, %dma_start3A_671] : memref<1280x16xf32, #tpu.memory_space<vmem>> -> memref<128x16xf32, #tpu.memory_space<vmem>>
      %dma_start3A_673 = arith.constant 0 : i32
      %dma_start3A_674 = tpu.memref_slice %arg11[%dma_start3A_669, %dma_start3A_673] : memref<10x128xi32, #tpu.memory_space<vmem>> -> memref<1x128xi32, #tpu.memory_space<vmem>>
      %dma_start3A_675 = tpu.memref_squeeze %dma_start3A_674 : memref<1x128xi32, #tpu.memory_space<vmem>> -> memref<128xi32, #tpu.memory_space<vmem>>
      %dma_start3A_676 = arith.constant 0 : i32
      %dma_start3A_677 = arith.constant 0 : i32
      %dma_start3A_678 = tpu.memref_slice %arg18[%dma_start3A_676, %dma_start3A_677] : memref<10000x16xf32, #tpu.memory_space<vmem_shared>> -> memref<10000x16xf32, #tpu.memory_space<vmem_shared>>
      tpu.enqueue_indirect_dma source(%dma_start3A_672 : memref<128x16xf32, #tpu.memory_space<vmem>>) target(%dma_start3A_678 : memref<10000x16xf32, #tpu.memory_space<vmem_shared>>) offsets(%dma_start3A_675 : memref<128xi32, #tpu.memory_space<vmem>>) semaphore(%arg21 : memref<!tpu.dma_semaphore, #tpu.memory_space<semaphore_mem>>) {add = true}
      %dma_start3A_679 = arith.constant 6 : i32
      %dma_start3A_680 = arith.constant 0 : i32
      %dma_start3A_681 = tpu.memref_slice %arg11[%dma_start3A_679, %dma_start3A_680] : memref<10x128xi32, #tpu.memory_space<vmem>> -> memref<1x128xi32, #tpu.memory_space<vmem>>
      %dma_start3A_682 = tpu.memref_squeeze %dma_start3A_681 : memref<1x128xi32, #tpu.memory_space<vmem>> -> memref<128xi32, #tpu.memory_space<vmem>>
      %dma_start3A_683 = arith.constant 0 : i32
      %dma_start3A_684 = arith.constant 0 : i32
      %dma_start3A_685 = tpu.memref_slice %arg19[%dma_start3A_683, %dma_start3A_684] : memref<10000x16xf32, #tpu.memory_space<vmem_shared>> -> memref<10000x16xf32, #tpu.memory_space<vmem_shared>>
      tpu.enqueue_indirect_dma source(%arg16 : memref<128x16xf32, #tpu.memory_space<vmem>>) target(%dma_start3A_685 : memref<10000x16xf32, #tpu.memory_space<vmem_shared>>) offsets(%dma_start3A_682 : memref<128xi32, #tpu.memory_space<vmem>>) semaphore(%arg22 : memref<!tpu.dma_semaphore, #tpu.memory_space<semaphore_mem>>) {add = true}
      %dma_start3A_686 = arith.constant 7 : i32
      %dma_start3A_687 = arith.constant 896 : i32
      %dma_start3A_688 = arith.constant 0 : i32
      %dma_start3A_689 = tpu.memref_slice %arg14[%dma_start3A_687, %dma_start3A_688] : memref<1280x16xf32, #tpu.memory_space<vmem>> -> memref<128x16xf32, #tpu.memory_space<vmem>>
      %dma_start3A_690 = arith.constant 0 : i32
      %dma_start3A_691 = tpu.memref_slice %arg11[%dma_start3A_686, %dma_start3A_690] : memref<10x128xi32, #tpu.memory_space<vmem>> -> memref<1x128xi32, #tpu.memory_space<vmem>>
      %dma_start3A_692 = tpu.memref_squeeze %dma_start3A_691 : memref<1x128xi32, #tpu.memory_space<vmem>> -> memref<128xi32, #tpu.memory_space<vmem>>
      %dma_start3A_693 = arith.constant 0 : i32
      %dma_start3A_694 = arith.constant 0 : i32
      %dma_start3A_695 = tpu.memref_slice %arg18[%dma_start3A_693, %dma_start3A_694] : memref<10000x16xf32, #tpu.memory_space<vmem_shared>> -> memref<10000x16xf32, #tpu.memory_space<vmem_shared>>
      tpu.enqueue_indirect_dma source(%dma_start3A_689 : memref<128x16xf32, #tpu.memory_space<vmem>>) target(%dma_start3A_695 : memref<10000x16xf32, #tpu.memory_space<vmem_shared>>) offsets(%dma_start3A_692 : memref<128xi32, #tpu.memory_space<vmem>>) semaphore(%arg21 : memref<!tpu.dma_semaphore, #tpu.memory_space<semaphore_mem>>) {add = true}
      %dma_start3A_696 = arith.constant 7 : i32
      %dma_start3A_697 = arith.constant 0 : i32
      %dma_start3A_698 = tpu.memref_slice %arg11[%dma_start3A_696, %dma_start3A_697] : memref<10x128xi32, #tpu.memory_space<vmem>> -> memref<1x128xi32, #tpu.memory_space<vmem>>
      %dma_start3A_699 = tpu.memref_squeeze %dma_start3A_698 : memref<1x128xi32, #tpu.memory_space<vmem>> -> memref<128xi32, #tpu.memory_space<vmem>>
      %dma_start3A_700 = arith.constant 0 : i32
      %dma_start3A_701 = arith.constant 0 : i32
      %dma_start3A_702 = tpu.memref_slice %arg19[%dma_start3A_700, %dma_start3A_701] : memref<10000x16xf32, #tpu.memory_space<vmem_shared>> -> memref<10000x16xf32, #tpu.memory_space<vmem_shared>>
      tpu.enqueue_indirect_dma source(%arg16 : memref<128x16xf32, #tpu.memory_space<vmem>>) target(%dma_start3A_702 : memref<10000x16xf32, #tpu.memory_space<vmem_shared>>) offsets(%dma_start3A_699 : memref<128xi32, #tpu.memory_space<vmem>>) semaphore(%arg22 : memref<!tpu.dma_semaphore, #tpu.memory_space<semaphore_mem>>) {add = true}
      %dma_start3A_703 = arith.constant 8 : i32
      %dma_start3A_704 = arith.constant 1024 : i32
      %dma_start3A_705 = arith.constant 0 : i32
      %dma_start3A_706 = tpu.memref_slice %arg14[%dma_start3A_704, %dma_start3A_705] : memref<1280x16xf32, #tpu.memory_space<vmem>> -> memref<128x16xf32, #tpu.memory_space<vmem>>
      %dma_start3A_707 = arith.constant 0 : i32
      %dma_start3A_708 = tpu.memref_slice %arg11[%dma_start3A_703, %dma_start3A_707] : memref<10x128xi32, #tpu.memory_space<vmem>> -> memref<1x128xi32, #tpu.memory_space<vmem>>
      %dma_start3A_709 = tpu.memref_squeeze %dma_start3A_708 : memref<1x128xi32, #tpu.memory_space<vmem>> -> memref<128xi32, #tpu.memory_space<vmem>>
      %dma_start3A_710 = arith.constant 0 : i32
      %dma_start3A_711 = arith.constant 0 : i32
      %dma_start3A_712 = tpu.memref_slice %arg18[%dma_start3A_710, %dma_start3A_711] : memref<10000x16xf32, #tpu.memory_space<vmem_shared>> -> memref<10000x16xf32, #tpu.memory_space<vmem_shared>>
      tpu.enqueue_indirect_dma source(%dma_start3A_706 : memref<128x16xf32, #tpu.memory_space<vmem>>) target(%dma_start3A_712 : memref<10000x16xf32, #tpu.memory_space<vmem_shared>>) offsets(%dma_start3A_709 : memref<128xi32, #tpu.memory_space<vmem>>) semaphore(%arg21 : memref<!tpu.dma_semaphore, #tpu.memory_space<semaphore_mem>>) {add = true}
      %dma_start3A_713 = arith.constant 8 : i32
      %dma_start3A_714 = arith.constant 0 : i32
      %dma_start3A_715 = tpu.memref_slice %arg11[%dma_start3A_713, %dma_start3A_714] : memref<10x128xi32, #tpu.memory_space<vmem>> -> memref<1x128xi32, #tpu.memory_space<vmem>>
      %dma_start3A_716 = tpu.memref_squeeze %dma_start3A_715 : memref<1x128xi32, #tpu.memory_space<vmem>> -> memref<128xi32, #tpu.memory_space<vmem>>
      %dma_start3A_717 = arith.constant 0 : i32
      %dma_start3A_718 = arith.constant 0 : i32
      %dma_start3A_719 = tpu.memref_slice %arg19[%dma_start3A_717, %dma_start3A_718] : memref<10000x16xf32, #tpu.memory_space<vmem_shared>> -> memref<10000x16xf32, #tpu.memory_space<vmem_shared>>
      tpu.enqueue_indirect_dma source(%arg16 : memref<128x16xf32, #tpu.memory_space<vmem>>) target(%dma_start3A_719 : memref<10000x16xf32, #tpu.memory_space<vmem_shared>>) offsets(%dma_start3A_716 : memref<128xi32, #tpu.memory_space<vmem>>) semaphore(%arg22 : memref<!tpu.dma_semaphore, #tpu.memory_space<semaphore_mem>>) {add = true}
      %dma_start3A_720 = arith.constant 9 : i32
      %dma_start3A_721 = arith.constant 1152 : i32
      %dma_start3A_722 = arith.constant 0 : i32
      %dma_start3A_723 = tpu.memref_slice %arg14[%dma_start3A_721, %dma_start3A_722] : memref<1280x16xf32, #tpu.memory_space<vmem>> -> memref<128x16xf32, #tpu.memory_space<vmem>>
      %dma_start3A_724 = arith.constant 0 : i32
      %dma_start3A_725 = tpu.memref_slice %arg11[%dma_start3A_720, %dma_start3A_724] : memref<10x128xi32, #tpu.memory_space<vmem>> -> memref<1x128xi32, #tpu.memory_space<vmem>>
      %dma_start3A_726 = tpu.memref_squeeze %dma_start3A_725 : memref<1x128xi32, #tpu.memory_space<vmem>> -> memref<128xi32, #tpu.memory_space<vmem>>
      %dma_start3A_727 = arith.constant 0 : i32
      %dma_start3A_728 = arith.constant 0 : i32
      %dma_start3A_729 = tpu.memref_slice %arg18[%dma_start3A_727, %dma_start3A_728] : memref<10000x16xf32, #tpu.memory_space<vmem_shared>> -> memref<10000x16xf32, #tpu.memory_space<vmem_shared>>
      tpu.enqueue_indirect_dma source(%dma_start3A_723 : memref<128x16xf32, #tpu.memory_space<vmem>>) target(%dma_start3A_729 : memref<10000x16xf32, #tpu.memory_space<vmem_shared>>) offsets(%dma_start3A_726 : memref<128xi32, #tpu.memory_space<vmem>>) semaphore(%arg21 : memref<!tpu.dma_semaphore, #tpu.memory_space<semaphore_mem>>) {add = true}
      %dma_start3A_730 = arith.constant 9 : i32
      %dma_start3A_731 = arith.constant 0 : i32
      %dma_start3A_732 = tpu.memref_slice %arg11[%dma_start3A_730, %dma_start3A_731] : memref<10x128xi32, #tpu.memory_space<vmem>> -> memref<1x128xi32, #tpu.memory_space<vmem>>
      %dma_start3A_733 = tpu.memref_squeeze %dma_start3A_732 : memref<1x128xi32, #tpu.memory_space<vmem>> -> memref<128xi32, #tpu.memory_space<vmem>>
      %dma_start3A_734 = arith.constant 0 : i32
      %dma_start3A_735 = arith.constant 0 : i32
      %dma_start3A_736 = tpu.memref_slice %arg19[%dma_start3A_734, %dma_start3A_735] : memref<10000x16xf32, #tpu.memory_space<vmem_shared>> -> memref<10000x16xf32, #tpu.memory_space<vmem_shared>>
      tpu.enqueue_indirect_dma source(%arg16 : memref<128x16xf32, #tpu.memory_space<vmem>>) target(%dma_start3A_736 : memref<10000x16xf32, #tpu.memory_space<vmem_shared>>) offsets(%dma_start3A_733 : memref<128xi32, #tpu.memory_space<vmem>>) semaphore(%arg22 : memref<!tpu.dma_semaphore, #tpu.memory_space<semaphore_mem>>) {add = true}
      %dma_wait3A_737 = arith.constant 0 : i32
      %dma_wait3A_738 = arith.constant 0 : i32
      %dma_wait3A_739 = tpu.memref_slice %arg7[%dma_wait3A_737, %mul3A_38, %dma_wait3A_738] : memref<16x2500x128xf32, #tpu.memory_space<hbm>> -> memref<16x10x128xf32, #tpu.memory_space<hbm>>
      %dma_wait3A_740 = arith.constant 0 : i32
      %dma_wait3A_741 = arith.constant 0 : i32
      %dma_wait3A_742 = tpu.memref_slice %arg7[%dma_wait3A_740, %mul3A_38, %dma_wait3A_741] : memref<16x2500x128xf32, #tpu.memory_space<hbm>> -> memref<16x10x128xf32, #tpu.memory_space<hbm>>
      tpu.wait_dma2 semaphore(%arg20 : memref<!tpu.dma_semaphore, #tpu.memory_space<semaphore_mem>>) src(%arg15 : memref<16x10x128xf32, #tpu.memory_space<vmem>>) dst(%dma_wait3A_742 : memref<16x10x128xf32, #tpu.memory_space<hbm>>)
      %dma_wait3A_743 = arith.constant 0 : i32
      %dma_wait3A_744 = arith.constant 0 : i32
      %dma_wait3A_745 = arith.constant 0 : i32
      %dma_wait3A_746 = tpu.memref_slice %arg14[%dma_wait3A_744, %dma_wait3A_745] : memref<1280x16xf32, #tpu.memory_space<vmem>> -> memref<128x16xf32, #tpu.memory_space<vmem>>
      %dma_wait3A_747 = arith.constant 0 : i32
      %dma_wait3A_748 = tpu.memref_slice %arg11[%dma_wait3A_743, %dma_wait3A_747] : memref<10x128xi32, #tpu.memory_space<vmem>> -> memref<1x128xi32, #tpu.memory_space<vmem>>
      %dma_wait3A_749 = tpu.memref_squeeze %dma_wait3A_748 : memref<1x128xi32, #tpu.memory_space<vmem>> -> memref<128xi32, #tpu.memory_space<vmem>>
      %dma_wait3A_750 = arith.constant 0 : i32
      %dma_wait3A_751 = arith.constant 0 : i32
      %dma_wait3A_752 = tpu.memref_slice %arg18[%dma_wait3A_750, %dma_wait3A_751] : memref<10000x16xf32, #tpu.memory_space<vmem_shared>> -> memref<10000x16xf32, #tpu.memory_space<vmem_shared>>
      tpu.wait_indirect_dma semaphore(%arg21 : memref<!tpu.dma_semaphore, #tpu.memory_space<semaphore_mem>>) src(%dma_wait3A_746 : memref<128x16xf32, #tpu.memory_space<vmem>>) dst(%dma_wait3A_752 : memref<10000x16xf32, #tpu.memory_space<vmem_shared>>)
      %dma_wait3A_753 = arith.constant 0 : i32
      %dma_wait3A_754 = arith.constant 0 : i32
      %dma_wait3A_755 = tpu.memref_slice %arg11[%dma_wait3A_753, %dma_wait3A_754] : memref<10x128xi32, #tpu.memory_space<vmem>> -> memref<1x128xi32, #tpu.memory_space<vmem>>
      %dma_wait3A_756 = tpu.memref_squeeze %dma_wait3A_755 : memref<1x128xi32, #tpu.memory_space<vmem>> -> memref<128xi32, #tpu.memory_space<vmem>>
      %dma_wait3A_757 = arith.constant 0 : i32
      %dma_wait3A_758 = arith.constant 0 : i32
      %dma_wait3A_759 = tpu.memref_slice %arg19[%dma_wait3A_757, %dma_wait3A_758] : memref<10000x16xf32, #tpu.memory_space<vmem_shared>> -> memref<10000x16xf32, #tpu.memory_space<vmem_shared>>
      tpu.wait_indirect_dma semaphore(%arg22 : memref<!tpu.dma_semaphore, #tpu.memory_space<semaphore_mem>>) src(%arg16 : memref<128x16xf32, #tpu.memory_space<vmem>>) dst(%dma_wait3A_759 : memref<10000x16xf32, #tpu.memory_space<vmem_shared>>)
      %dma_wait3A_760 = arith.constant 1 : i32
      %dma_wait3A_761 = arith.constant 128 : i32
      %dma_wait3A_762 = arith.constant 0 : i32
      %dma_wait3A_763 = tpu.memref_slice %arg14[%dma_wait3A_761, %dma_wait3A_762] : memref<1280x16xf32, #tpu.memory_space<vmem>> -> memref<128x16xf32, #tpu.memory_space<vmem>>
      %dma_wait3A_764 = arith.constant 0 : i32
      %dma_wait3A_765 = tpu.memref_slice %arg11[%dma_wait3A_760, %dma_wait3A_764] : memref<10x128xi32, #tpu.memory_space<vmem>> -> memref<1x128xi32, #tpu.memory_space<vmem>>
      %dma_wait3A_766 = tpu.memref_squeeze %dma_wait3A_765 : memref<1x128xi32, #tpu.memory_space<vmem>> -> memref<128xi32, #tpu.memory_space<vmem>>
      %dma_wait3A_767 = arith.constant 0 : i32
      %dma_wait3A_768 = arith.constant 0 : i32
      %dma_wait3A_769 = tpu.memref_slice %arg18[%dma_wait3A_767, %dma_wait3A_768] : memref<10000x16xf32, #tpu.memory_space<vmem_shared>> -> memref<10000x16xf32, #tpu.memory_space<vmem_shared>>
      tpu.wait_indirect_dma semaphore(%arg21 : memref<!tpu.dma_semaphore, #tpu.memory_space<semaphore_mem>>) src(%dma_wait3A_763 : memref<128x16xf32, #tpu.memory_space<vmem>>) dst(%dma_wait3A_769 : memref<10000x16xf32, #tpu.memory_space<vmem_shared>>)
      %dma_wait3A_770 = arith.constant 1 : i32
      %dma_wait3A_771 = arith.constant 0 : i32
      %dma_wait3A_772 = tpu.memref_slice %arg11[%dma_wait3A_770, %dma_wait3A_771] : memref<10x128xi32, #tpu.memory_space<vmem>> -> memref<1x128xi32, #tpu.memory_space<vmem>>
      %dma_wait3A_773 = tpu.memref_squeeze %dma_wait3A_772 : memref<1x128xi32, #tpu.memory_space<vmem>> -> memref<128xi32, #tpu.memory_space<vmem>>
      %dma_wait3A_774 = arith.constant 0 : i32
      %dma_wait3A_775 = arith.constant 0 : i32
      %dma_wait3A_776 = tpu.memref_slice %arg19[%dma_wait3A_774, %dma_wait3A_775] : memref<10000x16xf32, #tpu.memory_space<vmem_shared>> -> memref<10000x16xf32, #tpu.memory_space<vmem_shared>>
      tpu.wait_indirect_dma semaphore(%arg22 : memref<!tpu.dma_semaphore, #tpu.memory_space<semaphore_mem>>) src(%arg16 : memref<128x16xf32, #tpu.memory_space<vmem>>) dst(%dma_wait3A_776 : memref<10000x16xf32, #tpu.memory_space<vmem_shared>>)
      %dma_wait3A_777 = arith.constant 2 : i32
      %dma_wait3A_778 = arith.constant 256 : i32
      %dma_wait3A_779 = arith.constant 0 : i32
      %dma_wait3A_780 = tpu.memref_slice %arg14[%dma_wait3A_778, %dma_wait3A_779] : memref<1280x16xf32, #tpu.memory_space<vmem>> -> memref<128x16xf32, #tpu.memory_space<vmem>>
      %dma_wait3A_781 = arith.constant 0 : i32
      %dma_wait3A_782 = tpu.memref_slice %arg11[%dma_wait3A_777, %dma_wait3A_781] : memref<10x128xi32, #tpu.memory_space<vmem>> -> memref<1x128xi32, #tpu.memory_space<vmem>>
      %dma_wait3A_783 = tpu.memref_squeeze %dma_wait3A_782 : memref<1x128xi32, #tpu.memory_space<vmem>> -> memref<128xi32, #tpu.memory_space<vmem>>
      %dma_wait3A_784 = arith.constant 0 : i32
      %dma_wait3A_785 = arith.constant 0 : i32
      %dma_wait3A_786 = tpu.memref_slice %arg18[%dma_wait3A_784, %dma_wait3A_785] : memref<10000x16xf32, #tpu.memory_space<vmem_shared>> -> memref<10000x16xf32, #tpu.memory_space<vmem_shared>>
      tpu.wait_indirect_dma semaphore(%arg21 : memref<!tpu.dma_semaphore, #tpu.memory_space<semaphore_mem>>) src(%dma_wait3A_780 : memref<128x16xf32, #tpu.memory_space<vmem>>) dst(%dma_wait3A_786 : memref<10000x16xf32, #tpu.memory_space<vmem_shared>>)
      %dma_wait3A_787 = arith.constant 2 : i32
      %dma_wait3A_788 = arith.constant 0 : i32
      %dma_wait3A_789 = tpu.memref_slice %arg11[%dma_wait3A_787, %dma_wait3A_788] : memref<10x128xi32, #tpu.memory_space<vmem>> -> memref<1x128xi32, #tpu.memory_space<vmem>>
      %dma_wait3A_790 = tpu.memref_squeeze %dma_wait3A_789 : memref<1x128xi32, #tpu.memory_space<vmem>> -> memref<128xi32, #tpu.memory_space<vmem>>
      %dma_wait3A_791 = arith.constant 0 : i32
      %dma_wait3A_792 = arith.constant 0 : i32
      %dma_wait3A_793 = tpu.memref_slice %arg19[%dma_wait3A_791, %dma_wait3A_792] : memref<10000x16xf32, #tpu.memory_space<vmem_shared>> -> memref<10000x16xf32, #tpu.memory_space<vmem_shared>>
      tpu.wait_indirect_dma semaphore(%arg22 : memref<!tpu.dma_semaphore, #tpu.memory_space<semaphore_mem>>) src(%arg16 : memref<128x16xf32, #tpu.memory_space<vmem>>) dst(%dma_wait3A_793 : memref<10000x16xf32, #tpu.memory_space<vmem_shared>>)
      %dma_wait3A_794 = arith.constant 3 : i32
      %dma_wait3A_795 = arith.constant 384 : i32
      %dma_wait3A_796 = arith.constant 0 : i32
      %dma_wait3A_797 = tpu.memref_slice %arg14[%dma_wait3A_795, %dma_wait3A_796] : memref<1280x16xf32, #tpu.memory_space<vmem>> -> memref<128x16xf32, #tpu.memory_space<vmem>>
      %dma_wait3A_798 = arith.constant 0 : i32
      %dma_wait3A_799 = tpu.memref_slice %arg11[%dma_wait3A_794, %dma_wait3A_798] : memref<10x128xi32, #tpu.memory_space<vmem>> -> memref<1x128xi32, #tpu.memory_space<vmem>>
      %dma_wait3A_800 = tpu.memref_squeeze %dma_wait3A_799 : memref<1x128xi32, #tpu.memory_space<vmem>> -> memref<128xi32, #tpu.memory_space<vmem>>
      %dma_wait3A_801 = arith.constant 0 : i32
      %dma_wait3A_802 = arith.constant 0 : i32
      %dma_wait3A_803 = tpu.memref_slice %arg18[%dma_wait3A_801, %dma_wait3A_802] : memref<10000x16xf32, #tpu.memory_space<vmem_shared>> -> memref<10000x16xf32, #tpu.memory_space<vmem_shared>>
      tpu.wait_indirect_dma semaphore(%arg21 : memref<!tpu.dma_semaphore, #tpu.memory_space<semaphore_mem>>) src(%dma_wait3A_797 : memref<128x16xf32, #tpu.memory_space<vmem>>) dst(%dma_wait3A_803 : memref<10000x16xf32, #tpu.memory_space<vmem_shared>>)
      %dma_wait3A_804 = arith.constant 3 : i32
      %dma_wait3A_805 = arith.constant 0 : i32
      %dma_wait3A_806 = tpu.memref_slice %arg11[%dma_wait3A_804, %dma_wait3A_805] : memref<10x128xi32, #tpu.memory_space<vmem>> -> memref<1x128xi32, #tpu.memory_space<vmem>>
      %dma_wait3A_807 = tpu.memref_squeeze %dma_wait3A_806 : memref<1x128xi32, #tpu.memory_space<vmem>> -> memref<128xi32, #tpu.memory_space<vmem>>
      %dma_wait3A_808 = arith.constant 0 : i32
      %dma_wait3A_809 = arith.constant 0 : i32
      %dma_wait3A_810 = tpu.memref_slice %arg19[%dma_wait3A_808, %dma_wait3A_809] : memref<10000x16xf32, #tpu.memory_space<vmem_shared>> -> memref<10000x16xf32, #tpu.memory_space<vmem_shared>>
      tpu.wait_indirect_dma semaphore(%arg22 : memref<!tpu.dma_semaphore, #tpu.memory_space<semaphore_mem>>) src(%arg16 : memref<128x16xf32, #tpu.memory_space<vmem>>) dst(%dma_wait3A_810 : memref<10000x16xf32, #tpu.memory_space<vmem_shared>>)
      %dma_wait3A_811 = arith.constant 4 : i32
      %dma_wait3A_812 = arith.constant 512 : i32
      %dma_wait3A_813 = arith.constant 0 : i32
      %dma_wait3A_814 = tpu.memref_slice %arg14[%dma_wait3A_812, %dma_wait3A_813] : memref<1280x16xf32, #tpu.memory_space<vmem>> -> memref<128x16xf32, #tpu.memory_space<vmem>>
      %dma_wait3A_815 = arith.constant 0 : i32
      %dma_wait3A_816 = tpu.memref_slice %arg11[%dma_wait3A_811, %dma_wait3A_815] : memref<10x128xi32, #tpu.memory_space<vmem>> -> memref<1x128xi32, #tpu.memory_space<vmem>>
      %dma_wait3A_817 = tpu.memref_squeeze %dma_wait3A_816 : memref<1x128xi32, #tpu.memory_space<vmem>> -> memref<128xi32, #tpu.memory_space<vmem>>
      %dma_wait3A_818 = arith.constant 0 : i32
      %dma_wait3A_819 = arith.constant 0 : i32
      %dma_wait3A_820 = tpu.memref_slice %arg18[%dma_wait3A_818, %dma_wait3A_819] : memref<10000x16xf32, #tpu.memory_space<vmem_shared>> -> memref<10000x16xf32, #tpu.memory_space<vmem_shared>>
      tpu.wait_indirect_dma semaphore(%arg21 : memref<!tpu.dma_semaphore, #tpu.memory_space<semaphore_mem>>) src(%dma_wait3A_814 : memref<128x16xf32, #tpu.memory_space<vmem>>) dst(%dma_wait3A_820 : memref<10000x16xf32, #tpu.memory_space<vmem_shared>>)
      %dma_wait3A_821 = arith.constant 4 : i32
      %dma_wait3A_822 = arith.constant 0 : i32
      %dma_wait3A_823 = tpu.memref_slice %arg11[%dma_wait3A_821, %dma_wait3A_822] : memref<10x128xi32, #tpu.memory_space<vmem>> -> memref<1x128xi32, #tpu.memory_space<vmem>>
      %dma_wait3A_824 = tpu.memref_squeeze %dma_wait3A_823 : memref<1x128xi32, #tpu.memory_space<vmem>> -> memref<128xi32, #tpu.memory_space<vmem>>
      %dma_wait3A_825 = arith.constant 0 : i32
      %dma_wait3A_826 = arith.constant 0 : i32
      %dma_wait3A_827 = tpu.memref_slice %arg19[%dma_wait3A_825, %dma_wait3A_826] : memref<10000x16xf32, #tpu.memory_space<vmem_shared>> -> memref<10000x16xf32, #tpu.memory_space<vmem_shared>>
      tpu.wait_indirect_dma semaphore(%arg22 : memref<!tpu.dma_semaphore, #tpu.memory_space<semaphore_mem>>) src(%arg16 : memref<128x16xf32, #tpu.memory_space<vmem>>) dst(%dma_wait3A_827 : memref<10000x16xf32, #tpu.memory_space<vmem_shared>>)
      %dma_wait3A_828 = arith.constant 5 : i32
      %dma_wait3A_829 = arith.constant 640 : i32
      %dma_wait3A_830 = arith.constant 0 : i32
      %dma_wait3A_831 = tpu.memref_slice %arg14[%dma_wait3A_829, %dma_wait3A_830] : memref<1280x16xf32, #tpu.memory_space<vmem>> -> memref<128x16xf32, #tpu.memory_space<vmem>>
      %dma_wait3A_832 = arith.constant 0 : i32
      %dma_wait3A_833 = tpu.memref_slice %arg11[%dma_wait3A_828, %dma_wait3A_832] : memref<10x128xi32, #tpu.memory_space<vmem>> -> memref<1x128xi32, #tpu.memory_space<vmem>>
      %dma_wait3A_834 = tpu.memref_squeeze %dma_wait3A_833 : memref<1x128xi32, #tpu.memory_space<vmem>> -> memref<128xi32, #tpu.memory_space<vmem>>
      %dma_wait3A_835 = arith.constant 0 : i32
      %dma_wait3A_836 = arith.constant 0 : i32
      %dma_wait3A_837 = tpu.memref_slice %arg18[%dma_wait3A_835, %dma_wait3A_836] : memref<10000x16xf32, #tpu.memory_space<vmem_shared>> -> memref<10000x16xf32, #tpu.memory_space<vmem_shared>>
      tpu.wait_indirect_dma semaphore(%arg21 : memref<!tpu.dma_semaphore, #tpu.memory_space<semaphore_mem>>) src(%dma_wait3A_831 : memref<128x16xf32, #tpu.memory_space<vmem>>) dst(%dma_wait3A_837 : memref<10000x16xf32, #tpu.memory_space<vmem_shared>>)
      %dma_wait3A_838 = arith.constant 5 : i32
      %dma_wait3A_839 = arith.constant 0 : i32
      %dma_wait3A_840 = tpu.memref_slice %arg11[%dma_wait3A_838, %dma_wait3A_839] : memref<10x128xi32, #tpu.memory_space<vmem>> -> memref<1x128xi32, #tpu.memory_space<vmem>>
      %dma_wait3A_841 = tpu.memref_squeeze %dma_wait3A_840 : memref<1x128xi32, #tpu.memory_space<vmem>> -> memref<128xi32, #tpu.memory_space<vmem>>
      %dma_wait3A_842 = arith.constant 0 : i32
      %dma_wait3A_843 = arith.constant 0 : i32
      %dma_wait3A_844 = tpu.memref_slice %arg19[%dma_wait3A_842, %dma_wait3A_843] : memref<10000x16xf32, #tpu.memory_space<vmem_shared>> -> memref<10000x16xf32, #tpu.memory_space<vmem_shared>>
      tpu.wait_indirect_dma semaphore(%arg22 : memref<!tpu.dma_semaphore, #tpu.memory_space<semaphore_mem>>) src(%arg16 : memref<128x16xf32, #tpu.memory_space<vmem>>) dst(%dma_wait3A_844 : memref<10000x16xf32, #tpu.memory_space<vmem_shared>>)
      %dma_wait3A_845 = arith.constant 6 : i32
      %dma_wait3A_846 = arith.constant 768 : i32
      %dma_wait3A_847 = arith.constant 0 : i32
      %dma_wait3A_848 = tpu.memref_slice %arg14[%dma_wait3A_846, %dma_wait3A_847] : memref<1280x16xf32, #tpu.memory_space<vmem>> -> memref<128x16xf32, #tpu.memory_space<vmem>>
      %dma_wait3A_849 = arith.constant 0 : i32
      %dma_wait3A_850 = tpu.memref_slice %arg11[%dma_wait3A_845, %dma_wait3A_849] : memref<10x128xi32, #tpu.memory_space<vmem>> -> memref<1x128xi32, #tpu.memory_space<vmem>>
      %dma_wait3A_851 = tpu.memref_squeeze %dma_wait3A_850 : memref<1x128xi32, #tpu.memory_space<vmem>> -> memref<128xi32, #tpu.memory_space<vmem>>
      %dma_wait3A_852 = arith.constant 0 : i32
      %dma_wait3A_853 = arith.constant 0 : i32
      %dma_wait3A_854 = tpu.memref_slice %arg18[%dma_wait3A_852, %dma_wait3A_853] : memref<10000x16xf32, #tpu.memory_space<vmem_shared>> -> memref<10000x16xf32, #tpu.memory_space<vmem_shared>>
      tpu.wait_indirect_dma semaphore(%arg21 : memref<!tpu.dma_semaphore, #tpu.memory_space<semaphore_mem>>) src(%dma_wait3A_848 : memref<128x16xf32, #tpu.memory_space<vmem>>) dst(%dma_wait3A_854 : memref<10000x16xf32, #tpu.memory_space<vmem_shared>>)
      %dma_wait3A_855 = arith.constant 6 : i32
      %dma_wait3A_856 = arith.constant 0 : i32
      %dma_wait3A_857 = tpu.memref_slice %arg11[%dma_wait3A_855, %dma_wait3A_856] : memref<10x128xi32, #tpu.memory_space<vmem>> -> memref<1x128xi32, #tpu.memory_space<vmem>>
      %dma_wait3A_858 = tpu.memref_squeeze %dma_wait3A_857 : memref<1x128xi32, #tpu.memory_space<vmem>> -> memref<128xi32, #tpu.memory_space<vmem>>
      %dma_wait3A_859 = arith.constant 0 : i32
      %dma_wait3A_860 = arith.constant 0 : i32
      %dma_wait3A_861 = tpu.memref_slice %arg19[%dma_wait3A_859, %dma_wait3A_860] : memref<10000x16xf32, #tpu.memory_space<vmem_shared>> -> memref<10000x16xf32, #tpu.memory_space<vmem_shared>>
      tpu.wait_indirect_dma semaphore(%arg22 : memref<!tpu.dma_semaphore, #tpu.memory_space<semaphore_mem>>) src(%arg16 : memref<128x16xf32, #tpu.memory_space<vmem>>) dst(%dma_wait3A_861 : memref<10000x16xf32, #tpu.memory_space<vmem_shared>>)
      %dma_wait3A_862 = arith.constant 7 : i32
      %dma_wait3A_863 = arith.constant 896 : i32
      %dma_wait3A_864 = arith.constant 0 : i32
      %dma_wait3A_865 = tpu.memref_slice %arg14[%dma_wait3A_863, %dma_wait3A_864] : memref<1280x16xf32, #tpu.memory_space<vmem>> -> memref<128x16xf32, #tpu.memory_space<vmem>>
      %dma_wait3A_866 = arith.constant 0 : i32
      %dma_wait3A_867 = tpu.memref_slice %arg11[%dma_wait3A_862, %dma_wait3A_866] : memref<10x128xi32, #tpu.memory_space<vmem>> -> memref<1x128xi32, #tpu.memory_space<vmem>>
      %dma_wait3A_868 = tpu.memref_squeeze %dma_wait3A_867 : memref<1x128xi32, #tpu.memory_space<vmem>> -> memref<128xi32, #tpu.memory_space<vmem>>
      %dma_wait3A_869 = arith.constant 0 : i32
      %dma_wait3A_870 = arith.constant 0 : i32
      %dma_wait3A_871 = tpu.memref_slice %arg18[%dma_wait3A_869, %dma_wait3A_870] : memref<10000x16xf32, #tpu.memory_space<vmem_shared>> -> memref<10000x16xf32, #tpu.memory_space<vmem_shared>>
      tpu.wait_indirect_dma semaphore(%arg21 : memref<!tpu.dma_semaphore, #tpu.memory_space<semaphore_mem>>) src(%dma_wait3A_865 : memref<128x16xf32, #tpu.memory_space<vmem>>) dst(%dma_wait3A_871 : memref<10000x16xf32, #tpu.memory_space<vmem_shared>>)
      %dma_wait3A_872 = arith.constant 7 : i32
      %dma_wait3A_873 = arith.constant 0 : i32
      %dma_wait3A_874 = tpu.memref_slice %arg11[%dma_wait3A_872, %dma_wait3A_873] : memref<10x128xi32, #tpu.memory_space<vmem>> -> memref<1x128xi32, #tpu.memory_space<vmem>>
      %dma_wait3A_875 = tpu.memref_squeeze %dma_wait3A_874 : memref<1x128xi32, #tpu.memory_space<vmem>> -> memref<128xi32, #tpu.memory_space<vmem>>
      %dma_wait3A_876 = arith.constant 0 : i32
      %dma_wait3A_877 = arith.constant 0 : i32
      %dma_wait3A_878 = tpu.memref_slice %arg19[%dma_wait3A_876, %dma_wait3A_877] : memref<10000x16xf32, #tpu.memory_space<vmem_shared>> -> memref<10000x16xf32, #tpu.memory_space<vmem_shared>>
      tpu.wait_indirect_dma semaphore(%arg22 : memref<!tpu.dma_semaphore, #tpu.memory_space<semaphore_mem>>) src(%arg16 : memref<128x16xf32, #tpu.memory_space<vmem>>) dst(%dma_wait3A_878 : memref<10000x16xf32, #tpu.memory_space<vmem_shared>>)
      %dma_wait3A_879 = arith.constant 8 : i32
      %dma_wait3A_880 = arith.constant 1024 : i32
      %dma_wait3A_881 = arith.constant 0 : i32
      %dma_wait3A_882 = tpu.memref_slice %arg14[%dma_wait3A_880, %dma_wait3A_881] : memref<1280x16xf32, #tpu.memory_space<vmem>> -> memref<128x16xf32, #tpu.memory_space<vmem>>
      %dma_wait3A_883 = arith.constant 0 : i32
      %dma_wait3A_884 = tpu.memref_slice %arg11[%dma_wait3A_879, %dma_wait3A_883] : memref<10x128xi32, #tpu.memory_space<vmem>> -> memref<1x128xi32, #tpu.memory_space<vmem>>
      %dma_wait3A_885 = tpu.memref_squeeze %dma_wait3A_884 : memref<1x128xi32, #tpu.memory_space<vmem>> -> memref<128xi32, #tpu.memory_space<vmem>>
      %dma_wait3A_886 = arith.constant 0 : i32
      %dma_wait3A_887 = arith.constant 0 : i32
      %dma_wait3A_888 = tpu.memref_slice %arg18[%dma_wait3A_886, %dma_wait3A_887] : memref<10000x16xf32, #tpu.memory_space<vmem_shared>> -> memref<10000x16xf32, #tpu.memory_space<vmem_shared>>
      tpu.wait_indirect_dma semaphore(%arg21 : memref<!tpu.dma_semaphore, #tpu.memory_space<semaphore_mem>>) src(%dma_wait3A_882 : memref<128x16xf32, #tpu.memory_space<vmem>>) dst(%dma_wait3A_888 : memref<10000x16xf32, #tpu.memory_space<vmem_shared>>)
      %dma_wait3A_889 = arith.constant 8 : i32
      %dma_wait3A_890 = arith.constant 0 : i32
      %dma_wait3A_891 = tpu.memref_slice %arg11[%dma_wait3A_889, %dma_wait3A_890] : memref<10x128xi32, #tpu.memory_space<vmem>> -> memref<1x128xi32, #tpu.memory_space<vmem>>
      %dma_wait3A_892 = tpu.memref_squeeze %dma_wait3A_891 : memref<1x128xi32, #tpu.memory_space<vmem>> -> memref<128xi32, #tpu.memory_space<vmem>>
      %dma_wait3A_893 = arith.constant 0 : i32
      %dma_wait3A_894 = arith.constant 0 : i32
      %dma_wait3A_895 = tpu.memref_slice %arg19[%dma_wait3A_893, %dma_wait3A_894] : memref<10000x16xf32, #tpu.memory_space<vmem_shared>> -> memref<10000x16xf32, #tpu.memory_space<vmem_shared>>
      tpu.wait_indirect_dma semaphore(%arg22 : memref<!tpu.dma_semaphore, #tpu.memory_space<semaphore_mem>>) src(%arg16 : memref<128x16xf32, #tpu.memory_space<vmem>>) dst(%dma_wait3A_895 : memref<10000x16xf32, #tpu.memory_space<vmem_shared>>)
      %dma_wait3A_896 = arith.constant 9 : i32
      %dma_wait3A_897 = arith.constant 1152 : i32
      %dma_wait3A_898 = arith.constant 0 : i32
      %dma_wait3A_899 = tpu.memref_slice %arg14[%dma_wait3A_897, %dma_wait3A_898] : memref<1280x16xf32, #tpu.memory_space<vmem>> -> memref<128x16xf32, #tpu.memory_space<vmem>>
      %dma_wait3A_900 = arith.constant 0 : i32
      %dma_wait3A_901 = tpu.memref_slice %arg11[%dma_wait3A_896, %dma_wait3A_900] : memref<10x128xi32, #tpu.memory_space<vmem>> -> memref<1x128xi32, #tpu.memory_space<vmem>>
      %dma_wait3A_902 = tpu.memref_squeeze %dma_wait3A_901 : memref<1x128xi32, #tpu.memory_space<vmem>> -> memref<128xi32, #tpu.memory_space<vmem>>
      %dma_wait3A_903 = arith.constant 0 : i32
      %dma_wait3A_904 = arith.constant 0 : i32
      %dma_wait3A_905 = tpu.memref_slice %arg18[%dma_wait3A_903, %dma_wait3A_904] : memref<10000x16xf32, #tpu.memory_space<vmem_shared>> -> memref<10000x16xf32, #tpu.memory_space<vmem_shared>>
      tpu.wait_indirect_dma semaphore(%arg21 : memref<!tpu.dma_semaphore, #tpu.memory_space<semaphore_mem>>) src(%dma_wait3A_899 : memref<128x16xf32, #tpu.memory_space<vmem>>) dst(%dma_wait3A_905 : memref<10000x16xf32, #tpu.memory_space<vmem_shared>>)
      %dma_wait3A_906 = arith.constant 9 : i32
      %dma_wait3A_907 = arith.constant 0 : i32
      %dma_wait3A_908 = tpu.memref_slice %arg11[%dma_wait3A_906, %dma_wait3A_907] : memref<10x128xi32, #tpu.memory_space<vmem>> -> memref<1x128xi32, #tpu.memory_space<vmem>>
      %dma_wait3A_909 = tpu.memref_squeeze %dma_wait3A_908 : memref<1x128xi32, #tpu.memory_space<vmem>> -> memref<128xi32, #tpu.memory_space<vmem>>
      %dma_wait3A_910 = arith.constant 0 : i32
      %dma_wait3A_911 = arith.constant 0 : i32
      %dma_wait3A_912 = tpu.memref_slice %arg19[%dma_wait3A_910, %dma_wait3A_911] : memref<10000x16xf32, #tpu.memory_space<vmem_shared>> -> memref<10000x16xf32, #tpu.memory_space<vmem_shared>>
      tpu.wait_indirect_dma semaphore(%arg22 : memref<!tpu.dma_semaphore, #tpu.memory_space<semaphore_mem>>) src(%arg16 : memref<128x16xf32, #tpu.memory_space<vmem>>) dst(%dma_wait3A_912 : memref<10000x16xf32, #tpu.memory_space<vmem_shared>>)
    }
    %while3A_29 = arith.constant 1 : i32
    scf.for %while3A_33 = %while3A_27 to %while3A_23 step %while3A_29  : i32 {
      %mul3A_34 = arith.constant 32 : i32
      %mul3A_35 = arith.muli %mul3A_34, %while3A_33 : i32
      %add3A_36 = arith.addi %add3A, %mul3A_35 : i32
      %mul3A_37 = arith.constant 10 : i32
      %mul3A_38 = arith.muli %add3A_36, %mul3A_37 : i32
      %dma_start3A = arith.constant 0 : i32
      %dma_start3A_39 = arith.constant 0 : i32
      %dma_start3A_40 = tpu.memref_slice %arg5[%add3A_36, %dma_start3A, %dma_start3A_39] : memref<250x10x128xi32, #tpu.memory_space<hbm>> -> memref<1x10x128xi32, #tpu.memory_space<hbm>>
      %dma_start3A_41 = tpu.memref_squeeze %dma_start3A_40 : memref<1x10x128xi32, #tpu.memory_space<hbm>> -> memref<10x128xi32, #tpu.memory_space<hbm>>
      %dma_start3A_42 = arith.constant 0 : i32
      %dma_start3A_43 = arith.constant 0 : i32
      %dma_start3A_44 = tpu.memref_slice %arg5[%add3A_36, %dma_start3A_42, %dma_start3A_43] : memref<250x10x128xi32, #tpu.memory_space<hbm>> -> memref<1x10x128xi32, #tpu.memory_space<hbm>>
      %dma_start3A_45 = tpu.memref_squeeze %dma_start3A_44 : memref<1x10x128xi32, #tpu.memory_space<hbm>> -> memref<10x128xi32, #tpu.memory_space<hbm>>
      tpu.enqueue_dma source(%dma_start3A_45 : memref<10x128xi32, #tpu.memory_space<hbm>>) target(%arg10 : memref<10x128xi32, #tpu.memory_space<vmem>>) target_semaphore(%arg23 : memref<!tpu.dma_semaphore, #tpu.memory_space<semaphore_mem>>)
      %dma_start3A_46 = arith.constant 0 : i32
      %dma_start3A_47 = arith.constant 0 : i32
      %dma_start3A_48 = tpu.memref_slice %arg6[%add3A_36, %dma_start3A_46, %dma_start3A_47] : memref<250x10x128xi32, #tpu.memory_space<hbm>> -> memref<1x10x128xi32, #tpu.memory_space<hbm>>
      %dma_start3A_49 = tpu.memref_squeeze %dma_start3A_48 : memref<1x10x128xi32, #tpu.memory_space<hbm>> -> memref<10x128xi32, #tpu.memory_space<hbm>>
      %dma_start3A_50 = arith.constant 0 : i32
      %dma_start3A_51 = arith.constant 0 : i32
      %dma_start3A_52 = tpu.memref_slice %arg6[%add3A_36, %dma_start3A_50, %dma_start3A_51] : memref<250x10x128xi32, #tpu.memory_space<hbm>> -> memref<1x10x128xi32, #tpu.memory_space<hbm>>
      %dma_start3A_53 = tpu.memref_squeeze %dma_start3A_52 : memref<1x10x128xi32, #tpu.memory_space<hbm>> -> memref<10x128xi32, #tpu.memory_space<hbm>>
      tpu.enqueue_dma source(%dma_start3A_53 : memref<10x128xi32, #tpu.memory_space<hbm>>) target(%arg11 : memref<10x128xi32, #tpu.memory_space<vmem>>) target_semaphore(%arg23 : memref<!tpu.dma_semaphore, #tpu.memory_space<semaphore_mem>>)
      %dma_start3A_54 = arith.constant 0 : i32
      %dma_start3A_55 = arith.constant 0 : i32
      %dma_start3A_56 = tpu.memref_slice %arg4[%dma_start3A_54, %mul3A_38, %dma_start3A_55] : memref<16x2500x128xf32, #tpu.memory_space<hbm>> -> memref<16x10x128xf32, #tpu.memory_space<hbm>>
      %dma_start3A_57 = arith.constant 0 : i32
      %dma_start3A_58 = arith.constant 0 : i32
      %dma_start3A_59 = tpu.memref_slice %arg4[%dma_start3A_57, %mul3A_38, %dma_start3A_58] : memref<16x2500x128xf32, #tpu.memory_space<hbm>> -> memref<16x10x128xf32, #tpu.memory_space<hbm>>
      tpu.enqueue_dma source(%dma_start3A_59 : memref<16x10x128xf32, #tpu.memory_space<hbm>>) target(%arg15 : memref<16x10x128xf32, #tpu.memory_space<vmem>>) target_semaphore(%arg20 : memref<!tpu.dma_semaphore, #tpu.memory_space<semaphore_mem>>)
      %dma_wait3A = arith.constant 0 : i32
      %dma_wait3A_60 = arith.constant 0 : i32
      %dma_wait3A_61 = tpu.memref_slice %arg5[%add3A_36, %dma_wait3A, %dma_wait3A_60] : memref<250x10x128xi32, #tpu.memory_space<hbm>> -> memref<1x10x128xi32, #tpu.memory_space<hbm>>
      %dma_wait3A_62 = tpu.memref_squeeze %dma_wait3A_61 : memref<1x10x128xi32, #tpu.memory_space<hbm>> -> memref<10x128xi32, #tpu.memory_space<hbm>>
      %dma_wait3A_63 = arith.constant 0 : i32
      %dma_wait3A_64 = arith.constant 0 : i32
      %dma_wait3A_65 = tpu.memref_slice %arg5[%add3A_36, %dma_wait3A_63, %dma_wait3A_64] : memref<250x10x128xi32, #tpu.memory_space<hbm>> -> memref<1x10x128xi32, #tpu.memory_space<hbm>>
      %dma_wait3A_66 = tpu.memref_squeeze %dma_wait3A_65 : memref<1x10x128xi32, #tpu.memory_space<hbm>> -> memref<10x128xi32, #tpu.memory_space<hbm>>
      tpu.wait_dma2 semaphore(%arg23 : memref<!tpu.dma_semaphore, #tpu.memory_space<semaphore_mem>>) src(%dma_wait3A_66 : memref<10x128xi32, #tpu.memory_space<hbm>>) dst(%arg10 : memref<10x128xi32, #tpu.memory_space<vmem>>)
      %dma_wait3A_67 = arith.constant 0 : i32
      %dma_wait3A_68 = arith.constant 0 : i32
      %dma_wait3A_69 = tpu.memref_slice %arg6[%add3A_36, %dma_wait3A_67, %dma_wait3A_68] : memref<250x10x128xi32, #tpu.memory_space<hbm>> -> memref<1x10x128xi32, #tpu.memory_space<hbm>>
      %dma_wait3A_70 = tpu.memref_squeeze %dma_wait3A_69 : memref<1x10x128xi32, #tpu.memory_space<hbm>> -> memref<10x128xi32, #tpu.memory_space<hbm>>
      %dma_wait3A_71 = arith.constant 0 : i32
      %dma_wait3A_72 = arith.constant 0 : i32
      %dma_wait3A_73 = tpu.memref_slice %arg6[%add3A_36, %dma_wait3A_71, %dma_wait3A_72] : memref<250x10x128xi32, #tpu.memory_space<hbm>> -> memref<1x10x128xi32, #tpu.memory_space<hbm>>
      %dma_wait3A_74 = tpu.memref_squeeze %dma_wait3A_73 : memref<1x10x128xi32, #tpu.memory_space<hbm>> -> memref<10x128xi32, #tpu.memory_space<hbm>>
      tpu.wait_dma2 semaphore(%arg23 : memref<!tpu.dma_semaphore, #tpu.memory_space<semaphore_mem>>) src(%dma_wait3A_74 : memref<10x128xi32, #tpu.memory_space<hbm>>) dst(%arg11 : memref<10x128xi32, #tpu.memory_space<vmem>>)
      %dma_start3A_75 = arith.constant 0 : i32
      %dma_start3A_76 = arith.constant 0 : i32
      %dma_start3A_77 = arith.constant 0 : i32
      %dma_start3A_78 = tpu.memref_slice %arg12[%dma_start3A_76, %dma_start3A_77] : memref<1280x16xf32, #tpu.memory_space<vmem>> -> memref<128x16xf32, #tpu.memory_space<vmem>>
      %dma_start3A_79 = arith.constant 0 : i32
      %dma_start3A_80 = tpu.memref_slice %arg10[%dma_start3A_75, %dma_start3A_79] : memref<10x128xi32, #tpu.memory_space<vmem>> -> memref<1x128xi32, #tpu.memory_space<vmem>>
      %dma_start3A_81 = tpu.memref_squeeze %dma_start3A_80 : memref<1x128xi32, #tpu.memory_space<vmem>> -> memref<128xi32, #tpu.memory_space<vmem>>
      %dma_start3A_82 = arith.constant 0 : i32
      %dma_start3A_83 = arith.constant 0 : i32
      %dma_start3A_84 = tpu.memref_slice %arg2[%dma_start3A_82, %dma_start3A_83] : memref<10000x16xf32, #tpu.memory_space<hbm>> -> memref<10000x16xf32, #tpu.memory_space<hbm>>
      tpu.enqueue_indirect_dma source(%dma_start3A_84 : memref<10000x16xf32, #tpu.memory_space<hbm>>) target(%dma_start3A_78 : memref<128x16xf32, #tpu.memory_space<vmem>>) offsets(%dma_start3A_81 : memref<128xi32, #tpu.memory_space<vmem>>) semaphore(%arg21 : memref<!tpu.dma_semaphore, #tpu.memory_space<semaphore_mem>>)
      %dma_start3A_85 = arith.constant 0 : i32
      %dma_start3A_86 = arith.constant 0 : i32
      %dma_start3A_87 = arith.constant 0 : i32
      %dma_start3A_88 = tpu.memref_slice %arg13[%dma_start3A_86, %dma_start3A_87] : memref<1280x16xf32, #tpu.memory_space<vmem>> -> memref<128x16xf32, #tpu.memory_space<vmem>>
      %dma_start3A_89 = arith.constant 0 : i32
      %dma_start3A_90 = tpu.memref_slice %arg11[%dma_start3A_85, %dma_start3A_89] : memref<10x128xi32, #tpu.memory_space<vmem>> -> memref<1x128xi32, #tpu.memory_space<vmem>>
      %dma_start3A_91 = tpu.memref_squeeze %dma_start3A_90 : memref<1x128xi32, #tpu.memory_space<vmem>> -> memref<128xi32, #tpu.memory_space<vmem>>
      %dma_start3A_92 = arith.constant 0 : i32
      %dma_start3A_93 = arith.constant 0 : i32
      %dma_start3A_94 = tpu.memref_slice %arg3[%dma_start3A_92, %dma_start3A_93] : memref<10000x16xf32, #tpu.memory_space<hbm>> -> memref<10000x16xf32, #tpu.memory_space<hbm>>
      tpu.enqueue_indirect_dma source(%dma_start3A_94 : memref<10000x16xf32, #tpu.memory_space<hbm>>) target(%dma_start3A_88 : memref<128x16xf32, #tpu.memory_space<vmem>>) offsets(%dma_start3A_91 : memref<128xi32, #tpu.memory_space<vmem>>) semaphore(%arg22 : memref<!tpu.dma_semaphore, #tpu.memory_space<semaphore_mem>>)
      %dma_start3A_95 = arith.constant 1 : i32
      %dma_start3A_96 = arith.constant 128 : i32
      %dma_start3A_97 = arith.constant 0 : i32
      %dma_start3A_98 = tpu.memref_slice %arg12[%dma_start3A_96, %dma_start3A_97] : memref<1280x16xf32, #tpu.memory_space<vmem>> -> memref<128x16xf32, #tpu.memory_space<vmem>>
      %dma_start3A_99 = arith.constant 0 : i32
      %dma_start3A_100 = tpu.memref_slice %arg10[%dma_start3A_95, %dma_start3A_99] : memref<10x128xi32, #tpu.memory_space<vmem>> -> memref<1x128xi32, #tpu.memory_space<vmem>>
      %dma_start3A_101 = tpu.memref_squeeze %dma_start3A_100 : memref<1x128xi32, #tpu.memory_space<vmem>> -> memref<128xi32, #tpu.memory_space<vmem>>
      %dma_start3A_102 = arith.constant 0 : i32
      %dma_start3A_103 = arith.constant 0 : i32
      %dma_start3A_104 = tpu.memref_slice %arg2[%dma_start3A_102, %dma_start3A_103] : memref<10000x16xf32, #tpu.memory_space<hbm>> -> memref<10000x16xf32, #tpu.memory_space<hbm>>
      tpu.enqueue_indirect_dma source(%dma_start3A_104 : memref<10000x16xf32, #tpu.memory_space<hbm>>) target(%dma_start3A_98 : memref<128x16xf32, #tpu.memory_space<vmem>>) offsets(%dma_start3A_101 : memref<128xi32, #tpu.memory_space<vmem>>) semaphore(%arg21 : memref<!tpu.dma_semaphore, #tpu.memory_space<semaphore_mem>>)
      %dma_start3A_105 = arith.constant 1 : i32
      %dma_start3A_106 = arith.constant 128 : i32
      %dma_start3A_107 = arith.constant 0 : i32
      %dma_start3A_108 = tpu.memref_slice %arg13[%dma_start3A_106, %dma_start3A_107] : memref<1280x16xf32, #tpu.memory_space<vmem>> -> memref<128x16xf32, #tpu.memory_space<vmem>>
      %dma_start3A_109 = arith.constant 0 : i32
      %dma_start3A_110 = tpu.memref_slice %arg11[%dma_start3A_105, %dma_start3A_109] : memref<10x128xi32, #tpu.memory_space<vmem>> -> memref<1x128xi32, #tpu.memory_space<vmem>>
      %dma_start3A_111 = tpu.memref_squeeze %dma_start3A_110 : memref<1x128xi32, #tpu.memory_space<vmem>> -> memref<128xi32, #tpu.memory_space<vmem>>
      %dma_start3A_112 = arith.constant 0 : i32
      %dma_start3A_113 = arith.constant 0 : i32
      %dma_start3A_114 = tpu.memref_slice %arg3[%dma_start3A_112, %dma_start3A_113] : memref<10000x16xf32, #tpu.memory_space<hbm>> -> memref<10000x16xf32, #tpu.memory_space<hbm>>
      tpu.enqueue_indirect_dma source(%dma_start3A_114 : memref<10000x16xf32, #tpu.memory_space<hbm>>) target(%dma_start3A_108 : memref<128x16xf32, #tpu.memory_space<vmem>>) offsets(%dma_start3A_111 : memref<128xi32, #tpu.memory_space<vmem>>) semaphore(%arg22 : memref<!tpu.dma_semaphore, #tpu.memory_space<semaphore_mem>>)
      %dma_start3A_115 = arith.constant 2 : i32
      %dma_start3A_116 = arith.constant 256 : i32
      %dma_start3A_117 = arith.constant 0 : i32
      %dma_start3A_118 = tpu.memref_slice %arg12[%dma_start3A_116, %dma_start3A_117] : memref<1280x16xf32, #tpu.memory_space<vmem>> -> memref<128x16xf32, #tpu.memory_space<vmem>>
      %dma_start3A_119 = arith.constant 0 : i32
      %dma_start3A_120 = tpu.memref_slice %arg10[%dma_start3A_115, %dma_start3A_119] : memref<10x128xi32, #tpu.memory_space<vmem>> -> memref<1x128xi32, #tpu.memory_space<vmem>>
      %dma_start3A_121 = tpu.memref_squeeze %dma_start3A_120 : memref<1x128xi32, #tpu.memory_space<vmem>> -> memref<128xi32, #tpu.memory_space<vmem>>
      %dma_start3A_122 = arith.constant 0 : i32
      %dma_start3A_123 = arith.constant 0 : i32
      %dma_start3A_124 = tpu.memref_slice %arg2[%dma_start3A_122, %dma_start3A_123] : memref<10000x16xf32, #tpu.memory_space<hbm>> -> memref<10000x16xf32, #tpu.memory_space<hbm>>
      tpu.enqueue_indirect_dma source(%dma_start3A_124 : memref<10000x16xf32, #tpu.memory_space<hbm>>) target(%dma_start3A_118 : memref<128x16xf32, #tpu.memory_space<vmem>>) offsets(%dma_start3A_121 : memref<128xi32, #tpu.memory_space<vmem>>) semaphore(%arg21 : memref<!tpu.dma_semaphore, #tpu.memory_space<semaphore_mem>>)
      %dma_start3A_125 = arith.constant 2 : i32
      %dma_start3A_126 = arith.constant 256 : i32
      %dma_start3A_127 = arith.constant 0 : i32
      %dma_start3A_128 = tpu.memref_slice %arg13[%dma_start3A_126, %dma_start3A_127] : memref<1280x16xf32, #tpu.memory_space<vmem>> -> memref<128x16xf32, #tpu.memory_space<vmem>>
      %dma_start3A_129 = arith.constant 0 : i32
      %dma_start3A_130 = tpu.memref_slice %arg11[%dma_start3A_125, %dma_start3A_129] : memref<10x128xi32, #tpu.memory_space<vmem>> -> memref<1x128xi32, #tpu.memory_space<vmem>>
      %dma_start3A_131 = tpu.memref_squeeze %dma_start3A_130 : memref<1x128xi32, #tpu.memory_space<vmem>> -> memref<128xi32, #tpu.memory_space<vmem>>
      %dma_start3A_132 = arith.constant 0 : i32
      %dma_start3A_133 = arith.constant 0 : i32
      %dma_start3A_134 = tpu.memref_slice %arg3[%dma_start3A_132, %dma_start3A_133] : memref<10000x16xf32, #tpu.memory_space<hbm>> -> memref<10000x16xf32, #tpu.memory_space<hbm>>
      tpu.enqueue_indirect_dma source(%dma_start3A_134 : memref<10000x16xf32, #tpu.memory_space<hbm>>) target(%dma_start3A_128 : memref<128x16xf32, #tpu.memory_space<vmem>>) offsets(%dma_start3A_131 : memref<128xi32, #tpu.memory_space<vmem>>) semaphore(%arg22 : memref<!tpu.dma_semaphore, #tpu.memory_space<semaphore_mem>>)
      %dma_start3A_135 = arith.constant 3 : i32
      %dma_start3A_136 = arith.constant 384 : i32
      %dma_start3A_137 = arith.constant 0 : i32
      %dma_start3A_138 = tpu.memref_slice %arg12[%dma_start3A_136, %dma_start3A_137] : memref<1280x16xf32, #tpu.memory_space<vmem>> -> memref<128x16xf32, #tpu.memory_space<vmem>>
      %dma_start3A_139 = arith.constant 0 : i32
      %dma_start3A_140 = tpu.memref_slice %arg10[%dma_start3A_135, %dma_start3A_139] : memref<10x128xi32, #tpu.memory_space<vmem>> -> memref<1x128xi32, #tpu.memory_space<vmem>>
      %dma_start3A_141 = tpu.memref_squeeze %dma_start3A_140 : memref<1x128xi32, #tpu.memory_space<vmem>> -> memref<128xi32, #tpu.memory_space<vmem>>
      %dma_start3A_142 = arith.constant 0 : i32
      %dma_start3A_143 = arith.constant 0 : i32
      %dma_start3A_144 = tpu.memref_slice %arg2[%dma_start3A_142, %dma_start3A_143] : memref<10000x16xf32, #tpu.memory_space<hbm>> -> memref<10000x16xf32, #tpu.memory_space<hbm>>
      tpu.enqueue_indirect_dma source(%dma_start3A_144 : memref<10000x16xf32, #tpu.memory_space<hbm>>) target(%dma_start3A_138 : memref<128x16xf32, #tpu.memory_space<vmem>>) offsets(%dma_start3A_141 : memref<128xi32, #tpu.memory_space<vmem>>) semaphore(%arg21 : memref<!tpu.dma_semaphore, #tpu.memory_space<semaphore_mem>>)
      %dma_start3A_145 = arith.constant 3 : i32
      %dma_start3A_146 = arith.constant 384 : i32
      %dma_start3A_147 = arith.constant 0 : i32
      %dma_start3A_148 = tpu.memref_slice %arg13[%dma_start3A_146, %dma_start3A_147] : memref<1280x16xf32, #tpu.memory_space<vmem>> -> memref<128x16xf32, #tpu.memory_space<vmem>>
      %dma_start3A_149 = arith.constant 0 : i32
      %dma_start3A_150 = tpu.memref_slice %arg11[%dma_start3A_145, %dma_start3A_149] : memref<10x128xi32, #tpu.memory_space<vmem>> -> memref<1x128xi32, #tpu.memory_space<vmem>>
      %dma_start3A_151 = tpu.memref_squeeze %dma_start3A_150 : memref<1x128xi32, #tpu.memory_space<vmem>> -> memref<128xi32, #tpu.memory_space<vmem>>
      %dma_start3A_152 = arith.constant 0 : i32
      %dma_start3A_153 = arith.constant 0 : i32
      %dma_start3A_154 = tpu.memref_slice %arg3[%dma_start3A_152, %dma_start3A_153] : memref<10000x16xf32, #tpu.memory_space<hbm>> -> memref<10000x16xf32, #tpu.memory_space<hbm>>
      tpu.enqueue_indirect_dma source(%dma_start3A_154 : memref<10000x16xf32, #tpu.memory_space<hbm>>) target(%dma_start3A_148 : memref<128x16xf32, #tpu.memory_space<vmem>>) offsets(%dma_start3A_151 : memref<128xi32, #tpu.memory_space<vmem>>) semaphore(%arg22 : memref<!tpu.dma_semaphore, #tpu.memory_space<semaphore_mem>>)
      %dma_start3A_155 = arith.constant 4 : i32
      %dma_start3A_156 = arith.constant 512 : i32
      %dma_start3A_157 = arith.constant 0 : i32
      %dma_start3A_158 = tpu.memref_slice %arg12[%dma_start3A_156, %dma_start3A_157] : memref<1280x16xf32, #tpu.memory_space<vmem>> -> memref<128x16xf32, #tpu.memory_space<vmem>>
      %dma_start3A_159 = arith.constant 0 : i32
      %dma_start3A_160 = tpu.memref_slice %arg10[%dma_start3A_155, %dma_start3A_159] : memref<10x128xi32, #tpu.memory_space<vmem>> -> memref<1x128xi32, #tpu.memory_space<vmem>>
      %dma_start3A_161 = tpu.memref_squeeze %dma_start3A_160 : memref<1x128xi32, #tpu.memory_space<vmem>> -> memref<128xi32, #tpu.memory_space<vmem>>
      %dma_start3A_162 = arith.constant 0 : i32
      %dma_start3A_163 = arith.constant 0 : i32
      %dma_start3A_164 = tpu.memref_slice %arg2[%dma_start3A_162, %dma_start3A_163] : memref<10000x16xf32, #tpu.memory_space<hbm>> -> memref<10000x16xf32, #tpu.memory_space<hbm>>
      tpu.enqueue_indirect_dma source(%dma_start3A_164 : memref<10000x16xf32, #tpu.memory_space<hbm>>) target(%dma_start3A_158 : memref<128x16xf32, #tpu.memory_space<vmem>>) offsets(%dma_start3A_161 : memref<128xi32, #tpu.memory_space<vmem>>) semaphore(%arg21 : memref<!tpu.dma_semaphore, #tpu.memory_space<semaphore_mem>>)
      %dma_start3A_165 = arith.constant 4 : i32
      %dma_start3A_166 = arith.constant 512 : i32
      %dma_start3A_167 = arith.constant 0 : i32
      %dma_start3A_168 = tpu.memref_slice %arg13[%dma_start3A_166, %dma_start3A_167] : memref<1280x16xf32, #tpu.memory_space<vmem>> -> memref<128x16xf32, #tpu.memory_space<vmem>>
      %dma_start3A_169 = arith.constant 0 : i32
      %dma_start3A_170 = tpu.memref_slice %arg11[%dma_start3A_165, %dma_start3A_169] : memref<10x128xi32, #tpu.memory_space<vmem>> -> memref<1x128xi32, #tpu.memory_space<vmem>>
      %dma_start3A_171 = tpu.memref_squeeze %dma_start3A_170 : memref<1x128xi32, #tpu.memory_space<vmem>> -> memref<128xi32, #tpu.memory_space<vmem>>
      %dma_start3A_172 = arith.constant 0 : i32
      %dma_start3A_173 = arith.constant 0 : i32
      %dma_start3A_174 = tpu.memref_slice %arg3[%dma_start3A_172, %dma_start3A_173] : memref<10000x16xf32, #tpu.memory_space<hbm>> -> memref<10000x16xf32, #tpu.memory_space<hbm>>
      tpu.enqueue_indirect_dma source(%dma_start3A_174 : memref<10000x16xf32, #tpu.memory_space<hbm>>) target(%dma_start3A_168 : memref<128x16xf32, #tpu.memory_space<vmem>>) offsets(%dma_start3A_171 : memref<128xi32, #tpu.memory_space<vmem>>) semaphore(%arg22 : memref<!tpu.dma_semaphore, #tpu.memory_space<semaphore_mem>>)
      %dma_start3A_175 = arith.constant 5 : i32
      %dma_start3A_176 = arith.constant 640 : i32
      %dma_start3A_177 = arith.constant 0 : i32
      %dma_start3A_178 = tpu.memref_slice %arg12[%dma_start3A_176, %dma_start3A_177] : memref<1280x16xf32, #tpu.memory_space<vmem>> -> memref<128x16xf32, #tpu.memory_space<vmem>>
      %dma_start3A_179 = arith.constant 0 : i32
      %dma_start3A_180 = tpu.memref_slice %arg10[%dma_start3A_175, %dma_start3A_179] : memref<10x128xi32, #tpu.memory_space<vmem>> -> memref<1x128xi32, #tpu.memory_space<vmem>>
      %dma_start3A_181 = tpu.memref_squeeze %dma_start3A_180 : memref<1x128xi32, #tpu.memory_space<vmem>> -> memref<128xi32, #tpu.memory_space<vmem>>
      %dma_start3A_182 = arith.constant 0 : i32
      %dma_start3A_183 = arith.constant 0 : i32
      %dma_start3A_184 = tpu.memref_slice %arg2[%dma_start3A_182, %dma_start3A_183] : memref<10000x16xf32, #tpu.memory_space<hbm>> -> memref<10000x16xf32, #tpu.memory_space<hbm>>
      tpu.enqueue_indirect_dma source(%dma_start3A_184 : memref<10000x16xf32, #tpu.memory_space<hbm>>) target(%dma_start3A_178 : memref<128x16xf32, #tpu.memory_space<vmem>>) offsets(%dma_start3A_181 : memref<128xi32, #tpu.memory_space<vmem>>) semaphore(%arg21 : memref<!tpu.dma_semaphore, #tpu.memory_space<semaphore_mem>>)
      %dma_start3A_185 = arith.constant 5 : i32
      %dma_start3A_186 = arith.constant 640 : i32
      %dma_start3A_187 = arith.constant 0 : i32
      %dma_start3A_188 = tpu.memref_slice %arg13[%dma_start3A_186, %dma_start3A_187] : memref<1280x16xf32, #tpu.memory_space<vmem>> -> memref<128x16xf32, #tpu.memory_space<vmem>>
      %dma_start3A_189 = arith.constant 0 : i32
      %dma_start3A_190 = tpu.memref_slice %arg11[%dma_start3A_185, %dma_start3A_189] : memref<10x128xi32, #tpu.memory_space<vmem>> -> memref<1x128xi32, #tpu.memory_space<vmem>>
      %dma_start3A_191 = tpu.memref_squeeze %dma_start3A_190 : memref<1x128xi32, #tpu.memory_space<vmem>> -> memref<128xi32, #tpu.memory_space<vmem>>
      %dma_start3A_192 = arith.constant 0 : i32
      %dma_start3A_193 = arith.constant 0 : i32
      %dma_start3A_194 = tpu.memref_slice %arg3[%dma_start3A_192, %dma_start3A_193] : memref<10000x16xf32, #tpu.memory_space<hbm>> -> memref<10000x16xf32, #tpu.memory_space<hbm>>
      tpu.enqueue_indirect_dma source(%dma_start3A_194 : memref<10000x16xf32, #tpu.memory_space<hbm>>) target(%dma_start3A_188 : memref<128x16xf32, #tpu.memory_space<vmem>>) offsets(%dma_start3A_191 : memref<128xi32, #tpu.memory_space<vmem>>) semaphore(%arg22 : memref<!tpu.dma_semaphore, #tpu.memory_space<semaphore_mem>>)
      %dma_start3A_195 = arith.constant 6 : i32
      %dma_start3A_196 = arith.constant 768 : i32
      %dma_start3A_197 = arith.constant 0 : i32
      %dma_start3A_198 = tpu.memref_slice %arg12[%dma_start3A_196, %dma_start3A_197] : memref<1280x16xf32, #tpu.memory_space<vmem>> -> memref<128x16xf32, #tpu.memory_space<vmem>>
      %dma_start3A_199 = arith.constant 0 : i32
      %dma_start3A_200 = tpu.memref_slice %arg10[%dma_start3A_195, %dma_start3A_199] : memref<10x128xi32, #tpu.memory_space<vmem>> -> memref<1x128xi32, #tpu.memory_space<vmem>>
      %dma_start3A_201 = tpu.memref_squeeze %dma_start3A_200 : memref<1x128xi32, #tpu.memory_space<vmem>> -> memref<128xi32, #tpu.memory_space<vmem>>
      %dma_start3A_202 = arith.constant 0 : i32
      %dma_start3A_203 = arith.constant 0 : i32
      %dma_start3A_204 = tpu.memref_slice %arg2[%dma_start3A_202, %dma_start3A_203] : memref<10000x16xf32, #tpu.memory_space<hbm>> -> memref<10000x16xf32, #tpu.memory_space<hbm>>
      tpu.enqueue_indirect_dma source(%dma_start3A_204 : memref<10000x16xf32, #tpu.memory_space<hbm>>) target(%dma_start3A_198 : memref<128x16xf32, #tpu.memory_space<vmem>>) offsets(%dma_start3A_201 : memref<128xi32, #tpu.memory_space<vmem>>) semaphore(%arg21 : memref<!tpu.dma_semaphore, #tpu.memory_space<semaphore_mem>>)
      %dma_start3A_205 = arith.constant 6 : i32
      %dma_start3A_206 = arith.constant 768 : i32
      %dma_start3A_207 = arith.constant 0 : i32
      %dma_start3A_208 = tpu.memref_slice %arg13[%dma_start3A_206, %dma_start3A_207] : memref<1280x16xf32, #tpu.memory_space<vmem>> -> memref<128x16xf32, #tpu.memory_space<vmem>>
      %dma_start3A_209 = arith.constant 0 : i32
      %dma_start3A_210 = tpu.memref_slice %arg11[%dma_start3A_205, %dma_start3A_209] : memref<10x128xi32, #tpu.memory_space<vmem>> -> memref<1x128xi32, #tpu.memory_space<vmem>>
      %dma_start3A_211 = tpu.memref_squeeze %dma_start3A_210 : memref<1x128xi32, #tpu.memory_space<vmem>> -> memref<128xi32, #tpu.memory_space<vmem>>
      %dma_start3A_212 = arith.constant 0 : i32
      %dma_start3A_213 = arith.constant 0 : i32
      %dma_start3A_214 = tpu.memref_slice %arg3[%dma_start3A_212, %dma_start3A_213] : memref<10000x16xf32, #tpu.memory_space<hbm>> -> memref<10000x16xf32, #tpu.memory_space<hbm>>
      tpu.enqueue_indirect_dma source(%dma_start3A_214 : memref<10000x16xf32, #tpu.memory_space<hbm>>) target(%dma_start3A_208 : memref<128x16xf32, #tpu.memory_space<vmem>>) offsets(%dma_start3A_211 : memref<128xi32, #tpu.memory_space<vmem>>) semaphore(%arg22 : memref<!tpu.dma_semaphore, #tpu.memory_space<semaphore_mem>>)
      %dma_start3A_215 = arith.constant 7 : i32
      %dma_start3A_216 = arith.constant 896 : i32
      %dma_start3A_217 = arith.constant 0 : i32
      %dma_start3A_218 = tpu.memref_slice %arg12[%dma_start3A_216, %dma_start3A_217] : memref<1280x16xf32, #tpu.memory_space<vmem>> -> memref<128x16xf32, #tpu.memory_space<vmem>>
      %dma_start3A_219 = arith.constant 0 : i32
      %dma_start3A_220 = tpu.memref_slice %arg10[%dma_start3A_215, %dma_start3A_219] : memref<10x128xi32, #tpu.memory_space<vmem>> -> memref<1x128xi32, #tpu.memory_space<vmem>>
      %dma_start3A_221 = tpu.memref_squeeze %dma_start3A_220 : memref<1x128xi32, #tpu.memory_space<vmem>> -> memref<128xi32, #tpu.memory_space<vmem>>
      %dma_start3A_222 = arith.constant 0 : i32
      %dma_start3A_223 = arith.constant 0 : i32
      %dma_start3A_224 = tpu.memref_slice %arg2[%dma_start3A_222, %dma_start3A_223] : memref<10000x16xf32, #tpu.memory_space<hbm>> -> memref<10000x16xf32, #tpu.memory_space<hbm>>
      tpu.enqueue_indirect_dma source(%dma_start3A_224 : memref<10000x16xf32, #tpu.memory_space<hbm>>) target(%dma_start3A_218 : memref<128x16xf32, #tpu.memory_space<vmem>>) offsets(%dma_start3A_221 : memref<128xi32, #tpu.memory_space<vmem>>) semaphore(%arg21 : memref<!tpu.dma_semaphore, #tpu.memory_space<semaphore_mem>>)
      %dma_start3A_225 = arith.constant 7 : i32
      %dma_start3A_226 = arith.constant 896 : i32
      %dma_start3A_227 = arith.constant 0 : i32
      %dma_start3A_228 = tpu.memref_slice %arg13[%dma_start3A_226, %dma_start3A_227] : memref<1280x16xf32, #tpu.memory_space<vmem>> -> memref<128x16xf32, #tpu.memory_space<vmem>>
      %dma_start3A_229 = arith.constant 0 : i32
      %dma_start3A_230 = tpu.memref_slice %arg11[%dma_start3A_225, %dma_start3A_229] : memref<10x128xi32, #tpu.memory_space<vmem>> -> memref<1x128xi32, #tpu.memory_space<vmem>>
      %dma_start3A_231 = tpu.memref_squeeze %dma_start3A_230 : memref<1x128xi32, #tpu.memory_space<vmem>> -> memref<128xi32, #tpu.memory_space<vmem>>
      %dma_start3A_232 = arith.constant 0 : i32
      %dma_start3A_233 = arith.constant 0 : i32
      %dma_start3A_234 = tpu.memref_slice %arg3[%dma_start3A_232, %dma_start3A_233] : memref<10000x16xf32, #tpu.memory_space<hbm>> -> memref<10000x16xf32, #tpu.memory_space<hbm>>
      tpu.enqueue_indirect_dma source(%dma_start3A_234 : memref<10000x16xf32, #tpu.memory_space<hbm>>) target(%dma_start3A_228 : memref<128x16xf32, #tpu.memory_space<vmem>>) offsets(%dma_start3A_231 : memref<128xi32, #tpu.memory_space<vmem>>) semaphore(%arg22 : memref<!tpu.dma_semaphore, #tpu.memory_space<semaphore_mem>>)
      %dma_start3A_235 = arith.constant 8 : i32
      %dma_start3A_236 = arith.constant 1024 : i32
      %dma_start3A_237 = arith.constant 0 : i32
      %dma_start3A_238 = tpu.memref_slice %arg12[%dma_start3A_236, %dma_start3A_237] : memref<1280x16xf32, #tpu.memory_space<vmem>> -> memref<128x16xf32, #tpu.memory_space<vmem>>
      %dma_start3A_239 = arith.constant 0 : i32
      %dma_start3A_240 = tpu.memref_slice %arg10[%dma_start3A_235, %dma_start3A_239] : memref<10x128xi32, #tpu.memory_space<vmem>> -> memref<1x128xi32, #tpu.memory_space<vmem>>
      %dma_start3A_241 = tpu.memref_squeeze %dma_start3A_240 : memref<1x128xi32, #tpu.memory_space<vmem>> -> memref<128xi32, #tpu.memory_space<vmem>>
      %dma_start3A_242 = arith.constant 0 : i32
      %dma_start3A_243 = arith.constant 0 : i32
      %dma_start3A_244 = tpu.memref_slice %arg2[%dma_start3A_242, %dma_start3A_243] : memref<10000x16xf32, #tpu.memory_space<hbm>> -> memref<10000x16xf32, #tpu.memory_space<hbm>>
      tpu.enqueue_indirect_dma source(%dma_start3A_244 : memref<10000x16xf32, #tpu.memory_space<hbm>>) target(%dma_start3A_238 : memref<128x16xf32, #tpu.memory_space<vmem>>) offsets(%dma_start3A_241 : memref<128xi32, #tpu.memory_space<vmem>>) semaphore(%arg21 : memref<!tpu.dma_semaphore, #tpu.memory_space<semaphore_mem>>)
      %dma_start3A_245 = arith.constant 8 : i32
      %dma_start3A_246 = arith.constant 1024 : i32
      %dma_start3A_247 = arith.constant 0 : i32
      %dma_start3A_248 = tpu.memref_slice %arg13[%dma_start3A_246, %dma_start3A_247] : memref<1280x16xf32, #tpu.memory_space<vmem>> -> memref<128x16xf32, #tpu.memory_space<vmem>>
      %dma_start3A_249 = arith.constant 0 : i32
      %dma_start3A_250 = tpu.memref_slice %arg11[%dma_start3A_245, %dma_start3A_249] : memref<10x128xi32, #tpu.memory_space<vmem>> -> memref<1x128xi32, #tpu.memory_space<vmem>>
      %dma_start3A_251 = tpu.memref_squeeze %dma_start3A_250 : memref<1x128xi32, #tpu.memory_space<vmem>> -> memref<128xi32, #tpu.memory_space<vmem>>
      %dma_start3A_252 = arith.constant 0 : i32
      %dma_start3A_253 = arith.constant 0 : i32
      %dma_start3A_254 = tpu.memref_slice %arg3[%dma_start3A_252, %dma_start3A_253] : memref<10000x16xf32, #tpu.memory_space<hbm>> -> memref<10000x16xf32, #tpu.memory_space<hbm>>
      tpu.enqueue_indirect_dma source(%dma_start3A_254 : memref<10000x16xf32, #tpu.memory_space<hbm>>) target(%dma_start3A_248 : memref<128x16xf32, #tpu.memory_space<vmem>>) offsets(%dma_start3A_251 : memref<128xi32, #tpu.memory_space<vmem>>) semaphore(%arg22 : memref<!tpu.dma_semaphore, #tpu.memory_space<semaphore_mem>>)
      %dma_start3A_255 = arith.constant 9 : i32
      %dma_start3A_256 = arith.constant 1152 : i32
      %dma_start3A_257 = arith.constant 0 : i32
      %dma_start3A_258 = tpu.memref_slice %arg12[%dma_start3A_256, %dma_start3A_257] : memref<1280x16xf32, #tpu.memory_space<vmem>> -> memref<128x16xf32, #tpu.memory_space<vmem>>
      %dma_start3A_259 = arith.constant 0 : i32
      %dma_start3A_260 = tpu.memref_slice %arg10[%dma_start3A_255, %dma_start3A_259] : memref<10x128xi32, #tpu.memory_space<vmem>> -> memref<1x128xi32, #tpu.memory_space<vmem>>
      %dma_start3A_261 = tpu.memref_squeeze %dma_start3A_260 : memref<1x128xi32, #tpu.memory_space<vmem>> -> memref<128xi32, #tpu.memory_space<vmem>>
      %dma_start3A_262 = arith.constant 0 : i32
      %dma_start3A_263 = arith.constant 0 : i32
      %dma_start3A_264 = tpu.memref_slice %arg2[%dma_start3A_262, %dma_start3A_263] : memref<10000x16xf32, #tpu.memory_space<hbm>> -> memref<10000x16xf32, #tpu.memory_space<hbm>>
      tpu.enqueue_indirect_dma source(%dma_start3A_264 : memref<10000x16xf32, #tpu.memory_space<hbm>>) target(%dma_start3A_258 : memref<128x16xf32, #tpu.memory_space<vmem>>) offsets(%dma_start3A_261 : memref<128xi32, #tpu.memory_space<vmem>>) semaphore(%arg21 : memref<!tpu.dma_semaphore, #tpu.memory_space<semaphore_mem>>)
      %dma_start3A_265 = arith.constant 9 : i32
      %dma_start3A_266 = arith.constant 1152 : i32
      %dma_start3A_267 = arith.constant 0 : i32
      %dma_start3A_268 = tpu.memref_slice %arg13[%dma_start3A_266, %dma_start3A_267] : memref<1280x16xf32, #tpu.memory_space<vmem>> -> memref<128x16xf32, #tpu.memory_space<vmem>>
      %dma_start3A_269 = arith.constant 0 : i32
      %dma_start3A_270 = tpu.memref_slice %arg11[%dma_start3A_265, %dma_start3A_269] : memref<10x128xi32, #tpu.memory_space<vmem>> -> memref<1x128xi32, #tpu.memory_space<vmem>>
      %dma_start3A_271 = tpu.memref_squeeze %dma_start3A_270 : memref<1x128xi32, #tpu.memory_space<vmem>> -> memref<128xi32, #tpu.memory_space<vmem>>
      %dma_start3A_272 = arith.constant 0 : i32
      %dma_start3A_273 = arith.constant 0 : i32
      %dma_start3A_274 = tpu.memref_slice %arg3[%dma_start3A_272, %dma_start3A_273] : memref<10000x16xf32, #tpu.memory_space<hbm>> -> memref<10000x16xf32, #tpu.memory_space<hbm>>
      tpu.enqueue_indirect_dma source(%dma_start3A_274 : memref<10000x16xf32, #tpu.memory_space<hbm>>) target(%dma_start3A_268 : memref<128x16xf32, #tpu.memory_space<vmem>>) offsets(%dma_start3A_271 : memref<128xi32, #tpu.memory_space<vmem>>) semaphore(%arg22 : memref<!tpu.dma_semaphore, #tpu.memory_space<semaphore_mem>>)
      %dma_wait3A_275 = arith.constant 0 : i32
      %dma_wait3A_276 = arith.constant 0 : i32
      %dma_wait3A_277 = tpu.memref_slice %arg4[%dma_wait3A_275, %mul3A_38, %dma_wait3A_276] : memref<16x2500x128xf32, #tpu.memory_space<hbm>> -> memref<16x10x128xf32, #tpu.memory_space<hbm>>
      %dma_wait3A_278 = arith.constant 0 : i32
      %dma_wait3A_279 = arith.constant 0 : i32
      %dma_wait3A_280 = tpu.memref_slice %arg4[%dma_wait3A_278, %mul3A_38, %dma_wait3A_279] : memref<16x2500x128xf32, #tpu.memory_space<hbm>> -> memref<16x10x128xf32, #tpu.memory_space<hbm>>
      tpu.wait_dma2 semaphore(%arg20 : memref<!tpu.dma_semaphore, #tpu.memory_space<semaphore_mem>>) src(%dma_wait3A_280 : memref<16x10x128xf32, #tpu.memory_space<hbm>>) dst(%arg15 : memref<16x10x128xf32, #tpu.memory_space<vmem>>)
      %dma_wait3A_281 = arith.constant 0 : i32
      %dma_wait3A_282 = arith.constant 0 : i32
      %dma_wait3A_283 = arith.constant 0 : i32
      %dma_wait3A_284 = tpu.memref_slice %arg12[%dma_wait3A_282, %dma_wait3A_283] : memref<1280x16xf32, #tpu.memory_space<vmem>> -> memref<128x16xf32, #tpu.memory_space<vmem>>
      %dma_wait3A_285 = arith.constant 0 : i32
      %dma_wait3A_286 = tpu.memref_slice %arg10[%dma_wait3A_281, %dma_wait3A_285] : memref<10x128xi32, #tpu.memory_space<vmem>> -> memref<1x128xi32, #tpu.memory_space<vmem>>
      %dma_wait3A_287 = tpu.memref_squeeze %dma_wait3A_286 : memref<1x128xi32, #tpu.memory_space<vmem>> -> memref<128xi32, #tpu.memory_space<vmem>>
      %dma_wait3A_288 = arith.constant 0 : i32
      %dma_wait3A_289 = arith.constant 0 : i32
      %dma_wait3A_290 = tpu.memref_slice %arg2[%dma_wait3A_288, %dma_wait3A_289] : memref<10000x16xf32, #tpu.memory_space<hbm>> -> memref<10000x16xf32, #tpu.memory_space<hbm>>
      tpu.wait_indirect_dma semaphore(%arg21 : memref<!tpu.dma_semaphore, #tpu.memory_space<semaphore_mem>>) src(%dma_wait3A_290 : memref<10000x16xf32, #tpu.memory_space<hbm>>) dst(%dma_wait3A_284 : memref<128x16xf32, #tpu.memory_space<vmem>>)
      %dma_wait3A_291 = arith.constant 0 : i32
      %dma_wait3A_292 = arith.constant 0 : i32
      %dma_wait3A_293 = arith.constant 0 : i32
      %dma_wait3A_294 = tpu.memref_slice %arg13[%dma_wait3A_292, %dma_wait3A_293] : memref<1280x16xf32, #tpu.memory_space<vmem>> -> memref<128x16xf32, #tpu.memory_space<vmem>>
      %dma_wait3A_295 = arith.constant 0 : i32
      %dma_wait3A_296 = tpu.memref_slice %arg11[%dma_wait3A_291, %dma_wait3A_295] : memref<10x128xi32, #tpu.memory_space<vmem>> -> memref<1x128xi32, #tpu.memory_space<vmem>>
      %dma_wait3A_297 = tpu.memref_squeeze %dma_wait3A_296 : memref<1x128xi32, #tpu.memory_space<vmem>> -> memref<128xi32, #tpu.memory_space<vmem>>
      %dma_wait3A_298 = arith.constant 0 : i32
      %dma_wait3A_299 = arith.constant 0 : i32
      %dma_wait3A_300 = tpu.memref_slice %arg3[%dma_wait3A_298, %dma_wait3A_299] : memref<10000x16xf32, #tpu.memory_space<hbm>> -> memref<10000x16xf32, #tpu.memory_space<hbm>>
      tpu.wait_indirect_dma semaphore(%arg22 : memref<!tpu.dma_semaphore, #tpu.memory_space<semaphore_mem>>) src(%dma_wait3A_300 : memref<10000x16xf32, #tpu.memory_space<hbm>>) dst(%dma_wait3A_294 : memref<128x16xf32, #tpu.memory_space<vmem>>)
      %dma_wait3A_301 = arith.constant 1 : i32
      %dma_wait3A_302 = arith.constant 128 : i32
      %dma_wait3A_303 = arith.constant 0 : i32
      %dma_wait3A_304 = tpu.memref_slice %arg12[%dma_wait3A_302, %dma_wait3A_303] : memref<1280x16xf32, #tpu.memory_space<vmem>> -> memref<128x16xf32, #tpu.memory_space<vmem>>
      %dma_wait3A_305 = arith.constant 0 : i32
      %dma_wait3A_306 = tpu.memref_slice %arg10[%dma_wait3A_301, %dma_wait3A_305] : memref<10x128xi32, #tpu.memory_space<vmem>> -> memref<1x128xi32, #tpu.memory_space<vmem>>
      %dma_wait3A_307 = tpu.memref_squeeze %dma_wait3A_306 : memref<1x128xi32, #tpu.memory_space<vmem>> -> memref<128xi32, #tpu.memory_space<vmem>>
      %dma_wait3A_308 = arith.constant 0 : i32
      %dma_wait3A_309 = arith.constant 0 : i32
      %dma_wait3A_310 = tpu.memref_slice %arg2[%dma_wait3A_308, %dma_wait3A_309] : memref<10000x16xf32, #tpu.memory_space<hbm>> -> memref<10000x16xf32, #tpu.memory_space<hbm>>
      tpu.wait_indirect_dma semaphore(%arg21 : memref<!tpu.dma_semaphore, #tpu.memory_space<semaphore_mem>>) src(%dma_wait3A_310 : memref<10000x16xf32, #tpu.memory_space<hbm>>) dst(%dma_wait3A_304 : memref<128x16xf32, #tpu.memory_space<vmem>>)
      %dma_wait3A_311 = arith.constant 1 : i32
      %dma_wait3A_312 = arith.constant 128 : i32
      %dma_wait3A_313 = arith.constant 0 : i32
      %dma_wait3A_314 = tpu.memref_slice %arg13[%dma_wait3A_312, %dma_wait3A_313] : memref<1280x16xf32, #tpu.memory_space<vmem>> -> memref<128x16xf32, #tpu.memory_space<vmem>>
      %dma_wait3A_315 = arith.constant 0 : i32
      %dma_wait3A_316 = tpu.memref_slice %arg11[%dma_wait3A_311, %dma_wait3A_315] : memref<10x128xi32, #tpu.memory_space<vmem>> -> memref<1x128xi32, #tpu.memory_space<vmem>>
      %dma_wait3A_317 = tpu.memref_squeeze %dma_wait3A_316 : memref<1x128xi32, #tpu.memory_space<vmem>> -> memref<128xi32, #tpu.memory_space<vmem>>
      %dma_wait3A_318 = arith.constant 0 : i32
      %dma_wait3A_319 = arith.constant 0 : i32
      %dma_wait3A_320 = tpu.memref_slice %arg3[%dma_wait3A_318, %dma_wait3A_319] : memref<10000x16xf32, #tpu.memory_space<hbm>> -> memref<10000x16xf32, #tpu.memory_space<hbm>>
      tpu.wait_indirect_dma semaphore(%arg22 : memref<!tpu.dma_semaphore, #tpu.memory_space<semaphore_mem>>) src(%dma_wait3A_320 : memref<10000x16xf32, #tpu.memory_space<hbm>>) dst(%dma_wait3A_314 : memref<128x16xf32, #tpu.memory_space<vmem>>)
      %dma_wait3A_321 = arith.constant 2 : i32
      %dma_wait3A_322 = arith.constant 256 : i32
      %dma_wait3A_323 = arith.constant 0 : i32
      %dma_wait3A_324 = tpu.memref_slice %arg12[%dma_wait3A_322, %dma_wait3A_323] : memref<1280x16xf32, #tpu.memory_space<vmem>> -> memref<128x16xf32, #tpu.memory_space<vmem>>
      %dma_wait3A_325 = arith.constant 0 : i32
      %dma_wait3A_326 = tpu.memref_slice %arg10[%dma_wait3A_321, %dma_wait3A_325] : memref<10x128xi32, #tpu.memory_space<vmem>> -> memref<1x128xi32, #tpu.memory_space<vmem>>
      %dma_wait3A_327 = tpu.memref_squeeze %dma_wait3A_326 : memref<1x128xi32, #tpu.memory_space<vmem>> -> memref<128xi32, #tpu.memory_space<vmem>>
      %dma_wait3A_328 = arith.constant 0 : i32
      %dma_wait3A_329 = arith.constant 0 : i32
      %dma_wait3A_330 = tpu.memref_slice %arg2[%dma_wait3A_328, %dma_wait3A_329] : memref<10000x16xf32, #tpu.memory_space<hbm>> -> memref<10000x16xf32, #tpu.memory_space<hbm>>
      tpu.wait_indirect_dma semaphore(%arg21 : memref<!tpu.dma_semaphore, #tpu.memory_space<semaphore_mem>>) src(%dma_wait3A_330 : memref<10000x16xf32, #tpu.memory_space<hbm>>) dst(%dma_wait3A_324 : memref<128x16xf32, #tpu.memory_space<vmem>>)
      %dma_wait3A_331 = arith.constant 2 : i32
      %dma_wait3A_332 = arith.constant 256 : i32
      %dma_wait3A_333 = arith.constant 0 : i32
      %dma_wait3A_334 = tpu.memref_slice %arg13[%dma_wait3A_332, %dma_wait3A_333] : memref<1280x16xf32, #tpu.memory_space<vmem>> -> memref<128x16xf32, #tpu.memory_space<vmem>>
      %dma_wait3A_335 = arith.constant 0 : i32
      %dma_wait3A_336 = tpu.memref_slice %arg11[%dma_wait3A_331, %dma_wait3A_335] : memref<10x128xi32, #tpu.memory_space<vmem>> -> memref<1x128xi32, #tpu.memory_space<vmem>>
      %dma_wait3A_337 = tpu.memref_squeeze %dma_wait3A_336 : memref<1x128xi32, #tpu.memory_space<vmem>> -> memref<128xi32, #tpu.memory_space<vmem>>
      %dma_wait3A_338 = arith.constant 0 : i32
      %dma_wait3A_339 = arith.constant 0 : i32
      %dma_wait3A_340 = tpu.memref_slice %arg3[%dma_wait3A_338, %dma_wait3A_339] : memref<10000x16xf32, #tpu.memory_space<hbm>> -> memref<10000x16xf32, #tpu.memory_space<hbm>>
      tpu.wait_indirect_dma semaphore(%arg22 : memref<!tpu.dma_semaphore, #tpu.memory_space<semaphore_mem>>) src(%dma_wait3A_340 : memref<10000x16xf32, #tpu.memory_space<hbm>>) dst(%dma_wait3A_334 : memref<128x16xf32, #tpu.memory_space<vmem>>)
      %dma_wait3A_341 = arith.constant 3 : i32
      %dma_wait3A_342 = arith.constant 384 : i32
      %dma_wait3A_343 = arith.constant 0 : i32
      %dma_wait3A_344 = tpu.memref_slice %arg12[%dma_wait3A_342, %dma_wait3A_343] : memref<1280x16xf32, #tpu.memory_space<vmem>> -> memref<128x16xf32, #tpu.memory_space<vmem>>
      %dma_wait3A_345 = arith.constant 0 : i32
      %dma_wait3A_346 = tpu.memref_slice %arg10[%dma_wait3A_341, %dma_wait3A_345] : memref<10x128xi32, #tpu.memory_space<vmem>> -> memref<1x128xi32, #tpu.memory_space<vmem>>
      %dma_wait3A_347 = tpu.memref_squeeze %dma_wait3A_346 : memref<1x128xi32, #tpu.memory_space<vmem>> -> memref<128xi32, #tpu.memory_space<vmem>>
      %dma_wait3A_348 = arith.constant 0 : i32
      %dma_wait3A_349 = arith.constant 0 : i32
      %dma_wait3A_350 = tpu.memref_slice %arg2[%dma_wait3A_348, %dma_wait3A_349] : memref<10000x16xf32, #tpu.memory_space<hbm>> -> memref<10000x16xf32, #tpu.memory_space<hbm>>
      tpu.wait_indirect_dma semaphore(%arg21 : memref<!tpu.dma_semaphore, #tpu.memory_space<semaphore_mem>>) src(%dma_wait3A_350 : memref<10000x16xf32, #tpu.memory_space<hbm>>) dst(%dma_wait3A_344 : memref<128x16xf32, #tpu.memory_space<vmem>>)
      %dma_wait3A_351 = arith.constant 3 : i32
      %dma_wait3A_352 = arith.constant 384 : i32
      %dma_wait3A_353 = arith.constant 0 : i32
      %dma_wait3A_354 = tpu.memref_slice %arg13[%dma_wait3A_352, %dma_wait3A_353] : memref<1280x16xf32, #tpu.memory_space<vmem>> -> memref<128x16xf32, #tpu.memory_space<vmem>>
      %dma_wait3A_355 = arith.constant 0 : i32
      %dma_wait3A_356 = tpu.memref_slice %arg11[%dma_wait3A_351, %dma_wait3A_355] : memref<10x128xi32, #tpu.memory_space<vmem>> -> memref<1x128xi32, #tpu.memory_space<vmem>>
      %dma_wait3A_357 = tpu.memref_squeeze %dma_wait3A_356 : memref<1x128xi32, #tpu.memory_space<vmem>> -> memref<128xi32, #tpu.memory_space<vmem>>
      %dma_wait3A_358 = arith.constant 0 : i32
      %dma_wait3A_359 = arith.constant 0 : i32
      %dma_wait3A_360 = tpu.memref_slice %arg3[%dma_wait3A_358, %dma_wait3A_359] : memref<10000x16xf32, #tpu.memory_space<hbm>> -> memref<10000x16xf32, #tpu.memory_space<hbm>>
      tpu.wait_indirect_dma semaphore(%arg22 : memref<!tpu.dma_semaphore, #tpu.memory_space<semaphore_mem>>) src(%dma_wait3A_360 : memref<10000x16xf32, #tpu.memory_space<hbm>>) dst(%dma_wait3A_354 : memref<128x16xf32, #tpu.memory_space<vmem>>)
      %dma_wait3A_361 = arith.constant 4 : i32
      %dma_wait3A_362 = arith.constant 512 : i32
      %dma_wait3A_363 = arith.constant 0 : i32
      %dma_wait3A_364 = tpu.memref_slice %arg12[%dma_wait3A_362, %dma_wait3A_363] : memref<1280x16xf32, #tpu.memory_space<vmem>> -> memref<128x16xf32, #tpu.memory_space<vmem>>
      %dma_wait3A_365 = arith.constant 0 : i32
      %dma_wait3A_366 = tpu.memref_slice %arg10[%dma_wait3A_361, %dma_wait3A_365] : memref<10x128xi32, #tpu.memory_space<vmem>> -> memref<1x128xi32, #tpu.memory_space<vmem>>
      %dma_wait3A_367 = tpu.memref_squeeze %dma_wait3A_366 : memref<1x128xi32, #tpu.memory_space<vmem>> -> memref<128xi32, #tpu.memory_space<vmem>>
      %dma_wait3A_368 = arith.constant 0 : i32
      %dma_wait3A_369 = arith.constant 0 : i32
      %dma_wait3A_370 = tpu.memref_slice %arg2[%dma_wait3A_368, %dma_wait3A_369] : memref<10000x16xf32, #tpu.memory_space<hbm>> -> memref<10000x16xf32, #tpu.memory_space<hbm>>
      tpu.wait_indirect_dma semaphore(%arg21 : memref<!tpu.dma_semaphore, #tpu.memory_space<semaphore_mem>>) src(%dma_wait3A_370 : memref<10000x16xf32, #tpu.memory_space<hbm>>) dst(%dma_wait3A_364 : memref<128x16xf32, #tpu.memory_space<vmem>>)
      %dma_wait3A_371 = arith.constant 4 : i32
      %dma_wait3A_372 = arith.constant 512 : i32
      %dma_wait3A_373 = arith.constant 0 : i32
      %dma_wait3A_374 = tpu.memref_slice %arg13[%dma_wait3A_372, %dma_wait3A_373] : memref<1280x16xf32, #tpu.memory_space<vmem>> -> memref<128x16xf32, #tpu.memory_space<vmem>>
      %dma_wait3A_375 = arith.constant 0 : i32
      %dma_wait3A_376 = tpu.memref_slice %arg11[%dma_wait3A_371, %dma_wait3A_375] : memref<10x128xi32, #tpu.memory_space<vmem>> -> memref<1x128xi32, #tpu.memory_space<vmem>>
      %dma_wait3A_377 = tpu.memref_squeeze %dma_wait3A_376 : memref<1x128xi32, #tpu.memory_space<vmem>> -> memref<128xi32, #tpu.memory_space<vmem>>
      %dma_wait3A_378 = arith.constant 0 : i32
      %dma_wait3A_379 = arith.constant 0 : i32
      %dma_wait3A_380 = tpu.memref_slice %arg3[%dma_wait3A_378, %dma_wait3A_379] : memref<10000x16xf32, #tpu.memory_space<hbm>> -> memref<10000x16xf32, #tpu.memory_space<hbm>>
      tpu.wait_indirect_dma semaphore(%arg22 : memref<!tpu.dma_semaphore, #tpu.memory_space<semaphore_mem>>) src(%dma_wait3A_380 : memref<10000x16xf32, #tpu.memory_space<hbm>>) dst(%dma_wait3A_374 : memref<128x16xf32, #tpu.memory_space<vmem>>)
      %dma_wait3A_381 = arith.constant 5 : i32
      %dma_wait3A_382 = arith.constant 640 : i32
      %dma_wait3A_383 = arith.constant 0 : i32
      %dma_wait3A_384 = tpu.memref_slice %arg12[%dma_wait3A_382, %dma_wait3A_383] : memref<1280x16xf32, #tpu.memory_space<vmem>> -> memref<128x16xf32, #tpu.memory_space<vmem>>
      %dma_wait3A_385 = arith.constant 0 : i32
      %dma_wait3A_386 = tpu.memref_slice %arg10[%dma_wait3A_381, %dma_wait3A_385] : memref<10x128xi32, #tpu.memory_space<vmem>> -> memref<1x128xi32, #tpu.memory_space<vmem>>
      %dma_wait3A_387 = tpu.memref_squeeze %dma_wait3A_386 : memref<1x128xi32, #tpu.memory_space<vmem>> -> memref<128xi32, #tpu.memory_space<vmem>>
      %dma_wait3A_388 = arith.constant 0 : i32
      %dma_wait3A_389 = arith.constant 0 : i32
      %dma_wait3A_390 = tpu.memref_slice %arg2[%dma_wait3A_388, %dma_wait3A_389] : memref<10000x16xf32, #tpu.memory_space<hbm>> -> memref<10000x16xf32, #tpu.memory_space<hbm>>
      tpu.wait_indirect_dma semaphore(%arg21 : memref<!tpu.dma_semaphore, #tpu.memory_space<semaphore_mem>>) src(%dma_wait3A_390 : memref<10000x16xf32, #tpu.memory_space<hbm>>) dst(%dma_wait3A_384 : memref<128x16xf32, #tpu.memory_space<vmem>>)
      %dma_wait3A_391 = arith.constant 5 : i32
      %dma_wait3A_392 = arith.constant 640 : i32
      %dma_wait3A_393 = arith.constant 0 : i32
      %dma_wait3A_394 = tpu.memref_slice %arg13[%dma_wait3A_392, %dma_wait3A_393] : memref<1280x16xf32, #tpu.memory_space<vmem>> -> memref<128x16xf32, #tpu.memory_space<vmem>>
      %dma_wait3A_395 = arith.constant 0 : i32
      %dma_wait3A_396 = tpu.memref_slice %arg11[%dma_wait3A_391, %dma_wait3A_395] : memref<10x128xi32, #tpu.memory_space<vmem>> -> memref<1x128xi32, #tpu.memory_space<vmem>>
      %dma_wait3A_397 = tpu.memref_squeeze %dma_wait3A_396 : memref<1x128xi32, #tpu.memory_space<vmem>> -> memref<128xi32, #tpu.memory_space<vmem>>
      %dma_wait3A_398 = arith.constant 0 : i32
      %dma_wait3A_399 = arith.constant 0 : i32
      %dma_wait3A_400 = tpu.memref_slice %arg3[%dma_wait3A_398, %dma_wait3A_399] : memref<10000x16xf32, #tpu.memory_space<hbm>> -> memref<10000x16xf32, #tpu.memory_space<hbm>>
      tpu.wait_indirect_dma semaphore(%arg22 : memref<!tpu.dma_semaphore, #tpu.memory_space<semaphore_mem>>) src(%dma_wait3A_400 : memref<10000x16xf32, #tpu.memory_space<hbm>>) dst(%dma_wait3A_394 : memref<128x16xf32, #tpu.memory_space<vmem>>)
      %dma_wait3A_401 = arith.constant 6 : i32
      %dma_wait3A_402 = arith.constant 768 : i32
      %dma_wait3A_403 = arith.constant 0 : i32
      %dma_wait3A_404 = tpu.memref_slice %arg12[%dma_wait3A_402, %dma_wait3A_403] : memref<1280x16xf32, #tpu.memory_space<vmem>> -> memref<128x16xf32, #tpu.memory_space<vmem>>
      %dma_wait3A_405 = arith.constant 0 : i32
      %dma_wait3A_406 = tpu.memref_slice %arg10[%dma_wait3A_401, %dma_wait3A_405] : memref<10x128xi32, #tpu.memory_space<vmem>> -> memref<1x128xi32, #tpu.memory_space<vmem>>
      %dma_wait3A_407 = tpu.memref_squeeze %dma_wait3A_406 : memref<1x128xi32, #tpu.memory_space<vmem>> -> memref<128xi32, #tpu.memory_space<vmem>>
      %dma_wait3A_408 = arith.constant 0 : i32
      %dma_wait3A_409 = arith.constant 0 : i32
      %dma_wait3A_410 = tpu.memref_slice %arg2[%dma_wait3A_408, %dma_wait3A_409] : memref<10000x16xf32, #tpu.memory_space<hbm>> -> memref<10000x16xf32, #tpu.memory_space<hbm>>
      tpu.wait_indirect_dma semaphore(%arg21 : memref<!tpu.dma_semaphore, #tpu.memory_space<semaphore_mem>>) src(%dma_wait3A_410 : memref<10000x16xf32, #tpu.memory_space<hbm>>) dst(%dma_wait3A_404 : memref<128x16xf32, #tpu.memory_space<vmem>>)
      %dma_wait3A_411 = arith.constant 6 : i32
      %dma_wait3A_412 = arith.constant 768 : i32
      %dma_wait3A_413 = arith.constant 0 : i32
      %dma_wait3A_414 = tpu.memref_slice %arg13[%dma_wait3A_412, %dma_wait3A_413] : memref<1280x16xf32, #tpu.memory_space<vmem>> -> memref<128x16xf32, #tpu.memory_space<vmem>>
      %dma_wait3A_415 = arith.constant 0 : i32
      %dma_wait3A_416 = tpu.memref_slice %arg11[%dma_wait3A_411, %dma_wait3A_415] : memref<10x128xi32, #tpu.memory_space<vmem>> -> memref<1x128xi32, #tpu.memory_space<vmem>>
      %dma_wait3A_417 = tpu.memref_squeeze %dma_wait3A_416 : memref<1x128xi32, #tpu.memory_space<vmem>> -> memref<128xi32, #tpu.memory_space<vmem>>
      %dma_wait3A_418 = arith.constant 0 : i32
      %dma_wait3A_419 = arith.constant 0 : i32
      %dma_wait3A_420 = tpu.memref_slice %arg3[%dma_wait3A_418, %dma_wait3A_419] : memref<10000x16xf32, #tpu.memory_space<hbm>> -> memref<10000x16xf32, #tpu.memory_space<hbm>>
      tpu.wait_indirect_dma semaphore(%arg22 : memref<!tpu.dma_semaphore, #tpu.memory_space<semaphore_mem>>) src(%dma_wait3A_420 : memref<10000x16xf32, #tpu.memory_space<hbm>>) dst(%dma_wait3A_414 : memref<128x16xf32, #tpu.memory_space<vmem>>)
      %dma_wait3A_421 = arith.constant 7 : i32
      %dma_wait3A_422 = arith.constant 896 : i32
      %dma_wait3A_423 = arith.constant 0 : i32
      %dma_wait3A_424 = tpu.memref_slice %arg12[%dma_wait3A_422, %dma_wait3A_423] : memref<1280x16xf32, #tpu.memory_space<vmem>> -> memref<128x16xf32, #tpu.memory_space<vmem>>
      %dma_wait3A_425 = arith.constant 0 : i32
      %dma_wait3A_426 = tpu.memref_slice %arg10[%dma_wait3A_421, %dma_wait3A_425] : memref<10x128xi32, #tpu.memory_space<vmem>> -> memref<1x128xi32, #tpu.memory_space<vmem>>
      %dma_wait3A_427 = tpu.memref_squeeze %dma_wait3A_426 : memref<1x128xi32, #tpu.memory_space<vmem>> -> memref<128xi32, #tpu.memory_space<vmem>>
      %dma_wait3A_428 = arith.constant 0 : i32
      %dma_wait3A_429 = arith.constant 0 : i32
      %dma_wait3A_430 = tpu.memref_slice %arg2[%dma_wait3A_428, %dma_wait3A_429] : memref<10000x16xf32, #tpu.memory_space<hbm>> -> memref<10000x16xf32, #tpu.memory_space<hbm>>
      tpu.wait_indirect_dma semaphore(%arg21 : memref<!tpu.dma_semaphore, #tpu.memory_space<semaphore_mem>>) src(%dma_wait3A_430 : memref<10000x16xf32, #tpu.memory_space<hbm>>) dst(%dma_wait3A_424 : memref<128x16xf32, #tpu.memory_space<vmem>>)
      %dma_wait3A_431 = arith.constant 7 : i32
      %dma_wait3A_432 = arith.constant 896 : i32
      %dma_wait3A_433 = arith.constant 0 : i32
      %dma_wait3A_434 = tpu.memref_slice %arg13[%dma_wait3A_432, %dma_wait3A_433] : memref<1280x16xf32, #tpu.memory_space<vmem>> -> memref<128x16xf32, #tpu.memory_space<vmem>>
      %dma_wait3A_435 = arith.constant 0 : i32
      %dma_wait3A_436 = tpu.memref_slice %arg11[%dma_wait3A_431, %dma_wait3A_435] : memref<10x128xi32, #tpu.memory_space<vmem>> -> memref<1x128xi32, #tpu.memory_space<vmem>>
      %dma_wait3A_437 = tpu.memref_squeeze %dma_wait3A_436 : memref<1x128xi32, #tpu.memory_space<vmem>> -> memref<128xi32, #tpu.memory_space<vmem>>
      %dma_wait3A_438 = arith.constant 0 : i32
      %dma_wait3A_439 = arith.constant 0 : i32
      %dma_wait3A_440 = tpu.memref_slice %arg3[%dma_wait3A_438, %dma_wait3A_439] : memref<10000x16xf32, #tpu.memory_space<hbm>> -> memref<10000x16xf32, #tpu.memory_space<hbm>>
      tpu.wait_indirect_dma semaphore(%arg22 : memref<!tpu.dma_semaphore, #tpu.memory_space<semaphore_mem>>) src(%dma_wait3A_440 : memref<10000x16xf32, #tpu.memory_space<hbm>>) dst(%dma_wait3A_434 : memref<128x16xf32, #tpu.memory_space<vmem>>)
      %dma_wait3A_441 = arith.constant 8 : i32
      %dma_wait3A_442 = arith.constant 1024 : i32
      %dma_wait3A_443 = arith.constant 0 : i32
      %dma_wait3A_444 = tpu.memref_slice %arg12[%dma_wait3A_442, %dma_wait3A_443] : memref<1280x16xf32, #tpu.memory_space<vmem>> -> memref<128x16xf32, #tpu.memory_space<vmem>>
      %dma_wait3A_445 = arith.constant 0 : i32
      %dma_wait3A_446 = tpu.memref_slice %arg10[%dma_wait3A_441, %dma_wait3A_445] : memref<10x128xi32, #tpu.memory_space<vmem>> -> memref<1x128xi32, #tpu.memory_space<vmem>>
      %dma_wait3A_447 = tpu.memref_squeeze %dma_wait3A_446 : memref<1x128xi32, #tpu.memory_space<vmem>> -> memref<128xi32, #tpu.memory_space<vmem>>
      %dma_wait3A_448 = arith.constant 0 : i32
      %dma_wait3A_449 = arith.constant 0 : i32
      %dma_wait3A_450 = tpu.memref_slice %arg2[%dma_wait3A_448, %dma_wait3A_449] : memref<10000x16xf32, #tpu.memory_space<hbm>> -> memref<10000x16xf32, #tpu.memory_space<hbm>>
      tpu.wait_indirect_dma semaphore(%arg21 : memref<!tpu.dma_semaphore, #tpu.memory_space<semaphore_mem>>) src(%dma_wait3A_450 : memref<10000x16xf32, #tpu.memory_space<hbm>>) dst(%dma_wait3A_444 : memref<128x16xf32, #tpu.memory_space<vmem>>)
      %dma_wait3A_451 = arith.constant 8 : i32
      %dma_wait3A_452 = arith.constant 1024 : i32
      %dma_wait3A_453 = arith.constant 0 : i32
      %dma_wait3A_454 = tpu.memref_slice %arg13[%dma_wait3A_452, %dma_wait3A_453] : memref<1280x16xf32, #tpu.memory_space<vmem>> -> memref<128x16xf32, #tpu.memory_space<vmem>>
      %dma_wait3A_455 = arith.constant 0 : i32
      %dma_wait3A_456 = tpu.memref_slice %arg11[%dma_wait3A_451, %dma_wait3A_455] : memref<10x128xi32, #tpu.memory_space<vmem>> -> memref<1x128xi32, #tpu.memory_space<vmem>>
      %dma_wait3A_457 = tpu.memref_squeeze %dma_wait3A_456 : memref<1x128xi32, #tpu.memory_space<vmem>> -> memref<128xi32, #tpu.memory_space<vmem>>
      %dma_wait3A_458 = arith.constant 0 : i32
      %dma_wait3A_459 = arith.constant 0 : i32
      %dma_wait3A_460 = tpu.memref_slice %arg3[%dma_wait3A_458, %dma_wait3A_459] : memref<10000x16xf32, #tpu.memory_space<hbm>> -> memref<10000x16xf32, #tpu.memory_space<hbm>>
      tpu.wait_indirect_dma semaphore(%arg22 : memref<!tpu.dma_semaphore, #tpu.memory_space<semaphore_mem>>) src(%dma_wait3A_460 : memref<10000x16xf32, #tpu.memory_space<hbm>>) dst(%dma_wait3A_454 : memref<128x16xf32, #tpu.memory_space<vmem>>)
      %dma_wait3A_461 = arith.constant 9 : i32
      %dma_wait3A_462 = arith.constant 1152 : i32
      %dma_wait3A_463 = arith.constant 0 : i32
      %dma_wait3A_464 = tpu.memref_slice %arg12[%dma_wait3A_462, %dma_wait3A_463] : memref<1280x16xf32, #tpu.memory_space<vmem>> -> memref<128x16xf32, #tpu.memory_space<vmem>>
      %dma_wait3A_465 = arith.constant 0 : i32
      %dma_wait3A_466 = tpu.memref_slice %arg10[%dma_wait3A_461, %dma_wait3A_465] : memref<10x128xi32, #tpu.memory_space<vmem>> -> memref<1x128xi32, #tpu.memory_space<vmem>>
      %dma_wait3A_467 = tpu.memref_squeeze %dma_wait3A_466 : memref<1x128xi32, #tpu.memory_space<vmem>> -> memref<128xi32, #tpu.memory_space<vmem>>
      %dma_wait3A_468 = arith.constant 0 : i32
      %dma_wait3A_469 = arith.constant 0 : i32
      %dma_wait3A_470 = tpu.memref_slice %arg2[%dma_wait3A_468, %dma_wait3A_469] : memref<10000x16xf32, #tpu.memory_space<hbm>> -> memref<10000x16xf32, #tpu.memory_space<hbm>>
      tpu.wait_indirect_dma semaphore(%arg21 : memref<!tpu.dma_semaphore, #tpu.memory_space<semaphore_mem>>) src(%dma_wait3A_470 : memref<10000x16xf32, #tpu.memory_space<hbm>>) dst(%dma_wait3A_464 : memref<128x16xf32, #tpu.memory_space<vmem>>)
      %dma_wait3A_471 = arith.constant 9 : i32
      %dma_wait3A_472 = arith.constant 1152 : i32
      %dma_wait3A_473 = arith.constant 0 : i32
      %dma_wait3A_474 = tpu.memref_slice %arg13[%dma_wait3A_472, %dma_wait3A_473] : memref<1280x16xf32, #tpu.memory_space<vmem>> -> memref<128x16xf32, #tpu.memory_space<vmem>>
      %dma_wait3A_475 = arith.constant 0 : i32
      %dma_wait3A_476 = tpu.memref_slice %arg11[%dma_wait3A_471, %dma_wait3A_475] : memref<10x128xi32, #tpu.memory_space<vmem>> -> memref<1x128xi32, #tpu.memory_space<vmem>>
      %dma_wait3A_477 = tpu.memref_squeeze %dma_wait3A_476 : memref<1x128xi32, #tpu.memory_space<vmem>> -> memref<128xi32, #tpu.memory_space<vmem>>
      %dma_wait3A_478 = arith.constant 0 : i32
      %dma_wait3A_479 = arith.constant 0 : i32
      %dma_wait3A_480 = tpu.memref_slice %arg3[%dma_wait3A_478, %dma_wait3A_479] : memref<10000x16xf32, #tpu.memory_space<hbm>> -> memref<10000x16xf32, #tpu.memory_space<hbm>>
      tpu.wait_indirect_dma semaphore(%arg22 : memref<!tpu.dma_semaphore, #tpu.memory_space<semaphore_mem>>) src(%dma_wait3A_480 : memref<10000x16xf32, #tpu.memory_space<hbm>>) dst(%dma_wait3A_474 : memref<128x16xf32, #tpu.memory_space<vmem>>)
      %broadcast_in_dim3A_481 = arith.constant 0 : i32
      %broadcast_in_dim3A_482 = vector.broadcast %broadcast_in_dim3A_481 : i32 to vector<16xi32>
      %scan3A_483 = arith.constant 0 : i32
      %scan3A_484 = arith.constant 0 : i32
      %scan3A_485 = arith.constant 128 : i32
      %scan3A_486 = arith.addi %scan3A_484, %scan3A_485 : i32
      %scan3A_487 = arith.constant 1 : i32
      scf.for %scan3A_913 = %scan3A_484 to %scan3A_486 step %scan3A_487  : i32 {
        %broadcast_in_dim3A_914 = vector.broadcast %scan3A_913 : i32 to vector<16xi32>
        %add3A_915 = arith.constant 0 : i32
        %add3A_916 = arith.addi %add3A_915, %scan3A_913 : i32
        %gather3A = tpu.vector_load_idx %arg15[%iota3A, %broadcast_in_dim3A_482, %broadcast_in_dim3A_914] : memref<16x10x128xf32, #tpu.memory_space<vmem>>[vector<16xi32>, vector<16xi32>, vector<16xi32>], vector<16xf32>,
        %get3A = arith.index_cast %add3A_916 : i32 to index
        %get3A_917 = arith.constant 0 : index
        %get3A_918 = tpu.vector_load %arg12[%get3A, %get3A_917] {strides = array<i32>} : memref<1280x16xf32, #tpu.memory_space<vmem>>, vector<16xf32>,
        %add3A_919 = arith.addf %gather3A, %get3A_918 : vector<16xf32>
        %get3A_920 = arith.index_cast %add3A_916 : i32 to index
        %get3A_921 = arith.constant 0 : index
        %get3A_922 = tpu.vector_load %arg13[%get3A_920, %get3A_921] {strides = array<i32>} : memref<1280x16xf32, #tpu.memory_space<vmem>>, vector<16xf32>,
        %add3A_923 = arith.addf %add3A_919, %get3A_922 : vector<16xf32>
        tpu.vector_store_idx %arg15[%iota3A, %broadcast_in_dim3A_482, %broadcast_in_dim3A_914], %add3A_923 : memref<16x10x128xf32, #tpu.memory_space<vmem>>[vector<16xi32>, vector<16xi32>, vector<16xi32>], vector<16xf32>,
        %swap3A = arith.index_cast %add3A_916 : i32 to index
        %swap3A_924 = arith.constant 0 : index
        %swap3A_925 = tpu.vector_load %arg14[%swap3A, %swap3A_924] {strides = array<i32>} : memref<1280x16xf32, #tpu.memory_space<vmem>>, vector<16xf32>,
        tpu.vector_store %arg14[%swap3A, %swap3A_924], %add3A_923 {strides = array<i32>} : memref<1280x16xf32, #tpu.memory_space<vmem>>, vector<16xf32>,
      }
      %scan3A_488 = arith.constant 128 : i32
      %broadcast_in_dim3A_489 = arith.constant 1 : i32
      %broadcast_in_dim3A_490 = vector.broadcast %broadcast_in_dim3A_489 : i32 to vector<16xi32>
      %scan3A_491 = arith.constant 0 : i32
      %scan3A_492 = arith.constant 0 : i32
      %scan3A_493 = arith.constant 128 : i32
      %scan3A_494 = arith.addi %scan3A_492, %scan3A_493 : i32
      %scan3A_495 = arith.constant 1 : i32
      scf.for %scan3A_913 = %scan3A_492 to %scan3A_494 step %scan3A_495  : i32 {
        %broadcast_in_dim3A_914 = vector.broadcast %scan3A_913 : i32 to vector<16xi32>
        %add3A_915 = arith.constant 128 : i32
        %add3A_916 = arith.addi %add3A_915, %scan3A_913 : i32
        %gather3A = tpu.vector_load_idx %arg15[%iota3A, %broadcast_in_dim3A_490, %broadcast_in_dim3A_914] : memref<16x10x128xf32, #tpu.memory_space<vmem>>[vector<16xi32>, vector<16xi32>, vector<16xi32>], vector<16xf32>,
        %get3A = arith.index_cast %add3A_916 : i32 to index
        %get3A_917 = arith.constant 0 : index
        %get3A_918 = tpu.vector_load %arg12[%get3A, %get3A_917] {strides = array<i32>} : memref<1280x16xf32, #tpu.memory_space<vmem>>, vector<16xf32>,
        %add3A_919 = arith.addf %gather3A, %get3A_918 : vector<16xf32>
        %get3A_920 = arith.index_cast %add3A_916 : i32 to index
        %get3A_921 = arith.constant 0 : index
        %get3A_922 = tpu.vector_load %arg13[%get3A_920, %get3A_921] {strides = array<i32>} : memref<1280x16xf32, #tpu.memory_space<vmem>>, vector<16xf32>,
        %add3A_923 = arith.addf %add3A_919, %get3A_922 : vector<16xf32>
        tpu.vector_store_idx %arg15[%iota3A, %broadcast_in_dim3A_490, %broadcast_in_dim3A_914], %add3A_923 : memref<16x10x128xf32, #tpu.memory_space<vmem>>[vector<16xi32>, vector<16xi32>, vector<16xi32>], vector<16xf32>,
        %swap3A = arith.index_cast %add3A_916 : i32 to index
        %swap3A_924 = arith.constant 0 : index
        %swap3A_925 = tpu.vector_load %arg14[%swap3A, %swap3A_924] {strides = array<i32>} : memref<1280x16xf32, #tpu.memory_space<vmem>>, vector<16xf32>,
        tpu.vector_store %arg14[%swap3A, %swap3A_924], %add3A_923 {strides = array<i32>} : memref<1280x16xf32, #tpu.memory_space<vmem>>, vector<16xf32>,
      }
      %scan3A_496 = arith.constant 128 : i32
      %broadcast_in_dim3A_497 = arith.constant 2 : i32
      %broadcast_in_dim3A_498 = vector.broadcast %broadcast_in_dim3A_497 : i32 to vector<16xi32>
      %scan3A_499 = arith.constant 0 : i32
      %scan3A_500 = arith.constant 0 : i32
      %scan3A_501 = arith.constant 128 : i32
      %scan3A_502 = arith.addi %scan3A_500, %scan3A_501 : i32
      %scan3A_503 = arith.constant 1 : i32
      scf.for %scan3A_913 = %scan3A_500 to %scan3A_502 step %scan3A_503  : i32 {
        %broadcast_in_dim3A_914 = vector.broadcast %scan3A_913 : i32 to vector<16xi32>
        %add3A_915 = arith.constant 256 : i32
        %add3A_916 = arith.addi %add3A_915, %scan3A_913 : i32
        %gather3A = tpu.vector_load_idx %arg15[%iota3A, %broadcast_in_dim3A_498, %broadcast_in_dim3A_914] : memref<16x10x128xf32, #tpu.memory_space<vmem>>[vector<16xi32>, vector<16xi32>, vector<16xi32>], vector<16xf32>,
        %get3A = arith.index_cast %add3A_916 : i32 to index
        %get3A_917 = arith.constant 0 : index
        %get3A_918 = tpu.vector_load %arg12[%get3A, %get3A_917] {strides = array<i32>} : memref<1280x16xf32, #tpu.memory_space<vmem>>, vector<16xf32>,
        %add3A_919 = arith.addf %gather3A, %get3A_918 : vector<16xf32>
        %get3A_920 = arith.index_cast %add3A_916 : i32 to index
        %get3A_921 = arith.constant 0 : index
        %get3A_922 = tpu.vector_load %arg13[%get3A_920, %get3A_921] {strides = array<i32>} : memref<1280x16xf32, #tpu.memory_space<vmem>>, vector<16xf32>,
        %add3A_923 = arith.addf %add3A_919, %get3A_922 : vector<16xf32>
        tpu.vector_store_idx %arg15[%iota3A, %broadcast_in_dim3A_498, %broadcast_in_dim3A_914], %add3A_923 : memref<16x10x128xf32, #tpu.memory_space<vmem>>[vector<16xi32>, vector<16xi32>, vector<16xi32>], vector<16xf32>,
        %swap3A = arith.index_cast %add3A_916 : i32 to index
        %swap3A_924 = arith.constant 0 : index
        %swap3A_925 = tpu.vector_load %arg14[%swap3A, %swap3A_924] {strides = array<i32>} : memref<1280x16xf32, #tpu.memory_space<vmem>>, vector<16xf32>,
        tpu.vector_store %arg14[%swap3A, %swap3A_924], %add3A_923 {strides = array<i32>} : memref<1280x16xf32, #tpu.memory_space<vmem>>, vector<16xf32>,
      }
      %scan3A_504 = arith.constant 128 : i32
      %broadcast_in_dim3A_505 = arith.constant 3 : i32
      %broadcast_in_dim3A_506 = vector.broadcast %broadcast_in_dim3A_505 : i32 to vector<16xi32>
      %scan3A_507 = arith.constant 0 : i32
      %scan3A_508 = arith.constant 0 : i32
      %scan3A_509 = arith.constant 128 : i32
      %scan3A_510 = arith.addi %scan3A_508, %scan3A_509 : i32
      %scan3A_511 = arith.constant 1 : i32
      scf.for %scan3A_913 = %scan3A_508 to %scan3A_510 step %scan3A_511  : i32 {
        %broadcast_in_dim3A_914 = vector.broadcast %scan3A_913 : i32 to vector<16xi32>
        %add3A_915 = arith.constant 384 : i32
        %add3A_916 = arith.addi %add3A_915, %scan3A_913 : i32
        %gather3A = tpu.vector_load_idx %arg15[%iota3A, %broadcast_in_dim3A_506, %broadcast_in_dim3A_914] : memref<16x10x128xf32, #tpu.memory_space<vmem>>[vector<16xi32>, vector<16xi32>, vector<16xi32>], vector<16xf32>,
        %get3A = arith.index_cast %add3A_916 : i32 to index
        %get3A_917 = arith.constant 0 : index
        %get3A_918 = tpu.vector_load %arg12[%get3A, %get3A_917] {strides = array<i32>} : memref<1280x16xf32, #tpu.memory_space<vmem>>, vector<16xf32>,
        %add3A_919 = arith.addf %gather3A, %get3A_918 : vector<16xf32>
        %get3A_920 = arith.index_cast %add3A_916 : i32 to index
        %get3A_921 = arith.constant 0 : index
        %get3A_922 = tpu.vector_load %arg13[%get3A_920, %get3A_921] {strides = array<i32>} : memref<1280x16xf32, #tpu.memory_space<vmem>>, vector<16xf32>,
        %add3A_923 = arith.addf %add3A_919, %get3A_922 : vector<16xf32>
        tpu.vector_store_idx %arg15[%iota3A, %broadcast_in_dim3A_506, %broadcast_in_dim3A_914], %add3A_923 : memref<16x10x128xf32, #tpu.memory_space<vmem>>[vector<16xi32>, vector<16xi32>, vector<16xi32>], vector<16xf32>,
        %swap3A = arith.index_cast %add3A_916 : i32 to index
        %swap3A_924 = arith.constant 0 : index
        %swap3A_925 = tpu.vector_load %arg14[%swap3A, %swap3A_924] {strides = array<i32>} : memref<1280x16xf32, #tpu.memory_space<vmem>>, vector<16xf32>,
        tpu.vector_store %arg14[%swap3A, %swap3A_924], %add3A_923 {strides = array<i32>} : memref<1280x16xf32, #tpu.memory_space<vmem>>, vector<16xf32>,
      }
      %scan3A_512 = arith.constant 128 : i32
      %broadcast_in_dim3A_513 = arith.constant 4 : i32
      %broadcast_in_dim3A_514 = vector.broadcast %broadcast_in_dim3A_513 : i32 to vector<16xi32>
      %scan3A_515 = arith.constant 0 : i32
      %scan3A_516 = arith.constant 0 : i32
      %scan3A_517 = arith.constant 128 : i32
      %scan3A_518 = arith.addi %scan3A_516, %scan3A_517 : i32
      %scan3A_519 = arith.constant 1 : i32
      scf.for %scan3A_913 = %scan3A_516 to %scan3A_518 step %scan3A_519  : i32 {
        %broadcast_in_dim3A_914 = vector.broadcast %scan3A_913 : i32 to vector<16xi32>
        %add3A_915 = arith.constant 512 : i32
        %add3A_916 = arith.addi %add3A_915, %scan3A_913 : i32
        %gather3A = tpu.vector_load_idx %arg15[%iota3A, %broadcast_in_dim3A_514, %broadcast_in_dim3A_914] : memref<16x10x128xf32, #tpu.memory_space<vmem>>[vector<16xi32>, vector<16xi32>, vector<16xi32>], vector<16xf32>,
        %get3A = arith.index_cast %add3A_916 : i32 to index
        %get3A_917 = arith.constant 0 : index
        %get3A_918 = tpu.vector_load %arg12[%get3A, %get3A_917] {strides = array<i32>} : memref<1280x16xf32, #tpu.memory_space<vmem>>, vector<16xf32>,
        %add3A_919 = arith.addf %gather3A, %get3A_918 : vector<16xf32>
        %get3A_920 = arith.index_cast %add3A_916 : i32 to index
        %get3A_921 = arith.constant 0 : index
        %get3A_922 = tpu.vector_load %arg13[%get3A_920, %get3A_921] {strides = array<i32>} : memref<1280x16xf32, #tpu.memory_space<vmem>>, vector<16xf32>,
        %add3A_923 = arith.addf %add3A_919, %get3A_922 : vector<16xf32>
        tpu.vector_store_idx %arg15[%iota3A, %broadcast_in_dim3A_514, %broadcast_in_dim3A_914], %add3A_923 : memref<16x10x128xf32, #tpu.memory_space<vmem>>[vector<16xi32>, vector<16xi32>, vector<16xi32>], vector<16xf32>,
        %swap3A = arith.index_cast %add3A_916 : i32 to index
        %swap3A_924 = arith.constant 0 : index
        %swap3A_925 = tpu.vector_load %arg14[%swap3A, %swap3A_924] {strides = array<i32>} : memref<1280x16xf32, #tpu.memory_space<vmem>>, vector<16xf32>,
        tpu.vector_store %arg14[%swap3A, %swap3A_924], %add3A_923 {strides = array<i32>} : memref<1280x16xf32, #tpu.memory_space<vmem>>, vector<16xf32>,
      }
      %scan3A_520 = arith.constant 128 : i32
      %broadcast_in_dim3A_521 = arith.constant 5 : i32
      %broadcast_in_dim3A_522 = vector.broadcast %broadcast_in_dim3A_521 : i32 to vector<16xi32>
      %scan3A_523 = arith.constant 0 : i32
      %scan3A_524 = arith.constant 0 : i32
      %scan3A_525 = arith.constant 128 : i32
      %scan3A_526 = arith.addi %scan3A_524, %scan3A_525 : i32
      %scan3A_527 = arith.constant 1 : i32
      scf.for %scan3A_913 = %scan3A_524 to %scan3A_526 step %scan3A_527  : i32 {
        %broadcast_in_dim3A_914 = vector.broadcast %scan3A_913 : i32 to vector<16xi32>
        %add3A_915 = arith.constant 640 : i32
        %add3A_916 = arith.addi %add3A_915, %scan3A_913 : i32
        %gather3A = tpu.vector_load_idx %arg15[%iota3A, %broadcast_in_dim3A_522, %broadcast_in_dim3A_914] : memref<16x10x128xf32, #tpu.memory_space<vmem>>[vector<16xi32>, vector<16xi32>, vector<16xi32>], vector<16xf32>,
        %get3A = arith.index_cast %add3A_916 : i32 to index
        %get3A_917 = arith.constant 0 : index
        %get3A_918 = tpu.vector_load %arg12[%get3A, %get3A_917] {strides = array<i32>} : memref<1280x16xf32, #tpu.memory_space<vmem>>, vector<16xf32>,
        %add3A_919 = arith.addf %gather3A, %get3A_918 : vector<16xf32>
        %get3A_920 = arith.index_cast %add3A_916 : i32 to index
        %get3A_921 = arith.constant 0 : index
        %get3A_922 = tpu.vector_load %arg13[%get3A_920, %get3A_921] {strides = array<i32>} : memref<1280x16xf32, #tpu.memory_space<vmem>>, vector<16xf32>,
        %add3A_923 = arith.addf %add3A_919, %get3A_922 : vector<16xf32>
        tpu.vector_store_idx %arg15[%iota3A, %broadcast_in_dim3A_522, %broadcast_in_dim3A_914], %add3A_923 : memref<16x10x128xf32, #tpu.memory_space<vmem>>[vector<16xi32>, vector<16xi32>, vector<16xi32>], vector<16xf32>,
        %swap3A = arith.index_cast %add3A_916 : i32 to index
        %swap3A_924 = arith.constant 0 : index
        %swap3A_925 = tpu.vector_load %arg14[%swap3A, %swap3A_924] {strides = array<i32>} : memref<1280x16xf32, #tpu.memory_space<vmem>>, vector<16xf32>,
        tpu.vector_store %arg14[%swap3A, %swap3A_924], %add3A_923 {strides = array<i32>} : memref<1280x16xf32, #tpu.memory_space<vmem>>, vector<16xf32>,
      }
      %scan3A_528 = arith.constant 128 : i32
      %broadcast_in_dim3A_529 = arith.constant 6 : i32
      %broadcast_in_dim3A_530 = vector.broadcast %broadcast_in_dim3A_529 : i32 to vector<16xi32>
      %scan3A_531 = arith.constant 0 : i32
      %scan3A_532 = arith.constant 0 : i32
      %scan3A_533 = arith.constant 128 : i32
      %scan3A_534 = arith.addi %scan3A_532, %scan3A_533 : i32
      %scan3A_535 = arith.constant 1 : i32
      scf.for %scan3A_913 = %scan3A_532 to %scan3A_534 step %scan3A_535  : i32 {
        %broadcast_in_dim3A_914 = vector.broadcast %scan3A_913 : i32 to vector<16xi32>
        %add3A_915 = arith.constant 768 : i32
        %add3A_916 = arith.addi %add3A_915, %scan3A_913 : i32
        %gather3A = tpu.vector_load_idx %arg15[%iota3A, %broadcast_in_dim3A_530, %broadcast_in_dim3A_914] : memref<16x10x128xf32, #tpu.memory_space<vmem>>[vector<16xi32>, vector<16xi32>, vector<16xi32>], vector<16xf32>,
        %get3A = arith.index_cast %add3A_916 : i32 to index
        %get3A_917 = arith.constant 0 : index
        %get3A_918 = tpu.vector_load %arg12[%get3A, %get3A_917] {strides = array<i32>} : memref<1280x16xf32, #tpu.memory_space<vmem>>, vector<16xf32>,
        %add3A_919 = arith.addf %gather3A, %get3A_918 : vector<16xf32>
        %get3A_920 = arith.index_cast %add3A_916 : i32 to index
        %get3A_921 = arith.constant 0 : index
        %get3A_922 = tpu.vector_load %arg13[%get3A_920, %get3A_921] {strides = array<i32>} : memref<1280x16xf32, #tpu.memory_space<vmem>>, vector<16xf32>,
        %add3A_923 = arith.addf %add3A_919, %get3A_922 : vector<16xf32>
        tpu.vector_store_idx %arg15[%iota3A, %broadcast_in_dim3A_530, %broadcast_in_dim3A_914], %add3A_923 : memref<16x10x128xf32, #tpu.memory_space<vmem>>[vector<16xi32>, vector<16xi32>, vector<16xi32>], vector<16xf32>,
        %swap3A = arith.index_cast %add3A_916 : i32 to index
        %swap3A_924 = arith.constant 0 : index
        %swap3A_925 = tpu.vector_load %arg14[%swap3A, %swap3A_924] {strides = array<i32>} : memref<1280x16xf32, #tpu.memory_space<vmem>>, vector<16xf32>,
        tpu.vector_store %arg14[%swap3A, %swap3A_924], %add3A_923 {strides = array<i32>} : memref<1280x16xf32, #tpu.memory_space<vmem>>, vector<16xf32>,
      }
      %scan3A_536 = arith.constant 128 : i32
      %broadcast_in_dim3A_537 = arith.constant 7 : i32
      %broadcast_in_dim3A_538 = vector.broadcast %broadcast_in_dim3A_537 : i32 to vector<16xi32>
      %scan3A_539 = arith.constant 0 : i32
      %scan3A_540 = arith.constant 0 : i32
      %scan3A_541 = arith.constant 128 : i32
      %scan3A_542 = arith.addi %scan3A_540, %scan3A_541 : i32
      %scan3A_543 = arith.constant 1 : i32
      scf.for %scan3A_913 = %scan3A_540 to %scan3A_542 step %scan3A_543  : i32 {
        %broadcast_in_dim3A_914 = vector.broadcast %scan3A_913 : i32 to vector<16xi32>
        %add3A_915 = arith.constant 896 : i32
        %add3A_916 = arith.addi %add3A_915, %scan3A_913 : i32
        %gather3A = tpu.vector_load_idx %arg15[%iota3A, %broadcast_in_dim3A_538, %broadcast_in_dim3A_914] : memref<16x10x128xf32, #tpu.memory_space<vmem>>[vector<16xi32>, vector<16xi32>, vector<16xi32>], vector<16xf32>,
        %get3A = arith.index_cast %add3A_916 : i32 to index
        %get3A_917 = arith.constant 0 : index
        %get3A_918 = tpu.vector_load %arg12[%get3A, %get3A_917] {strides = array<i32>} : memref<1280x16xf32, #tpu.memory_space<vmem>>, vector<16xf32>,
        %add3A_919 = arith.addf %gather3A, %get3A_918 : vector<16xf32>
        %get3A_920 = arith.index_cast %add3A_916 : i32 to index
        %get3A_921 = arith.constant 0 : index
        %get3A_922 = tpu.vector_load %arg13[%get3A_920, %get3A_921] {strides = array<i32>} : memref<1280x16xf32, #tpu.memory_space<vmem>>, vector<16xf32>,
        %add3A_923 = arith.addf %add3A_919, %get3A_922 : vector<16xf32>
        tpu.vector_store_idx %arg15[%iota3A, %broadcast_in_dim3A_538, %broadcast_in_dim3A_914], %add3A_923 : memref<16x10x128xf32, #tpu.memory_space<vmem>>[vector<16xi32>, vector<16xi32>, vector<16xi32>], vector<16xf32>,
        %swap3A = arith.index_cast %add3A_916 : i32 to index
        %swap3A_924 = arith.constant 0 : index
        %swap3A_925 = tpu.vector_load %arg14[%swap3A, %swap3A_924] {strides = array<i32>} : memref<1280x16xf32, #tpu.memory_space<vmem>>, vector<16xf32>,
        tpu.vector_store %arg14[%swap3A, %swap3A_924], %add3A_923 {strides = array<i32>} : memref<1280x16xf32, #tpu.memory_space<vmem>>, vector<16xf32>,
      }
      %scan3A_544 = arith.constant 128 : i32
      %broadcast_in_dim3A_545 = arith.constant 8 : i32
      %broadcast_in_dim3A_546 = vector.broadcast %broadcast_in_dim3A_545 : i32 to vector<16xi32>
      %scan3A_547 = arith.constant 0 : i32
      %scan3A_548 = arith.constant 0 : i32
      %scan3A_549 = arith.constant 128 : i32
      %scan3A_550 = arith.addi %scan3A_548, %scan3A_549 : i32
      %scan3A_551 = arith.constant 1 : i32
      scf.for %scan3A_913 = %scan3A_548 to %scan3A_550 step %scan3A_551  : i32 {
        %broadcast_in_dim3A_914 = vector.broadcast %scan3A_913 : i32 to vector<16xi32>
        %add3A_915 = arith.constant 1024 : i32
        %add3A_916 = arith.addi %add3A_915, %scan3A_913 : i32
        %gather3A = tpu.vector_load_idx %arg15[%iota3A, %broadcast_in_dim3A_546, %broadcast_in_dim3A_914] : memref<16x10x128xf32, #tpu.memory_space<vmem>>[vector<16xi32>, vector<16xi32>, vector<16xi32>], vector<16xf32>,
        %get3A = arith.index_cast %add3A_916 : i32 to index
        %get3A_917 = arith.constant 0 : index
        %get3A_918 = tpu.vector_load %arg12[%get3A, %get3A_917] {strides = array<i32>} : memref<1280x16xf32, #tpu.memory_space<vmem>>, vector<16xf32>,
        %add3A_919 = arith.addf %gather3A, %get3A_918 : vector<16xf32>
        %get3A_920 = arith.index_cast %add3A_916 : i32 to index
        %get3A_921 = arith.constant 0 : index
        %get3A_922 = tpu.vector_load %arg13[%get3A_920, %get3A_921] {strides = array<i32>} : memref<1280x16xf32, #tpu.memory_space<vmem>>, vector<16xf32>,
        %add3A_923 = arith.addf %add3A_919, %get3A_922 : vector<16xf32>
        tpu.vector_store_idx %arg15[%iota3A, %broadcast_in_dim3A_546, %broadcast_in_dim3A_914], %add3A_923 : memref<16x10x128xf32, #tpu.memory_space<vmem>>[vector<16xi32>, vector<16xi32>, vector<16xi32>], vector<16xf32>,
        %swap3A = arith.index_cast %add3A_916 : i32 to index
        %swap3A_924 = arith.constant 0 : index
        %swap3A_925 = tpu.vector_load %arg14[%swap3A, %swap3A_924] {strides = array<i32>} : memref<1280x16xf32, #tpu.memory_space<vmem>>, vector<16xf32>,
        tpu.vector_store %arg14[%swap3A, %swap3A_924], %add3A_923 {strides = array<i32>} : memref<1280x16xf32, #tpu.memory_space<vmem>>, vector<16xf32>,
      }
      %scan3A_552 = arith.constant 128 : i32
      %broadcast_in_dim3A_553 = arith.constant 9 : i32
      %broadcast_in_dim3A_554 = vector.broadcast %broadcast_in_dim3A_553 : i32 to vector<16xi32>
      %scan3A_555 = arith.constant 0 : i32
      %scan3A_556 = arith.constant 0 : i32
      %scan3A_557 = arith.constant 128 : i32
      %scan3A_558 = arith.addi %scan3A_556, %scan3A_557 : i32
      %scan3A_559 = arith.constant 1 : i32
      scf.for %scan3A_913 = %scan3A_556 to %scan3A_558 step %scan3A_559  : i32 {
        %broadcast_in_dim3A_914 = vector.broadcast %scan3A_913 : i32 to vector<16xi32>
        %add3A_915 = arith.constant 1152 : i32
        %add3A_916 = arith.addi %add3A_915, %scan3A_913 : i32
        %gather3A = tpu.vector_load_idx %arg15[%iota3A, %broadcast_in_dim3A_554, %broadcast_in_dim3A_914] : memref<16x10x128xf32, #tpu.memory_space<vmem>>[vector<16xi32>, vector<16xi32>, vector<16xi32>], vector<16xf32>,
        %get3A = arith.index_cast %add3A_916 : i32 to index
        %get3A_917 = arith.constant 0 : index
        %get3A_918 = tpu.vector_load %arg12[%get3A, %get3A_917] {strides = array<i32>} : memref<1280x16xf32, #tpu.memory_space<vmem>>, vector<16xf32>,
        %add3A_919 = arith.addf %gather3A, %get3A_918 : vector<16xf32>
        %get3A_920 = arith.index_cast %add3A_916 : i32 to index
        %get3A_921 = arith.constant 0 : index
        %get3A_922 = tpu.vector_load %arg13[%get3A_920, %get3A_921] {strides = array<i32>} : memref<1280x16xf32, #tpu.memory_space<vmem>>, vector<16xf32>,
        %add3A_923 = arith.addf %add3A_919, %get3A_922 : vector<16xf32>
        tpu.vector_store_idx %arg15[%iota3A, %broadcast_in_dim3A_554, %broadcast_in_dim3A_914], %add3A_923 : memref<16x10x128xf32, #tpu.memory_space<vmem>>[vector<16xi32>, vector<16xi32>, vector<16xi32>], vector<16xf32>,
        %swap3A = arith.index_cast %add3A_916 : i32 to index
        %swap3A_924 = arith.constant 0 : index
        %swap3A_925 = tpu.vector_load %arg14[%swap3A, %swap3A_924] {strides = array<i32>} : memref<1280x16xf32, #tpu.memory_space<vmem>>, vector<16xf32>,
        tpu.vector_store %arg14[%swap3A, %swap3A_924], %add3A_923 {strides = array<i32>} : memref<1280x16xf32, #tpu.memory_space<vmem>>, vector<16xf32>,
      }
      %scan3A_560 = arith.constant 128 : i32
      %dma_start3A_561 = arith.constant 0 : i32
      %dma_start3A_562 = arith.constant 0 : i32
      %dma_start3A_563 = tpu.memref_slice %arg7[%dma_start3A_561, %mul3A_38, %dma_start3A_562] : memref<16x2500x128xf32, #tpu.memory_space<hbm>> -> memref<16x10x128xf32, #tpu.memory_space<hbm>>
      %dma_start3A_564 = arith.constant 0 : i32
      %dma_start3A_565 = arith.constant 0 : i32
      %dma_start3A_566 = tpu.memref_slice %arg7[%dma_start3A_564, %mul3A_38, %dma_start3A_565] : memref<16x2500x128xf32, #tpu.memory_space<hbm>> -> memref<16x10x128xf32, #tpu.memory_space<hbm>>
      tpu.enqueue_dma source(%arg15 : memref<16x10x128xf32, #tpu.memory_space<vmem>>) target(%dma_start3A_566 : memref<16x10x128xf32, #tpu.memory_space<hbm>>) target_semaphore(%arg20 : memref<!tpu.dma_semaphore, #tpu.memory_space<semaphore_mem>>)
      %dma_start3A_567 = arith.constant 0 : i32
      %dma_start3A_568 = arith.constant 0 : i32
      %dma_start3A_569 = arith.constant 0 : i32
      %dma_start3A_570 = tpu.memref_slice %arg14[%dma_start3A_568, %dma_start3A_569] : memref<1280x16xf32, #tpu.memory_space<vmem>> -> memref<128x16xf32, #tpu.memory_space<vmem>>
      %dma_start3A_571 = arith.constant 0 : i32
      %dma_start3A_572 = tpu.memref_slice %arg11[%dma_start3A_567, %dma_start3A_571] : memref<10x128xi32, #tpu.memory_space<vmem>> -> memref<1x128xi32, #tpu.memory_space<vmem>>
      %dma_start3A_573 = tpu.memref_squeeze %dma_start3A_572 : memref<1x128xi32, #tpu.memory_space<vmem>> -> memref<128xi32, #tpu.memory_space<vmem>>
      %dma_start3A_574 = arith.constant 0 : i32
      %dma_start3A_575 = arith.constant 0 : i32
      %dma_start3A_576 = tpu.memref_slice %arg18[%dma_start3A_574, %dma_start3A_575] : memref<10000x16xf32, #tpu.memory_space<vmem_shared>> -> memref<10000x16xf32, #tpu.memory_space<vmem_shared>>
      tpu.enqueue_indirect_dma source(%dma_start3A_570 : memref<128x16xf32, #tpu.memory_space<vmem>>) target(%dma_start3A_576 : memref<10000x16xf32, #tpu.memory_space<vmem_shared>>) offsets(%dma_start3A_573 : memref<128xi32, #tpu.memory_space<vmem>>) semaphore(%arg21 : memref<!tpu.dma_semaphore, #tpu.memory_space<semaphore_mem>>) {add = true}
      %dma_start3A_577 = arith.constant 0 : i32
      %dma_start3A_578 = arith.constant 0 : i32
      %dma_start3A_579 = tpu.memref_slice %arg11[%dma_start3A_577, %dma_start3A_578] : memref<10x128xi32, #tpu.memory_space<vmem>> -> memref<1x128xi32, #tpu.memory_space<vmem>>
      %dma_start3A_580 = tpu.memref_squeeze %dma_start3A_579 : memref<1x128xi32, #tpu.memory_space<vmem>> -> memref<128xi32, #tpu.memory_space<vmem>>
      %dma_start3A_581 = arith.constant 0 : i32
      %dma_start3A_582 = arith.constant 0 : i32
      %dma_start3A_583 = tpu.memref_slice %arg19[%dma_start3A_581, %dma_start3A_582] : memref<10000x16xf32, #tpu.memory_space<vmem_shared>> -> memref<10000x16xf32, #tpu.memory_space<vmem_shared>>
      tpu.enqueue_indirect_dma source(%arg16 : memref<128x16xf32, #tpu.memory_space<vmem>>) target(%dma_start3A_583 : memref<10000x16xf32, #tpu.memory_space<vmem_shared>>) offsets(%dma_start3A_580 : memref<128xi32, #tpu.memory_space<vmem>>) semaphore(%arg22 : memref<!tpu.dma_semaphore, #tpu.memory_space<semaphore_mem>>) {add = true}
      %dma_start3A_584 = arith.constant 1 : i32
      %dma_start3A_585 = arith.constant 128 : i32
      %dma_start3A_586 = arith.constant 0 : i32
      %dma_start3A_587 = tpu.memref_slice %arg14[%dma_start3A_585, %dma_start3A_586] : memref<1280x16xf32, #tpu.memory_space<vmem>> -> memref<128x16xf32, #tpu.memory_space<vmem>>
      %dma_start3A_588 = arith.constant 0 : i32
      %dma_start3A_589 = tpu.memref_slice %arg11[%dma_start3A_584, %dma_start3A_588] : memref<10x128xi32, #tpu.memory_space<vmem>> -> memref<1x128xi32, #tpu.memory_space<vmem>>
      %dma_start3A_590 = tpu.memref_squeeze %dma_start3A_589 : memref<1x128xi32, #tpu.memory_space<vmem>> -> memref<128xi32, #tpu.memory_space<vmem>>
      %dma_start3A_591 = arith.constant 0 : i32
      %dma_start3A_592 = arith.constant 0 : i32
      %dma_start3A_593 = tpu.memref_slice %arg18[%dma_start3A_591, %dma_start3A_592] : memref<10000x16xf32, #tpu.memory_space<vmem_shared>> -> memref<10000x16xf32, #tpu.memory_space<vmem_shared>>
      tpu.enqueue_indirect_dma source(%dma_start3A_587 : memref<128x16xf32, #tpu.memory_space<vmem>>) target(%dma_start3A_593 : memref<10000x16xf32, #tpu.memory_space<vmem_shared>>) offsets(%dma_start3A_590 : memref<128xi32, #tpu.memory_space<vmem>>) semaphore(%arg21 : memref<!tpu.dma_semaphore, #tpu.memory_space<semaphore_mem>>) {add = true}
      %dma_start3A_594 = arith.constant 1 : i32
      %dma_start3A_595 = arith.constant 0 : i32
      %dma_start3A_596 = tpu.memref_slice %arg11[%dma_start3A_594, %dma_start3A_595] : memref<10x128xi32, #tpu.memory_space<vmem>> -> memref<1x128xi32, #tpu.memory_space<vmem>>
      %dma_start3A_597 = tpu.memref_squeeze %dma_start3A_596 : memref<1x128xi32, #tpu.memory_space<vmem>> -> memref<128xi32, #tpu.memory_space<vmem>>
      %dma_start3A_598 = arith.constant 0 : i32
      %dma_start3A_599 = arith.constant 0 : i32
      %dma_start3A_600 = tpu.memref_slice %arg19[%dma_start3A_598, %dma_start3A_599] : memref<10000x16xf32, #tpu.memory_space<vmem_shared>> -> memref<10000x16xf32, #tpu.memory_space<vmem_shared>>
      tpu.enqueue_indirect_dma source(%arg16 : memref<128x16xf32, #tpu.memory_space<vmem>>) target(%dma_start3A_600 : memref<10000x16xf32, #tpu.memory_space<vmem_shared>>) offsets(%dma_start3A_597 : memref<128xi32, #tpu.memory_space<vmem>>) semaphore(%arg22 : memref<!tpu.dma_semaphore, #tpu.memory_space<semaphore_mem>>) {add = true}
      %dma_start3A_601 = arith.constant 2 : i32
      %dma_start3A_602 = arith.constant 256 : i32
      %dma_start3A_603 = arith.constant 0 : i32
      %dma_start3A_604 = tpu.memref_slice %arg14[%dma_start3A_602, %dma_start3A_603] : memref<1280x16xf32, #tpu.memory_space<vmem>> -> memref<128x16xf32, #tpu.memory_space<vmem>>
      %dma_start3A_605 = arith.constant 0 : i32
      %dma_start3A_606 = tpu.memref_slice %arg11[%dma_start3A_601, %dma_start3A_605] : memref<10x128xi32, #tpu.memory_space<vmem>> -> memref<1x128xi32, #tpu.memory_space<vmem>>
      %dma_start3A_607 = tpu.memref_squeeze %dma_start3A_606 : memref<1x128xi32, #tpu.memory_space<vmem>> -> memref<128xi32, #tpu.memory_space<vmem>>
      %dma_start3A_608 = arith.constant 0 : i32
      %dma_start3A_609 = arith.constant 0 : i32
      %dma_start3A_610 = tpu.memref_slice %arg18[%dma_start3A_608, %dma_start3A_609] : memref<10000x16xf32, #tpu.memory_space<vmem_shared>> -> memref<10000x16xf32, #tpu.memory_space<vmem_shared>>
      tpu.enqueue_indirect_dma source(%dma_start3A_604 : memref<128x16xf32, #tpu.memory_space<vmem>>) target(%dma_start3A_610 : memref<10000x16xf32, #tpu.memory_space<vmem_shared>>) offsets(%dma_start3A_607 : memref<128xi32, #tpu.memory_space<vmem>>) semaphore(%arg21 : memref<!tpu.dma_semaphore, #tpu.memory_space<semaphore_mem>>) {add = true}
      %dma_start3A_611 = arith.constant 2 : i32
      %dma_start3A_612 = arith.constant 0 : i32
      %dma_start3A_613 = tpu.memref_slice %arg11[%dma_start3A_611, %dma_start3A_612] : memref<10x128xi32, #tpu.memory_space<vmem>> -> memref<1x128xi32, #tpu.memory_space<vmem>>
      %dma_start3A_614 = tpu.memref_squeeze %dma_start3A_613 : memref<1x128xi32, #tpu.memory_space<vmem>> -> memref<128xi32, #tpu.memory_space<vmem>>
      %dma_start3A_615 = arith.constant 0 : i32
      %dma_start3A_616 = arith.constant 0 : i32
      %dma_start3A_617 = tpu.memref_slice %arg19[%dma_start3A_615, %dma_start3A_616] : memref<10000x16xf32, #tpu.memory_space<vmem_shared>> -> memref<10000x16xf32, #tpu.memory_space<vmem_shared>>
      tpu.enqueue_indirect_dma source(%arg16 : memref<128x16xf32, #tpu.memory_space<vmem>>) target(%dma_start3A_617 : memref<10000x16xf32, #tpu.memory_space<vmem_shared>>) offsets(%dma_start3A_614 : memref<128xi32, #tpu.memory_space<vmem>>) semaphore(%arg22 : memref<!tpu.dma_semaphore, #tpu.memory_space<semaphore_mem>>) {add = true}
      %dma_start3A_618 = arith.constant 3 : i32
      %dma_start3A_619 = arith.constant 384 : i32
      %dma_start3A_620 = arith.constant 0 : i32
      %dma_start3A_621 = tpu.memref_slice %arg14[%dma_start3A_619, %dma_start3A_620] : memref<1280x16xf32, #tpu.memory_space<vmem>> -> memref<128x16xf32, #tpu.memory_space<vmem>>
      %dma_start3A_622 = arith.constant 0 : i32
      %dma_start3A_623 = tpu.memref_slice %arg11[%dma_start3A_618, %dma_start3A_622] : memref<10x128xi32, #tpu.memory_space<vmem>> -> memref<1x128xi32, #tpu.memory_space<vmem>>
      %dma_start3A_624 = tpu.memref_squeeze %dma_start3A_623 : memref<1x128xi32, #tpu.memory_space<vmem>> -> memref<128xi32, #tpu.memory_space<vmem>>
      %dma_start3A_625 = arith.constant 0 : i32
      %dma_start3A_626 = arith.constant 0 : i32
      %dma_start3A_627 = tpu.memref_slice %arg18[%dma_start3A_625, %dma_start3A_626] : memref<10000x16xf32, #tpu.memory_space<vmem_shared>> -> memref<10000x16xf32, #tpu.memory_space<vmem_shared>>
      tpu.enqueue_indirect_dma source(%dma_start3A_621 : memref<128x16xf32, #tpu.memory_space<vmem>>) target(%dma_start3A_627 : memref<10000x16xf32, #tpu.memory_space<vmem_shared>>) offsets(%dma_start3A_624 : memref<128xi32, #tpu.memory_space<vmem>>) semaphore(%arg21 : memref<!tpu.dma_semaphore, #tpu.memory_space<semaphore_mem>>) {add = true}
      %dma_start3A_628 = arith.constant 3 : i32
      %dma_start3A_629 = arith.constant 0 : i32
      %dma_start3A_630 = tpu.memref_slice %arg11[%dma_start3A_628, %dma_start3A_629] : memref<10x128xi32, #tpu.memory_space<vmem>> -> memref<1x128xi32, #tpu.memory_space<vmem>>
      %dma_start3A_631 = tpu.memref_squeeze %dma_start3A_630 : memref<1x128xi32, #tpu.memory_space<vmem>> -> memref<128xi32, #tpu.memory_space<vmem>>
      %dma_start3A_632 = arith.constant 0 : i32
      %dma_start3A_633 = arith.constant 0 : i32
      %dma_start3A_634 = tpu.memref_slice %arg19[%dma_start3A_632, %dma_start3A_633] : memref<10000x16xf32, #tpu.memory_space<vmem_shared>> -> memref<10000x16xf32, #tpu.memory_space<vmem_shared>>
      tpu.enqueue_indirect_dma source(%arg16 : memref<128x16xf32, #tpu.memory_space<vmem>>) target(%dma_start3A_634 : memref<10000x16xf32, #tpu.memory_space<vmem_shared>>) offsets(%dma_start3A_631 : memref<128xi32, #tpu.memory_space<vmem>>) semaphore(%arg22 : memref<!tpu.dma_semaphore, #tpu.memory_space<semaphore_mem>>) {add = true}
      %dma_start3A_635 = arith.constant 4 : i32
      %dma_start3A_636 = arith.constant 512 : i32
      %dma_start3A_637 = arith.constant 0 : i32
      %dma_start3A_638 = tpu.memref_slice %arg14[%dma_start3A_636, %dma_start3A_637] : memref<1280x16xf32, #tpu.memory_space<vmem>> -> memref<128x16xf32, #tpu.memory_space<vmem>>
      %dma_start3A_639 = arith.constant 0 : i32
      %dma_start3A_640 = tpu.memref_slice %arg11[%dma_start3A_635, %dma_start3A_639] : memref<10x128xi32, #tpu.memory_space<vmem>> -> memref<1x128xi32, #tpu.memory_space<vmem>>
      %dma_start3A_641 = tpu.memref_squeeze %dma_start3A_640 : memref<1x128xi32, #tpu.memory_space<vmem>> -> memref<128xi32, #tpu.memory_space<vmem>>
      %dma_start3A_642 = arith.constant 0 : i32
      %dma_start3A_643 = arith.constant 0 : i32
      %dma_start3A_644 = tpu.memref_slice %arg18[%dma_start3A_642, %dma_start3A_643] : memref<10000x16xf32, #tpu.memory_space<vmem_shared>> -> memref<10000x16xf32, #tpu.memory_space<vmem_shared>>
      tpu.enqueue_indirect_dma source(%dma_start3A_638 : memref<128x16xf32, #tpu.memory_space<vmem>>) target(%dma_start3A_644 : memref<10000x16xf32, #tpu.memory_space<vmem_shared>>) offsets(%dma_start3A_641 : memref<128xi32, #tpu.memory_space<vmem>>) semaphore(%arg21 : memref<!tpu.dma_semaphore, #tpu.memory_space<semaphore_mem>>) {add = true}
      %dma_start3A_645 = arith.constant 4 : i32
      %dma_start3A_646 = arith.constant 0 : i32
      %dma_start3A_647 = tpu.memref_slice %arg11[%dma_start3A_645, %dma_start3A_646] : memref<10x128xi32, #tpu.memory_space<vmem>> -> memref<1x128xi32, #tpu.memory_space<vmem>>
      %dma_start3A_648 = tpu.memref_squeeze %dma_start3A_647 : memref<1x128xi32, #tpu.memory_space<vmem>> -> memref<128xi32, #tpu.memory_space<vmem>>
      %dma_start3A_649 = arith.constant 0 : i32
      %dma_start3A_650 = arith.constant 0 : i32
      %dma_start3A_651 = tpu.memref_slice %arg19[%dma_start3A_649, %dma_start3A_650] : memref<10000x16xf32, #tpu.memory_space<vmem_shared>> -> memref<10000x16xf32, #tpu.memory_space<vmem_shared>>
      tpu.enqueue_indirect_dma source(%arg16 : memref<128x16xf32, #tpu.memory_space<vmem>>) target(%dma_start3A_651 : memref<10000x16xf32, #tpu.memory_space<vmem_shared>>) offsets(%dma_start3A_648 : memref<128xi32, #tpu.memory_space<vmem>>) semaphore(%arg22 : memref<!tpu.dma_semaphore, #tpu.memory_space<semaphore_mem>>) {add = true}
      %dma_start3A_652 = arith.constant 5 : i32
      %dma_start3A_653 = arith.constant 640 : i32
      %dma_start3A_654 = arith.constant 0 : i32
      %dma_start3A_655 = tpu.memref_slice %arg14[%dma_start3A_653, %dma_start3A_654] : memref<1280x16xf32, #tpu.memory_space<vmem>> -> memref<128x16xf32, #tpu.memory_space<vmem>>
      %dma_start3A_656 = arith.constant 0 : i32
      %dma_start3A_657 = tpu.memref_slice %arg11[%dma_start3A_652, %dma_start3A_656] : memref<10x128xi32, #tpu.memory_space<vmem>> -> memref<1x128xi32, #tpu.memory_space<vmem>>
      %dma_start3A_658 = tpu.memref_squeeze %dma_start3A_657 : memref<1x128xi32, #tpu.memory_space<vmem>> -> memref<128xi32, #tpu.memory_space<vmem>>
      %dma_start3A_659 = arith.constant 0 : i32
      %dma_start3A_660 = arith.constant 0 : i32
      %dma_start3A_661 = tpu.memref_slice %arg18[%dma_start3A_659, %dma_start3A_660] : memref<10000x16xf32, #tpu.memory_space<vmem_shared>> -> memref<10000x16xf32, #tpu.memory_space<vmem_shared>>
      tpu.enqueue_indirect_dma source(%dma_start3A_655 : memref<128x16xf32, #tpu.memory_space<vmem>>) target(%dma_start3A_661 : memref<10000x16xf32, #tpu.memory_space<vmem_shared>>) offsets(%dma_start3A_658 : memref<128xi32, #tpu.memory_space<vmem>>) semaphore(%arg21 : memref<!tpu.dma_semaphore, #tpu.memory_space<semaphore_mem>>) {add = true}
      %dma_start3A_662 = arith.constant 5 : i32
      %dma_start3A_663 = arith.constant 0 : i32
      %dma_start3A_664 = tpu.memref_slice %arg11[%dma_start3A_662, %dma_start3A_663] : memref<10x128xi32, #tpu.memory_space<vmem>> -> memref<1x128xi32, #tpu.memory_space<vmem>>
      %dma_start3A_665 = tpu.memref_squeeze %dma_start3A_664 : memref<1x128xi32, #tpu.memory_space<vmem>> -> memref<128xi32, #tpu.memory_space<vmem>>
      %dma_start3A_666 = arith.constant 0 : i32
      %dma_start3A_667 = arith.constant 0 : i32
      %dma_start3A_668 = tpu.memref_slice %arg19[%dma_start3A_666, %dma_start3A_667] : memref<10000x16xf32, #tpu.memory_space<vmem_shared>> -> memref<10000x16xf32, #tpu.memory_space<vmem_shared>>
      tpu.enqueue_indirect_dma source(%arg16 : memref<128x16xf32, #tpu.memory_space<vmem>>) target(%dma_start3A_668 : memref<10000x16xf32, #tpu.memory_space<vmem_shared>>) offsets(%dma_start3A_665 : memref<128xi32, #tpu.memory_space<vmem>>) semaphore(%arg22 : memref<!tpu.dma_semaphore, #tpu.memory_space<semaphore_mem>>) {add = true}
      %dma_start3A_669 = arith.constant 6 : i32
      %dma_start3A_670 = arith.constant 768 : i32
      %dma_start3A_671 = arith.constant 0 : i32
      %dma_start3A_672 = tpu.memref_slice %arg14[%dma_start3A_670, %dma_start3A_671] : memref<1280x16xf32, #tpu.memory_space<vmem>> -> memref<128x16xf32, #tpu.memory_space<vmem>>
      %dma_start3A_673 = arith.constant 0 : i32
      %dma_start3A_674 = tpu.memref_slice %arg11[%dma_start3A_669, %dma_start3A_673] : memref<10x128xi32, #tpu.memory_space<vmem>> -> memref<1x128xi32, #tpu.memory_space<vmem>>
      %dma_start3A_675 = tpu.memref_squeeze %dma_start3A_674 : memref<1x128xi32, #tpu.memory_space<vmem>> -> memref<128xi32, #tpu.memory_space<vmem>>
      %dma_start3A_676 = arith.constant 0 : i32
      %dma_start3A_677 = arith.constant 0 : i32
      %dma_start3A_678 = tpu.memref_slice %arg18[%dma_start3A_676, %dma_start3A_677] : memref<10000x16xf32, #tpu.memory_space<vmem_shared>> -> memref<10000x16xf32, #tpu.memory_space<vmem_shared>>
      tpu.enqueue_indirect_dma source(%dma_start3A_672 : memref<128x16xf32, #tpu.memory_space<vmem>>) target(%dma_start3A_678 : memref<10000x16xf32, #tpu.memory_space<vmem_shared>>) offsets(%dma_start3A_675 : memref<128xi32, #tpu.memory_space<vmem>>) semaphore(%arg21 : memref<!tpu.dma_semaphore, #tpu.memory_space<semaphore_mem>>) {add = true}
      %dma_start3A_679 = arith.constant 6 : i32
      %dma_start3A_680 = arith.constant 0 : i32
      %dma_start3A_681 = tpu.memref_slice %arg11[%dma_start3A_679, %dma_start3A_680] : memref<10x128xi32, #tpu.memory_space<vmem>> -> memref<1x128xi32, #tpu.memory_space<vmem>>
      %dma_start3A_682 = tpu.memref_squeeze %dma_start3A_681 : memref<1x128xi32, #tpu.memory_space<vmem>> -> memref<128xi32, #tpu.memory_space<vmem>>
      %dma_start3A_683 = arith.constant 0 : i32
      %dma_start3A_684 = arith.constant 0 : i32
      %dma_start3A_685 = tpu.memref_slice %arg19[%dma_start3A_683, %dma_start3A_684] : memref<10000x16xf32, #tpu.memory_space<vmem_shared>> -> memref<10000x16xf32, #tpu.memory_space<vmem_shared>>
      tpu.enqueue_indirect_dma source(%arg16 : memref<128x16xf32, #tpu.memory_space<vmem>>) target(%dma_start3A_685 : memref<10000x16xf32, #tpu.memory_space<vmem_shared>>) offsets(%dma_start3A_682 : memref<128xi32, #tpu.memory_space<vmem>>) semaphore(%arg22 : memref<!tpu.dma_semaphore, #tpu.memory_space<semaphore_mem>>) {add = true}
      %dma_start3A_686 = arith.constant 7 : i32
      %dma_start3A_687 = arith.constant 896 : i32
      %dma_start3A_688 = arith.constant 0 : i32
      %dma_start3A_689 = tpu.memref_slice %arg14[%dma_start3A_687, %dma_start3A_688] : memref<1280x16xf32, #tpu.memory_space<vmem>> -> memref<128x16xf32, #tpu.memory_space<vmem>>
      %dma_start3A_690 = arith.constant 0 : i32
      %dma_start3A_691 = tpu.memref_slice %arg11[%dma_start3A_686, %dma_start3A_690] : memref<10x128xi32, #tpu.memory_space<vmem>> -> memref<1x128xi32, #tpu.memory_space<vmem>>
      %dma_start3A_692 = tpu.memref_squeeze %dma_start3A_691 : memref<1x128xi32, #tpu.memory_space<vmem>> -> memref<128xi32, #tpu.memory_space<vmem>>
      %dma_start3A_693 = arith.constant 0 : i32
      %dma_start3A_694 = arith.constant 0 : i32
      %dma_start3A_695 = tpu.memref_slice %arg18[%dma_start3A_693, %dma_start3A_694] : memref<10000x16xf32, #tpu.memory_space<vmem_shared>> -> memref<10000x16xf32, #tpu.memory_space<vmem_shared>>
      tpu.enqueue_indirect_dma source(%dma_start3A_689 : memref<128x16xf32, #tpu.memory_space<vmem>>) target(%dma_start3A_695 : memref<10000x16xf32, #tpu.memory_space<vmem_shared>>) offsets(%dma_start3A_692 : memref<128xi32, #tpu.memory_space<vmem>>) semaphore(%arg21 : memref<!tpu.dma_semaphore, #tpu.memory_space<semaphore_mem>>) {add = true}
      %dma_start3A_696 = arith.constant 7 : i32
      %dma_start3A_697 = arith.constant 0 : i32
      %dma_start3A_698 = tpu.memref_slice %arg11[%dma_start3A_696, %dma_start3A_697] : memref<10x128xi32, #tpu.memory_space<vmem>> -> memref<1x128xi32, #tpu.memory_space<vmem>>
      %dma_start3A_699 = tpu.memref_squeeze %dma_start3A_698 : memref<1x128xi32, #tpu.memory_space<vmem>> -> memref<128xi32, #tpu.memory_space<vmem>>
      %dma_start3A_700 = arith.constant 0 : i32
      %dma_start3A_701 = arith.constant 0 : i32
      %dma_start3A_702 = tpu.memref_slice %arg19[%dma_start3A_700, %dma_start3A_701] : memref<10000x16xf32, #tpu.memory_space<vmem_shared>> -> memref<10000x16xf32, #tpu.memory_space<vmem_shared>>
      tpu.enqueue_indirect_dma source(%arg16 : memref<128x16xf32, #tpu.memory_space<vmem>>) target(%dma_start3A_702 : memref<10000x16xf32, #tpu.memory_space<vmem_shared>>) offsets(%dma_start3A_699 : memref<128xi32, #tpu.memory_space<vmem>>) semaphore(%arg22 : memref<!tpu.dma_semaphore, #tpu.memory_space<semaphore_mem>>) {add = true}
      %dma_start3A_703 = arith.constant 8 : i32
      %dma_start3A_704 = arith.constant 1024 : i32
      %dma_start3A_705 = arith.constant 0 : i32
      %dma_start3A_706 = tpu.memref_slice %arg14[%dma_start3A_704, %dma_start3A_705] : memref<1280x16xf32, #tpu.memory_space<vmem>> -> memref<128x16xf32, #tpu.memory_space<vmem>>
      %dma_start3A_707 = arith.constant 0 : i32
      %dma_start3A_708 = tpu.memref_slice %arg11[%dma_start3A_703, %dma_start3A_707] : memref<10x128xi32, #tpu.memory_space<vmem>> -> memref<1x128xi32, #tpu.memory_space<vmem>>
      %dma_start3A_709 = tpu.memref_squeeze %dma_start3A_708 : memref<1x128xi32, #tpu.memory_space<vmem>> -> memref<128xi32, #tpu.memory_space<vmem>>
      %dma_start3A_710 = arith.constant 0 : i32
      %dma_start3A_711 = arith.constant 0 : i32
      %dma_start3A_712 = tpu.memref_slice %arg18[%dma_start3A_710, %dma_start3A_711] : memref<10000x16xf32, #tpu.memory_space<vmem_shared>> -> memref<10000x16xf32, #tpu.memory_space<vmem_shared>>
      tpu.enqueue_indirect_dma source(%dma_start3A_706 : memref<128x16xf32, #tpu.memory_space<vmem>>) target(%dma_start3A_712 : memref<10000x16xf32, #tpu.memory_space<vmem_shared>>) offsets(%dma_start3A_709 : memref<128xi32, #tpu.memory_space<vmem>>) semaphore(%arg21 : memref<!tpu.dma_semaphore, #tpu.memory_space<semaphore_mem>>) {add = true}
      %dma_start3A_713 = arith.constant 8 : i32
      %dma_start3A_714 = arith.constant 0 : i32
      %dma_start3A_715 = tpu.memref_slice %arg11[%dma_start3A_713, %dma_start3A_714] : memref<10x128xi32, #tpu.memory_space<vmem>> -> memref<1x128xi32, #tpu.memory_space<vmem>>
      %dma_start3A_716 = tpu.memref_squeeze %dma_start3A_715 : memref<1x128xi32, #tpu.memory_space<vmem>> -> memref<128xi32, #tpu.memory_space<vmem>>
      %dma_start3A_717 = arith.constant 0 : i32
      %dma_start3A_718 = arith.constant 0 : i32
      %dma_start3A_719 = tpu.memref_slice %arg19[%dma_start3A_717, %dma_start3A_718] : memref<10000x16xf32, #tpu.memory_space<vmem_shared>> -> memref<10000x16xf32, #tpu.memory_space<vmem_shared>>
      tpu.enqueue_indirect_dma source(%arg16 : memref<128x16xf32, #tpu.memory_space<vmem>>) target(%dma_start3A_719 : memref<10000x16xf32, #tpu.memory_space<vmem_shared>>) offsets(%dma_start3A_716 : memref<128xi32, #tpu.memory_space<vmem>>) semaphore(%arg22 : memref<!tpu.dma_semaphore, #tpu.memory_space<semaphore_mem>>) {add = true}
      %dma_start3A_720 = arith.constant 9 : i32
      %dma_start3A_721 = arith.constant 1152 : i32
      %dma_start3A_722 = arith.constant 0 : i32
      %dma_start3A_723 = tpu.memref_slice %arg14[%dma_start3A_721, %dma_start3A_722] : memref<1280x16xf32, #tpu.memory_space<vmem>> -> memref<128x16xf32, #tpu.memory_space<vmem>>
      %dma_start3A_724 = arith.constant 0 : i32
      %dma_start3A_725 = tpu.memref_slice %arg11[%dma_start3A_720, %dma_start3A_724] : memref<10x128xi32, #tpu.memory_space<vmem>> -> memref<1x128xi32, #tpu.memory_space<vmem>>
      %dma_start3A_726 = tpu.memref_squeeze %dma_start3A_725 : memref<1x128xi32, #tpu.memory_space<vmem>> -> memref<128xi32, #tpu.memory_space<vmem>>
      %dma_start3A_727 = arith.constant 0 : i32
      %dma_start3A_728 = arith.constant 0 : i32
      %dma_start3A_729 = tpu.memref_slice %arg18[%dma_start3A_727, %dma_start3A_728] : memref<10000x16xf32, #tpu.memory_space<vmem_shared>> -> memref<10000x16xf32, #tpu.memory_space<vmem_shared>>
      tpu.enqueue_indirect_dma source(%dma_start3A_723 : memref<128x16xf32, #tpu.memory_space<vmem>>) target(%dma_start3A_729 : memref<10000x16xf32, #tpu.memory_space<vmem_shared>>) offsets(%dma_start3A_726 : memref<128xi32, #tpu.memory_space<vmem>>) semaphore(%arg21 : memref<!tpu.dma_semaphore, #tpu.memory_space<semaphore_mem>>) {add = true}
      %dma_start3A_730 = arith.constant 9 : i32
      %dma_start3A_731 = arith.constant 0 : i32
      %dma_start3A_732 = tpu.memref_slice %arg11[%dma_start3A_730, %dma_start3A_731] : memref<10x128xi32, #tpu.memory_space<vmem>> -> memref<1x128xi32, #tpu.memory_space<vmem>>
      %dma_start3A_733 = tpu.memref_squeeze %dma_start3A_732 : memref<1x128xi32, #tpu.memory_space<vmem>> -> memref<128xi32, #tpu.memory_space<vmem>>
      %dma_start3A_734 = arith.constant 0 : i32
      %dma_start3A_735 = arith.constant 0 : i32
      %dma_start3A_736 = tpu.memref_slice %arg19[%dma_start3A_734, %dma_start3A_735] : memref<10000x16xf32, #tpu.memory_space<vmem_shared>> -> memref<10000x16xf32, #tpu.memory_space<vmem_shared>>
      tpu.enqueue_indirect_dma source(%arg16 : memref<128x16xf32, #tpu.memory_space<vmem>>) target(%dma_start3A_736 : memref<10000x16xf32, #tpu.memory_space<vmem_shared>>) offsets(%dma_start3A_733 : memref<128xi32, #tpu.memory_space<vmem>>) semaphore(%arg22 : memref<!tpu.dma_semaphore, #tpu.memory_space<semaphore_mem>>) {add = true}
      %dma_wait3A_737 = arith.constant 0 : i32
      %dma_wait3A_738 = arith.constant 0 : i32
      %dma_wait3A_739 = tpu.memref_slice %arg7[%dma_wait3A_737, %mul3A_38, %dma_wait3A_738] : memref<16x2500x128xf32, #tpu.memory_space<hbm>> -> memref<16x10x128xf32, #tpu.memory_space<hbm>>
      %dma_wait3A_740 = arith.constant 0 : i32
      %dma_wait3A_741 = arith.constant 0 : i32
      %dma_wait3A_742 = tpu.memref_slice %arg7[%dma_wait3A_740, %mul3A_38, %dma_wait3A_741] : memref<16x2500x128xf32, #tpu.memory_space<hbm>> -> memref<16x10x128xf32, #tpu.memory_space<hbm>>
      tpu.wait_dma2 semaphore(%arg20 : memref<!tpu.dma_semaphore, #tpu.memory_space<semaphore_mem>>) src(%arg15 : memref<16x10x128xf32, #tpu.memory_space<vmem>>) dst(%dma_wait3A_742 : memref<16x10x128xf32, #tpu.memory_space<hbm>>)
      %dma_wait3A_743 = arith.constant 0 : i32
      %dma_wait3A_744 = arith.constant 0 : i32
      %dma_wait3A_745 = arith.constant 0 : i32
      %dma_wait3A_746 = tpu.memref_slice %arg14[%dma_wait3A_744, %dma_wait3A_745] : memref<1280x16xf32, #tpu.memory_space<vmem>> -> memref<128x16xf32, #tpu.memory_space<vmem>>
      %dma_wait3A_747 = arith.constant 0 : i32
      %dma_wait3A_748 = tpu.memref_slice %arg11[%dma_wait3A_743, %dma_wait3A_747] : memref<10x128xi32, #tpu.memory_space<vmem>> -> memref<1x128xi32, #tpu.memory_space<vmem>>
      %dma_wait3A_749 = tpu.memref_squeeze %dma_wait3A_748 : memref<1x128xi32, #tpu.memory_space<vmem>> -> memref<128xi32, #tpu.memory_space<vmem>>
      %dma_wait3A_750 = arith.constant 0 : i32
      %dma_wait3A_751 = arith.constant 0 : i32
      %dma_wait3A_752 = tpu.memref_slice %arg18[%dma_wait3A_750, %dma_wait3A_751] : memref<10000x16xf32, #tpu.memory_space<vmem_shared>> -> memref<10000x16xf32, #tpu.memory_space<vmem_shared>>
      tpu.wait_indirect_dma semaphore(%arg21 : memref<!tpu.dma_semaphore, #tpu.memory_space<semaphore_mem>>) src(%dma_wait3A_746 : memref<128x16xf32, #tpu.memory_space<vmem>>) dst(%dma_wait3A_752 : memref<10000x16xf32, #tpu.memory_space<vmem_shared>>)
      %dma_wait3A_753 = arith.constant 0 : i32
      %dma_wait3A_754 = arith.constant 0 : i32
      %dma_wait3A_755 = tpu.memref_slice %arg11[%dma_wait3A_753, %dma_wait3A_754] : memref<10x128xi32, #tpu.memory_space<vmem>> -> memref<1x128xi32, #tpu.memory_space<vmem>>
      %dma_wait3A_756 = tpu.memref_squeeze %dma_wait3A_755 : memref<1x128xi32, #tpu.memory_space<vmem>> -> memref<128xi32, #tpu.memory_space<vmem>>
      %dma_wait3A_757 = arith.constant 0 : i32
      %dma_wait3A_758 = arith.constant 0 : i32
      %dma_wait3A_759 = tpu.memref_slice %arg19[%dma_wait3A_757, %dma_wait3A_758] : memref<10000x16xf32, #tpu.memory_space<vmem_shared>> -> memref<10000x16xf32, #tpu.memory_space<vmem_shared>>
      tpu.wait_indirect_dma semaphore(%arg22 : memref<!tpu.dma_semaphore, #tpu.memory_space<semaphore_mem>>) src(%arg16 : memref<128x16xf32, #tpu.memory_space<vmem>>) dst(%dma_wait3A_759 : memref<10000x16xf32, #tpu.memory_space<vmem_shared>>)
      %dma_wait3A_760 = arith.constant 1 : i32
      %dma_wait3A_761 = arith.constant 128 : i32
      %dma_wait3A_762 = arith.constant 0 : i32
      %dma_wait3A_763 = tpu.memref_slice %arg14[%dma_wait3A_761, %dma_wait3A_762] : memref<1280x16xf32, #tpu.memory_space<vmem>> -> memref<128x16xf32, #tpu.memory_space<vmem>>
      %dma_wait3A_764 = arith.constant 0 : i32
      %dma_wait3A_765 = tpu.memref_slice %arg11[%dma_wait3A_760, %dma_wait3A_764] : memref<10x128xi32, #tpu.memory_space<vmem>> -> memref<1x128xi32, #tpu.memory_space<vmem>>
      %dma_wait3A_766 = tpu.memref_squeeze %dma_wait3A_765 : memref<1x128xi32, #tpu.memory_space<vmem>> -> memref<128xi32, #tpu.memory_space<vmem>>
      %dma_wait3A_767 = arith.constant 0 : i32
      %dma_wait3A_768 = arith.constant 0 : i32
      %dma_wait3A_769 = tpu.memref_slice %arg18[%dma_wait3A_767, %dma_wait3A_768] : memref<10000x16xf32, #tpu.memory_space<vmem_shared>> -> memref<10000x16xf32, #tpu.memory_space<vmem_shared>>
      tpu.wait_indirect_dma semaphore(%arg21 : memref<!tpu.dma_semaphore, #tpu.memory_space<semaphore_mem>>) src(%dma_wait3A_763 : memref<128x16xf32, #tpu.memory_space<vmem>>) dst(%dma_wait3A_769 : memref<10000x16xf32, #tpu.memory_space<vmem_shared>>)
      %dma_wait3A_770 = arith.constant 1 : i32
      %dma_wait3A_771 = arith.constant 0 : i32
      %dma_wait3A_772 = tpu.memref_slice %arg11[%dma_wait3A_770, %dma_wait3A_771] : memref<10x128xi32, #tpu.memory_space<vmem>> -> memref<1x128xi32, #tpu.memory_space<vmem>>
      %dma_wait3A_773 = tpu.memref_squeeze %dma_wait3A_772 : memref<1x128xi32, #tpu.memory_space<vmem>> -> memref<128xi32, #tpu.memory_space<vmem>>
      %dma_wait3A_774 = arith.constant 0 : i32
      %dma_wait3A_775 = arith.constant 0 : i32
      %dma_wait3A_776 = tpu.memref_slice %arg19[%dma_wait3A_774, %dma_wait3A_775] : memref<10000x16xf32, #tpu.memory_space<vmem_shared>> -> memref<10000x16xf32, #tpu.memory_space<vmem_shared>>
      tpu.wait_indirect_dma semaphore(%arg22 : memref<!tpu.dma_semaphore, #tpu.memory_space<semaphore_mem>>) src(%arg16 : memref<128x16xf32, #tpu.memory_space<vmem>>) dst(%dma_wait3A_776 : memref<10000x16xf32, #tpu.memory_space<vmem_shared>>)
      %dma_wait3A_777 = arith.constant 2 : i32
      %dma_wait3A_778 = arith.constant 256 : i32
      %dma_wait3A_779 = arith.constant 0 : i32
      %dma_wait3A_780 = tpu.memref_slice %arg14[%dma_wait3A_778, %dma_wait3A_779] : memref<1280x16xf32, #tpu.memory_space<vmem>> -> memref<128x16xf32, #tpu.memory_space<vmem>>
      %dma_wait3A_781 = arith.constant 0 : i32
      %dma_wait3A_782 = tpu.memref_slice %arg11[%dma_wait3A_777, %dma_wait3A_781] : memref<10x128xi32, #tpu.memory_space<vmem>> -> memref<1x128xi32, #tpu.memory_space<vmem>>
      %dma_wait3A_783 = tpu.memref_squeeze %dma_wait3A_782 : memref<1x128xi32, #tpu.memory_space<vmem>> -> memref<128xi32, #tpu.memory_space<vmem>>
      %dma_wait3A_784 = arith.constant 0 : i32
      %dma_wait3A_785 = arith.constant 0 : i32
      %dma_wait3A_786 = tpu.memref_slice %arg18[%dma_wait3A_784, %dma_wait3A_785] : memref<10000x16xf32, #tpu.memory_space<vmem_shared>> -> memref<10000x16xf32, #tpu.memory_space<vmem_shared>>
      tpu.wait_indirect_dma semaphore(%arg21 : memref<!tpu.dma_semaphore, #tpu.memory_space<semaphore_mem>>) src(%dma_wait3A_780 : memref<128x16xf32, #tpu.memory_space<vmem>>) dst(%dma_wait3A_786 : memref<10000x16xf32, #tpu.memory_space<vmem_shared>>)
      %dma_wait3A_787 = arith.constant 2 : i32
      %dma_wait3A_788 = arith.constant 0 : i32
      %dma_wait3A_789 = tpu.memref_slice %arg11[%dma_wait3A_787, %dma_wait3A_788] : memref<10x128xi32, #tpu.memory_space<vmem>> -> memref<1x128xi32, #tpu.memory_space<vmem>>
      %dma_wait3A_790 = tpu.memref_squeeze %dma_wait3A_789 : memref<1x128xi32, #tpu.memory_space<vmem>> -> memref<128xi32, #tpu.memory_space<vmem>>
      %dma_wait3A_791 = arith.constant 0 : i32
      %dma_wait3A_792 = arith.constant 0 : i32
      %dma_wait3A_793 = tpu.memref_slice %arg19[%dma_wait3A_791, %dma_wait3A_792] : memref<10000x16xf32, #tpu.memory_space<vmem_shared>> -> memref<10000x16xf32, #tpu.memory_space<vmem_shared>>
      tpu.wait_indirect_dma semaphore(%arg22 : memref<!tpu.dma_semaphore, #tpu.memory_space<semaphore_mem>>) src(%arg16 : memref<128x16xf32, #tpu.memory_space<vmem>>) dst(%dma_wait3A_793 : memref<10000x16xf32, #tpu.memory_space<vmem_shared>>)
      %dma_wait3A_794 = arith.constant 3 : i32
      %dma_wait3A_795 = arith.constant 384 : i32
      %dma_wait3A_796 = arith.constant 0 : i32
      %dma_wait3A_797 = tpu.memref_slice %arg14[%dma_wait3A_795, %dma_wait3A_796] : memref<1280x16xf32, #tpu.memory_space<vmem>> -> memref<128x16xf32, #tpu.memory_space<vmem>>
      %dma_wait3A_798 = arith.constant 0 : i32
      %dma_wait3A_799 = tpu.memref_slice %arg11[%dma_wait3A_794, %dma_wait3A_798] : memref<10x128xi32, #tpu.memory_space<vmem>> -> memref<1x128xi32, #tpu.memory_space<vmem>>
      %dma_wait3A_800 = tpu.memref_squeeze %dma_wait3A_799 : memref<1x128xi32, #tpu.memory_space<vmem>> -> memref<128xi32, #tpu.memory_space<vmem>>
      %dma_wait3A_801 = arith.constant 0 : i32
      %dma_wait3A_802 = arith.constant 0 : i32
      %dma_wait3A_803 = tpu.memref_slice %arg18[%dma_wait3A_801, %dma_wait3A_802] : memref<10000x16xf32, #tpu.memory_space<vmem_shared>> -> memref<10000x16xf32, #tpu.memory_space<vmem_shared>>
      tpu.wait_indirect_dma semaphore(%arg21 : memref<!tpu.dma_semaphore, #tpu.memory_space<semaphore_mem>>) src(%dma_wait3A_797 : memref<128x16xf32, #tpu.memory_space<vmem>>) dst(%dma_wait3A_803 : memref<10000x16xf32, #tpu.memory_space<vmem_shared>>)
      %dma_wait3A_804 = arith.constant 3 : i32
      %dma_wait3A_805 = arith.constant 0 : i32
      %dma_wait3A_806 = tpu.memref_slice %arg11[%dma_wait3A_804, %dma_wait3A_805] : memref<10x128xi32, #tpu.memory_space<vmem>> -> memref<1x128xi32, #tpu.memory_space<vmem>>
      %dma_wait3A_807 = tpu.memref_squeeze %dma_wait3A_806 : memref<1x128xi32, #tpu.memory_space<vmem>> -> memref<128xi32, #tpu.memory_space<vmem>>
      %dma_wait3A_808 = arith.constant 0 : i32
      %dma_wait3A_809 = arith.constant 0 : i32
      %dma_wait3A_810 = tpu.memref_slice %arg19[%dma_wait3A_808, %dma_wait3A_809] : memref<10000x16xf32, #tpu.memory_space<vmem_shared>> -> memref<10000x16xf32, #tpu.memory_space<vmem_shared>>
      tpu.wait_indirect_dma semaphore(%arg22 : memref<!tpu.dma_semaphore, #tpu.memory_space<semaphore_mem>>) src(%arg16 : memref<128x16xf32, #tpu.memory_space<vmem>>) dst(%dma_wait3A_810 : memref<10000x16xf32, #tpu.memory_space<vmem_shared>>)
      %dma_wait3A_811 = arith.constant 4 : i32
      %dma_wait3A_812 = arith.constant 512 : i32
      %dma_wait3A_813 = arith.constant 0 : i32
      %dma_wait3A_814 = tpu.memref_slice %arg14[%dma_wait3A_812, %dma_wait3A_813] : memref<1280x16xf32, #tpu.memory_space<vmem>> -> memref<128x16xf32, #tpu.memory_space<vmem>>
      %dma_wait3A_815 = arith.constant 0 : i32
      %dma_wait3A_816 = tpu.memref_slice %arg11[%dma_wait3A_811, %dma_wait3A_815] : memref<10x128xi32, #tpu.memory_space<vmem>> -> memref<1x128xi32, #tpu.memory_space<vmem>>
      %dma_wait3A_817 = tpu.memref_squeeze %dma_wait3A_816 : memref<1x128xi32, #tpu.memory_space<vmem>> -> memref<128xi32, #tpu.memory_space<vmem>>
      %dma_wait3A_818 = arith.constant 0 : i32
      %dma_wait3A_819 = arith.constant 0 : i32
      %dma_wait3A_820 = tpu.memref_slice %arg18[%dma_wait3A_818, %dma_wait3A_819] : memref<10000x16xf32, #tpu.memory_space<vmem_shared>> -> memref<10000x16xf32, #tpu.memory_space<vmem_shared>>
      tpu.wait_indirect_dma semaphore(%arg21 : memref<!tpu.dma_semaphore, #tpu.memory_space<semaphore_mem>>) src(%dma_wait3A_814 : memref<128x16xf32, #tpu.memory_space<vmem>>) dst(%dma_wait3A_820 : memref<10000x16xf32, #tpu.memory_space<vmem_shared>>)
      %dma_wait3A_821 = arith.constant 4 : i32
      %dma_wait3A_822 = arith.constant 0 : i32
      %dma_wait3A_823 = tpu.memref_slice %arg11[%dma_wait3A_821, %dma_wait3A_822] : memref<10x128xi32, #tpu.memory_space<vmem>> -> memref<1x128xi32, #tpu.memory_space<vmem>>
      %dma_wait3A_824 = tpu.memref_squeeze %dma_wait3A_823 : memref<1x128xi32, #tpu.memory_space<vmem>> -> memref<128xi32, #tpu.memory_space<vmem>>
      %dma_wait3A_825 = arith.constant 0 : i32
      %dma_wait3A_826 = arith.constant 0 : i32
      %dma_wait3A_827 = tpu.memref_slice %arg19[%dma_wait3A_825, %dma_wait3A_826] : memref<10000x16xf32, #tpu.memory_space<vmem_shared>> -> memref<10000x16xf32, #tpu.memory_space<vmem_shared>>
      tpu.wait_indirect_dma semaphore(%arg22 : memref<!tpu.dma_semaphore, #tpu.memory_space<semaphore_mem>>) src(%arg16 : memref<128x16xf32, #tpu.memory_space<vmem>>) dst(%dma_wait3A_827 : memref<10000x16xf32, #tpu.memory_space<vmem_shared>>)
      %dma_wait3A_828 = arith.constant 5 : i32
      %dma_wait3A_829 = arith.constant 640 : i32
      %dma_wait3A_830 = arith.constant 0 : i32
      %dma_wait3A_831 = tpu.memref_slice %arg14[%dma_wait3A_829, %dma_wait3A_830] : memref<1280x16xf32, #tpu.memory_space<vmem>> -> memref<128x16xf32, #tpu.memory_space<vmem>>
      %dma_wait3A_832 = arith.constant 0 : i32
      %dma_wait3A_833 = tpu.memref_slice %arg11[%dma_wait3A_828, %dma_wait3A_832] : memref<10x128xi32, #tpu.memory_space<vmem>> -> memref<1x128xi32, #tpu.memory_space<vmem>>
      %dma_wait3A_834 = tpu.memref_squeeze %dma_wait3A_833 : memref<1x128xi32, #tpu.memory_space<vmem>> -> memref<128xi32, #tpu.memory_space<vmem>>
      %dma_wait3A_835 = arith.constant 0 : i32
      %dma_wait3A_836 = arith.constant 0 : i32
      %dma_wait3A_837 = tpu.memref_slice %arg18[%dma_wait3A_835, %dma_wait3A_836] : memref<10000x16xf32, #tpu.memory_space<vmem_shared>> -> memref<10000x16xf32, #tpu.memory_space<vmem_shared>>
      tpu.wait_indirect_dma semaphore(%arg21 : memref<!tpu.dma_semaphore, #tpu.memory_space<semaphore_mem>>) src(%dma_wait3A_831 : memref<128x16xf32, #tpu.memory_space<vmem>>) dst(%dma_wait3A_837 : memref<10000x16xf32, #tpu.memory_space<vmem_shared>>)
      %dma_wait3A_838 = arith.constant 5 : i32
      %dma_wait3A_839 = arith.constant 0 : i32
      %dma_wait3A_840 = tpu.memref_slice %arg11[%dma_wait3A_838, %dma_wait3A_839] : memref<10x128xi32, #tpu.memory_space<vmem>> -> memref<1x128xi32, #tpu.memory_space<vmem>>
      %dma_wait3A_841 = tpu.memref_squeeze %dma_wait3A_840 : memref<1x128xi32, #tpu.memory_space<vmem>> -> memref<128xi32, #tpu.memory_space<vmem>>
      %dma_wait3A_842 = arith.constant 0 : i32
      %dma_wait3A_843 = arith.constant 0 : i32
      %dma_wait3A_844 = tpu.memref_slice %arg19[%dma_wait3A_842, %dma_wait3A_843] : memref<10000x16xf32, #tpu.memory_space<vmem_shared>> -> memref<10000x16xf32, #tpu.memory_space<vmem_shared>>
      tpu.wait_indirect_dma semaphore(%arg22 : memref<!tpu.dma_semaphore, #tpu.memory_space<semaphore_mem>>) src(%arg16 : memref<128x16xf32, #tpu.memory_space<vmem>>) dst(%dma_wait3A_844 : memref<10000x16xf32, #tpu.memory_space<vmem_shared>>)
      %dma_wait3A_845 = arith.constant 6 : i32
      %dma_wait3A_846 = arith.constant 768 : i32
      %dma_wait3A_847 = arith.constant 0 : i32
      %dma_wait3A_848 = tpu.memref_slice %arg14[%dma_wait3A_846, %dma_wait3A_847] : memref<1280x16xf32, #tpu.memory_space<vmem>> -> memref<128x16xf32, #tpu.memory_space<vmem>>
      %dma_wait3A_849 = arith.constant 0 : i32
      %dma_wait3A_850 = tpu.memref_slice %arg11[%dma_wait3A_845, %dma_wait3A_849] : memref<10x128xi32, #tpu.memory_space<vmem>> -> memref<1x128xi32, #tpu.memory_space<vmem>>
      %dma_wait3A_851 = tpu.memref_squeeze %dma_wait3A_850 : memref<1x128xi32, #tpu.memory_space<vmem>> -> memref<128xi32, #tpu.memory_space<vmem>>
      %dma_wait3A_852 = arith.constant 0 : i32
      %dma_wait3A_853 = arith.constant 0 : i32
      %dma_wait3A_854 = tpu.memref_slice %arg18[%dma_wait3A_852, %dma_wait3A_853] : memref<10000x16xf32, #tpu.memory_space<vmem_shared>> -> memref<10000x16xf32, #tpu.memory_space<vmem_shared>>
      tpu.wait_indirect_dma semaphore(%arg21 : memref<!tpu.dma_semaphore, #tpu.memory_space<semaphore_mem>>) src(%dma_wait3A_848 : memref<128x16xf32, #tpu.memory_space<vmem>>) dst(%dma_wait3A_854 : memref<10000x16xf32, #tpu.memory_space<vmem_shared>>)
      %dma_wait3A_855 = arith.constant 6 : i32
      %dma_wait3A_856 = arith.constant 0 : i32
      %dma_wait3A_857 = tpu.memref_slice %arg11[%dma_wait3A_855, %dma_wait3A_856] : memref<10x128xi32, #tpu.memory_space<vmem>> -> memref<1x128xi32, #tpu.memory_space<vmem>>
      %dma_wait3A_858 = tpu.memref_squeeze %dma_wait3A_857 : memref<1x128xi32, #tpu.memory_space<vmem>> -> memref<128xi32, #tpu.memory_space<vmem>>
      %dma_wait3A_859 = arith.constant 0 : i32
      %dma_wait3A_860 = arith.constant 0 : i32
      %dma_wait3A_861 = tpu.memref_slice %arg19[%dma_wait3A_859, %dma_wait3A_860] : memref<10000x16xf32, #tpu.memory_space<vmem_shared>> -> memref<10000x16xf32, #tpu.memory_space<vmem_shared>>
      tpu.wait_indirect_dma semaphore(%arg22 : memref<!tpu.dma_semaphore, #tpu.memory_space<semaphore_mem>>) src(%arg16 : memref<128x16xf32, #tpu.memory_space<vmem>>) dst(%dma_wait3A_861 : memref<10000x16xf32, #tpu.memory_space<vmem_shared>>)
      %dma_wait3A_862 = arith.constant 7 : i32
      %dma_wait3A_863 = arith.constant 896 : i32
      %dma_wait3A_864 = arith.constant 0 : i32
      %dma_wait3A_865 = tpu.memref_slice %arg14[%dma_wait3A_863, %dma_wait3A_864] : memref<1280x16xf32, #tpu.memory_space<vmem>> -> memref<128x16xf32, #tpu.memory_space<vmem>>
      %dma_wait3A_866 = arith.constant 0 : i32
      %dma_wait3A_867 = tpu.memref_slice %arg11[%dma_wait3A_862, %dma_wait3A_866] : memref<10x128xi32, #tpu.memory_space<vmem>> -> memref<1x128xi32, #tpu.memory_space<vmem>>
      %dma_wait3A_868 = tpu.memref_squeeze %dma_wait3A_867 : memref<1x128xi32, #tpu.memory_space<vmem>> -> memref<128xi32, #tpu.memory_space<vmem>>
      %dma_wait3A_869 = arith.constant 0 : i32
      %dma_wait3A_870 = arith.constant 0 : i32
      %dma_wait3A_871 = tpu.memref_slice %arg18[%dma_wait3A_869, %dma_wait3A_870] : memref<10000x16xf32, #tpu.memory_space<vmem_shared>> -> memref<10000x16xf32, #tpu.memory_space<vmem_shared>>
      tpu.wait_indirect_dma semaphore(%arg21 : memref<!tpu.dma_semaphore, #tpu.memory_space<semaphore_mem>>) src(%dma_wait3A_865 : memref<128x16xf32, #tpu.memory_space<vmem>>) dst(%dma_wait3A_871 : memref<10000x16xf32, #tpu.memory_space<vmem_shared>>)
      %dma_wait3A_872 = arith.constant 7 : i32
      %dma_wait3A_873 = arith.constant 0 : i32
      %dma_wait3A_874 = tpu.memref_slice %arg11[%dma_wait3A_872, %dma_wait3A_873] : memref<10x128xi32, #tpu.memory_space<vmem>> -> memref<1x128xi32, #tpu.memory_space<vmem>>
      %dma_wait3A_875 = tpu.memref_squeeze %dma_wait3A_874 : memref<1x128xi32, #tpu.memory_space<vmem>> -> memref<128xi32, #tpu.memory_space<vmem>>
      %dma_wait3A_876 = arith.constant 0 : i32
      %dma_wait3A_877 = arith.constant 0 : i32
      %dma_wait3A_878 = tpu.memref_slice %arg19[%dma_wait3A_876, %dma_wait3A_877] : memref<10000x16xf32, #tpu.memory_space<vmem_shared>> -> memref<10000x16xf32, #tpu.memory_space<vmem_shared>>
      tpu.wait_indirect_dma semaphore(%arg22 : memref<!tpu.dma_semaphore, #tpu.memory_space<semaphore_mem>>) src(%arg16 : memref<128x16xf32, #tpu.memory_space<vmem>>) dst(%dma_wait3A_878 : memref<10000x16xf32, #tpu.memory_space<vmem_shared>>)
      %dma_wait3A_879 = arith.constant 8 : i32
      %dma_wait3A_880 = arith.constant 1024 : i32
      %dma_wait3A_881 = arith.constant 0 : i32
      %dma_wait3A_882 = tpu.memref_slice %arg14[%dma_wait3A_880, %dma_wait3A_881] : memref<1280x16xf32, #tpu.memory_space<vmem>> -> memref<128x16xf32, #tpu.memory_space<vmem>>
      %dma_wait3A_883 = arith.constant 0 : i32
      %dma_wait3A_884 = tpu.memref_slice %arg11[%dma_wait3A_879, %dma_wait3A_883] : memref<10x128xi32, #tpu.memory_space<vmem>> -> memref<1x128xi32, #tpu.memory_space<vmem>>
      %dma_wait3A_885 = tpu.memref_squeeze %dma_wait3A_884 : memref<1x128xi32, #tpu.memory_space<vmem>> -> memref<128xi32, #tpu.memory_space<vmem>>
      %dma_wait3A_886 = arith.constant 0 : i32
      %dma_wait3A_887 = arith.constant 0 : i32
      %dma_wait3A_888 = tpu.memref_slice %arg18[%dma_wait3A_886, %dma_wait3A_887] : memref<10000x16xf32, #tpu.memory_space<vmem_shared>> -> memref<10000x16xf32, #tpu.memory_space<vmem_shared>>
      tpu.wait_indirect_dma semaphore(%arg21 : memref<!tpu.dma_semaphore, #tpu.memory_space<semaphore_mem>>) src(%dma_wait3A_882 : memref<128x16xf32, #tpu.memory_space<vmem>>) dst(%dma_wait3A_888 : memref<10000x16xf32, #tpu.memory_space<vmem_shared>>)
      %dma_wait3A_889 = arith.constant 8 : i32
      %dma_wait3A_890 = arith.constant 0 : i32
      %dma_wait3A_891 = tpu.memref_slice %arg11[%dma_wait3A_889, %dma_wait3A_890] : memref<10x128xi32, #tpu.memory_space<vmem>> -> memref<1x128xi32, #tpu.memory_space<vmem>>
      %dma_wait3A_892 = tpu.memref_squeeze %dma_wait3A_891 : memref<1x128xi32, #tpu.memory_space<vmem>> -> memref<128xi32, #tpu.memory_space<vmem>>
      %dma_wait3A_893 = arith.constant 0 : i32
      %dma_wait3A_894 = arith.constant 0 : i32
      %dma_wait3A_895 = tpu.memref_slice %arg19[%dma_wait3A_893, %dma_wait3A_894] : memref<10000x16xf32, #tpu.memory_space<vmem_shared>> -> memref<10000x16xf32, #tpu.memory_space<vmem_shared>>
      tpu.wait_indirect_dma semaphore(%arg22 : memref<!tpu.dma_semaphore, #tpu.memory_space<semaphore_mem>>) src(%arg16 : memref<128x16xf32, #tpu.memory_space<vmem>>) dst(%dma_wait3A_895 : memref<10000x16xf32, #tpu.memory_space<vmem_shared>>)
      %dma_wait3A_896 = arith.constant 9 : i32
      %dma_wait3A_897 = arith.constant 1152 : i32
      %dma_wait3A_898 = arith.constant 0 : i32
      %dma_wait3A_899 = tpu.memref_slice %arg14[%dma_wait3A_897, %dma_wait3A_898] : memref<1280x16xf32, #tpu.memory_space<vmem>> -> memref<128x16xf32, #tpu.memory_space<vmem>>
      %dma_wait3A_900 = arith.constant 0 : i32
      %dma_wait3A_901 = tpu.memref_slice %arg11[%dma_wait3A_896, %dma_wait3A_900] : memref<10x128xi32, #tpu.memory_space<vmem>> -> memref<1x128xi32, #tpu.memory_space<vmem>>
      %dma_wait3A_902 = tpu.memref_squeeze %dma_wait3A_901 : memref<1x128xi32, #tpu.memory_space<vmem>> -> memref<128xi32, #tpu.memory_space<vmem>>
      %dma_wait3A_903 = arith.constant 0 : i32
      %dma_wait3A_904 = arith.constant 0 : i32
      %dma_wait3A_905 = tpu.memref_slice %arg18[%dma_wait3A_903, %dma_wait3A_904] : memref<10000x16xf32, #tpu.memory_space<vmem_shared>> -> memref<10000x16xf32, #tpu.memory_space<vmem_shared>>
      tpu.wait_indirect_dma semaphore(%arg21 : memref<!tpu.dma_semaphore, #tpu.memory_space<semaphore_mem>>) src(%dma_wait3A_899 : memref<128x16xf32, #tpu.memory_space<vmem>>) dst(%dma_wait3A_905 : memref<10000x16xf32, #tpu.memory_space<vmem_shared>>)
      %dma_wait3A_906 = arith.constant 9 : i32
      %dma_wait3A_907 = arith.constant 0 : i32
      %dma_wait3A_908 = tpu.memref_slice %arg11[%dma_wait3A_906, %dma_wait3A_907] : memref<10x128xi32, #tpu.memory_space<vmem>> -> memref<1x128xi32, #tpu.memory_space<vmem>>
      %dma_wait3A_909 = tpu.memref_squeeze %dma_wait3A_908 : memref<1x128xi32, #tpu.memory_space<vmem>> -> memref<128xi32, #tpu.memory_space<vmem>>
      %dma_wait3A_910 = arith.constant 0 : i32
      %dma_wait3A_911 = arith.constant 0 : i32
      %dma_wait3A_912 = tpu.memref_slice %arg19[%dma_wait3A_910, %dma_wait3A_911] : memref<10000x16xf32, #tpu.memory_space<vmem_shared>> -> memref<10000x16xf32, #tpu.memory_space<vmem_shared>>
      tpu.wait_indirect_dma semaphore(%arg22 : memref<!tpu.dma_semaphore, #tpu.memory_space<semaphore_mem>>) src(%arg16 : memref<128x16xf32, #tpu.memory_space<vmem>>) dst(%dma_wait3A_912 : memref<10000x16xf32, #tpu.memory_space<vmem_shared>>)
    }
    %barrier3A_30 = arith.constant 0 : index
    tpu.barrier barrier_id(%barrier3A_30)
    %eq3A = arith.constant 0 : i32
    %eq3A_31 = arith.cmpi eq, %arg1, %eq3A : i32
    %convert_element_type3A = arith.extui %eq3A_31 : i1 to i32
    %cond3A = arith.constant 0 : i32
    %cond3A_32 = arith.cmpi ne, %convert_element_type3A, %cond3A : i32
    scf.if %cond3A_32 {
      "tpu.region"() ({
        %run_scoped3A = tpu.sem_alloc : memref<!tpu.dma_semaphore, #tpu.memory_space<semaphore_mem>>
        %dma_start3A = arith.constant 0 : i32
        %dma_start3A_33 = arith.constant 0 : i32
        %dma_start3A_34 = tpu.memref_slice %arg8[%arg0, %dma_start3A, %dma_start3A_33] : memref<2x10000x16xf32, #tpu.memory_space<hbm>> -> memref<1x10000x16xf32, #tpu.memory_space<hbm>>
        %dma_start3A_35 = tpu.memref_squeeze %dma_start3A_34 : memref<1x10000x16xf32, #tpu.memory_space<hbm>> -> memref<10000x16xf32, #tpu.memory_space<hbm>>
        tpu.enqueue_dma source(%arg18 : memref<10000x16xf32, #tpu.memory_space<vmem_shared>>) target(%dma_start3A_35 : memref<10000x16xf32, #tpu.memory_space<hbm>>) target_semaphore(%run_scoped3A : memref<!tpu.dma_semaphore, #tpu.memory_space<semaphore_mem>>)
        %dma_wait3A = arith.constant 0 : i32
        %dma_wait3A_36 = arith.constant 0 : i32
        %dma_wait3A_37 = tpu.memref_slice %arg8[%arg0, %dma_wait3A, %dma_wait3A_36] : memref<2x10000x16xf32, #tpu.memory_space<hbm>> -> memref<1x10000x16xf32, #tpu.memory_space<hbm>>
        %dma_wait3A_38 = tpu.memref_squeeze %dma_wait3A_37 : memref<1x10000x16xf32, #tpu.memory_space<hbm>> -> memref<10000x16xf32, #tpu.memory_space<hbm>>
        tpu.wait_dma2 semaphore(%run_scoped3A : memref<!tpu.dma_semaphore, #tpu.memory_space<semaphore_mem>>) src(%arg18 : memref<10000x16xf32, #tpu.memory_space<vmem_shared>>) dst(%dma_wait3A_38 : memref<10000x16xf32, #tpu.memory_space<hbm>>)
        tpu.yield
      }) : () -> ()
      "tpu.region"() ({
        %run_scoped3A = tpu.sem_alloc : memref<!tpu.dma_semaphore, #tpu.memory_space<semaphore_mem>>
        %dma_start3A = arith.constant 0 : i32
        %dma_start3A_33 = arith.constant 0 : i32
        %dma_start3A_34 = tpu.memref_slice %arg9[%arg0, %dma_start3A, %dma_start3A_33] : memref<2x10000x16xf32, #tpu.memory_space<hbm>> -> memref<1x10000x16xf32, #tpu.memory_space<hbm>>
        %dma_start3A_35 = tpu.memref_squeeze %dma_start3A_34 : memref<1x10000x16xf32, #tpu.memory_space<hbm>> -> memref<10000x16xf32, #tpu.memory_space<hbm>>
        tpu.enqueue_dma source(%arg19 : memref<10000x16xf32, #tpu.memory_space<vmem_shared>>) target(%dma_start3A_35 : memref<10000x16xf32, #tpu.memory_space<hbm>>) target_semaphore(%run_scoped3A : memref<!tpu.dma_semaphore, #tpu.memory_space<semaphore_mem>>)
        %dma_wait3A = arith.constant 0 : i32
        %dma_wait3A_36 = arith.constant 0 : i32
        %dma_wait3A_37 = tpu.memref_slice %arg9[%arg0, %dma_wait3A, %dma_wait3A_36] : memref<2x10000x16xf32, #tpu.memory_space<hbm>> -> memref<1x10000x16xf32, #tpu.memory_space<hbm>>
        %dma_wait3A_38 = tpu.memref_squeeze %dma_wait3A_37 : memref<1x10000x16xf32, #tpu.memory_space<hbm>> -> memref<10000x16xf32, #tpu.memory_space<hbm>>
        tpu.wait_dma2 semaphore(%run_scoped3A : memref<!tpu.dma_semaphore, #tpu.memory_space<semaphore_mem>>) src(%arg19 : memref<10000x16xf32, #tpu.memory_space<vmem_shared>>) dst(%dma_wait3A_38 : memref<10000x16xf32, #tpu.memory_space<hbm>>)
        tpu.yield
      }) : () -> ()
    } else {
    }
    return
  }
}

module attributes {stable_mosaic.version = 14 : i64} {
  func.func @_qt_body(%arg0: i32, %arg1: memref<16x32000xf32, #tpu.memory_space<vmem>>, %arg2: memref<16x16xf32, #tpu.memory_space<vmem>>, %arg3: memref<32x16xf32, #tpu.memory_space<vmem>>, %arg4: memref<1x32xf32, #tpu.memory_space<vmem>>, %arg5: memref<16x1xf32, #tpu.memory_space<vmem>>, %arg6: memref<16x32000xf32, #tpu.memory_space<vmem>>) attributes {dimension_semantics = [#tpu.dimension_semantics<arbitrary>], iteration_bounds = array<i64: 10>, scalar_prefetch = 0 : i64, scratch_operands = 0 : i64, tpu.core_type = #tpu.core_type<tc>, window_params = [{transform_indices = @transform_0, window_bounds = array<i64: 16, 32000>}, {pipeline_mode = #tpu.pipeline_mode<synchronous>, transform_indices = @transform_1, window_bounds = array<i64: 16, 16>}, {pipeline_mode = #tpu.pipeline_mode<synchronous>, transform_indices = @transform_2, window_bounds = array<i64: 32, 16>}, {pipeline_mode = #tpu.pipeline_mode<synchronous>, transform_indices = @transform_3, window_bounds = array<i64: 1, 32>}, {pipeline_mode = #tpu.pipeline_mode<synchronous>, transform_indices = @transform_4, window_bounds = array<i64: 16, 1>}, {transform_indices = @transform_5, window_bounds = array<i64: 16, 32000>}]} {
    %get3A = arith.constant 0 : index
    %get3A_0 = arith.constant 0 : index
    %get3A_1 = vector.load %arg3[%get3A, %get3A_0] : memref<32x16xf32, #tpu.memory_space<vmem>>, vector<32x16xf32>
    %get3A_2 = arith.constant 0 : index
    %get3A_3 = arith.constant 0 : index
    %get3A_4 = vector.load %arg4[%get3A_2, %get3A_3] : memref<1x32xf32, #tpu.memory_space<vmem>>, vector<1x32xf32>
    %dot_general3A = arith.constant dense<0.000000e+00> : vector<16x1xf32>
    %dot_general3A_5 = tpu.matmul %get3A_1, %get3A_4, %dot_general3A {dimension_numbers = #tpu.dot_dimension_numbers<[0], [1], [1], [0], [0, 1, 1, 0], [], []>, transpose_lhs_hint = false} : vector<32x16xf32>, vector<1x32xf32>, vector<16x1xf32> -> vector<16x1xf32>
    %get3A_6 = arith.constant 0 : index
    %get3A_7 = arith.constant 0 : index
    %get3A_8 = vector.load %arg5[%get3A_6, %get3A_7] : memref<16x1xf32, #tpu.memory_space<vmem>>, vector<16x1xf32>
    %add3A = arith.addf %dot_general3A_5, %get3A_8 : vector<16x1xf32>
    %get3A_9 = arith.constant 0 : index
    %get3A_10 = arith.constant 0 : index
    %get3A_11 = vector.load %arg2[%get3A_9, %get3A_10] : memref<16x16xf32, #tpu.memory_space<vmem>>, vector<16x16xf32>
    %get3A_12 = arith.constant 0 : index
    %get3A_13 = arith.constant 0 : index
    %get3A_14 = vector.load %arg1[%get3A_12, %get3A_13] : memref<16x32000xf32, #tpu.memory_space<vmem>>, vector<16x32000xf32>
    %dot_general3A_15 = arith.constant dense<0.000000e+00> : vector<16x32000xf32>
    %dot_general3A_16 = tpu.matmul %get3A_11, %get3A_14, %dot_general3A_15 {dimension_numbers = #tpu.dot_dimension_numbers<[1], [0], [0], [1], [0, 0, 1, 1], [], []>, transpose_lhs_hint = false} : vector<16x16xf32>, vector<16x32000xf32>, vector<16x32000xf32> -> vector<16x32000xf32>
    %add3A_17 = vector.broadcast %add3A : vector<16x1xf32> to vector<16x32000xf32>
    %add3A_18 = arith.addf %dot_general3A_16, %add3A_17 : vector<16x32000xf32>
    %swap3A = arith.constant 0 : index
    %swap3A_19 = arith.constant 0 : index
    %swap3A_20 = vector.load %arg6[%swap3A, %swap3A_19] : memref<16x32000xf32, #tpu.memory_space<vmem>>, vector<16x32000xf32>
    tpu.vector_store %arg6[%swap3A, %swap3A_19], %add3A_18 {strides = array<i32>} : memref<16x32000xf32, #tpu.memory_space<vmem>>, vector<16x32000xf32>,
    return
  }
  func.func @transform_0(%arg0: i32) -> (i32, i32) {
    %c0_i32 = arith.constant 0 : i32
    %c0_i32_0 = arith.constant 0 : i32
    return %c0_i32, %arg0 : i32, i32
  }
  func.func @transform_1(%arg0: i32) -> (i32, i32) {
    %c0_i32 = arith.constant 0 : i32
    %c0_i32_0 = arith.constant 0 : i32
    %c0_i32_1 = arith.constant 0 : i32
    return %c0_i32, %c0_i32_0 : i32, i32
  }
  func.func @transform_2(%arg0: i32) -> (i32, i32) {
    %c0_i32 = arith.constant 0 : i32
    %c0_i32_0 = arith.constant 0 : i32
    %c0_i32_1 = arith.constant 0 : i32
    return %c0_i32, %c0_i32_0 : i32, i32
  }
  func.func @transform_3(%arg0: i32) -> (i32, i32) {
    %c0_i32 = arith.constant 0 : i32
    %c0_i32_0 = arith.constant 0 : i32
    %c0_i32_1 = arith.constant 0 : i32
    return %c0_i32, %c0_i32_0 : i32, i32
  }
  func.func @transform_4(%arg0: i32) -> (i32, i32) {
    %c0_i32 = arith.constant 0 : i32
    %c0_i32_0 = arith.constant 0 : i32
    %c0_i32_1 = arith.constant 0 : i32
    return %c0_i32, %c0_i32_0 : i32, i32
  }
  func.func @transform_5(%arg0: i32) -> (i32, i32) {
    %c0_i32 = arith.constant 0 : i32
    %c0_i32_0 = arith.constant 0 : i32
    return %c0_i32, %arg0 : i32, i32
  }
}

module attributes {stable_mosaic.version = 14 : i64} {
  func.func @_proj_body(%arg0: i32, %arg1: memref<400x128xf32, #tpu.memory_space<vmem>>, %arg2: memref<128x16xf32, #tpu.memory_space<vmem>>, %arg3: memref<128x16xf32, #tpu.memory_space<vmem>>, %arg4: memref<400x16xf32, #tpu.memory_space<vmem>>, %arg5: memref<400x16xf32, #tpu.memory_space<vmem>>) attributes {dimension_semantics = [#tpu.dimension_semantics<arbitrary>], iteration_bounds = array<i64: 25>, scalar_prefetch = 0 : i64, scratch_operands = 0 : i64, tpu.core_type = #tpu.core_type<tc>, window_params = [{transform_indices = @transform_0, window_bounds = array<i64: 400, 128>}, {pipeline_mode = #tpu.pipeline_mode<synchronous>, transform_indices = @transform_1, window_bounds = array<i64: 128, 16>}, {pipeline_mode = #tpu.pipeline_mode<synchronous>, transform_indices = @transform_2, window_bounds = array<i64: 128, 16>}, {transform_indices = @transform_3, window_bounds = array<i64: 400, 16>}, {transform_indices = @transform_4, window_bounds = array<i64: 400, 16>}]} {
    %get3A = arith.constant 0 : index
    %get3A_0 = arith.constant 0 : index
    %get3A_1 = vector.load %arg1[%get3A, %get3A_0] : memref<400x128xf32, #tpu.memory_space<vmem>>, vector<400x128xf32>
    %get3A_2 = arith.constant 0 : index
    %get3A_3 = arith.constant 0 : index
    %get3A_4 = vector.load %arg2[%get3A_2, %get3A_3] : memref<128x16xf32, #tpu.memory_space<vmem>>, vector<128x16xf32>
    %dot_general3A = arith.constant dense<0.000000e+00> : vector<400x16xf32>
    %dot_general3A_5 = tpu.matmul %get3A_1, %get3A_4, %dot_general3A {dimension_numbers = #tpu.dot_dimension_numbers<[1], [0], [0], [1], [0, 0, 1, 1], [], []>, transpose_lhs_hint = false} : vector<400x128xf32>, vector<128x16xf32>, vector<400x16xf32> -> vector<400x16xf32>
    %swap3A = arith.constant 0 : index
    %swap3A_6 = arith.constant 0 : index
    %swap3A_7 = vector.load %arg4[%swap3A, %swap3A_6] : memref<400x16xf32, #tpu.memory_space<vmem>>, vector<400x16xf32>
    tpu.vector_store %arg4[%swap3A, %swap3A_6], %dot_general3A_5 {strides = array<i32>} : memref<400x16xf32, #tpu.memory_space<vmem>>, vector<400x16xf32>,
    %get3A_8 = arith.constant 0 : index
    %get3A_9 = arith.constant 0 : index
    %get3A_10 = vector.load %arg3[%get3A_8, %get3A_9] : memref<128x16xf32, #tpu.memory_space<vmem>>, vector<128x16xf32>
    %dot_general3A_11 = arith.constant dense<0.000000e+00> : vector<400x16xf32>
    %dot_general3A_12 = tpu.matmul %get3A_1, %get3A_10, %dot_general3A_11 {dimension_numbers = #tpu.dot_dimension_numbers<[1], [0], [0], [1], [0, 0, 1, 1], [], []>, transpose_lhs_hint = false} : vector<400x128xf32>, vector<128x16xf32>, vector<400x16xf32> -> vector<400x16xf32>
    %swap3A_13 = arith.constant 0 : index
    %swap3A_14 = arith.constant 0 : index
    %swap3A_15 = vector.load %arg5[%swap3A_13, %swap3A_14] : memref<400x16xf32, #tpu.memory_space<vmem>>, vector<400x16xf32>
    tpu.vector_store %arg5[%swap3A_13, %swap3A_14], %dot_general3A_12 {strides = array<i32>} : memref<400x16xf32, #tpu.memory_space<vmem>>, vector<400x16xf32>,
    return
  }
  func.func @transform_0(%arg0: i32) -> (i32, i32) {
    %c0_i32 = arith.constant 0 : i32
    %c0_i32_0 = arith.constant 0 : i32
    return %arg0, %c0_i32 : i32, i32
  }
  func.func @transform_1(%arg0: i32) -> (i32, i32) {
    %c0_i32 = arith.constant 0 : i32
    %c0_i32_0 = arith.constant 0 : i32
    %c0_i32_1 = arith.constant 0 : i32
    return %c0_i32, %c0_i32_0 : i32, i32
  }
  func.func @transform_2(%arg0: i32) -> (i32, i32) {
    %c0_i32 = arith.constant 0 : i32
    %c0_i32_0 = arith.constant 0 : i32
    %c0_i32_1 = arith.constant 0 : i32
    return %c0_i32, %c0_i32_0 : i32, i32
  }
  func.func @transform_3(%arg0: i32) -> (i32, i32) {
    %c0_i32 = arith.constant 0 : i32
    %c0_i32_0 = arith.constant 0 : i32
    return %arg0, %c0_i32 : i32, i32
  }
  func.func @transform_4(%arg0: i32) -> (i32, i32) {
    %c0_i32 = arith.constant 0 : i32
    %c0_i32_0 = arith.constant 0 : i32
    return %arg0, %c0_i32 : i32, i32
  }
}

module attributes {stable_mosaic.version = 14 : i64} {
  func.func @_efin_body(%arg0: i32, %arg1: memref<16x32000xf32, #tpu.memory_space<vmem>>, %arg2: memref<16x32000xf32, #tpu.memory_space<vmem>>, %arg3: memref<16x32000xf32, #tpu.memory_space<vmem>>, %arg4: memref<16x1xf32, #tpu.memory_space<vmem>>) attributes {dimension_semantics = [#tpu.dimension_semantics<arbitrary>], iteration_bounds = array<i64: 10>, scalar_prefetch = 0 : i64, scratch_operands = 0 : i64, tpu.core_type = #tpu.core_type<tc>, window_params = [{transform_indices = @transform_0, window_bounds = array<i64: 16, 32000>}, {transform_indices = @transform_1, window_bounds = array<i64: 16, 32000>}, {transform_indices = @transform_2, window_bounds = array<i64: 16, 32000>}, {pipeline_mode = #tpu.pipeline_mode<synchronous>, transform_indices = @transform_3, window_bounds = array<i64: 16, 1>}]} {
    %get3A = arith.constant 0 : index
    %get3A_0 = arith.constant 0 : index
    %get3A_1 = vector.load %arg1[%get3A, %get3A_0] : memref<16x32000xf32, #tpu.memory_space<vmem>>, vector<16x32000xf32>
    %get3A_2 = arith.constant 0 : index
    %get3A_3 = arith.constant 0 : index
    %get3A_4 = vector.load %arg2[%get3A_2, %get3A_3] : memref<16x32000xf32, #tpu.memory_space<vmem>>, vector<16x32000xf32>
    %add3A = arith.addf %get3A_1, %get3A_4 : vector<16x32000xf32>
    %swap3A = arith.constant 0 : index
    %swap3A_5 = arith.constant 0 : index
    %swap3A_6 = vector.load %arg3[%swap3A, %swap3A_5] : memref<16x32000xf32, #tpu.memory_space<vmem>>, vector<16x32000xf32>
    tpu.vector_store %arg3[%swap3A, %swap3A_5], %add3A {strides = array<i32>} : memref<16x32000xf32, #tpu.memory_space<vmem>>, vector<16x32000xf32>,
    %eq3A = arith.constant 0 : i32
    %eq3A_7 = arith.cmpi eq, %arg0, %eq3A : i32
    %convert_element_type3A = arith.extui %eq3A_7 : i1 to i32
    %cond3A = arith.constant 0 : i32
    %cond3A_8 = arith.cmpi ne, %convert_element_type3A, %cond3A : i32
    scf.if %cond3A_8 {
      %broadcast_in_dim3A_17 = arith.constant 0.000000e+00 : f32
      %broadcast_in_dim3A_18 = vector.broadcast %broadcast_in_dim3A_17 : f32 to vector<16x1xf32>
      %swap3A_19 = arith.constant 0 : index
      %swap3A_20 = arith.constant 0 : index
      %swap3A_21 = vector.load %arg4[%swap3A_19, %swap3A_20] : memref<16x1xf32, #tpu.memory_space<vmem>>, vector<16x1xf32>
      tpu.vector_store %arg4[%swap3A_19, %swap3A_20], %broadcast_in_dim3A_18 {strides = array<i32>} : memref<16x1xf32, #tpu.memory_space<vmem>>, vector<16x1xf32>,
    } else {
    }
    %get3A_9 = arith.constant 0 : index
    %get3A_10 = arith.constant 0 : index
    %get3A_11 = vector.load %arg4[%get3A_9, %get3A_10] : memref<16x1xf32, #tpu.memory_space<vmem>>, vector<16x1xf32>
    %reduce_sum3A = arith.constant dense<0.000000e+00> : vector<16xf32>
    %reduce_sum3A_12 = vector.multi_reduction <add>, %get3A_1, %reduce_sum3A [1] : vector<16x32000xf32> to vector<16xf32>
    %broadcast_in_dim3A = vector.shape_cast %reduce_sum3A_12 : vector<16xf32> to vector<16x1xf32>
    %add3A_13 = arith.addf %get3A_11, %broadcast_in_dim3A : vector<16x1xf32>
    %swap3A_14 = arith.constant 0 : index
    %swap3A_15 = arith.constant 0 : index
    %swap3A_16 = vector.load %arg4[%swap3A_14, %swap3A_15] : memref<16x1xf32, #tpu.memory_space<vmem>>, vector<16x1xf32>
    tpu.vector_store %arg4[%swap3A_14, %swap3A_15], %add3A_13 {strides = array<i32>} : memref<16x1xf32, #tpu.memory_space<vmem>>, vector<16x1xf32>,
    return
  }
  func.func @transform_0(%arg0: i32) -> (i32, i32) {
    %c0_i32 = arith.constant 0 : i32
    %c0_i32_0 = arith.constant 0 : i32
    return %c0_i32, %arg0 : i32, i32
  }
  func.func @transform_1(%arg0: i32) -> (i32, i32) {
    %c0_i32 = arith.constant 0 : i32
    %c0_i32_0 = arith.constant 0 : i32
    return %c0_i32, %arg0 : i32, i32
  }
  func.func @transform_2(%arg0: i32) -> (i32, i32) {
    %c0_i32 = arith.constant 0 : i32
    %c0_i32_0 = arith.constant 0 : i32
    return %c0_i32, %arg0 : i32, i32
  }
  func.func @transform_3(%arg0: i32) -> (i32, i32) {
    %c0_i32 = arith.constant 0 : i32
    %c0_i32_0 = arith.constant 0 : i32
    %c0_i32_1 = arith.constant 0 : i32
    return %c0_i32, %c0_i32_0 : i32, i32
  }
}

module attributes {stable_mosaic.version = 14 : i64} {
  func.func @_node_body(%arg0: i32, %arg1: memref<400x128xf32, #tpu.memory_space<vmem>>, %arg2: memref<2x400x16xf32, #tpu.memory_space<vmem>>, %arg3: memref<2x400x16xf32, #tpu.memory_space<vmem>>, %arg4: memref<16x128xf32, #tpu.memory_space<vmem>>, %arg5: memref<128x128xf32, #tpu.memory_space<vmem>>, %arg6: memref<1x32xf32, #tpu.memory_space<vmem>>, %arg7: memref<32x128xf32, #tpu.memory_space<vmem>>, %arg8: memref<1x128xf32, #tpu.memory_space<vmem>>, %arg9: memref<400x128xf32, #tpu.memory_space<vmem>>, %arg10: memref<1x128xf32, #tpu.memory_space<vmem>>) attributes {dimension_semantics = [#tpu.dimension_semantics<arbitrary>], iteration_bounds = array<i64: 25>, scalar_prefetch = 0 : i64, scratch_operands = 0 : i64, tpu.core_type = #tpu.core_type<tc>, window_params = [{transform_indices = @transform_0, window_bounds = array<i64: 400, 128>}, {transform_indices = @transform_1, window_bounds = array<i64: 2, 400, 16>}, {transform_indices = @transform_2, window_bounds = array<i64: 2, 400, 16>}, {pipeline_mode = #tpu.pipeline_mode<synchronous>, transform_indices = @transform_3, window_bounds = array<i64: 16, 128>}, {pipeline_mode = #tpu.pipeline_mode<synchronous>, transform_indices = @transform_4, window_bounds = array<i64: 128, 128>}, {pipeline_mode = #tpu.pipeline_mode<synchronous>, transform_indices = @transform_5, window_bounds = array<i64: 1, 32>}, {pipeline_mode = #tpu.pipeline_mode<synchronous>, transform_indices = @transform_6, window_bounds = array<i64: 32, 128>}, {pipeline_mode = #tpu.pipeline_mode<synchronous>, transform_indices = @transform_7, window_bounds = array<i64: 1, 128>}, {transform_indices = @transform_8, window_bounds = array<i64: 400, 128>}, {pipeline_mode = #tpu.pipeline_mode<synchronous>, transform_indices = @transform_9, window_bounds = array<i64: 1, 128>}]} {
    %get3A = arith.constant 0 : index
    %get3A_0 = arith.constant 0 : index
    %get3A_1 = arith.constant 0 : index
    %get3A_2 = vector.load %arg2[%get3A, %get3A_0, %get3A_1] : memref<2x400x16xf32, #tpu.memory_space<vmem>>, vector<1x400x16xf32>
    %get3A_3 = vector.shape_cast %get3A_2 : vector<1x400x16xf32> to vector<400x16xf32>
    %get3A_4 = arith.constant 1 : index
    %get3A_5 = arith.constant 0 : index
    %get3A_6 = arith.constant 0 : index
    %get3A_7 = vector.load %arg2[%get3A_4, %get3A_5, %get3A_6] : memref<2x400x16xf32, #tpu.memory_space<vmem>>, vector<1x400x16xf32>
    %get3A_8 = vector.shape_cast %get3A_7 : vector<1x400x16xf32> to vector<400x16xf32>
    %add3A = arith.addf %get3A_3, %get3A_8 : vector<400x16xf32>
    %get3A_9 = arith.constant 0 : index
    %get3A_10 = arith.constant 0 : index
    %get3A_11 = arith.constant 0 : index
    %get3A_12 = vector.load %arg3[%get3A_9, %get3A_10, %get3A_11] : memref<2x400x16xf32, #tpu.memory_space<vmem>>, vector<1x400x16xf32>
    %get3A_13 = vector.shape_cast %get3A_12 : vector<1x400x16xf32> to vector<400x16xf32>
    %get3A_14 = arith.constant 1 : index
    %get3A_15 = arith.constant 0 : index
    %get3A_16 = arith.constant 0 : index
    %get3A_17 = vector.load %arg3[%get3A_14, %get3A_15, %get3A_16] : memref<2x400x16xf32, #tpu.memory_space<vmem>>, vector<1x400x16xf32>
    %get3A_18 = vector.shape_cast %get3A_17 : vector<1x400x16xf32> to vector<400x16xf32>
    %add3A_19 = arith.addf %get3A_13, %get3A_18 : vector<400x16xf32>
    %max3A = arith.constant 1.000000e+00 : f32
    %max3A_20 = vector.broadcast %max3A : f32 to vector<400x16xf32>
    %max3A_21 = arith.maximumf %add3A_19, %max3A_20 : vector<400x16xf32>
    %div3A = arith.divf %add3A, %max3A_21 : vector<400x16xf32>
    %get3A_22 = arith.constant 0 : index
    %get3A_23 = arith.constant 0 : index
    %get3A_24 = vector.load %arg6[%get3A_22, %get3A_23] : memref<1x32xf32, #tpu.memory_space<vmem>>, vector<1x32xf32>
    %get3A_25 = arith.constant 0 : index
    %get3A_26 = arith.constant 0 : index
    %get3A_27 = vector.load %arg7[%get3A_25, %get3A_26] : memref<32x128xf32, #tpu.memory_space<vmem>>, vector<32x128xf32>
    %dot_general3A = arith.constant dense<0.000000e+00> : vector<1x128xf32>
    %dot_general3A_28 = tpu.matmul %get3A_24, %get3A_27, %dot_general3A {dimension_numbers = #tpu.dot_dimension_numbers<[1], [0], [0], [1], [0, 0, 1, 1], [], []>, transpose_lhs_hint = false} : vector<1x32xf32>, vector<32x128xf32>, vector<1x128xf32> -> vector<1x128xf32>
    %get3A_29 = arith.constant 0 : index
    %get3A_30 = arith.constant 0 : index
    %get3A_31 = vector.load %arg8[%get3A_29, %get3A_30] : memref<1x128xf32, #tpu.memory_space<vmem>>, vector<1x128xf32>
    %add3A_32 = arith.addf %dot_general3A_28, %get3A_31 : vector<1x128xf32>
    %get3A_33 = arith.constant 0 : index
    %get3A_34 = arith.constant 0 : index
    %get3A_35 = vector.load %arg4[%get3A_33, %get3A_34] : memref<16x128xf32, #tpu.memory_space<vmem>>, vector<16x128xf32>
    %dot_general3A_36 = arith.constant dense<0.000000e+00> : vector<400x128xf32>
    %dot_general3A_37 = tpu.matmul %div3A, %get3A_35, %dot_general3A_36 {dimension_numbers = #tpu.dot_dimension_numbers<[1], [0], [0], [1], [0, 0, 1, 1], [], []>, transpose_lhs_hint = false} : vector<400x16xf32>, vector<16x128xf32>, vector<400x128xf32> -> vector<400x128xf32>
    %get3A_38 = arith.constant 0 : index
    %get3A_39 = arith.constant 0 : index
    %get3A_40 = vector.load %arg1[%get3A_38, %get3A_39] : memref<400x128xf32, #tpu.memory_space<vmem>>, vector<400x128xf32>
    %get3A_41 = arith.constant 0 : index
    %get3A_42 = arith.constant 0 : index
    %get3A_43 = vector.load %arg5[%get3A_41, %get3A_42] : memref<128x128xf32, #tpu.memory_space<vmem>>, vector<128x128xf32>
    %dot_general3A_44 = arith.constant dense<0.000000e+00> : vector<400x128xf32>
    %dot_general3A_45 = tpu.matmul %get3A_40, %get3A_43, %dot_general3A_44 {dimension_numbers = #tpu.dot_dimension_numbers<[1], [0], [0], [1], [0, 0, 1, 1], [], []>, transpose_lhs_hint = false} : vector<400x128xf32>, vector<128x128xf32>, vector<400x128xf32> -> vector<400x128xf32>
    %add3A_46 = arith.addf %dot_general3A_37, %dot_general3A_45 : vector<400x128xf32>
    %add3A_47 = vector.broadcast %add3A_32 : vector<1x128xf32> to vector<400x128xf32>
    %add3A_48 = arith.addf %add3A_46, %add3A_47 : vector<400x128xf32>
    %get3A_49 = arith.constant 0 : index
    %get3A_50 = arith.constant 0 : index
    %get3A_51 = vector.load %arg1[%get3A_49, %get3A_50] : memref<400x128xf32, #tpu.memory_space<vmem>>, vector<400x128xf32>
    %add3A_52 = arith.addf %add3A_48, %get3A_51 : vector<400x128xf32>
    %swap3A = arith.constant 0 : index
    %swap3A_53 = arith.constant 0 : index
    %swap3A_54 = vector.load %arg9[%swap3A, %swap3A_53] : memref<400x128xf32, #tpu.memory_space<vmem>>, vector<400x128xf32>
    tpu.vector_store %arg9[%swap3A, %swap3A_53], %add3A_52 {strides = array<i32>} : memref<400x128xf32, #tpu.memory_space<vmem>>, vector<400x128xf32>,
    %eq3A = arith.constant 0 : i32
    %eq3A_55 = arith.cmpi eq, %arg0, %eq3A : i32
    %convert_element_type3A = arith.extui %eq3A_55 : i1 to i32
    %cond3A = arith.constant 0 : i32
    %cond3A_56 = arith.cmpi ne, %convert_element_type3A, %cond3A : i32
    scf.if %cond3A_56 {
      %broadcast_in_dim3A_65 = arith.constant 0.000000e+00 : f32
      %broadcast_in_dim3A_66 = vector.broadcast %broadcast_in_dim3A_65 : f32 to vector<1x128xf32>
      %swap3A_67 = arith.constant 0 : index
      %swap3A_68 = arith.constant 0 : index
      %swap3A_69 = vector.load %arg10[%swap3A_67, %swap3A_68] : memref<1x128xf32, #tpu.memory_space<vmem>>, vector<1x128xf32>
      tpu.vector_store %arg10[%swap3A_67, %swap3A_68], %broadcast_in_dim3A_66 {strides = array<i32>} : memref<1x128xf32, #tpu.memory_space<vmem>>, vector<1x128xf32>,
    } else {
    }
    %get3A_57 = arith.constant 0 : index
    %get3A_58 = arith.constant 0 : index
    %get3A_59 = vector.load %arg10[%get3A_57, %get3A_58] : memref<1x128xf32, #tpu.memory_space<vmem>>, vector<1x128xf32>
    %reduce_sum3A = arith.constant dense<0.000000e+00> : vector<128xf32>
    %reduce_sum3A_60 = vector.multi_reduction <add>, %add3A_48, %reduce_sum3A [0] : vector<400x128xf32> to vector<128xf32>
    %broadcast_in_dim3A = vector.shape_cast %reduce_sum3A_60 : vector<128xf32> to vector<1x128xf32>
    %add3A_61 = arith.addf %get3A_59, %broadcast_in_dim3A : vector<1x128xf32>
    %swap3A_62 = arith.constant 0 : index
    %swap3A_63 = arith.constant 0 : index
    %swap3A_64 = vector.load %arg10[%swap3A_62, %swap3A_63] : memref<1x128xf32, #tpu.memory_space<vmem>>, vector<1x128xf32>
    tpu.vector_store %arg10[%swap3A_62, %swap3A_63], %add3A_61 {strides = array<i32>} : memref<1x128xf32, #tpu.memory_space<vmem>>, vector<1x128xf32>,
    return
  }
  func.func @transform_0(%arg0: i32) -> (i32, i32) {
    %c0_i32 = arith.constant 0 : i32
    %c0_i32_0 = arith.constant 0 : i32
    return %arg0, %c0_i32 : i32, i32
  }
  func.func @transform_1(%arg0: i32) -> (i32, i32, i32) {
    %c0_i32 = arith.constant 0 : i32
    %c0_i32_0 = arith.constant 0 : i32
    %c0_i32_1 = arith.constant 0 : i32
    return %c0_i32, %arg0, %c0_i32_0 : i32, i32, i32
  }
  func.func @transform_2(%arg0: i32) -> (i32, i32, i32) {
    %c0_i32 = arith.constant 0 : i32
    %c0_i32_0 = arith.constant 0 : i32
    %c0_i32_1 = arith.constant 0 : i32
    return %c0_i32, %arg0, %c0_i32_0 : i32, i32, i32
  }
  func.func @transform_3(%arg0: i32) -> (i32, i32) {
    %c0_i32 = arith.constant 0 : i32
    %c0_i32_0 = arith.constant 0 : i32
    %c0_i32_1 = arith.constant 0 : i32
    return %c0_i32, %c0_i32_0 : i32, i32
  }
  func.func @transform_4(%arg0: i32) -> (i32, i32) {
    %c0_i32 = arith.constant 0 : i32
    %c0_i32_0 = arith.constant 0 : i32
    %c0_i32_1 = arith.constant 0 : i32
    return %c0_i32, %c0_i32_0 : i32, i32
  }
  func.func @transform_5(%arg0: i32) -> (i32, i32) {
    %c0_i32 = arith.constant 0 : i32
    %c0_i32_0 = arith.constant 0 : i32
    %c0_i32_1 = arith.constant 0 : i32
    return %c0_i32, %c0_i32_0 : i32, i32
  }
  func.func @transform_6(%arg0: i32) -> (i32, i32) {
    %c0_i32 = arith.constant 0 : i32
    %c0_i32_0 = arith.constant 0 : i32
    %c0_i32_1 = arith.constant 0 : i32
    return %c0_i32, %c0_i32_0 : i32, i32
  }
  func.func @transform_7(%arg0: i32) -> (i32, i32) {
    %c0_i32 = arith.constant 0 : i32
    %c0_i32_0 = arith.constant 0 : i32
    %c0_i32_1 = arith.constant 0 : i32
    return %c0_i32, %c0_i32_0 : i32, i32
  }
  func.func @transform_8(%arg0: i32) -> (i32, i32) {
    %c0_i32 = arith.constant 0 : i32
    %c0_i32_0 = arith.constant 0 : i32
    return %arg0, %c0_i32 : i32, i32
  }
  func.func @transform_9(%arg0: i32) -> (i32, i32) {
    %c0_i32 = arith.constant 0 : i32
    %c0_i32_0 = arith.constant 0 : i32
    %c0_i32_1 = arith.constant 0 : i32
    return %c0_i32, %c0_i32_0 : i32, i32
  }
}

module attributes {stable_mosaic.version = 14 : i64} {
  func.func @_glob_body(%arg0: memref<1x128xf32, #tpu.memory_space<vmem>>, %arg1: memref<16x1xf32, #tpu.memory_space<vmem>>, %arg2: memref<1x32xf32, #tpu.memory_space<vmem>>, %arg3: memref<128x32xf32, #tpu.memory_space<vmem>>, %arg4: memref<16x32xf32, #tpu.memory_space<vmem>>, %arg5: memref<32x32xf32, #tpu.memory_space<vmem>>, %arg6: memref<1x32xf32, #tpu.memory_space<vmem>>, %arg7: memref<1x32xf32, #tpu.memory_space<vmem>>) attributes {dimension_semantics = [], scalar_prefetch = 0 : i64, scratch_operands = 0 : i64, tpu.core_type = #tpu.core_type<tc>} {
    %get3A = arith.constant 0 : index
    %get3A_0 = arith.constant 0 : index
    %get3A_1 = vector.load %arg0[%get3A, %get3A_0] : memref<1x128xf32, #tpu.memory_space<vmem>>, vector<1x128xf32>
    %mul3A = arith.constant 9.99999974E-5 : f32
    %mul3A_2 = vector.broadcast %mul3A : f32 to vector<1x128xf32>
    %mul3A_3 = arith.mulf %get3A_1, %mul3A_2 : vector<1x128xf32>
    %get3A_4 = arith.constant 0 : index
    %get3A_5 = arith.constant 0 : index
    %get3A_6 = vector.load %arg1[%get3A_4, %get3A_5] : memref<16x1xf32, #tpu.memory_space<vmem>>, vector<16x1xf32>
    %get3A_7 = arith.constant 0 : index
    %get3A_8 = arith.constant 0 : index
    %get3A_9 = vector.load %arg4[%get3A_7, %get3A_8] : memref<16x32xf32, #tpu.memory_space<vmem>>, vector<16x32xf32>
    %dot_general3A = arith.constant dense<0.000000e+00> : vector<1x32xf32>
    %dot_general3A_10 = tpu.matmul %get3A_6, %get3A_9, %dot_general3A {dimension_numbers = #tpu.dot_dimension_numbers<[0], [0], [1], [1], [0, 1, 1, 1], [], []>, transpose_lhs_hint = false} : vector<16x1xf32>, vector<16x32xf32>, vector<1x32xf32> -> vector<1x32xf32>
    %mul3A_11 = arith.constant 3.125000e-06 : f32
    %mul3A_12 = vector.broadcast %mul3A_11 : f32 to vector<1x32xf32>
    %mul3A_13 = arith.mulf %dot_general3A_10, %mul3A_12 : vector<1x32xf32>
    %get3A_14 = arith.constant 0 : index
    %get3A_15 = arith.constant 0 : index
    %get3A_16 = vector.load %arg3[%get3A_14, %get3A_15] : memref<128x32xf32, #tpu.memory_space<vmem>>, vector<128x32xf32>
    %dot_general3A_17 = arith.constant dense<0.000000e+00> : vector<1x32xf32>
    %dot_general3A_18 = tpu.matmul %mul3A_3, %get3A_16, %dot_general3A_17 {dimension_numbers = #tpu.dot_dimension_numbers<[1], [0], [0], [1], [0, 0, 1, 1], [], []>, transpose_lhs_hint = false} : vector<1x128xf32>, vector<128x32xf32>, vector<1x32xf32> -> vector<1x32xf32>
    %add3A = arith.addf %dot_general3A_18, %mul3A_13 : vector<1x32xf32>
    %get3A_19 = arith.constant 0 : index
    %get3A_20 = arith.constant 0 : index
    %get3A_21 = vector.load %arg2[%get3A_19, %get3A_20] : memref<1x32xf32, #tpu.memory_space<vmem>>, vector<1x32xf32>
    %get3A_22 = arith.constant 0 : index
    %get3A_23 = arith.constant 0 : index
    %get3A_24 = vector.load %arg5[%get3A_22, %get3A_23] : memref<32x32xf32, #tpu.memory_space<vmem>>, vector<32x32xf32>
    %dot_general3A_25 = arith.constant dense<0.000000e+00> : vector<1x32xf32>
    %dot_general3A_26 = tpu.matmul %get3A_21, %get3A_24, %dot_general3A_25 {dimension_numbers = #tpu.dot_dimension_numbers<[1], [0], [0], [1], [0, 0, 1, 1], [], []>, transpose_lhs_hint = false} : vector<1x32xf32>, vector<32x32xf32>, vector<1x32xf32> -> vector<1x32xf32>
    %add3A_27 = arith.addf %add3A, %dot_general3A_26 : vector<1x32xf32>
    %get3A_28 = arith.constant 0 : index
    %get3A_29 = arith.constant 0 : index
    %get3A_30 = vector.load %arg6[%get3A_28, %get3A_29] : memref<1x32xf32, #tpu.memory_space<vmem>>, vector<1x32xf32>
    %add3A_31 = arith.addf %add3A_27, %get3A_30 : vector<1x32xf32>
    %get3A_32 = arith.constant 0 : index
    %get3A_33 = arith.constant 0 : index
    %get3A_34 = vector.load %arg2[%get3A_32, %get3A_33] : memref<1x32xf32, #tpu.memory_space<vmem>>, vector<1x32xf32>
    %add3A_35 = arith.addf %add3A_31, %get3A_34 : vector<1x32xf32>
    %swap3A = arith.constant 0 : index
    %swap3A_36 = arith.constant 0 : index
    %swap3A_37 = vector.load %arg7[%swap3A, %swap3A_36] : memref<1x32xf32, #tpu.memory_space<vmem>>, vector<1x32xf32>
    tpu.vector_store %arg7[%swap3A, %swap3A_36], %add3A_35 {strides = array<i32>} : memref<1x32xf32, #tpu.memory_space<vmem>>, vector<1x32xf32>,
    return
  }
}

</mosaic_0001>

<sc_bundles>
// kernel: kernel.8.cloned.1.call-start
scs
__scs_entry_jumppad:
0x0: {  	(pc) =	sbr.rel $0x88, $3  }
0x1: {  	(tag) =	ssettag $0x0;
	lr =	simm.s32 $0x1  }
0x2: {  	[smem:$0x3F97] =	sst lr;
	_ =	strace $0xD0000000  }
0x3: {  	_ = 	snop  }
0x4: {  	_ = 	snop  }
0x5: {  	_ = 	snop  }
0x6: {  	_ = 	snop  }
0x7: {  	_ = 	snop  }
__scs_overlays_trampoline_lowered:
0x8: {  	[smem:$0x3FA6] =	sst s0  }
0x9: {  	[smem:$0x3FA7] =	sst s1  }
0xa: {  	[smem:$0x3FA8] =	sst s2  }
0xb: {  	[smem:$0x3FA9] =	sst s3  }
0xc: {  	[smem:$0x3FAA] =	sst s4  }
0xd: {  	[smem:$0x3FAB] =	sst s5  }
0xe: {  	[smem:$0x3FAC] =	sst s6  }
0xf: {  	[smem:$0x3FAD] =	sst s7  }
0x10: {  	[smem:$0x3FAE] =	sst s8  }
0x11: {  	[smem:$0x3FAF] =	sst s9;
	s0 =	simm.s32 @!p0 $0x0  }
0x12: {  	s1 =	sld [smem:$0x3F95];
	s0 =	simm.s32 @p0 $0x1  }
0x13: {  	[smem:$0x3FB0] =	sst s0;
	s0 =	simm.s32 @!p1 $0x0  }
0x14: {  	s2 =	sld [smem:$0x3F94];
	s0 =	simm.s32 @p1 $0x1  }
0x15: {  	[smem:$0x3FB1] =	sst s0;
	s0 =	simm.s32 @!p2 $0x0  }
0x16: {  	s3 =	sld [smem:$0x3FDB];
	s0 =	simm.s32 @p2 $0x1  }
0x17: {  	s4 =	simm.s32 $0x1BF5;
	[smem:$0x3FB3] =	sst s0  }
0x18: {  	s0 =	sld [smem:$0x3F96];
	_ =	swait.ge [sflag:s4], $0x0  }
0x19: {  	s7 =	sld [smem:$0x3F97]  }
0x1a: {  	s8 =	sadd.s32 $0xFFFFE003, lr  }
0x1b: {  	s9 =	sadd.s32 $0xFFFFFEF7, lr;
	s5 =	simm.s32 $0xFFFFFFFF;
	p2 =	slt.u32 s8, $0xFFFFF086  }
0x1c: {  	p1 =	slt.u32 s9, $0xF7A;
	s5 =	simm.s32 @!p2 $0x0  }
0x1d: {  	s5 =	simm.s32 @p1 $0x1;
	p0 =	seq.s32 s7, s2  }
0x1e: {  	s7 =	smul.u32 @!p0 $0xF7A, s2;
	p2 =	seq.s32 @!p0 s5, $0x0  }
0x1f: {  	s9 =	smul.u32 $0xF7A, s1;
	s8 =	simm.s32 @!p0 $0x1BF5;
	p2 =	por !p2, p0  }
0x20: {  	[sflag:s8] =	ssyncset.s32 @!p0 $0xFFFFF086;
	s6 =	sadd.s32 @!p0 s3, s7;
	s7 =	simm.s32 @!p0 $0x108  }
0x21: {  	s3 =	sadd.s32 s3, s9;
	s6 =	sadd.s32 @!p0 $0x88, s6;
	s7 =	simm.s32 @p2 $0x1082  }
0x22: {  	[simem:s7], [sflag:s8] =	dma.local @!p0 [hbm:s6], $0xF7A  }
0x23: {  	s9 =	sor.u32 $0xD0000000, s2;
	s6 =	simm.s32 $0x108;
	_ =	swait.ge @!p0 [sflag:s8], $0x0  }
0x24: {  	s3 =	sadd.s32 $0x88, s3;
	s6 =	simm.s32 @!p1 $0x1082;
	[sflag:s4] =	ssyncset.s32 $0xFFFFF086  }
0x25: {  	[simem:s6], [sflag:s4] =	dma.local [hbm:s3], $0xF7A  }
0x26: {  	[smem:$0x3F97] =	sst s1;
	(tag) =	ssettag s2;
	_ =	strace s9  }
0x27: {  	s1 =	sld [smem:$0x3FA7]  }
0x28: {  	s2 =	sld [smem:$0x3FA8]  }
0x29: {  	s4 =	sld [smem:$0x3FAA]  }
0x2a: {  	p0 =	seq.s32 s5, $0x0;
	s5 =	sld [smem:$0x3FAB]  }
0x2b: {  	s6 =	sld [smem:$0x3FAC]  }
0x2c: {  	s7 =	sld [smem:$0x3FAD]  }
0x2d: {  	s3 =	simm.s32 $0x108;
	s8 =	sld [smem:$0x3FAE]  }
0x2e: {  	s3 =	simm.s32 @!p0 $0x1082;
	s9 =	sld [smem:$0x3FAF]  }
0x2f: {  	lr =	sadd.s32 s0, s3;
	s0 =	sld [smem:$0x3FA6]  }
0x30: {  	s3 =	sld [smem:$0x3FA9]  }
0x31: {  	[smem:$0x3FB2] =	sst s10  }
0x32: {  	s10 =	sld [smem:$0x3FB0];
	_ =	sdelay $0x3  }
0x33: {  	p0 =	seq.s32 s10, $0x1;
	s10 =	sld [smem:$0x3FB2];
	_ =	sdelay $0x3  }
0x34: {  	[smem:$0x3FB2] =	sst s10  }
0x35: {  	s10 =	sld [smem:$0x3FB1];
	_ =	sdelay $0x3  }
0x36: {  	p1 =	seq.s32 s10, $0x1;
	s10 =	sld [smem:$0x3FB2];
	_ =	sdelay $0x3  }
0x37: {  	[smem:$0x3FB2] =	sst s10  }
0x38: {  	s10 =	sld [smem:$0x3FB3]  }
0x39: {  	_ = 	snop;
	(pc) =	sbr.ind lr, $3  }
0x3a: {  	_ = 	snop  }
0x3b: {  	_ = 	snop  }
0x3c: {  	p2 =	seq.s32 s10, $0x1;
	s10 =	sld [smem:$0x3FB2]  }
0x3d: {  	_ =	shalt  }
0x3e: {  	_ =	shalt  }
0x3f: {  	_ =	shalt  }
0x40: {  	_ =	shalt  }
0x41: {  	_ =	shalt  }
0x42: {  	_ =	shalt  }
0x43: {  	_ =	shalt  }
0x44: {  	_ =	shalt  }
0x45: {  	_ =	shalt  }
0x46: {  	_ =	shalt  }
0x47: {  	_ =	shalt  }
0x48: {  	_ =	shalt  }
0x49: {  	_ =	shalt  }
0x4a: {  	_ =	shalt  }
0x4b: {  	_ =	shalt  }
0x4c: {  	_ =	shalt  }
0x4d: {  	_ =	shalt  }
0x4e: {  	_ =	shalt  }
0x4f: {  	_ =	shalt  }
0x50: {  	_ =	shalt  }
0x51: {  	_ =	shalt  }
0x52: {  	_ =	shalt  }
0x53: {  	_ =	shalt  }
0x54: {  	_ =	shalt  }
0x55: {  	_ =	shalt  }
0x56: {  	_ =	shalt  }
0x57: {  	_ =	shalt  }
0x58: {  	_ =	shalt  }
0x59: {  	_ =	shalt  }
0x5a: {  	_ =	shalt  }
0x5b: {  	_ =	shalt  }
0x5c: {  	_ =	shalt  }
0x5d: {  	_ =	shalt  }
0x5e: {  	_ =	shalt  }
0x5f: {  	_ =	shalt  }
0x60: {  	_ =	shalt  }
0x61: {  	_ =	shalt  }
0x62: {  	_ =	shalt  }
0x63: {  	_ =	shalt  }
0x64: {  	_ =	shalt  }
0x65: {  	_ =	shalt  }
0x66: {  	_ =	shalt  }
0x67: {  	_ =	shalt  }
0x68: {  	_ =	shalt  }
0x69: {  	_ =	shalt  }
0x6a: {  	_ =	shalt  }
0x6b: {  	_ =	shalt  }
0x6c: {  	_ =	shalt  }
0x6d: {  	_ =	shalt  }
0x6e: {  	_ =	shalt  }
0x6f: {  	_ =	shalt  }
0x70: {  	_ =	shalt  }
0x71: {  	_ =	shalt  }
0x72: {  	_ =	shalt  }
0x73: {  	_ =	shalt  }
0x74: {  	_ =	shalt  }
0x75: {  	_ =	shalt  }
0x76: {  	_ =	shalt  }
0x77: {  	_ =	shalt  }
0x78: {  	_ =	shalt  }
0x79: {  	_ =	shalt  }
0x7a: {  	_ =	shalt  }
0x7b: {  	_ =	shalt  }
0x7c: {  	_ =	shalt  }
0x7d: {  	_ =	shalt  }
0x7e: {  	_ =	shalt  }
0x7f: {  	_ =	shalt  }
0x80: {  	_ =	shalt  }
0x81: {  	_ =	shalt  }
0x82: {  	_ =	shalt  }
0x83: {  	_ =	shalt  }
0x84: {  	_ =	shalt  }
0x85: {  	_ =	shalt  }
0x86: {  	_ =	shalt  }
0x87: {  	_ =	shalt  }
.Lfunc_end0:
.L_simem_size_0:
called_computation_lowered:
.L_overlay_start_0:
0x88: {  	s2 =	sld [smem:$0x3FD9]  }
0x89: {  	s3 =	sld [smem:$0x3FFE];
	_ =	sdelay $0x1  }
0x8a: {  	s1 =	srdreg.scid  }
0x8b: {  	s0 =	sand.u32 $0x1, s1  }
0x8c: {  	s14 =	sshll.u32 s0, $0xA;
	s2 =	sadd.s32 s3, s2  }
0x8d: {  	s2 =	sadd.s32 s2, s14  }
0x8e: {  	[smem:$0x3FBE] =	sst s2  }
0x8f: {  	_ = 	snop  }
0x90: {  	s2 =	sld [smem:$0x3FD0];
	_ =	sdelay $0x2  }
0x91: {  	s15 =	simm.s32 $0xA;
	s4 =	simm.s32 $0x10  }
0x92: {  	[smem:s4], [sflag:s15] =	dma.local [hbm:s2], $0x1  }
0x93: {  	_ =	swait.eq [sflag:s15], $0x1  }
0x94: {  	[sflag:s15] =	ssyncset.done $0x0  }
0x95: {  	s16 =	sld [smem:$0x10];
	[sflag:s15] =	ssyncadd.s32 $0xFFFFFFFF  }
0x96: {  	s17 =	sld [smem:$0x11];
	(tm) =	ssettm $0x1  }
0x97: {  	s18 =	sld [smem:$0x3FFB];
	_ =	sdelay $0x3  }
0x98: {  	_ =	strace s18  }
0x99: {  	s4 =	sld [smem:$0x3FFC];
	_ =	sdelay $0x3  }
0x9a: {  	_ =	strace s4  }
0x9b: {  	s4 =	sld [smem:$0x3FFD];
	_ =	sdelay $0x3  }
0x9c: {  	_ =	strace s4  }
0x9d: {  	_ =	strace $0x8FFFFFFF  }
0x9e: {  	s19 =	sld [smem:$0x3FDB];
	_ =	sdelay $0x1  }
0x9f: {  	s5 =	simm.s32 $_scs_section_size  }
0xa0: {  	s6 =	simm.s32 $_size__tile_overlayer_lowered;
	s7 =	simm.s32 $_tile_overlayer_lowered  }
0xa1: {  	s22 =	simm.s32 $0x1BFF;
	s21 =	sshll.u32 s7, $0x1;
	s4 =	sadd.s32 s5, s19  }
0xa2: {  	s8 =	simm.s32 $0x0;
	s20 =	sshll.u32 s6, $0x1;
	s6 =	sadd.s32 s21, s4  }
0xa3: {  	[timem:s8], [sflag:s22] =	dma.local [hbm:s6], s20  }
0xa4: {  	_ =	swait.ge [sflag:s22], s20  }
0xa5: {  	s5 =	ssub.s32 $0x0, s20;
	[sflag:s22] =	ssyncset.done $0x0  }
0xa6: {  	[sflag:s22] =	ssyncadd.s32 s5;
	_ =	sdelay $0x1  }
0xa7: {  	s23 =	simm.s32 $0x1B8B  }
0xa8: {  	_ =	swait.ge [sflag:s23], $0x1  }
0xa9: {  	[sflag:s23] =	ssyncset.done $0x0  }
0xaa: {  	s25 =	simm.s32 $0x1B8E;
	s24 =	sld [smem:$0x3FFE];
	[sflag:s23] =	ssyncadd.s32 $0xFFFFFFFF  }
0xab: {  	s26 =	simm.s32 $execute0_lowered;
	[smem:$0x3FD2] =	sst s25  }
0xac: {  	s6 =	sshll.u32 s26, $0x1;
	_ =	strace $0x80000046;
	[dreg:$0x1] =	wrdreg $0xFFFFFFFF  }
0xad: {  	s28 =	simm.s32 $_size_execute0_lowered;
	s4 =	sadd.s32 s4, s6;
	[dreg:$0x0] =	wrdreg $0x0  }
0xae: {  	s6 =	sshll.u32 s28, $0x1;
	[dreg:$0x2] =	wrdreg s4  }
0xaf: {  	[dreg:$0x3] =	wrdreg s6  }
0xb0: {  	[dreg:$0x4] =	wrdreg $0xC0  }
0xb1: {  	_ =	task [dreg:s8], $0x5FFFF  }
0xb2: {  	[dreg:$0x1] =	wrdreg $0xFFFFFFFF  }
0xb3: {  	[dreg:$0x0] =	wrdreg $0x60  }
0xb4: {  	[dreg:$0x2] =	wrdreg s24  }
0xb5: {  	[dreg:$0x3] =	wrdreg s17  }
0xb6: {  	[dreg:$0x4] =	wrdreg s16  }
0xb7: {  	[dreg:$0x5] =	wrdreg $0x179100  }
0xb8: {  	[dreg:$0x6] =	wrdreg $0x1A0200  }
0xb9: {  	[dreg:$0x7] =	wrdreg $0x9  }
0xba: {  	_ =	task.clear_ibuf [dreg:s8], $0x8FFFF;
	_ =	strace $0x90000046  }
0xbb: {  	s29 =	simm.s32 $0x9;
	_ =	strace $0x80000048  }
0xbc: {  	_ =	swait.ge [sflag:s29], $0x1  }
0xbd: {  	[sflag:s29] =	ssyncadd.s32 $0xFFFFFFFF  }
0xbe: {  	_ =	strace $0x90000048  }
0xbf: {  	_ =	sfence  }
0xc0: {  	s30 =	sld [smem:$0x0];
	_ =	sdelay $0x2  }
0xc1: {  	s31 =	sshll.u32 s1, $0xD;
	s1 =	sshrl.u32 s1, $0x2  }
0xc2: {  	s3 =	sand.u32 $0x4000, s31;
	s1 =	sadd.s32 s1, s30  }
0xc3: {  	s0 =	sor.u32 s3, s0;
	s1 =	sshll.u32 s1, $0x11  }
0xc4: {  	s0 =	sor.u32 s1, s0  }
0xc5: {  	s0 =	sadd.s32 $0x8F2B, s0  }
0xc6: {  	[sflag:s0] =	ssyncadd.remote.s32 $0x1  }
0xc7: {  	_ =	sfence.sel $0xFFFF  }
0xc8: {  	[dreg:$0x0] =	wrdreg $0xFFFFFFFF;
	(pc) =	sbr.abs _section_cstart, $3  }
0xc9: {  	[dreg:$0x1] =	wrdreg $0xFFFFFFFF  }
0xca: {  	_ =	task.clear_ibuf [dreg:s8], $0x2FFFF;
	_ =	strace $0x9FFFFFFF  }
0xcb: {  	(tm) =	ssettm $0x7FFFFFFF  }
tec
execute0_lowered:
.L_overlay_start_1:
0x0: {  	(tag) =	ssettag $0x1  }
0x1: {  	s0 =	rddreg [dreg:$0x0]  }
0x2: {  	s3 =	rddreg [dreg:$0x3]  }
0x3: {  	s4 =	rddreg [dreg:$0x4];
	s1 =	srdreg.scid  }
0x4: {  	s9 =	simm.s32 $0x0;
	s18 =	stileid.u32;
	s11 =	simm.s32 $0x8  }
0x5: {  	s19 =	simm.s32 $0x500;
	s20 =	simm.s32 $0x4E200;
	s21 =	simm.s32 $0xFA00  }
0x6: {  	s22 =	simm.s32 $0x4;
	s30 =	simm.s32 $0x600;
	s12 =	simm.s32 $0x680  }
0x7: {  	s16 =	simm.s32 $0x700;
	s29 =	simm.s32 $0x800;
	s13 =	simm.s32 $0x880  }
0x8: {  	s28 =	simm.s32 $0x980;
	s14 =	simm.s32 $0x3;
	s1 =	sand.u32 $0x1, s1  }
0x9: {  	[smem:$0x7FF] =	sst s9;
	s6 =	sadd.s32 $0x7400, s0;
	s7 =	sadd.s32 $0x2400, s0  }
0xa: {  	s5 =	sadd.s32 $0xC400, s0;
	s17 =	sadd.s32 $0x29E00, s0;
	s24 =	smul.u32 $0x2710, s18  }
0xb: {  	s2 =	smul.u32 $0x4E20, s1;
	_ =	strace $0x80000047;
	[dreg:$0x7] =	wrdreg s5  }
0xc: {  	[dreg:$0x8] =	wrdreg s17;
	s23 =	ssub.s32 $0x2, s1;
	s1 =	sshll.u32 s1, $0x4  }
0xd: {  	s17 =	simm.s32 $0x2;
	s8 =	sshrl.u32 s23, $0x1;
	s10 =	sor.u32 s18, s1  }
0xe: {  	s25 =	sadd.s32 s24, s3;
	s1 =	sadd.s32 s24, s4;
	s0 =	sadd.s32 s2, s0  }
0xf: {  	v0 =	vlaneseq.u32;
	s5 =	ssub.s32 s23, s8;
	p0 =	slt.u32 s10, $0x1A;
	[dreg:$0x9] =	wrdreg s25  }
0x10: {  	v0 =	vmul.u32 $0x500, v0;
	[dreg:$0xa] =	wrdreg s1;
	s23 =	simm.s32 $0x80;
	s25 =	simm.s32 $0x580  }
0x11: {  	v1 =	vimm.f32 $1.000000000e+00;
	v2 =	vimm.f32 $0.0e+00;
	s2 =	simm.s32 $0x780;
	s11 =	simm.s32 @!p0 $0x7;
	s26 =	sadd.s32 $0x20000, s0  }
0x12: {  	v3 =	vor.u32 $0x80, v0;
	v4 =	vadd.s32 $0x100, v0;
	v5 =	vadd.s32 $0x180, v0;
	s0 =	sadd.s32 $0x16200, s0;
	s31 =	smax.u32 s5, $0x1;
	[dreg:$0xb] =	wrdreg s26  }
0x13: {  	v6 =	vadd.s32 $0x200, v0;
	v7 =	vadd.s32 $0x280, v0;
	v8 =	vadd.s32 $0x300, v0;
	p0 =	sne.s32 s18, $0x0;
	s5 =	simm.s32 $0x900;
	[dreg:$0xc] =	wrdreg s0  }
0x14: {  	v9 =	vadd.s32 $0x380, v0;
	v10 =	vadd.s32 $0x400, v0;
	v11 =	vadd.s32 $0x480, v0;
	s18 =	simm.s32 $0x14A00;
	[dreg:$0xd] =	wrdreg s31;
	s0 =	simm.s32 $0x1  }
.LBB2_1:
0x15: {  	s1 =	simm.s32 $0x0  }
.LBB2_2:
0x16: {  	p1 =	sne.s32 s1, $0x1FC0  }
.Ltmp0:
0x17: {  	_ = 	snop;
	(pc) =	sbr.rel @p1 .LBB2_2-.Ltmp0, $3  }
0x18: {  	_ =	sdelay $0x1  }
0x19: {  	s8 =	sshra.s32 s1, $0x2  }
0x1a: {  	s1 =	sadd.s32 $0x40, s1;
	[tilespmem:s8+$0x14A00] =	vst v1  }
0x1b: {  	s1 =	simm.s32 $0x40;
	s8 =	simm.s32 $0x0  }
.LBB2_4:
0x1c: {  	p1 =	sne.s32 s1, $0x9C00;
	[tilespmem:s8+$0x15200] =	vst v2;
	s8 =	smov.u32 s1;
	s1 =	sadd.s32 $0x40, s1  }
.Ltmp1:
0x1d: {  	(pc) =	sbr.rel @p1 .LBB2_4-.Ltmp1, $2  }
0x1e: {  	_ =	sdelay $0x2  }
0x1f: {  	s8 =	sshra.s32 s8, $0x2  }
0x20: {  	[dreg:$0x6] =	wrdreg s9  }
0x21: {  	[tilespmem:s8+$0x15200] =	vst v2;
	s1 =	rddreg [dreg:$0x9];
	s24 =	simm.s32 $0x15200;
	s26 =	simm.s32 $0x5  }
0x22: {  	[spmem:s1] =	stream.linear.scatter [tilespmem:s24], [sflag:$0x5], $0x2710, $0x38;
	[tilespmem:$0x1C730] =	vst v63  }
0x23: {  	_ =	swait.ge [sflag:s26], $0x2710  }
0x24: {  	[sflag:s26] =	ssyncset.done $0x0  }
0x25: {  	s31 =	rddreg [dreg:$0xa];
	[sflag:s26] =	ssyncadd.s32 $0xFFFFD8F0  }
0x26: {  	[spmem:s31] =	stream.linear.scatter [tilespmem:s24], [sflag:$0x5], $0x2710, $0x38;
	[tilespmem:$0x1C730] =	vst v63  }
0x27: {  	_ =	swait.ge [sflag:s26], $0x2710  }
0x28: {  	[sflag:s26] =	ssyncset.done $0x0  }
0x29: {  	[sflag:s26] =	ssyncadd.s32 $0xFFFFD8F0  }
0x2a: {  	s15 =	simm.s32 $0x0;
	s1 =	simm.s32 $0x0;
	[bflag:$0x0] =	sbarrier.arrive $0xFFFF  }
.LBB2_6:
0x2b: {  	s8 =	sshll.u32 s1, $0x5  }
0x2c: {  	s8 =	sor.u32 s10, s8  }
0x2d: {  	s8 =	smul.u32 $0x500, s8;
	_ =	sdelay $0x1  }
0x2e: {  	s26 =	rddreg [dreg:$0x7];
	s24 =	sshrl.u32 s8, $0x3  }
0x2f: {  	s9 =	rddreg [dreg:$0x2];
	s8 =	sadd.s32 s26, s24  }
0x30: {  	[tilespmem:s15], [sflag:$0x4] =	stream.linear.gather [hbm4b:s8+s15], $0x500, $0x38;
	[tilespmem:$0x1C730] =	vst v63  }
0x31: {  	s26 =	rddreg [dreg:$0x1];
	s8 =	sadd.s32 s9, s24  }
0x32: {  	[tilespmem:s19], [sflag:$0x4] =	stream.linear.gather [hbm4b:s8+s15], $0x500, $0x38;
	[tilespmem:$0x1C730] =	vst v63  }
0x33: {  	s8 =	sadd.s32 s26, s24  }
0x34: {  	[tilespmem:s21], [sflag:$0x1] =	stream.strided.gather [hbm4b:s8+s19], $0x5000, s20, s19, $0x38;
	[tilespmem:$0x1C730] =	vst v63  }
0x35: {  	_ =	swait.ge [sflag:s22], $0x500  }
0x36: {  	[sflag:s22] =	ssyncset.done $0x0  }
0x37: {  	[sflag:s22] =	ssyncadd.s32 $0xFFFFFB00  }
0x38: {  	_ =	swait.ge [sflag:s22], $0x500  }
0x39: {  	[sflag:s22] =	ssyncset.done $0x0  }
0x3a: {  	s31 =	simm.s32 $0xA00;
	[sflag:s22] =	ssyncadd.s32 $0xFFFFFB00  }
0x3b: {  	[tilespmem:s31], [sflag:$0x2] =	stream.indirect.gather [hbm4b:s6+s23], $0x10, s15, s23, $0xb8;
	[tilespmem:$0x1C730] =	vst v63  }
0x3c: {  	s26 =	simm.s32 $0x5A00  }
0x3d: {  	[tilespmem:s26], [sflag:$0x3] =	stream.indirect.gather [hbm4b:s7+s23], $0x10, s19, s23, $0xb8;
	[tilespmem:$0x1C730] =	vst v63  }
0x3e: {  	s9 =	simm.s32 $0x1200  }
0x3f: {  	[tilespmem:s9], [sflag:$0x2] =	stream.indirect.gather [hbm4b:s6+s23], $0x10, s23, s23, $0xb8;
	[tilespmem:$0x1C730] =	vst v63  }
0x40: {  	s9 =	simm.s32 $0x6200  }
0x41: {  	[tilespmem:s9], [sflag:$0x3] =	stream.indirect.gather [hbm4b:s7+s23], $0x10, s25, s23, $0xb8;
	[tilespmem:$0x1C730] =	vst v63  }
0x42: {  	s8 =	simm.s32 $0x100;
	s9 =	simm.s32 $0x1A00  }
0x43: {  	[tilespmem:s9], [sflag:$0x2] =	stream.indirect.gather [hbm4b:s6+s23], $0x10, s8, s23, $0xb8;
	[tilespmem:$0x1C730] =	vst v63  }
0x44: {  	s9 =	simm.s32 $0x6A00  }
0x45: {  	[tilespmem:s9], [sflag:$0x3] =	stream.indirect.gather [hbm4b:s7+s23], $0x10, s30, s23, $0xb8;
	[tilespmem:$0x1C730] =	vst v63  }
0x46: {  	s8 =	simm.s32 $0x180;
	s9 =	simm.s32 $0x2200  }
0x47: {  	[tilespmem:s9], [sflag:$0x2] =	stream.indirect.gather [hbm4b:s6+s23], $0x10, s8, s23, $0xb8;
	[tilespmem:$0x1C730] =	vst v63  }
0x48: {  	s9 =	simm.s32 $0x7200  }
0x49: {  	[tilespmem:s9], [sflag:$0x3] =	stream.indirect.gather [hbm4b:s7+s23], $0x10, s12, s23, $0xb8;
	[tilespmem:$0x1C730] =	vst v63  }
0x4a: {  	s8 =	simm.s32 $0x200;
	s9 =	simm.s32 $0x2A00  }
0x4b: {  	[tilespmem:s9], [sflag:$0x2] =	stream.indirect.gather [hbm4b:s6+s23], $0x10, s8, s23, $0xb8;
	[tilespmem:$0x1C730] =	vst v63  }
0x4c: {  	s9 =	simm.s32 $0x7A00  }
0x4d: {  	[tilespmem:s9], [sflag:$0x3] =	stream.indirect.gather [hbm4b:s7+s23], $0x10, s16, s23, $0xb8;
	[tilespmem:$0x1C730] =	vst v63  }
0x4e: {  	s8 =	simm.s32 $0x280;
	s9 =	simm.s32 $0x3200  }
0x4f: {  	[tilespmem:s9], [sflag:$0x2] =	stream.indirect.gather [hbm4b:s6+s23], $0x10, s8, s23, $0xb8;
	[tilespmem:$0x1C730] =	vst v63  }
0x50: {  	s9 =	simm.s32 $0x8200  }
0x51: {  	[tilespmem:s9], [sflag:$0x3] =	stream.indirect.gather [hbm4b:s7+s23], $0x10, s2, s23, $0xb8;
	[tilespmem:$0x1C730] =	vst v63  }
0x52: {  	s8 =	simm.s32 $0x300;
	s9 =	simm.s32 $0x3A00  }
0x53: {  	[tilespmem:s9], [sflag:$0x2] =	stream.indirect.gather [hbm4b:s6+s23], $0x10, s8, s23, $0xb8;
	[tilespmem:$0x1C730] =	vst v63  }
0x54: {  	s9 =	simm.s32 $0x8A00  }
0x55: {  	[tilespmem:s9], [sflag:$0x3] =	stream.indirect.gather [hbm4b:s7+s23], $0x10, s29, s23, $0xb8;
	[tilespmem:$0x1C730] =	vst v63  }
0x56: {  	s8 =	simm.s32 $0x380;
	s9 =	simm.s32 $0x4200  }
0x57: {  	[tilespmem:s9], [sflag:$0x2] =	stream.indirect.gather [hbm4b:s6+s23], $0x10, s8, s23, $0xb8;
	[tilespmem:$0x1C730] =	vst v63  }
0x58: {  	s9 =	simm.s32 $0x9200  }
0x59: {  	[tilespmem:s9], [sflag:$0x3] =	stream.indirect.gather [hbm4b:s7+s23], $0x10, s13, s23, $0xb8;
	[tilespmem:$0x1C730] =	vst v63  }
0x5a: {  	s8 =	simm.s32 $0x400;
	s9 =	simm.s32 $0x4A00  }
0x5b: {  	[tilespmem:s9], [sflag:$0x2] =	stream.indirect.gather [hbm4b:s6+s23], $0x10, s8, s23, $0xb8;
	[tilespmem:$0x1C730] =	vst v63  }
0x5c: {  	s9 =	simm.s32 $0x9A00  }
0x5d: {  	[tilespmem:s9], [sflag:$0x3] =	stream.indirect.gather [hbm4b:s7+s23], $0x10, s5, s23, $0xb8;
	[tilespmem:$0x1C730] =	vst v63  }
0x5e: {  	s8 =	simm.s32 $0x480;
	s9 =	simm.s32 $0x5200  }
0x5f: {  	[tilespmem:s9], [sflag:$0x2] =	stream.indirect.gather [hbm4b:s6+s23], $0x10, s8, s23, $0xb8;
	[tilespmem:$0x1C730] =	vst v63  }
0x60: {  	s9 =	simm.s32 $0xA200  }
0x61: {  	[tilespmem:s9], [sflag:$0x3] =	stream.indirect.gather [hbm4b:s7+s23], $0x10, s28, s23, $0xb8;
	[tilespmem:$0x1C730] =	vst v63  }
0x62: {  	_ =	swait.ge [sflag:s0], $0x5000  }
0x63: {  	[sflag:s0] =	ssyncset.done $0x0  }
0x64: {  	[sflag:s0] =	ssyncadd.s32 $0xFFFFB000  }
0x65: {  	_ =	swait.ge [sflag:s17], $0x800  }
0x66: {  	[sflag:s17] =	ssyncset.done $0x0  }
0x67: {  	[sflag:s17] =	ssyncadd.s32 $0xFFFFF800  }
0x68: {  	_ =	swait.ge [sflag:s14], $0x800  }
0x69: {  	[sflag:s14] =	ssyncset.done $0x0  }
0x6a: {  	[sflag:s14] =	ssyncadd.s32 $0xFFFFF800  }
0x6b: {  	_ =	swait.ge [sflag:s17], $0x800  }
0x6c: {  	[sflag:s17] =	ssyncset.done $0x0  }
0x6d: {  	[sflag:s17] =	ssyncadd.s32 $0xFFFFF800  }
0x6e: {  	_ =	swait.ge [sflag:s14], $0x800  }
0x6f: {  	[sflag:s14] =	ssyncset.done $0x0  }
0x70: {  	[sflag:s14] =	ssyncadd.s32 $0xFFFFF800  }
0x71: {  	_ =	swait.ge [sflag:s17], $0x800  }
0x72: {  	[sflag:s17] =	ssyncset.done $0x0  }
0x73: {  	[sflag:s17] =	ssyncadd.s32 $0xFFFFF800  }
0x74: {  	_ =	swait.ge [sflag:s14], $0x800  }
0x75: {  	[sflag:s14] =	ssyncset.done $0x0  }
0x76: {  	[sflag:s14] =	ssyncadd.s32 $0xFFFFF800  }
0x77: {  	_ =	swait.ge [sflag:s17], $0x800  }
0x78: {  	[sflag:s17] =	ssyncset.done $0x0  }
0x79: {  	[sflag:s17] =	ssyncadd.s32 $0xFFFFF800  }
0x7a: {  	_ =	swait.ge [sflag:s14], $0x800  }
0x7b: {  	[sflag:s14] =	ssyncset.done $0x0  }
0x7c: {  	[sflag:s14] =	ssyncadd.s32 $0xFFFFF800  }
0x7d: {  	_ =	swait.ge [sflag:s17], $0x800  }
0x7e: {  	[sflag:s17] =	ssyncset.done $0x0  }
0x7f: {  	[sflag:s17] =	ssyncadd.s32 $0xFFFFF800  }
0x80: {  	_ =	swait.ge [sflag:s14], $0x800  }
0x81: {  	[sflag:s14] =	ssyncset.done $0x0  }
0x82: {  	[sflag:s14] =	ssyncadd.s32 $0xFFFFF800  }
0x83: {  	_ =	swait.ge [sflag:s17], $0x800  }
0x84: {  	[sflag:s17] =	ssyncset.done $0x0  }
0x85: {  	[sflag:s17] =	ssyncadd.s32 $0xFFFFF800  }
0x86: {  	_ =	swait.ge [sflag:s14], $0x800  }
0x87: {  	[sflag:s14] =	ssyncset.done $0x0  }
0x88: {  	[sflag:s14] =	ssyncadd.s32 $0xFFFFF800  }
0x89: {  	_ =	swait.ge [sflag:s17], $0x800  }
0x8a: {  	[sflag:s17] =	ssyncset.done $0x0  }
0x8b: {  	[sflag:s17] =	ssyncadd.s32 $0xFFFFF800  }
0x8c: {  	_ =	swait.ge [sflag:s14], $0x800  }
0x8d: {  	[sflag:s14] =	ssyncset.done $0x0  }
0x8e: {  	[sflag:s14] =	ssyncadd.s32 $0xFFFFF800  }
0x8f: {  	_ =	swait.ge [sflag:s17], $0x800  }
0x90: {  	[sflag:s17] =	ssyncset.done $0x0  }
0x91: {  	[sflag:s17] =	ssyncadd.s32 $0xFFFFF800  }
0x92: {  	_ =	swait.ge [sflag:s14], $0x800  }
0x93: {  	[sflag:s14] =	ssyncset.done $0x0  }
0x94: {  	[sflag:s14] =	ssyncadd.s32 $0xFFFFF800  }
0x95: {  	_ =	swait.ge [sflag:s17], $0x800  }
0x96: {  	[sflag:s17] =	ssyncset.done $0x0  }
0x97: {  	[sflag:s17] =	ssyncadd.s32 $0xFFFFF800  }
0x98: {  	v12 =	vmov s15;
	_ =	swait.ge [sflag:s14], $0x800  }
0x99: {  	v12 =	vand.u32 $0x7F, v12;
	[sflag:s14] =	ssyncset.done $0x0  }
0x9a: {  	v12 =	vbroadcast v12, $0x0;
	[sflag:s14] =	ssyncadd.s32 $0xFFFFF800  }
0x9b: {  	_ =	swait.ge [sflag:s17], $0x800  }
0x9c: {  	v13 =	vor.u32 v0, v12;
	[sflag:s17] =	ssyncset.done $0x0  }
0x9d: {  	[sflag:s17] =	ssyncadd.s32 $0xFFFFF800  }
0x9e: {  	_ =	swait.ge [sflag:s14], $0x800  }
0x9f: {  	[sflag:s14] =	ssyncset.done $0x0  }
0xa0: {  	[sflag:s14] =	ssyncadd.s32 $0xFFFFF800  }
0xa1: {  	v12 =	vld.idx.msk [tilespmem:v13+s21+$0x0], $0xffff  }
0xa2: {  	v14 =	vld [tilespmem:s31+$0x0]  }
0xa3: {  	s9 =	simm.s32 $0x1  }
0xa4: {  	v15 =	vmov s9;
	v16 =	vld [tilespmem:s26+$0x0]  }
0xa5: {  	v15 =	vand.u32 $0x7F, v15  }
0xa6: {  	v15 =	vbroadcast v15, $0x0  }
0xa7: {  	v14 =	vadd.f32 v14, v12  }
0xa8: {  	v12 =	vor.u32 v0, v15  }
0xa9: {  	v14 =	vadd.f32 v16, v14;
	_ =	sdelay $0x1  }
0xaa: {  	s26 =	simm.s32 $0xAA00;
	[tilespmem:v13+s21+$0x0] =	vst.idx.msk $0xffff, v14  }
0xab: {  	[tilespmem:s26+$0x0] =	vst v14  }
0xac: {  	s31 =	simm.s32 $0xA10;
	v13 =	vld.idx.msk [tilespmem:v12+s21+$0x0], $0xffff  }
0xad: {  	v14 =	vld [tilespmem:s31+$0x0]  }
0xae: {  	s8 =	simm.s32 $0x5A10;
	s9 =	simm.s32 $0x2  }
0xaf: {  	v16 =	vmov s9;
	v15 =	vld [tilespmem:s8+$0x0]  }
0xb0: {  	s9 =	simm.s32 $0x3;
	v16 =	vand.u32 $0x7F, v16  }
.LBB2_7:
0xb1: {  	p1 =	sne.s32 s9, $0x7F;
	v16 =	vbroadcast v16, $0x0  }
0xb2: {  	v13 =	vadd.f32 v14, v13  }
0xb3: {  	v14 =	vor.u32 v0, v16  }
0xb4: {  	v13 =	vadd.f32 v15, v13;
	_ =	sdelay $0x1  }
0xb5: {  	s26 =	sadd.s32 $0x10, s26;
	[tilespmem:v12+s21+$0x0] =	vst.idx.msk $0xffff, v13;
	v12 =	vmov v14  }
0xb6: {  	[tilespmem:s26+$0x0] =	vst v13  }
.Ltmp2:
0xb7: {  	s31 =	sadd.s32 $0x10, s31;
	v13 =	vld.idx.msk [tilespmem:v14+s21+$0x0], $0xffff;
	(pc) =	sbr.rel @p1 .LBB2_7-.Ltmp2, $4  }
0xb8: {  	v14 =	vld [tilespmem:s31+$0x0]  }
0xb9: {  	s8 =	sadd.s32 $0x10, s8  }
0xba: {  	v16 =	vmov s9;
	v15 =	vld [tilespmem:s8+$0x0]  }
0xbb: {  	s9 =	sadd.s32 $0x1, s9;
	v16 =	vand.u32 $0x7F, v16  }
0xbc: {  	v16 =	vbroadcast v16, $0x0  }
0xbd: {  	v13 =	vadd.f32 v14, v13  }
0xbe: {  	v14 =	vor.u32 v0, v16  }
0xbf: {  	v13 =	vadd.f32 v15, v13;
	_ =	sdelay $0x1  }
0xc0: {  	s9 =	sadd.s32 $0x10, s26;
	[tilespmem:v12+s21+$0x0] =	vst.idx.msk $0xffff, v13  }
0xc1: {  	[tilespmem:s9+$0x0] =	vst v13  }
0xc2: {  	s26 =	sadd.s32 $0x10, s31;
	v13 =	vld.idx.msk [tilespmem:v14+s21+$0x0], $0xffff  }
0xc3: {  	v15 =	vld [tilespmem:s26+$0x0]  }
0xc4: {  	s8 =	sadd.s32 $0x10, s8;
	s26 =	simm.s32 $0x0  }
0xc5: {  	v16 =	vld [tilespmem:s8+$0x0];
	v12 =	vmov s26  }
0xc6: {  	v12 =	vand.u32 $0x7F, v12  }
0xc7: {  	v12 =	vbroadcast v12, $0x0  }
0xc8: {  	v13 =	vadd.f32 v15, v13  }
0xc9: {  	v17 =	vor.u32 v3, v12  }
0xca: {  	v13 =	vadd.f32 v16, v13;
	_ =	sdelay $0x1  }
0xcb: {  	s26 =	sadd.s32 $0x10, s9;
	[tilespmem:v14+s21+$0x0] =	vst.idx.msk $0xffff, v13  }
0xcc: {  	[tilespmem:s26+$0x0] =	vst v13  }
0xcd: {  	s9 =	simm.s32 $0x1200;
	v14 =	vld.idx.msk [tilespmem:v17+s21+$0x0], $0xffff  }
0xce: {  	v15 =	vld [tilespmem:s9+$0x0]  }
0xcf: {  	s8 =	simm.s32 $0x6200;
	s26 =	simm.s32 $0x1  }
0xd0: {  	v13 =	vmov s26;
	v16 =	vld [tilespmem:s8+$0x0]  }
0xd1: {  	v13 =	vand.u32 $0x7F, v13  }
0xd2: {  	v13 =	vbroadcast v13, $0x0  }
0xd3: {  	v14 =	vadd.f32 v15, v14  }
0xd4: {  	v15 =	vor.u32 v3, v13  }
0xd5: {  	v14 =	vadd.f32 v16, v14;
	_ =	sdelay $0x1  }
0xd6: {  	s26 =	simm.s32 $0xB200;
	[tilespmem:v17+s21+$0x0] =	vst.idx.msk $0xffff, v14  }
0xd7: {  	[tilespmem:s26+$0x0] =	vst v14  }
0xd8: {  	s8 =	simm.s32 $0x1210;
	v16 =	vld.idx.msk [tilespmem:v15+s21+$0x0], $0xffff  }
0xd9: {  	v17 =	vld [tilespmem:s8+$0x0]  }
0xda: {  	s31 =	simm.s32 $0x6210;
	s9 =	simm.s32 $0x2  }
0xdb: {  	v14 =	vmov s9;
	v18 =	vld [tilespmem:s31+$0x0]  }
0xdc: {  	s9 =	simm.s32 $0x3;
	v19 =	vand.u32 $0x7F, v14  }
.LBB2_9:
0xdd: {  	p1 =	sne.s32 s9, $0x7F;
	v19 =	vbroadcast v19, $0x0  }
0xde: {  	v16 =	vadd.f32 v17, v16  }
0xdf: {  	v17 =	vor.u32 v3, v19  }
0xe0: {  	v16 =	vadd.f32 v18, v16;
	_ =	sdelay $0x1  }
0xe1: {  	s26 =	sadd.s32 $0x10, s26;
	[tilespmem:v15+s21+$0x0] =	vst.idx.msk $0xffff, v16;
	v15 =	vmov v17  }
0xe2: {  	[tilespmem:s26+$0x0] =	vst v16  }
.Ltmp3:
0xe3: {  	s8 =	sadd.s32 $0x10, s8;
	v16 =	vld.idx.msk [tilespmem:v17+s21+$0x0], $0xffff;
	(pc) =	sbr.rel @p1 .LBB2_9-.Ltmp3, $4  }
0xe4: {  	v17 =	vld [tilespmem:s8+$0x0]  }
0xe5: {  	s31 =	sadd.s32 $0x10, s31  }
0xe6: {  	v19 =	vmov s9;
	v18 =	vld [tilespmem:s31+$0x0]  }
0xe7: {  	s9 =	sadd.s32 $0x1, s9;
	v19 =	vand.u32 $0x7F, v19  }
0xe8: {  	v19 =	vbroadcast v19, $0x0  }
0xe9: {  	v16 =	vadd.f32 v17, v16  }
0xea: {  	v17 =	vor.u32 v3, v19  }
0xeb: {  	v16 =	vadd.f32 v18, v16;
	_ =	sdelay $0x1  }
0xec: {  	s9 =	sadd.s32 $0x10, s26;
	[tilespmem:v15+s21+$0x0] =	vst.idx.msk $0xffff, v16  }
0xed: {  	[tilespmem:s9+$0x0] =	vst v16  }
0xee: {  	s8 =	sadd.s32 $0x10, s8;
	v15 =	vld.idx.msk [tilespmem:v17+s21+$0x0], $0xffff  }
0xef: {  	v16 =	vld [tilespmem:s8+$0x0]  }
0xf0: {  	s26 =	sadd.s32 $0x10, s31  }
0xf1: {  	v18 =	vld [tilespmem:s26+$0x0];
	_ =	sdelay $0x2  }
0xf2: {  	v15 =	vadd.f32 v16, v15  }
0xf3: {  	v16 =	vor.u32 v4, v12  }
0xf4: {  	v12 =	vadd.f32 v18, v15;
	_ =	sdelay $0x1  }
0xf5: {  	s26 =	sadd.s32 $0x10, s9;
	[tilespmem:v17+s21+$0x0] =	vst.idx.msk $0xffff, v12  }
0xf6: {  	[tilespmem:s26+$0x0] =	vst v12  }
0xf7: {  	s9 =	simm.s32 $0x1A00;
	v12 =	vld.idx.msk [tilespmem:v16+s21+$0x0], $0xffff  }
0xf8: {  	v15 =	vld [tilespmem:s9+$0x0]  }
0xf9: {  	s26 =	simm.s32 $0x6A00  }
0xfa: {  	v17 =	vld [tilespmem:s26+$0x0];
	_ =	sdelay $0x2  }
0xfb: {  	v15 =	vadd.f32 v15, v12  }
0xfc: {  	v12 =	vor.u32 v4, v13  }
0xfd: {  	v13 =	vadd.f32 v17, v15;
	_ =	sdelay $0x1  }
0xfe: {  	s8 =	simm.s32 $0xBA00;
	[tilespmem:v16+s21+$0x0] =	vst.idx.msk $0xffff, v13  }
0xff: {  	[tilespmem:s8+$0x0] =	vst v13  }
0x100: {  	s26 =	simm.s32 $0x1A10;
	v13 =	vld.idx.msk [tilespmem:v12+s21+$0x0], $0xffff  }
0x101: {  	v15 =	vld [tilespmem:s26+$0x0]  }
0x102: {  	s31 =	simm.s32 $0x6A10  }
0x103: {  	v16 =	vld [tilespmem:s31+$0x0]  }
0x104: {  	v14 =	vand.u32 $0x7F, v14;
	s9 =	simm.s32 $0x3  }
.LBB2_11:
0x105: {  	p1 =	sne.s32 s9, $0x7F;
	v14 =	vbroadcast v14, $0x0  }
0x106: {  	v13 =	vadd.f32 v15, v13  }
0x107: {  	v14 =	vor.u32 v4, v14  }
0x108: {  	v13 =	vadd.f32 v16, v13;
	_ =	sdelay $0x1  }
0x109: {  	s8 =	sadd.s32 $0x10, s8;
	[tilespmem:v12+s21+$0x0] =	vst.idx.msk $0xffff, v13;
	v12 =	vmov v14  }
0x10a: {  	[tilespmem:s8+$0x0] =	vst v13  }
.Ltmp4:
0x10b: {  	s26 =	sadd.s32 $0x10, s26;
	v13 =	vld.idx.msk [tilespmem:v14+s21+$0x0], $0xffff;
	(pc) =	sbr.rel @p1 .LBB2_11-.Ltmp4, $4  }
0x10c: {  	v15 =	vld [tilespmem:s26+$0x0]  }
0x10d: {  	s31 =	sadd.s32 $0x10, s31  }
0x10e: {  	v14 =	vmov s9;
	v16 =	vld [tilespmem:s31+$0x0]  }
0x10f: {  	s9 =	sadd.s32 $0x1, s9;
	v14 =	vand.u32 $0x7F, v14  }
0x110: {  	v14 =	vbroadcast v14, $0x0  }
0x111: {  	v13 =	vadd.f32 v15, v13  }
0x112: {  	v14 =	vor.u32 v4, v14  }
0x113: {  	v13 =	vadd.f32 v16, v13;
	_ =	sdelay $0x1  }
0x114: {  	s8 =	sadd.s32 $0x10, s8;
	[tilespmem:v12+s21+$0x0] =	vst.idx.msk $0xffff, v13  }
0x115: {  	[tilespmem:s8+$0x0] =	vst v13  }
0x116: {  	s9 =	sadd.s32 $0x10, s26;
	v13 =	vld.idx.msk [tilespmem:v14+s21+$0x0], $0xffff  }
0x117: {  	v15 =	vld [tilespmem:s9+$0x0]  }
0x118: {  	s26 =	simm.s32 $0x0;
	s9 =	sadd.s32 $0x10, s31  }
0x119: {  	v12 =	vmov s26;
	v16 =	vld [tilespmem:s9+$0x0]  }
0x11a: {  	v12 =	vand.u32 $0x7F, v12  }
0x11b: {  	v12 =	vbroadcast v12, $0x0  }
0x11c: {  	v13 =	vadd.f32 v15, v13  }
0x11d: {  	v17 =	vor.u32 v5, v12  }
0x11e: {  	v13 =	vadd.f32 v16, v13;
	_ =	sdelay $0x1  }
0x11f: {  	s8 =	sadd.s32 $0x10, s8;
	[tilespmem:v14+s21+$0x0] =	vst.idx.msk $0xffff, v13  }
0x120: {  	[tilespmem:s8+$0x0] =	vst v13  }
0x121: {  	s9 =	simm.s32 $0x2200;
	v14 =	vld.idx.msk [tilespmem:v17+s21+$0x0], $0xffff  }
0x122: {  	v15 =	vld [tilespmem:s9+$0x0]  }
0x123: {  	s26 =	simm.s32 $0x1;
	s8 =	simm.s32 $0x7200  }
0x124: {  	v13 =	vmov s26;
	v16 =	vld [tilespmem:s8+$0x0]  }
0x125: {  	v13 =	vand.u32 $0x7F, v13  }
0x126: {  	v13 =	vbroadcast v13, $0x0  }
0x127: {  	v14 =	vadd.f32 v15, v14  }
0x128: {  	v15 =	vor.u32 v5, v13  }
0x129: {  	v14 =	vadd.f32 v16, v14;
	_ =	sdelay $0x1  }
0x12a: {  	s26 =	simm.s32 $0xC200;
	[tilespmem:v17+s21+$0x0] =	vst.idx.msk $0xffff, v14  }
0x12b: {  	[tilespmem:s26+$0x0] =	vst v14  }
0x12c: {  	s8 =	simm.s32 $0x2210;
	v16 =	vld.idx.msk [tilespmem:v15+s21+$0x0], $0xffff  }
0x12d: {  	v17 =	vld [tilespmem:s8+$0x0]  }
0x12e: {  	s31 =	simm.s32 $0x7210;
	s9 =	simm.s32 $0x2  }
0x12f: {  	v14 =	vmov s9;
	v18 =	vld [tilespmem:s31+$0x0]  }
0x130: {  	s9 =	simm.s32 $0x3;
	v19 =	vand.u32 $0x7F, v14  }
.LBB2_13:
0x131: {  	p1 =	sne.s32 s9, $0x7F;
	v19 =	vbroadcast v19, $0x0  }
0x132: {  	v16 =	vadd.f32 v17, v16  }
0x133: {  	v17 =	vor.u32 v5, v19  }
0x134: {  	v16 =	vadd.f32 v18, v16;
	_ =	sdelay $0x1  }
0x135: {  	s26 =	sadd.s32 $0x10, s26;
	[tilespmem:v15+s21+$0x0] =	vst.idx.msk $0xffff, v16;
	v15 =	vmov v17  }
0x136: {  	[tilespmem:s26+$0x0] =	vst v16  }
.Ltmp5:
0x137: {  	s8 =	sadd.s32 $0x10, s8;
	v16 =	vld.idx.msk [tilespmem:v17+s21+$0x0], $0xffff;
	(pc) =	sbr.rel @p1 .LBB2_13-.Ltmp5, $4  }
0x138: {  	v17 =	vld [tilespmem:s8+$0x0]  }
0x139: {  	s31 =	sadd.s32 $0x10, s31  }
0x13a: {  	v19 =	vmov s9;
	v18 =	vld [tilespmem:s31+$0x0]  }
0x13b: {  	s9 =	sadd.s32 $0x1, s9;
	v19 =	vand.u32 $0x7F, v19  }
0x13c: {  	v19 =	vbroadcast v19, $0x0  }
0x13d: {  	v16 =	vadd.f32 v17, v16  }
0x13e: {  	v17 =	vor.u32 v5, v19  }
0x13f: {  	v16 =	vadd.f32 v18, v16;
	_ =	sdelay $0x1  }
0x140: {  	s9 =	sadd.s32 $0x10, s26;
	[tilespmem:v15+s21+$0x0] =	vst.idx.msk $0xffff, v16  }
0x141: {  	[tilespmem:s9+$0x0] =	vst v16  }
0x142: {  	s8 =	sadd.s32 $0x10, s8;
	v15 =	vld.idx.msk [tilespmem:v17+s21+$0x0], $0xffff  }
0x143: {  	v16 =	vld [tilespmem:s8+$0x0]  }
0x144: {  	s26 =	sadd.s32 $0x10, s31  }
0x145: {  	v18 =	vld [tilespmem:s26+$0x0];
	_ =	sdelay $0x2  }
0x146: {  	v15 =	vadd.f32 v16, v15  }
0x147: {  	v16 =	vor.u32 v6, v12  }
0x148: {  	v12 =	vadd.f32 v18, v15;
	_ =	sdelay $0x1  }
0x149: {  	s26 =	sadd.s32 $0x10, s9;
	[tilespmem:v17+s21+$0x0] =	vst.idx.msk $0xffff, v12  }
0x14a: {  	[tilespmem:s26+$0x0] =	vst v12  }
0x14b: {  	s9 =	simm.s32 $0x2A00;
	v12 =	vld.idx.msk [tilespmem:v16+s21+$0x0], $0xffff  }
0x14c: {  	v15 =	vld [tilespmem:s9+$0x0]  }
0x14d: {  	s26 =	simm.s32 $0x7A00  }
0x14e: {  	v17 =	vld [tilespmem:s26+$0x0];
	_ =	sdelay $0x2  }
0x14f: {  	v15 =	vadd.f32 v15, v12  }
0x150: {  	v12 =	vor.u32 v6, v13  }
0x151: {  	v13 =	vadd.f32 v17, v15;
	_ =	sdelay $0x1  }
0x152: {  	s8 =	simm.s32 $0xCA00;
	[tilespmem:v16+s21+$0x0] =	vst.idx.msk $0xffff, v13  }
0x153: {  	[tilespmem:s8+$0x0] =	vst v13  }
0x154: {  	s26 =	simm.s32 $0x2A10;
	v13 =	vld.idx.msk [tilespmem:v12+s21+$0x0], $0xffff  }
0x155: {  	v15 =	vld [tilespmem:s26+$0x0]  }
0x156: {  	s31 =	simm.s32 $0x7A10  }
0x157: {  	v16 =	vld [tilespmem:s31+$0x0]  }
0x158: {  	v14 =	vand.u32 $0x7F, v14;
	s9 =	simm.s32 $0x3  }
.LBB2_15:
0x159: {  	p1 =	sne.s32 s9, $0x7F;
	v14 =	vbroadcast v14, $0x0  }
0x15a: {  	v13 =	vadd.f32 v15, v13  }
0x15b: {  	v14 =	vor.u32 v6, v14  }
0x15c: {  	v13 =	vadd.f32 v16, v13;
	_ =	sdelay $0x1  }
0x15d: {  	s8 =	sadd.s32 $0x10, s8;
	[tilespmem:v12+s21+$0x0] =	vst.idx.msk $0xffff, v13;
	v12 =	vmov v14  }
0x15e: {  	[tilespmem:s8+$0x0] =	vst v13  }
.Ltmp6:
0x15f: {  	s26 =	sadd.s32 $0x10, s26;
	v13 =	vld.idx.msk [tilespmem:v14+s21+$0x0], $0xffff;
	(pc) =	sbr.rel @p1 .LBB2_15-.Ltmp6, $4  }
0x160: {  	v15 =	vld [tilespmem:s26+$0x0]  }
0x161: {  	s31 =	sadd.s32 $0x10, s31  }
0x162: {  	v14 =	vmov s9;
	v16 =	vld [tilespmem:s31+$0x0]  }
0x163: {  	s9 =	sadd.s32 $0x1, s9;
	v14 =	vand.u32 $0x7F, v14  }
0x164: {  	v14 =	vbroadcast v14, $0x0  }
0x165: {  	v13 =	vadd.f32 v15, v13  }
0x166: {  	v14 =	vor.u32 v6, v14  }
0x167: {  	v13 =	vadd.f32 v16, v13;
	_ =	sdelay $0x1  }
0x168: {  	s8 =	sadd.s32 $0x10, s8;
	[tilespmem:v12+s21+$0x0] =	vst.idx.msk $0xffff, v13  }
0x169: {  	[tilespmem:s8+$0x0] =	vst v13  }
0x16a: {  	s9 =	sadd.s32 $0x10, s26;
	v13 =	vld.idx.msk [tilespmem:v14+s21+$0x0], $0xffff  }
0x16b: {  	v15 =	vld [tilespmem:s9+$0x0]  }
0x16c: {  	s26 =	simm.s32 $0x0;
	s9 =	sadd.s32 $0x10, s31  }
0x16d: {  	v12 =	vmov s26;
	v16 =	vld [tilespmem:s9+$0x0]  }
0x16e: {  	v12 =	vand.u32 $0x7F, v12  }
0x16f: {  	v12 =	vbroadcast v12, $0x0  }
0x170: {  	v13 =	vadd.f32 v15, v13  }
0x171: {  	v17 =	vor.u32 v7, v12  }
0x172: {  	v13 =	vadd.f32 v16, v13;
	_ =	sdelay $0x1  }
0x173: {  	s8 =	sadd.s32 $0x10, s8;
	[tilespmem:v14+s21+$0x0] =	vst.idx.msk $0xffff, v13  }
0x174: {  	[tilespmem:s8+$0x0] =	vst v13  }
0x175: {  	s9 =	simm.s32 $0x3200;
	v14 =	vld.idx.msk [tilespmem:v17+s21+$0x0], $0xffff  }
0x176: {  	v15 =	vld [tilespmem:s9+$0x0]  }
0x177: {  	s26 =	simm.s32 $0x1;
	s8 =	simm.s32 $0x8200  }
0x178: {  	v13 =	vmov s26;
	v16 =	vld [tilespmem:s8+$0x0]  }
0x179: {  	v13 =	vand.u32 $0x7F, v13  }
0x17a: {  	v13 =	vbroadcast v13, $0x0  }
0x17b: {  	v14 =	vadd.f32 v15, v14  }
0x17c: {  	v15 =	vor.u32 v7, v13  }
0x17d: {  	v14 =	vadd.f32 v16, v14;
	_ =	sdelay $0x1  }
0x17e: {  	s26 =	simm.s32 $0xD200;
	[tilespmem:v17+s21+$0x0] =	vst.idx.msk $0xffff, v14  }
0x17f: {  	[tilespmem:s26+$0x0] =	vst v14  }
0x180: {  	s8 =	simm.s32 $0x3210;
	v16 =	vld.idx.msk [tilespmem:v15+s21+$0x0], $0xffff  }
0x181: {  	v17 =	vld [tilespmem:s8+$0x0]  }
0x182: {  	s31 =	simm.s32 $0x8210;
	s9 =	simm.s32 $0x2  }
0x183: {  	v14 =	vmov s9;
	v18 =	vld [tilespmem:s31+$0x0]  }
0x184: {  	s9 =	simm.s32 $0x3;
	v19 =	vand.u32 $0x7F, v14  }
.LBB2_17:
0x185: {  	p1 =	sne.s32 s9, $0x7F;
	v19 =	vbroadcast v19, $0x0  }
0x186: {  	v16 =	vadd.f32 v17, v16  }
0x187: {  	v17 =	vor.u32 v7, v19  }
0x188: {  	v16 =	vadd.f32 v18, v16;
	_ =	sdelay $0x1  }
0x189: {  	s26 =	sadd.s32 $0x10, s26;
	[tilespmem:v15+s21+$0x0] =	vst.idx.msk $0xffff, v16;
	v15 =	vmov v17  }
0x18a: {  	[tilespmem:s26+$0x0] =	vst v16  }
.Ltmp7:
0x18b: {  	s8 =	sadd.s32 $0x10, s8;
	v16 =	vld.idx.msk [tilespmem:v17+s21+$0x0], $0xffff;
	(pc) =	sbr.rel @p1 .LBB2_17-.Ltmp7, $4  }
0x18c: {  	v17 =	vld [tilespmem:s8+$0x0]  }
0x18d: {  	s31 =	sadd.s32 $0x10, s31  }
0x18e: {  	v19 =	vmov s9;
	v18 =	vld [tilespmem:s31+$0x0]  }
0x18f: {  	s9 =	sadd.s32 $0x1, s9;
	v19 =	vand.u32 $0x7F, v19  }
0x190: {  	v19 =	vbroadcast v19, $0x0  }
0x191: {  	v16 =	vadd.f32 v17, v16  }
0x192: {  	v17 =	vor.u32 v7, v19  }
0x193: {  	v16 =	vadd.f32 v18, v16;
	_ =	sdelay $0x1  }
0x194: {  	s9 =	sadd.s32 $0x10, s26;
	[tilespmem:v15+s21+$0x0] =	vst.idx.msk $0xffff, v16  }
0x195: {  	[tilespmem:s9+$0x0] =	vst v16  }
0x196: {  	s8 =	sadd.s32 $0x10, s8;
	v15 =	vld.idx.msk [tilespmem:v17+s21+$0x0], $0xffff  }
0x197: {  	v16 =	vld [tilespmem:s8+$0x0]  }
0x198: {  	s26 =	sadd.s32 $0x10, s31  }
0x199: {  	v18 =	vld [tilespmem:s26+$0x0];
	_ =	sdelay $0x2  }
0x19a: {  	v15 =	vadd.f32 v16, v15  }
0x19b: {  	v16 =	vor.u32 v8, v12  }
0x19c: {  	v12 =	vadd.f32 v18, v15;
	_ =	sdelay $0x1  }
0x19d: {  	s26 =	sadd.s32 $0x10, s9;
	[tilespmem:v17+s21+$0x0] =	vst.idx.msk $0xffff, v12  }
0x19e: {  	[tilespmem:s26+$0x0] =	vst v12  }
0x19f: {  	s9 =	simm.s32 $0x3A00;
	v12 =	vld.idx.msk [tilespmem:v16+s21+$0x0], $0xffff  }
0x1a0: {  	v15 =	vld [tilespmem:s9+$0x0]  }
0x1a1: {  	s26 =	simm.s32 $0x8A00  }
0x1a2: {  	v17 =	vld [tilespmem:s26+$0x0];
	_ =	sdelay $0x2  }
0x1a3: {  	v15 =	vadd.f32 v15, v12  }
0x1a4: {  	v12 =	vor.u32 v8, v13  }
0x1a5: {  	v13 =	vadd.f32 v17, v15;
	_ =	sdelay $0x1  }
0x1a6: {  	s8 =	simm.s32 $0xDA00;
	[tilespmem:v16+s21+$0x0] =	vst.idx.msk $0xffff, v13  }
0x1a7: {  	[tilespmem:s8+$0x0] =	vst v13  }
0x1a8: {  	s26 =	simm.s32 $0x3A10;
	v13 =	vld.idx.msk [tilespmem:v12+s21+$0x0], $0xffff  }
0x1a9: {  	v15 =	vld [tilespmem:s26+$0x0]  }
0x1aa: {  	s31 =	simm.s32 $0x8A10  }
0x1ab: {  	v16 =	vld [tilespmem:s31+$0x0]  }
0x1ac: {  	v14 =	vand.u32 $0x7F, v14;
	s9 =	simm.s32 $0x3  }
.LBB2_19:
0x1ad: {  	p1 =	sne.s32 s9, $0x7F;
	v14 =	vbroadcast v14, $0x0  }
0x1ae: {  	v13 =	vadd.f32 v15, v13  }
0x1af: {  	v14 =	vor.u32 v8, v14  }
0x1b0: {  	v13 =	vadd.f32 v16, v13;
	_ =	sdelay $0x1  }
0x1b1: {  	s8 =	sadd.s32 $0x10, s8;
	[tilespmem:v12+s21+$0x0] =	vst.idx.msk $0xffff, v13;
	v12 =	vmov v14  }
0x1b2: {  	[tilespmem:s8+$0x0] =	vst v13  }
.Ltmp8:
0x1b3: {  	s26 =	sadd.s32 $0x10, s26;
	v13 =	vld.idx.msk [tilespmem:v14+s21+$0x0], $0xffff;
	(pc) =	sbr.rel @p1 .LBB2_19-.Ltmp8, $4  }
0x1b4: {  	v15 =	vld [tilespmem:s26+$0x0]  }
0x1b5: {  	s31 =	sadd.s32 $0x10, s31  }
0x1b6: {  	v14 =	vmov s9;
	v16 =	vld [tilespmem:s31+$0x0]  }
0x1b7: {  	s9 =	sadd.s32 $0x1, s9;
	v14 =	vand.u32 $0x7F, v14  }
0x1b8: {  	v14 =	vbroadcast v14, $0x0  }
0x1b9: {  	v13 =	vadd.f32 v15, v13  }
0x1ba: {  	v14 =	vor.u32 v8, v14  }
0x1bb: {  	v13 =	vadd.f32 v16, v13;
	_ =	sdelay $0x1  }
0x1bc: {  	s8 =	sadd.s32 $0x10, s8;
	[tilespmem:v12+s21+$0x0] =	vst.idx.msk $0xffff, v13  }
0x1bd: {  	[tilespmem:s8+$0x0] =	vst v13  }
0x1be: {  	s9 =	sadd.s32 $0x10, s26;
	v13 =	vld.idx.msk [tilespmem:v14+s21+$0x0], $0xffff  }
0x1bf: {  	v15 =	vld [tilespmem:s9+$0x0]  }
0x1c0: {  	s26 =	simm.s32 $0x0;
	s9 =	sadd.s32 $0x10, s31  }
0x1c1: {  	v12 =	vmov s26;
	v16 =	vld [tilespmem:s9+$0x0]  }
0x1c2: {  	v12 =	vand.u32 $0x7F, v12  }
0x1c3: {  	v12 =	vbroadcast v12, $0x0  }
0x1c4: {  	v13 =	vadd.f32 v15, v13  }
0x1c5: {  	v17 =	vor.u32 v9, v12  }
0x1c6: {  	v13 =	vadd.f32 v16, v13;
	_ =	sdelay $0x1  }
0x1c7: {  	s8 =	sadd.s32 $0x10, s8;
	[tilespmem:v14+s21+$0x0] =	vst.idx.msk $0xffff, v13  }
0x1c8: {  	[tilespmem:s8+$0x0] =	vst v13  }
0x1c9: {  	s9 =	simm.s32 $0x4200;
	v14 =	vld.idx.msk [tilespmem:v17+s21+$0x0], $0xffff  }
0x1ca: {  	v15 =	vld [tilespmem:s9+$0x0]  }
0x1cb: {  	s26 =	simm.s32 $0x1;
	s8 =	simm.s32 $0x9200  }
0x1cc: {  	v13 =	vmov s26;
	v16 =	vld [tilespmem:s8+$0x0]  }
0x1cd: {  	v13 =	vand.u32 $0x7F, v13  }
0x1ce: {  	v13 =	vbroadcast v13, $0x0  }
0x1cf: {  	v14 =	vadd.f32 v15, v14  }
0x1d0: {  	v15 =	vor.u32 v9, v13  }
0x1d1: {  	v14 =	vadd.f32 v16, v14;
	_ =	sdelay $0x1  }
0x1d2: {  	s26 =	simm.s32 $0xE200;
	[tilespmem:v17+s21+$0x0] =	vst.idx.msk $0xffff, v14  }
0x1d3: {  	[tilespmem:s26+$0x0] =	vst v14  }
0x1d4: {  	s8 =	simm.s32 $0x4210;
	v16 =	vld.idx.msk [tilespmem:v15+s21+$0x0], $0xffff  }
0x1d5: {  	v17 =	vld [tilespmem:s8+$0x0]  }
0x1d6: {  	s31 =	simm.s32 $0x9210;
	s9 =	simm.s32 $0x2  }
0x1d7: {  	v14 =	vmov s9;
	v18 =	vld [tilespmem:s31+$0x0]  }
0x1d8: {  	s9 =	simm.s32 $0x3;
	v19 =	vand.u32 $0x7F, v14  }
.LBB2_21:
0x1d9: {  	p1 =	sne.s32 s9, $0x7F;
	v19 =	vbroadcast v19, $0x0  }
0x1da: {  	v16 =	vadd.f32 v17, v16  }
0x1db: {  	v17 =	vor.u32 v9, v19  }
0x1dc: {  	v16 =	vadd.f32 v18, v16;
	_ =	sdelay $0x1  }
0x1dd: {  	s26 =	sadd.s32 $0x10, s26;
	[tilespmem:v15+s21+$0x0] =	vst.idx.msk $0xffff, v16;
	v15 =	vmov v17  }
0x1de: {  	[tilespmem:s26+$0x0] =	vst v16  }
.Ltmp9:
0x1df: {  	s8 =	sadd.s32 $0x10, s8;
	v16 =	vld.idx.msk [tilespmem:v17+s21+$0x0], $0xffff;
	(pc) =	sbr.rel @p1 .LBB2_21-.Ltmp9, $4  }
0x1e0: {  	v17 =	vld [tilespmem:s8+$0x0]  }
0x1e1: {  	s31 =	sadd.s32 $0x10, s31  }
0x1e2: {  	v19 =	vmov s9;
	v18 =	vld [tilespmem:s31+$0x0]  }
0x1e3: {  	s9 =	sadd.s32 $0x1, s9;
	v19 =	vand.u32 $0x7F, v19  }
0x1e4: {  	v19 =	vbroadcast v19, $0x0  }
0x1e5: {  	v16 =	vadd.f32 v17, v16  }
0x1e6: {  	v17 =	vor.u32 v9, v19  }
0x1e7: {  	v16 =	vadd.f32 v18, v16;
	_ =	sdelay $0x1  }
0x1e8: {  	s9 =	sadd.s32 $0x10, s26;
	[tilespmem:v15+s21+$0x0] =	vst.idx.msk $0xffff, v16  }
0x1e9: {  	[tilespmem:s9+$0x0] =	vst v16  }
0x1ea: {  	s8 =	sadd.s32 $0x10, s8;
	v15 =	vld.idx.msk [tilespmem:v17+s21+$0x0], $0xffff  }
0x1eb: {  	v16 =	vld [tilespmem:s8+$0x0]  }
0x1ec: {  	s26 =	sadd.s32 $0x10, s31  }
0x1ed: {  	v18 =	vld [tilespmem:s26+$0x0];
	_ =	sdelay $0x2  }
0x1ee: {  	v15 =	vadd.f32 v16, v15  }
0x1ef: {  	v16 =	vor.u32 v10, v12  }
0x1f0: {  	v12 =	vadd.f32 v18, v15;
	_ =	sdelay $0x1  }
0x1f1: {  	s26 =	sadd.s32 $0x10, s9;
	[tilespmem:v17+s21+$0x0] =	vst.idx.msk $0xffff, v12  }
0x1f2: {  	[tilespmem:s26+$0x0] =	vst v12  }
0x1f3: {  	s9 =	simm.s32 $0x4A00;
	v12 =	vld.idx.msk [tilespmem:v16+s21+$0x0], $0xffff  }
0x1f4: {  	v15 =	vld [tilespmem:s9+$0x0]  }
0x1f5: {  	s26 =	simm.s32 $0x9A00  }
0x1f6: {  	v17 =	vld [tilespmem:s26+$0x0];
	_ =	sdelay $0x2  }
0x1f7: {  	v15 =	vadd.f32 v15, v12  }
0x1f8: {  	v12 =	vor.u32 v10, v13  }
0x1f9: {  	v13 =	vadd.f32 v17, v15;
	_ =	sdelay $0x1  }
0x1fa: {  	s8 =	simm.s32 $0xEA00;
	[tilespmem:v16+s21+$0x0] =	vst.idx.msk $0xffff, v13  }
0x1fb: {  	[tilespmem:s8+$0x0] =	vst v13  }
0x1fc: {  	s26 =	simm.s32 $0x4A10;
	v13 =	vld.idx.msk [tilespmem:v12+s21+$0x0], $0xffff  }
0x1fd: {  	v15 =	vld [tilespmem:s26+$0x0]  }
0x1fe: {  	s31 =	simm.s32 $0x9A10  }
0x1ff: {  	v16 =	vld [tilespmem:s31+$0x0]  }
0x200: {  	v14 =	vand.u32 $0x7F, v14;
	s9 =	simm.s32 $0x3  }
.LBB2_23:
0x201: {  	p1 =	sne.s32 s9, $0x7F;
	v14 =	vbroadcast v14, $0x0  }
0x202: {  	v13 =	vadd.f32 v15, v13  }
0x203: {  	v14 =	vor.u32 v10, v14  }
0x204: {  	v13 =	vadd.f32 v16, v13;
	_ =	sdelay $0x1  }
0x205: {  	s8 =	sadd.s32 $0x10, s8;
	[tilespmem:v12+s21+$0x0] =	vst.idx.msk $0xffff, v13;
	v12 =	vmov v14  }
0x206: {  	[tilespmem:s8+$0x0] =	vst v13  }
.Ltmp10:
0x207: {  	s26 =	sadd.s32 $0x10, s26;
	v13 =	vld.idx.msk [tilespmem:v14+s21+$0x0], $0xffff;
	(pc) =	sbr.rel @p1 .LBB2_23-.Ltmp10, $4  }
0x208: {  	v15 =	vld [tilespmem:s26+$0x0]  }
0x209: {  	s31 =	sadd.s32 $0x10, s31  }
0x20a: {  	v14 =	vmov s9;
	v16 =	vld [tilespmem:s31+$0x0]  }
0x20b: {  	s9 =	sadd.s32 $0x1, s9;
	v14 =	vand.u32 $0x7F, v14  }
0x20c: {  	v14 =	vbroadcast v14, $0x0  }
0x20d: {  	v13 =	vadd.f32 v15, v13  }
0x20e: {  	v14 =	vor.u32 v10, v14  }
0x20f: {  	v13 =	vadd.f32 v16, v13;
	_ =	sdelay $0x1  }
0x210: {  	s8 =	sadd.s32 $0x10, s8;
	[tilespmem:v12+s21+$0x0] =	vst.idx.msk $0xffff, v13  }
0x211: {  	[tilespmem:s8+$0x0] =	vst v13  }
0x212: {  	s9 =	sadd.s32 $0x10, s26;
	v12 =	vld.idx.msk [tilespmem:v14+s21+$0x0], $0xffff  }
0x213: {  	v13 =	vld [tilespmem:s9+$0x0]  }
0x214: {  	s26 =	simm.s32 $0x0;
	s9 =	sadd.s32 $0x10, s31  }
0x215: {  	v16 =	vmov s26;
	v15 =	vld [tilespmem:s9+$0x0]  }
0x216: {  	v16 =	vand.u32 $0x7F, v16  }
0x217: {  	v16 =	vbroadcast v16, $0x0  }
0x218: {  	v12 =	vadd.f32 v13, v12  }
0x219: {  	v13 =	vor.u32 v11, v16  }
0x21a: {  	v12 =	vadd.f32 v15, v12;
	_ =	sdelay $0x1  }
0x21b: {  	s8 =	sadd.s32 $0x10, s8;
	[tilespmem:v14+s21+$0x0] =	vst.idx.msk $0xffff, v12  }
0x21c: {  	[tilespmem:s8+$0x0] =	vst v12  }
0x21d: {  	s9 =	simm.s32 $0x5200;
	v12 =	vld.idx.msk [tilespmem:v13+s21+$0x0], $0xffff  }
0x21e: {  	v14 =	vld [tilespmem:s9+$0x0]  }
0x21f: {  	s26 =	simm.s32 $0x1;
	s8 =	simm.s32 $0xA200  }
0x220: {  	v15 =	vmov s26;
	v16 =	vld [tilespmem:s8+$0x0]  }
0x221: {  	v15 =	vand.u32 $0x7F, v15  }
0x222: {  	v15 =	vbroadcast v15, $0x0  }
0x223: {  	v14 =	vadd.f32 v14, v12  }
0x224: {  	v12 =	vor.u32 v11, v15  }
0x225: {  	v14 =	vadd.f32 v16, v14;
	_ =	sdelay $0x1  }
0x226: {  	s26 =	simm.s32 $0xF200;
	[tilespmem:v13+s21+$0x0] =	vst.idx.msk $0xffff, v14  }
0x227: {  	[tilespmem:s26+$0x0] =	vst v14  }
0x228: {  	s8 =	simm.s32 $0x5210;
	v13 =	vld.idx.msk [tilespmem:v12+s21+$0x0], $0xffff  }
0x229: {  	v14 =	vld [tilespmem:s8+$0x0]  }
0x22a: {  	s31 =	simm.s32 $0xA210;
	s9 =	simm.s32 $0x2  }
0x22b: {  	v16 =	vmov s9;
	v15 =	vld [tilespmem:s31+$0x0]  }
0x22c: {  	s9 =	simm.s32 $0x3;
	v16 =	vand.u32 $0x7F, v16  }
.LBB2_25:
0x22d: {  	p1 =	sne.s32 s9, $0x7F;
	v16 =	vbroadcast v16, $0x0  }
0x22e: {  	v13 =	vadd.f32 v14, v13  }
0x22f: {  	v14 =	vor.u32 v11, v16  }
0x230: {  	v13 =	vadd.f32 v15, v13;
	_ =	sdelay $0x1  }
0x231: {  	s26 =	sadd.s32 $0x10, s26;
	[tilespmem:v12+s21+$0x0] =	vst.idx.msk $0xffff, v13;
	v12 =	vmov v14  }
0x232: {  	[tilespmem:s26+$0x0] =	vst v13  }
.Ltmp11:
0x233: {  	s8 =	sadd.s32 $0x10, s8;
	v13 =	vld.idx.msk [tilespmem:v14+s21+$0x0], $0xffff;
	(pc) =	sbr.rel @p1 .LBB2_25-.Ltmp11, $4  }
0x234: {  	v14 =	vld [tilespmem:s8+$0x0]  }
0x235: {  	s31 =	sadd.s32 $0x10, s31  }
0x236: {  	v16 =	vmov s9;
	v15 =	vld [tilespmem:s31+$0x0]  }
0x237: {  	s9 =	sadd.s32 $0x1, s9;
	v16 =	vand.u32 $0x7F, v16  }
0x238: {  	_ = 	snop  }
0x239: {  	v16 =	vbroadcast v16, $0x0;
	v13 =	vadd.f32 v14, v13;
	_ =	sdelay $0x1  }
0x23a: {  	v62 =	vor.u32 v11, v16;
	v13 =	vadd.f32 v15, v13;
	_ =	sdelay $0x1  }
0x23b: {  	s9 =	sadd.s32 $0x10, s26;
	[tilespmem:v12+s21+$0x0] =	vst.idx.msk $0xffff, v13  }
0x23c: {  	s8 =	sadd.s32 $0x10, s8;
	[tilespmem:s9+$0x0] =	vst v13  }
0x23d: {  	v12 =	vld [tilespmem:s8+$0x0]  }
0x23e: {  	v13 =	vld.idx.msk [tilespmem:v62+s21+$0x0], $0xffff  }
0x23f: {  	s26 =	sadd.s32 $0x10, s31  }
0x240: {  	v63 =	vld [tilespmem:s26+$0x0];
	_ =	sdelay $0x2  }
0x241: {  	v12 =	vadd.f32 v12, v13;
	_ =	sdelay $0x1  }
0x242: {  	v12 =	vadd.f32 v63, v12;
	_ =	sdelay $0x1  }
0x243: {  	s31 =	sadd.s32 $0x10, s9;
	s9 =	rddreg [dreg:$0x8];
	[tilespmem:v62+s21+$0x0] =	vst.idx.msk $0xffff, v12  }
0x244: {  	s8 =	sadd.s32 s9, s24;
	[tilespmem:s31+$0x0] =	vst v12  }
0x245: {  	[hbm4b:s8+s19] =	stream.strided.scatter [tilespmem:s21], [sflag:$0x1], $0x5000, s20, s19, $0x38;
	[tilespmem:$0x1C730] =	vst v63  }
0x246: {  	s26 =	simm.s32 $0xAA00  }
0x247: {  	[spmem:s3] =	stream.indirect.scatter.add.f32 [tilespmem:s26], [sflag:$0x2], $0x10, s19, s23, $0xb8;
	[tilespmem:$0x1C730] =	vst v63  }
0x248: {  	_ = 	snop  }
0x249: {  	[spmem:s4] =	stream.indirect.scatter.add.f32 [tilespmem:s18], [sflag:$0x3], $0x10, s19, s23, $0xb8;
	[tilespmem:$0x1C730] =	vst v63  }
0x24a: {  	s31 =	simm.s32 $0xB200  }
0x24b: {  	[spmem:s3] =	stream.indirect.scatter.add.f32 [tilespmem:s31], [sflag:$0x2], $0x10, s25, s23, $0xb8;
	[tilespmem:$0x1C730] =	vst v63  }
0x24c: {  	_ = 	snop  }
0x24d: {  	[spmem:s4] =	stream.indirect.scatter.add.f32 [tilespmem:s18], [sflag:$0x3], $0x10, s25, s23, $0xb8;
	[tilespmem:$0x1C730] =	vst v63  }
0x24e: {  	s9 =	simm.s32 $0xBA00  }
0x24f: {  	[spmem:s3] =	stream.indirect.scatter.add.f32 [tilespmem:s9], [sflag:$0x2], $0x10, s30, s23, $0xb8;
	[tilespmem:$0x1C730] =	vst v63  }
0x250: {  	_ = 	snop  }
0x251: {  	[spmem:s4] =	stream.indirect.scatter.add.f32 [tilespmem:s18], [sflag:$0x3], $0x10, s30, s23, $0xb8;
	[tilespmem:$0x1C730] =	vst v63  }
0x252: {  	s24 =	simm.s32 $0xC200  }
0x253: {  	[spmem:s3] =	stream.indirect.scatter.add.f32 [tilespmem:s24], [sflag:$0x2], $0x10, s12, s23, $0xb8;
	[tilespmem:$0x1C730] =	vst v63  }
0x254: {  	_ = 	snop  }
0x255: {  	[spmem:s4] =	stream.indirect.scatter.add.f32 [tilespmem:s18], [sflag:$0x3], $0x10, s12, s23, $0xb8;
	[tilespmem:$0x1C730] =	vst v63  }
0x256: {  	s26 =	simm.s32 $0xCA00  }
0x257: {  	[spmem:s3] =	stream.indirect.scatter.add.f32 [tilespmem:s26], [sflag:$0x2], $0x10, s16, s23, $0xb8;
	[tilespmem:$0x1C730] =	vst v63  }
0x258: {  	_ = 	snop  }
0x259: {  	[spmem:s4] =	stream.indirect.scatter.add.f32 [tilespmem:s18], [sflag:$0x3], $0x10, s16, s23, $0xb8;
	[tilespmem:$0x1C730] =	vst v63  }
0x25a: {  	s31 =	simm.s32 $0xD200  }
0x25b: {  	[spmem:s3] =	stream.indirect.scatter.add.f32 [tilespmem:s31], [sflag:$0x2], $0x10, s2, s23, $0xb8;
	[tilespmem:$0x1C730] =	vst v63  }
0x25c: {  	_ = 	snop  }
0x25d: {  	[spmem:s4] =	stream.indirect.scatter.add.f32 [tilespmem:s18], [sflag:$0x3], $0x10, s2, s23, $0xb8;
	[tilespmem:$0x1C730] =	vst v63  }
0x25e: {  	s9 =	simm.s32 $0xDA00  }
0x25f: {  	[spmem:s3] =	stream.indirect.scatter.add.f32 [tilespmem:s9], [sflag:$0x2], $0x10, s29, s23, $0xb8;
	[tilespmem:$0x1C730] =	vst v63  }
0x260: {  	_ = 	snop  }
0x261: {  	[spmem:s4] =	stream.indirect.scatter.add.f32 [tilespmem:s18], [sflag:$0x3], $0x10, s29, s23, $0xb8;
	[tilespmem:$0x1C730] =	vst v63  }
0x262: {  	s24 =	simm.s32 $0xE200  }
0x263: {  	[spmem:s3] =	stream.indirect.scatter.add.f32 [tilespmem:s24], [sflag:$0x2], $0x10, s13, s23, $0xb8;
	[tilespmem:$0x1C730] =	vst v63  }
0x264: {  	_ = 	snop  }
0x265: {  	[spmem:s4] =	stream.indirect.scatter.add.f32 [tilespmem:s18], [sflag:$0x3], $0x10, s13, s23, $0xb8;
	[tilespmem:$0x1C730] =	vst v63  }
0x266: {  	s26 =	simm.s32 $0xEA00  }
0x267: {  	[spmem:s3] =	stream.indirect.scatter.add.f32 [tilespmem:s26], [sflag:$0x2], $0x10, s5, s23, $0xb8;
	[tilespmem:$0x1C730] =	vst v63  }
0x268: {  	_ = 	snop  }
0x269: {  	[spmem:s4] =	stream.indirect.scatter.add.f32 [tilespmem:s18], [sflag:$0x3], $0x10, s5, s23, $0xb8;
	[tilespmem:$0x1C730] =	vst v63  }
0x26a: {  	s31 =	simm.s32 $0xF200  }
0x26b: {  	[spmem:s3] =	stream.indirect.scatter.add.f32 [tilespmem:s31], [sflag:$0x2], $0x10, s28, s23, $0xb8;
	[tilespmem:$0x1C730] =	vst v63  }
0x26c: {  	_ = 	snop  }
0x26d: {  	[spmem:s4] =	stream.indirect.scatter.add.f32 [tilespmem:s18], [sflag:$0x3], $0x10, s28, s23, $0xb8;
	[tilespmem:$0x1C730] =	vst v63  }
0x26e: {  	_ =	swait.ge [sflag:s0], $0x5000  }
0x26f: {  	[sflag:s0] =	ssyncset.done $0x0  }
0x270: {  	[sflag:s0] =	ssyncadd.s32 $0xFFFFB000  }
0x271: {  	_ =	swait.ge [sflag:s17], $0x800  }
0x272: {  	[sflag:s17] =	ssyncset.done $0x0  }
0x273: {  	[sflag:s17] =	ssyncadd.s32 $0xFFFFF800  }
0x274: {  	_ =	swait.ge [sflag:s14], $0x800  }
0x275: {  	[sflag:s14] =	ssyncset.done $0x0  }
0x276: {  	[sflag:s14] =	ssyncadd.s32 $0xFFFFF800  }
0x277: {  	_ =	swait.ge [sflag:s17], $0x800  }
0x278: {  	[sflag:s17] =	ssyncset.done $0x0  }
0x279: {  	[sflag:s17] =	ssyncadd.s32 $0xFFFFF800  }
0x27a: {  	_ =	swait.ge [sflag:s14], $0x800  }
0x27b: {  	[sflag:s14] =	ssyncset.done $0x0  }
0x27c: {  	[sflag:s14] =	ssyncadd.s32 $0xFFFFF800  }
0x27d: {  	_ =	swait.ge [sflag:s17], $0x800  }
0x27e: {  	[sflag:s17] =	ssyncset.done $0x0  }
0x27f: {  	[sflag:s17] =	ssyncadd.s32 $0xFFFFF800  }
0x280: {  	_ =	swait.ge [sflag:s14], $0x800  }
0x281: {  	[sflag:s14] =	ssyncset.done $0x0  }
0x282: {  	[sflag:s14] =	ssyncadd.s32 $0xFFFFF800  }
0x283: {  	_ =	swait.ge [sflag:s17], $0x800  }
0x284: {  	[sflag:s17] =	ssyncset.done $0x0  }
0x285: {  	[sflag:s17] =	ssyncadd.s32 $0xFFFFF800  }
0x286: {  	_ =	swait.ge [sflag:s14], $0x800  }
0x287: {  	[sflag:s14] =	ssyncset.done $0x0  }
0x288: {  	[sflag:s14] =	ssyncadd.s32 $0xFFFFF800  }
0x289: {  	_ =	swait.ge [sflag:s17], $0x800  }
0x28a: {  	[sflag:s17] =	ssyncset.done $0x0  }
0x28b: {  	[sflag:s17] =	ssyncadd.s32 $0xFFFFF800  }
0x28c: {  	_ =	swait.ge [sflag:s14], $0x800  }
0x28d: {  	[sflag:s14] =	ssyncset.done $0x0  }
0x28e: {  	[sflag:s14] =	ssyncadd.s32 $0xFFFFF800  }
0x28f: {  	_ =	swait.ge [sflag:s17], $0x800  }
0x290: {  	[sflag:s17] =	ssyncset.done $0x0  }
0x291: {  	[sflag:s17] =	ssyncadd.s32 $0xFFFFF800  }
0x292: {  	_ =	swait.ge [sflag:s14], $0x800  }
0x293: {  	[sflag:s14] =	ssyncset.done $0x0  }
0x294: {  	[sflag:s14] =	ssyncadd.s32 $0xFFFFF800  }
0x295: {  	_ =	swait.ge [sflag:s17], $0x800  }
0x296: {  	[sflag:s17] =	ssyncset.done $0x0  }
0x297: {  	[sflag:s17] =	ssyncadd.s32 $0xFFFFF800  }
0x298: {  	_ =	swait.ge [sflag:s14], $0x800  }
0x299: {  	[sflag:s14] =	ssyncset.done $0x0  }
0x29a: {  	[sflag:s14] =	ssyncadd.s32 $0xFFFFF800  }
0x29b: {  	_ =	swait.ge [sflag:s17], $0x800  }
0x29c: {  	[sflag:s17] =	ssyncset.done $0x0  }
0x29d: {  	[sflag:s17] =	ssyncadd.s32 $0xFFFFF800  }
0x29e: {  	_ =	swait.ge [sflag:s14], $0x800  }
0x29f: {  	[sflag:s14] =	ssyncset.done $0x0  }
0x2a0: {  	[sflag:s14] =	ssyncadd.s32 $0xFFFFF800  }
0x2a1: {  	_ =	swait.ge [sflag:s17], $0x800  }
0x2a2: {  	[sflag:s17] =	ssyncset.done $0x0  }
0x2a3: {  	[sflag:s17] =	ssyncadd.s32 $0xFFFFF800  }
0x2a4: {  	_ =	swait.ge [sflag:s14], $0x800  }
0x2a5: {  	[sflag:s14] =	ssyncset.done $0x0  }
0x2a6: {  	s1 =	sadd.s32 $0x1, s1;
	[sflag:s14] =	ssyncadd.s32 $0xFFFFF800  }
0x2a7: {  	p1 =	sne.s32 s1, s11;
	_ =	swait.ge [sflag:s17], $0x800  }
.Ltmp12:
0x2a8: {  	[sflag:s17] =	ssyncset.done $0x0;
	(pc) =	sbr.rel @p1 .LBB2_6-.Ltmp12, $4  }
0x2a9: {  	[sflag:s17] =	ssyncadd.s32 $0xFFFFF800  }
0x2aa: {  	_ =	swait.ge [sflag:s14], $0x800  }
0x2ab: {  	[sflag:s14] =	ssyncset.done $0x0  }
0x2ac: {  	[sflag:s14] =	ssyncadd.s32 $0xFFFFF800  }
0x2ad: {  	[bflag:$0x0] =	sbarrier.arrive $0xFFFF  }
0x2ae: {  	s1 =	sshrl.u32 @!p0 s3, $0x3;
	s8 =	simm.s32 @!p0 $0x1C05;
	s9 =	rddreg [dreg:$0xb]  }
0x2af: {  	[hbm:s9], [sflag:s8] =	dma.local @!p0 [spmem:s1], $0x4E20  }
0x2b0: {  	s1 =	simm.s32 @!p0 $0x5  }
0x2b1: {  	_ =	swait.ge @!p0 [sflag:s1], $0x4E20  }
0x2b2: {  	[sflag:s1] =	ssyncset.done @!p0 $0x0  }
0x2b3: {  	s9 =	sshrl.u32 @!p0 s4, $0x3;
	s15 =	rddreg [dreg:$0xc];
	[sflag:s1] =	ssyncadd.s32 @!p0 $0xFFFFB1E0  }
0x2b4: {  	[hbm:s15], [sflag:s8] =	dma.local @!p0 [spmem:s9], $0x4E20  }
0x2b5: {  	_ =	swait.ge @!p0 [sflag:s1], $0x4E20  }
0x2b6: {  	s26 =	rddreg [dreg:$0x6]  }
0x2b7: {  	s31 =	rddreg [dreg:$0xd];
	s9 =	sadd.s32 $0x1, s26  }
0x2b8: {  	p1 =	sne.s32 s9, s31  }
.Ltmp13:
0x2b9: {  	_ = 	snop;
	(pc) =	sbr.rel @p1 .LBB2_1-.Ltmp13, $3  }
0x2ba: {  	_ =	sdelay $0x1  }
0x2bb: {  	[sflag:s1] =	ssyncset.done @!p0 $0x0  }
0x2bc: {  	[sflag:s1] =	ssyncadd.s32 @!p0 $0xFFFFB1E0  }
0x2bd: {  	_ =	sfence.sel $0x180000  }
0x2be: {  	[bflag:$0x0] =	sbarrier.arrive $0xFFFF  }
0x2bf: {  	_ =	strace $0x90000047  }
0x2c0: {  	[bflag:$0x2] =	sbarrier.arrive $0xFFFF  }
0x2c1: {  	s0 =	rddreg [dreg:$0x5]  }
0x2c2: {  	s0 =	sadd.s32 @!p0 $0x100000, s0  }
0x2c3: {  	[sflag:s0] =	ssyncadd.tile.s32 @!p0 $0x1;
	_ =	shalt  }
.Lfunc_end2:
_tile_overlayer_lowered:
.L_overlay_start_2:
0x2c4: {  	(tag) =	ssettag $0x2  }
0x2c5: {  	s0 =	rddreg [dreg:$0x0];
	s2 =	stileid.u32  }
0x2c6: {  	s1 =	rddreg [dreg:$0x1];
	p0 =	sne.s32 s2, $0x0  }
0x2c7: {  	s3 =	rddreg [dreg:$0x2];
	[bflag:$0x3] =	sbarrier.arrive $0xFFFF;
	s2 =	simm.s32 @!p0 $0x1C05  }
0x2c8: {  	[timem:s3], [sflag:s2] =	dma.local @!p0 [hbm:s0], s1  }
0x2c9: {  	s0 =	simm.s32 @!p0 $0x5  }
0x2ca: {  	_ =	swait.ge @!p0 [sflag:s0], s1  }
0x2cb: {  	s1 =	ssub.s32 @!p0 $0x0, s1;
	[sflag:s0] =	ssyncset.done @!p0 $0x0  }
0x2cc: {  	[sflag:s0] =	ssyncadd.s32 @!p0 s1  }
0x2cd: {  	[bflag:$0x3] =	sbarrier.arrive $0xFFFF  }
0x2ce: {  	_ =	shalt  }

</sc_bundles>
